<compile_context>
chip_gen: v7x
topology: tpu7x:2x2x1
jax: 0.10.2.dev20260603
libtpu: 0.0.44.dev20260713+nightly
codegen_flags: <defaults>
</compile_context>

<pallas_src>
import functools
from itertools import product

import numpy as np

import jax
import jax.numpy as jnp
from jax import lax
from jax.experimental import pallas as pl
from jax.experimental.pallas import tpu as pltpu
from jax.experimental.pallas import tpu_sc as plsc

_S1 = (41, 1600, 1408)
_S2 = (21, 800, 704)
_S3 = (11, 400, 352)
_S4 = (5, 200, 176)
_S5 = (2, 200, 176)
_OFFS27 = np.array(list(product([-1, 0, 1], repeat=3)), dtype=np.int64)

_NC, _NS = 2, 16
_NW = _NC * _NS
_CH = 128
_BR = 256
_ALIGN = _CH * _NW
_NEG = -1.0e30
_EPS = 1e-3


def _ckey(c, shape):
    return ((c[:, 0].astype(np.int64) * shape[0] + c[:, 1]) * shape[1]
            + c[:, 2]) * shape[2] + c[:, 3]


def _subm(coords, shape):
    n = coords.shape[0]
    keys = _ckey(coords, shape)
    order = np.argsort(keys)
    sk = keys[order]
    sh = np.array(shape)
    pairs = []
    for d in _OFFS27:
        nb = coords.copy()
        nb[:, 1:] = nb[:, 1:] + d
        valid = np.all((nb[:, 1:] >= 0) & (nb[:, 1:] < sh), axis=1)
        nk = _ckey(nb, shape)
        pos = np.minimum(np.searchsorted(sk, nk), n - 1)
        found = valid & (sk[pos] == nk)
        pairs.append((order[pos[found]], np.nonzero(found)[0]))
    return pairs


def _spconv(coords, out_shape, kernel, stride, pad):
    koffs = np.array(list(product(range(kernel[0]), range(kernel[1]),
                                  range(kernel[2]))), dtype=np.int64)
    st = np.array(stride)
    pd = np.array(pad)
    osh = np.array(out_shape)
    ins, kidx, outs = [], [], []
    for ki, k in enumerate(koffs):
        num = coords[:, 1:] + pd - k
        oc = num // st
        valid = (np.all(num % st == 0, axis=1)
                 & np.all((oc >= 0) & (oc < osh), axis=1))
        idx = np.nonzero(valid)[0]
        ins.append(idx)
        kidx.append(np.full(len(idx), ki))
        outs.append(np.concatenate([coords[idx, :1], oc[idx]], axis=1))
    ins = np.concatenate(ins)
    kidx = np.concatenate(kidx)
    outs = np.concatenate(outs, axis=0)
    uk, first, inv = np.unique(_ckey(outs, out_shape), return_index=True,
                               return_inverse=True)
    pairs = [(ins[kidx == ki], inv[kidx == ki]) for ki in range(len(koffs))]
    return pairs, outs[first]


def _gen_coords(n, b):
    rng = np.random.default_rng(0)
    k = 200
    ppc = n // (b * k)
    centers = np.stack([rng.integers(2, _S1[0] - 2, (b, k)),
                        rng.integers(8, _S1[1] - 8, (b, k)),
                        rng.integers(8, _S1[2] - 8, (b, k))], axis=-1)
    offs = np.rint(rng.normal(0.0, 2.0, (b, k, ppc, 3))).astype(np.int64)
    p = centers[:, :, None, :] + offs
    p = np.clip(p, 0, np.array(_S1) - 1)
    bb = np.repeat(np.arange(b), k * ppc)
    return np.concatenate([bb[:, None], p.reshape(-1, 3)], axis=1).astype(np.int64)


def _rows_pad(n):
    return ((n + 1 + _ALIGN - 1) // _ALIGN) * _ALIGN


def _dense_idx(pairs, n_dst, n_pad_dst, k_total, pad_row, remap=None):
    a = np.full((n_pad_dst, k_total), pad_row, np.int32)
    for k, (ii, oi) in enumerate(pairs):
        src = ii if remap is None else remap[ii]
        a[oi, k] = src
    return a.reshape(-1)


@functools.lru_cache(maxsize=4)
def _topology(n):
    coords = _gen_coords(n, 4)
    n1 = coords.shape[0]
    p1 = _subm(coords, _S1)
    pc2, c2 = _spconv(coords, _S2, (3, 3, 3), (2, 2, 2), (1, 1, 1))
    n2 = c2.shape[0]
    p2 = _subm(c2, _S2)
    pc3, c3 = _spconv(c2, _S3, (3, 3, 3), (2, 2, 2), (1, 1, 1))
    n3 = c3.shape[0]
    p3 = _subm(c3, _S3)
    pc4, c4 = _spconv(c3, _S4, (3, 3, 3), (2, 2, 2), (0, 1, 1))
    n4 = c4.shape[0]
    p4 = _subm(c4, _S4)
    pco, co = _spconv(c4, _S5, (3, 1, 1), (2, 1, 1), (0, 0, 0))
    no = co.shape[0]

    k1 = _ckey(coords, _S1)
    uk, inv_g = np.unique(k1, return_inverse=True)
    ng = len(uk)
    order = np.argsort(inv_g, kind="stable")
    counts = np.bincount(inv_g, minlength=ng)
    dmax = int(counts.max())
    starts = np.zeros(ng + 1, np.int64)
    np.cumsum(counts, out=starts[1:])
    pool_a = np.full((_rows_pad(ng), dmax), n1, np.int32)
    for d in range(dmax):
        sel = counts > d
        pool_a[np.nonzero(sel)[0], d] = order[starts[:-1][sel] + d]
    pool_idx = pool_a.reshape(-1)

    def lay(name, pairs, n_src, n_dst, k, ci, co_, act, padfill, remap=None):
        npd = _rows_pad(n_dst)
        idx = _dense_idx(pairs, n_dst, npd, k, n_src, remap=remap)
        return dict(name=name, idx=idx, n_src_pad=_rows_pad(n_src),
                    n_dst=n_dst, np_dst=npd, k=k, ci=ci, co=co_, act=act,
                    padfill=padfill, w=None)

    layers = [
        lay("in", p1, n1, n1, 27, 16, 16, False, _NEG),
        lay("c1", p1, n1, n1, 27, 16, 16, True, _NEG),
        dict(name="pool", idx=pool_idx, n_src_pad=_rows_pad(n1), n_dst=ng,
             np_dst=_rows_pad(ng), k=dmax, ci=16, co=16, act=True,
             padfill=0.0, w="identity"),
        lay("c2_0", pc2, ng, n2, 27, 16, 32, False, _NEG, remap=inv_g),
        lay("c2_1", p2, n2, n2, 27, 32, 32, True, _NEG),
        lay("c2_2", p2, n2, n2, 27, 32, 32, True, _NEG),
        lay("c3_0", pc3, n2, n3, 27, 32, 64, True, _NEG),
        lay("c3_1", p3, n3, n3, 27, 64, 64, True, _NEG),
        lay("c3_2", p3, n3, n3, 27, 64, 64, True, _NEG),
        lay("c4_0", pc4, n3, n4, 27, 64, 64, True, _NEG),
        lay("c4_1", p4, n4, n4, 27, 64, 64, True, _NEG),
        lay("c4_2", p4, n4, n4, 27, 64, 64, True, _NEG),
        lay("out", pco, n4, no, 3, 64, 128, True, _NEG),
    ]
    return layers, dict(n1=n1, no=no, np1=_rows_pad(n1), np_no=_rows_pad(no),
                        dmax=dmax)


@functools.lru_cache(maxsize=64)
def _gather_fn(c, r_pad):
    mesh = plsc.VectorSubcoreMesh(core_axis_name="c", subcore_axis_name="s",
                                  num_cores=_NC, num_subcores=_NS)
    rw = r_pad // _NW
    nch = rw // _CH

    @functools.partial(
        pl.kernel,
        out_type=jax.ShapeDtypeStruct((r_pad, c), jnp.float32),
        mesh=mesh,
        scratch_types=[pltpu.VMEM((_CH,), jnp.int32),
                       pltpu.VMEM((_CH, c), jnp.float32),
                       pltpu.SemaphoreType.DMA],
        compiler_params=pltpu.CompilerParams(use_tc_tiling_on_sc=False),
    )
    def gk(x_hbm, idx_hbm, out_hbm, idx_v, rows_v, sem):
        wid = lax.axis_index("s") * _NC + lax.axis_index("c")
        base0 = wid * rw

        def body(i, carry):
            base = base0 + i * _CH
            pltpu.sync_copy(idx_hbm.at[pl.ds(base, _CH)], idx_v)
            pltpu.async_copy(x_hbm.at[idx_v], rows_v, sem).wait()
            pltpu.sync_copy(rows_v, out_hbm.at[pl.ds(base, _CH)])
            return carry

        lax.fori_loop(0, nch, body, 0)

    return gk


@functools.lru_cache(maxsize=32)
def _mm_fn(np_dst, n_dst, k, ci, co, act, padfill):
    kci = k * ci
    nb = np_dst // _BR

    def mk(g_ref, w_ref, st_ref, gb_ref, z_ref, so_ref, acc_ref):
        i = pl.program_id(0)

        @pl.when(i == 0)
        def _init():
            acc_ref[...] = jnp.zeros_like(acc_ref)

        g = g_ref[...]
        if act:
            a = jnp.maximum(
                (g - st_ref[0:1, :]) * st_ref[1:2, :] + st_ref[2:3, :], 0.0)
        else:
            a = g
        z = lax.dot_general(a, w_ref[...], (((1,), (0,)), ((), ())),
                            preferred_element_type=jnp.float32,
                            precision=lax.Precision.DEFAULT)
        rows = i * _BR + lax.broadcasted_iota(jnp.int32, (_BR, 1), 0)
        valid = rows < n_dst
        zm = jnp.where(valid, z, 0.0)
        acc_ref[0:1, :] += jnp.sum(zm, axis=0, keepdims=True)
        acc_ref[1:2, :] += jnp.sum(zm * zm, axis=0, keepdims=True)
        z_ref[...] = jnp.where(valid, z, padfill)

        @pl.when(i == nb - 1)
        def _fin():
            cnt = np.float32(n_dst)
            m = acc_ref[0:1, :] / cnt
            v = acc_ref[1:2, :] / cnt - m * m
            inv = lax.rsqrt(v + _EPS)
            gi = inv * gb_ref[0:1, :]
            so_ref[...] = jnp.concatenate(
                [m, gi, gb_ref[1:2, :], jnp.zeros((5, co), jnp.float32)],
                axis=0)

    return pl.pallas_call(
        mk,
        grid=(nb,),
        in_specs=[pl.BlockSpec((_BR, kci), lambda i: (i, 0)),
                  pl.BlockSpec((kci, co), lambda i: (0, 0)),
                  pl.BlockSpec((8, kci), lambda i: (0, 0)),
                  pl.BlockSpec((8, co), lambda i: (0, 0))],
        out_specs=[pl.BlockSpec((_BR, co), lambda i: (i, 0)),
                   pl.BlockSpec((8, co), lambda i: (0, 0))],
        out_shape=[jax.ShapeDtypeStruct((np_dst, co), jnp.float32),
                   jax.ShapeDtypeStruct((8, co), jnp.float32)],
        scratch_shapes=[pltpu.VMEM((8, co), jnp.float32)],
    )


@functools.lru_cache(maxsize=4)
def _final_fn(np_dst, co):
    def fk(z_ref, so_ref, o_ref):
        o_ref[...] = jnp.maximum(
            (z_ref[...] - so_ref[0:1, :]) * so_ref[1:2, :] + so_ref[2:3, :],
            0.0)

    return pl.pallas_call(
        fk,
        grid=(np_dst // _BR,),
        in_specs=[pl.BlockSpec((_BR, co), lambda i: (i, 0)),
                  pl.BlockSpec((8, co), lambda i: (0, 0))],
        out_specs=pl.BlockSpec((_BR, co), lambda i: (i, 0)),
        out_shape=jax.ShapeDtypeStruct((np_dst, co), jnp.float32),
    )


def kernel(voxel_features, voxel_coords, batch_size, params):
    n = voxel_features.shape[0]
    layers, meta = _topology(n)

    x = jnp.zeros((meta["np1"], 16), jnp.float32).at[:n, :4].set(voxel_features)
    stats = None
    for ly in layers:
        k, ci, co = ly["k"], ly["ci"], ly["co"]
        kci = k * ci
        idx = jnp.asarray(ly["idx"])
        g = _gather_fn(ci, int(ly["np_dst"]) * k)(x, idx)
        g2 = g.reshape(ly["np_dst"], kci)
        if ly["w"] == "identity":
            w = jnp.asarray(np.vstack([np.eye(ci, dtype=np.float32)] * k))
            gb = jnp.zeros((8, co), jnp.float32)
        else:
            if ly["name"] == "in":
                w = jnp.pad(params["w_in"],
                            ((0, 0), (0, 12), (0, 0))).reshape(kci, co)
            else:
                w = params["w_" + ly["name"]].reshape(kci, co)
            gb = jnp.zeros((8, co), jnp.float32)
            gb = gb.at[0, :].set(params["g_" + ly["name"]])
            gb = gb.at[1, :].set(params["b_" + ly["name"]])
        if ly["act"]:
            st = jnp.concatenate(
                [jnp.tile(stats[0:1, :], (1, k)),
                 jnp.tile(stats[1:2, :], (1, k)),
                 jnp.tile(stats[2:3, :], (1, k)),
                 jnp.zeros((5, kci), jnp.float32)], axis=0)
        else:
            st = jnp.zeros((8, kci), jnp.float32)
        z, new_stats = _mm_fn(int(ly["np_dst"]), int(ly["n_dst"]), k, ci, co,
                              bool(ly["act"]), float(ly["padfill"]))(
                                  g2, w, st, gb)
        x, stats = z, new_stats

    out = _final_fn(int(meta["np_no"]), 128)(x, stats)
    return out[:meta["no"], :]

# --- scband reference (transcript-rebuilt; emitter-appended) ---
"""Pipeline reference for scband-voxel-back-bone8x-79620103733507 (READ-ONLY COPY).

The authoritative reference and input builder live on the scoring server;
editing this copy changes nothing except your own understanding.
"""

import jax, jax.numpy as jnp
import numpy as np
from itertools import product

S1 = (41, 1600, 1408); S2 = (21, 800, 704); S3 = (11, 400, 352); S4 = (5, 200, 176); S5 = (2, 200, 176)
OFFS27 = np.array(list(product([-1, 0, 1], repeat=3)), dtype=np.int64)

def _key(c, shape):
    return ((c[:, 0].astype(np.int64) * shape[0] + c[:, 1]) * shape[1] + c[:, 2]) * shape[2] + c[:, 3]

def subm_pairs(coords, shape):
    n = coords.shape[0]
    keys = _key(coords, shape); order = np.argsort(keys); sk = keys[order]
    sh = np.array(shape); pairs = []
    for d in OFFS27:
        nb = coords.copy(); nb[:, 1:] = nb[:, 1:] + d
        valid = np.all((nb[:, 1:] >= 0) & (nb[:, 1:] < sh), axis=1)
        nk = _key(nb, shape)
        pos = np.minimum(np.searchsorted(sk, nk), n - 1)
        found = valid & (sk[pos] == nk)
        pairs.append((order[pos[found]], np.nonzero(found)[0]))
    return pairs

def spconv_pairs(coords, out_shape, kernel, stride, pad):
    koffs = np.array(list(product(range(kernel[0]), range(kernel[1]), range(kernel[2]))), dtype=np.int64)
    st = np.array(stride); pd = np.array(pad); osh = np.array(out_shape)
    ins, kidx, outs = [], [], []
    for ki, k in enumerate(koffs):
        num = coords[:, 1:] + pd - k
        oc = num // st
        valid = np.all(num % st == 0, axis=1) & np.all((oc >= 0) & (oc < osh), axis=1)
        idx = np.nonzero(valid)[0]
        ins.append(idx); kidx.append(np.full(len(idx), ki)); outs.append(np.concatenate([coords[idx, :1], oc[idx]], axis=1))
    ins = np.concatenate(ins); kidx = np.concatenate(kidx); outs = np.concatenate(outs, axis=0)
    uk, first, inv = np.unique(_key(outs, out_shape), return_index=True, return_inverse=True)
    pairs = [(ins[kidx == ki], inv[kidx == ki]) for ki in range(len(koffs))]
    return pairs, outs[first]

def build_topology(coords):
    t = {}
    t['p1'] = subm_pairs(coords, S1); t['n1'] = coords.shape[0]
    t['pc2'], c2 = spconv_pairs(coords, S2, (3, 3, 3), (2, 2, 2), (1, 1, 1)); t['n2'] = c2.shape[0]; t['p2'] = subm_pairs(c2, S2)
    t['pc3'], c3 = spconv_pairs(c2, S3, (3, 3, 3), (2, 2, 2), (1, 1, 1)); t['n3'] = c3.shape[0]; t['p3'] = subm_pairs(c3, S3)
    t['pc4'], c4 = spconv_pairs(c3, S4, (3, 3, 3), (2, 2, 2), (0, 1, 1)); t['n4'] = c4.shape[0]; t['p4'] = subm_pairs(c4, S4)
    t['pco'], co = spconv_pairs(c4, S5, (3, 1, 1), (2, 1, 1), (0, 0, 0)); t['no'] = co.shape[0]
    return t

def sconv(feats, pairs, W, n_out):
    out = jnp.zeros((n_out, W.shape[-1]), dtype=feats.dtype)
    for k, (ii, oi) in enumerate(pairs):
        if len(ii) > 0:
            out = out.at[jnp.asarray(oi)].add(feats[jnp.asarray(ii)] @ W[k])
    return out

def bn_relu(x, g, b, eps=1e-3):
    m = x.mean(0); v = x.var(0)
    return jax.nn.relu((x - m) / jnp.sqrt(v + eps) * g + b)

def make_params():
    key = jax.random.key(42)
    specs = {'in': (27, 4, 16), 'c1': (27, 16, 16), 'c2_0': (27, 16, 32), 'c2_1': (27, 32, 32), 'c2_2': (27, 32, 32), 'c3_0': (27, 32, 64), 'c3_1': (27, 64, 64), 'c3_2': (27, 64, 64), 'c4_0': (27, 64, 64), 'c4_1': (27, 64, 64), 'c4_2': (27, 64, 64), 'out': (3, 64, 128)}
    params = {}
    for i, (name, shp) in enumerate(specs.items()):
        params['w_' + name] = jax.random.normal(jax.random.fold_in(key, i), shp, jnp.float32) * 0.05
        params['g_' + name] = jnp.ones((shp[-1],), jnp.float32)
        params['b_' + name] = jnp.zeros((shp[-1],), jnp.float32)
    return params

def forward_feats(feats, p, t):
    x = bn_relu(sconv(feats, t['p1'], p['w_in'], t['n1']), p['g_in'], p['b_in'])
    x = bn_relu(sconv(x, t['p1'], p['w_c1'], t['n1']), p['g_c1'], p['b_c1'])
    x = bn_relu(sconv(x, t['pc2'], p['w_c2_0'], t['n2']), p['g_c2_0'], p['b_c2_0'])
    x = bn_relu(sconv(x, t['p2'], p['w_c2_1'], t['n2']), p['g_c2_1'], p['b_c2_1'])
    x = bn_relu(sconv(x, t['p2'], p['w_c2_2'], t['n2']), p['g_c2_2'], p['b_c2_2'])
    x = bn_relu(sconv(x, t['pc3'], p['w_c3_0'], t['n3']), p['g_c3_0'], p['b_c3_0'])
    x = bn_relu(sconv(x, t['p3'], p['w_c3_1'], t['n3']), p['g_c3_1'], p['b_c3_1'])
    x = bn_relu(sconv(x, t['p3'], p['w_c3_2'], t['n3']), p['g_c3_2'], p['b_c3_2'])
    x = bn_relu(sconv(x, t['pc4'], p['w_c4_0'], t['n4']), p['g_c4_0'], p['b_c4_0'])
    x = bn_relu(sconv(x, t['p4'], p['w_c4_1'], t['n4']), p['g_c4_1'], p['b_c4_1'])
    x = bn_relu(sconv(x, t['p4'], p['w_c4_2'], t['n4']), p['g_c4_2'], p['b_c4_2'])
    x = bn_relu(sconv(x, t['pco'], p['w_out'], t['no']), p['g_out'], p['b_out'])
    return x

def make_coords(N, B):
    rng = np.random.default_rng(0)
    K = 200; ppc = N // (B * K)
    centers = np.stack([rng.integers(2, S1[0] - 2, (B, K)), rng.integers(8, S1[1] - 8, (B, K)), rng.integers(8, S1[2] - 8, (B, K))], axis=-1)
    offs = np.rint(rng.normal(0.0, 2.0, (B, K, ppc, 3))).astype(np.int64)
    p = centers[:, :, None, :] + offs
    p = np.clip(p, 0, np.array(S1) - 1)
    b = np.repeat(np.arange(B), K * ppc)
    return np.concatenate([b[:, None], p.reshape(-1, 3)], axis=1).astype(np.int64)

def setup_inputs(seed: int = 0):
    key = jax.random.key(seed)
    N = 60000; B = 4
    coords = make_coords(N, B)
    feats = jax.random.normal(key, (N, 4), jnp.float32)
    return {'voxel_features': feats, 'voxel_coords': jnp.asarray(coords), 'batch_size': B, 'params': make_params()}

def reference(voxel_features, voxel_coords, batch_size, params):
    coords = make_coords(voxel_features.shape[0], 4)
    t = build_topology(coords)
    zero = (jnp.sum(voxel_coords) * 0 + batch_size * 0).astype(voxel_features.dtype)
    return forward_feats(voxel_features + zero, params, t)

if __name__ == "__main__":
    import jax
    _d = setup_inputs()
    print(jax.jit(kernel)(*tuple(_d.values())))

</pallas_src>

<mosaic_0001>
#map = affine_map<(d0, d1) -> (0, 0)>
#map1 = affine_map<(d0, d1) -> (0)>
module attributes {stable_mosaic.version = 14 : i64} {
  func.func @gk(%arg0: i32, %arg1: i32, %arg2: memref<61440x16xf32, #tpu.memory_space<hbm>>, %arg3: memref<344064xi32, #tpu.memory_space<hbm>>, %arg4: memref<344064x16xf32, #tpu.memory_space<hbm>>, %arg5: memref<128xi32, #tpu.memory_space<vmem>>, %arg6: memref<128x16xf32, #tpu.memory_space<vmem>>, %arg7: memref<!tpu.dma_semaphore, #tpu.memory_space<semaphore_mem>>) attributes {dimension_semantics = [#tpu.dimension_semantics<core_parallel>, #tpu.dimension_semantics<subcore_parallel>], iteration_bounds = array<i64: 2, 16>, scalar_prefetch = 0 : i64, scratch_operands = 3 : i64, tpu.core_type = #tpu.core_type<sc_vector_subcore>, window_params = [{transform_indices = #map}, {transform_indices = #map1}, {transform_indices = #map}]} {
    %mul3A = arith.constant 2 : i32
    %mul3A_0 = arith.muli %arg1, %mul3A : i32
    %add3A = arith.addi %mul3A_0, %arg0 : i32
    %mul3A_1 = arith.constant 10752 : i32
    %mul3A_2 = arith.muli %add3A, %mul3A_1 : i32
    %scan3A = arith.constant 0 : i32
    %scan3A_3 = arith.constant 0 : i32
    %scan3A_4 = arith.constant 84 : i32
    %scan3A_5 = arith.addi %scan3A_3, %scan3A_4 : i32
    %scan3A_6 = arith.constant 1 : i32
    scf.for %scan3A_8 = %scan3A_3 to %scan3A_5 step %scan3A_6  : i32 {
      %mul3A_9 = arith.constant 128 : i32
      %mul3A_10 = arith.muli %scan3A_8, %mul3A_9 : i32
      %add3A_11 = arith.addi %mul3A_2, %mul3A_10 : i32
      "tpu.region"() ({
        %run_scoped3A = tpu.sem_alloc : memref<!tpu.dma_semaphore, #tpu.memory_space<semaphore_mem>>
        %dma_start3A_16 = tpu.memref_slice %arg3[%add3A_11] : memref<344064xi32, #tpu.memory_space<hbm>> -> memref<128xi32, #tpu.memory_space<hbm>>
        %dma_start3A_17 = tpu.memref_slice %arg3[%add3A_11] : memref<344064xi32, #tpu.memory_space<hbm>> -> memref<128xi32, #tpu.memory_space<hbm>>
        tpu.enqueue_dma source(%dma_start3A_17 : memref<128xi32, #tpu.memory_space<hbm>>) target(%arg5 : memref<128xi32, #tpu.memory_space<vmem>>) target_semaphore(%run_scoped3A : memref<!tpu.dma_semaphore, #tpu.memory_space<semaphore_mem>>)
        %dma_wait3A_18 = tpu.memref_slice %arg3[%add3A_11] : memref<344064xi32, #tpu.memory_space<hbm>> -> memref<128xi32, #tpu.memory_space<hbm>>
        %dma_wait3A_19 = tpu.memref_slice %arg3[%add3A_11] : memref<344064xi32, #tpu.memory_space<hbm>> -> memref<128xi32, #tpu.memory_space<hbm>>
        tpu.wait_dma2 semaphore(%run_scoped3A : memref<!tpu.dma_semaphore, #tpu.memory_space<semaphore_mem>>) src(%dma_wait3A_19 : memref<128xi32, #tpu.memory_space<hbm>>) dst(%arg5 : memref<128xi32, #tpu.memory_space<vmem>>)
        tpu.yield
      }) : () -> ()
      %dma_start3A = arith.constant 0 : i32
      %dma_start3A_12 = arith.constant 0 : i32
      %dma_start3A_13 = tpu.memref_slice %arg2[%dma_start3A, %dma_start3A_12] : memref<61440x16xf32, #tpu.memory_space<hbm>> -> memref<61440x16xf32, #tpu.memory_space<hbm>>
      tpu.enqueue_indirect_dma source(%dma_start3A_13 : memref<61440x16xf32, #tpu.memory_space<hbm>>) target(%arg6 : memref<128x16xf32, #tpu.memory_space<vmem>>) offsets(%arg5 : memref<128xi32, #tpu.memory_space<vmem>>) semaphore(%arg7 : memref<!tpu.dma_semaphore, #tpu.memory_space<semaphore_mem>>)
      %dma_wait3A = arith.constant 0 : i32
      %dma_wait3A_14 = arith.constant 0 : i32
      %dma_wait3A_15 = tpu.memref_slice %arg2[%dma_wait3A, %dma_wait3A_14] : memref<61440x16xf32, #tpu.memory_space<hbm>> -> memref<61440x16xf32, #tpu.memory_space<hbm>>
      tpu.wait_indirect_dma semaphore(%arg7 : memref<!tpu.dma_semaphore, #tpu.memory_space<semaphore_mem>>) src(%dma_wait3A_15 : memref<61440x16xf32, #tpu.memory_space<hbm>>) dst(%arg6 : memref<128x16xf32, #tpu.memory_space<vmem>>)
      "tpu.region"() ({
        %run_scoped3A = tpu.sem_alloc : memref<!tpu.dma_semaphore, #tpu.memory_space<semaphore_mem>>
        %dma_start3A_16 = arith.constant 0 : i32
        %dma_start3A_17 = tpu.memref_slice %arg4[%add3A_11, %dma_start3A_16] : memref<344064x16xf32, #tpu.memory_space<hbm>> -> memref<128x16xf32, #tpu.memory_space<hbm>>
        %dma_start3A_18 = arith.constant 0 : i32
        %dma_start3A_19 = tpu.memref_slice %arg4[%add3A_11, %dma_start3A_18] : memref<344064x16xf32, #tpu.memory_space<hbm>> -> memref<128x16xf32, #tpu.memory_space<hbm>>
        tpu.enqueue_dma source(%arg6 : memref<128x16xf32, #tpu.memory_space<vmem>>) target(%dma_start3A_19 : memref<128x16xf32, #tpu.memory_space<hbm>>) target_semaphore(%run_scoped3A : memref<!tpu.dma_semaphore, #tpu.memory_space<semaphore_mem>>)
        %dma_wait3A_20 = arith.constant 0 : i32
        %dma_wait3A_21 = tpu.memref_slice %arg4[%add3A_11, %dma_wait3A_20] : memref<344064x16xf32, #tpu.memory_space<hbm>> -> memref<128x16xf32, #tpu.memory_space<hbm>>
        %dma_wait3A_22 = arith.constant 0 : i32
        %dma_wait3A_23 = tpu.memref_slice %arg4[%add3A_11, %dma_wait3A_22] : memref<344064x16xf32, #tpu.memory_space<hbm>> -> memref<128x16xf32, #tpu.memory_space<hbm>>
        tpu.wait_dma2 semaphore(%run_scoped3A : memref<!tpu.dma_semaphore, #tpu.memory_space<semaphore_mem>>) src(%arg6 : memref<128x16xf32, #tpu.memory_space<vmem>>) dst(%dma_wait3A_23 : memref<128x16xf32, #tpu.memory_space<hbm>>)
        tpu.yield
      }) : () -> ()
    }
    %scan3A_7 = arith.constant 84 : i32
    return
  }
}

#map = affine_map<(d0, d1) -> (0, 0)>
#map1 = affine_map<(d0, d1) -> (0)>
module attributes {stable_mosaic.version = 14 : i64} {
  func.func @gk(%arg0: i32, %arg1: i32, %arg2: memref<57344x16xf32, #tpu.memory_space<hbm>>, %arg3: memref<1990656xi32, #tpu.memory_space<hbm>>, %arg4: memref<1990656x16xf32, #tpu.memory_space<hbm>>, %arg5: memref<128xi32, #tpu.memory_space<vmem>>, %arg6: memref<128x16xf32, #tpu.memory_space<vmem>>, %arg7: memref<!tpu.dma_semaphore, #tpu.memory_space<semaphore_mem>>) attributes {dimension_semantics = [#tpu.dimension_semantics<core_parallel>, #tpu.dimension_semantics<subcore_parallel>], iteration_bounds = array<i64: 2, 16>, scalar_prefetch = 0 : i64, scratch_operands = 3 : i64, tpu.core_type = #tpu.core_type<sc_vector_subcore>, window_params = [{transform_indices = #map}, {transform_indices = #map1}, {transform_indices = #map}]} {
    %mul3A = arith.constant 2 : i32
    %mul3A_0 = arith.muli %arg1, %mul3A : i32
    %add3A = arith.addi %mul3A_0, %arg0 : i32
    %mul3A_1 = arith.constant 62208 : i32
    %mul3A_2 = arith.muli %add3A, %mul3A_1 : i32
    %scan3A = arith.constant 0 : i32
    %scan3A_3 = arith.constant 0 : i32
    %scan3A_4 = arith.constant 486 : i32
    %scan3A_5 = arith.addi %scan3A_3, %scan3A_4 : i32
    %scan3A_6 = arith.constant 1 : i32
    scf.for %scan3A_8 = %scan3A_3 to %scan3A_5 step %scan3A_6  : i32 {
      %mul3A_9 = arith.constant 128 : i32
      %mul3A_10 = arith.muli %scan3A_8, %mul3A_9 : i32
      %add3A_11 = arith.addi %mul3A_2, %mul3A_10 : i32
      "tpu.region"() ({
        %run_scoped3A = tpu.sem_alloc : memref<!tpu.dma_semaphore, #tpu.memory_space<semaphore_mem>>
        %dma_start3A_16 = tpu.memref_slice %arg3[%add3A_11] : memref<1990656xi32, #tpu.memory_space<hbm>> -> memref<128xi32, #tpu.memory_space<hbm>>
        %dma_start3A_17 = tpu.memref_slice %arg3[%add3A_11] : memref<1990656xi32, #tpu.memory_space<hbm>> -> memref<128xi32, #tpu.memory_space<hbm>>
        tpu.enqueue_dma source(%dma_start3A_17 : memref<128xi32, #tpu.memory_space<hbm>>) target(%arg5 : memref<128xi32, #tpu.memory_space<vmem>>) target_semaphore(%run_scoped3A : memref<!tpu.dma_semaphore, #tpu.memory_space<semaphore_mem>>)
        %dma_wait3A_18 = tpu.memref_slice %arg3[%add3A_11] : memref<1990656xi32, #tpu.memory_space<hbm>> -> memref<128xi32, #tpu.memory_space<hbm>>
        %dma_wait3A_19 = tpu.memref_slice %arg3[%add3A_11] : memref<1990656xi32, #tpu.memory_space<hbm>> -> memref<128xi32, #tpu.memory_space<hbm>>
        tpu.wait_dma2 semaphore(%run_scoped3A : memref<!tpu.dma_semaphore, #tpu.memory_space<semaphore_mem>>) src(%dma_wait3A_19 : memref<128xi32, #tpu.memory_space<hbm>>) dst(%arg5 : memref<128xi32, #tpu.memory_space<vmem>>)
        tpu.yield
      }) : () -> ()
      %dma_start3A = arith.constant 0 : i32
      %dma_start3A_12 = arith.constant 0 : i32
      %dma_start3A_13 = tpu.memref_slice %arg2[%dma_start3A, %dma_start3A_12] : memref<57344x16xf32, #tpu.memory_space<hbm>> -> memref<57344x16xf32, #tpu.memory_space<hbm>>
      tpu.enqueue_indirect_dma source(%dma_start3A_13 : memref<57344x16xf32, #tpu.memory_space<hbm>>) target(%arg6 : memref<128x16xf32, #tpu.memory_space<vmem>>) offsets(%arg5 : memref<128xi32, #tpu.memory_space<vmem>>) semaphore(%arg7 : memref<!tpu.dma_semaphore, #tpu.memory_space<semaphore_mem>>)
      %dma_wait3A = arith.constant 0 : i32
      %dma_wait3A_14 = arith.constant 0 : i32
      %dma_wait3A_15 = tpu.memref_slice %arg2[%dma_wait3A, %dma_wait3A_14] : memref<57344x16xf32, #tpu.memory_space<hbm>> -> memref<57344x16xf32, #tpu.memory_space<hbm>>
      tpu.wait_indirect_dma semaphore(%arg7 : memref<!tpu.dma_semaphore, #tpu.memory_space<semaphore_mem>>) src(%dma_wait3A_15 : memref<57344x16xf32, #tpu.memory_space<hbm>>) dst(%arg6 : memref<128x16xf32, #tpu.memory_space<vmem>>)
      "tpu.region"() ({
        %run_scoped3A = tpu.sem_alloc : memref<!tpu.dma_semaphore, #tpu.memory_space<semaphore_mem>>
        %dma_start3A_16 = arith.constant 0 : i32
        %dma_start3A_17 = tpu.memref_slice %arg4[%add3A_11, %dma_start3A_16] : memref<1990656x16xf32, #tpu.memory_space<hbm>> -> memref<128x16xf32, #tpu.memory_space<hbm>>
        %dma_start3A_18 = arith.constant 0 : i32
        %dma_start3A_19 = tpu.memref_slice %arg4[%add3A_11, %dma_start3A_18] : memref<1990656x16xf32, #tpu.memory_space<hbm>> -> memref<128x16xf32, #tpu.memory_space<hbm>>
        tpu.enqueue_dma source(%arg6 : memref<128x16xf32, #tpu.memory_space<vmem>>) target(%dma_start3A_19 : memref<128x16xf32, #tpu.memory_space<hbm>>) target_semaphore(%run_scoped3A : memref<!tpu.dma_semaphore, #tpu.memory_space<semaphore_mem>>)
        %dma_wait3A_20 = arith.constant 0 : i32
        %dma_wait3A_21 = tpu.memref_slice %arg4[%add3A_11, %dma_wait3A_20] : memref<1990656x16xf32, #tpu.memory_space<hbm>> -> memref<128x16xf32, #tpu.memory_space<hbm>>
        %dma_wait3A_22 = arith.constant 0 : i32
        %dma_wait3A_23 = tpu.memref_slice %arg4[%add3A_11, %dma_wait3A_22] : memref<1990656x16xf32, #tpu.memory_space<hbm>> -> memref<128x16xf32, #tpu.memory_space<hbm>>
        tpu.wait_dma2 semaphore(%run_scoped3A : memref<!tpu.dma_semaphore, #tpu.memory_space<semaphore_mem>>) src(%arg6 : memref<128x16xf32, #tpu.memory_space<vmem>>) dst(%dma_wait3A_23 : memref<128x16xf32, #tpu.memory_space<hbm>>)
        tpu.yield
      }) : () -> ()
    }
    %scan3A_7 = arith.constant 486 : i32
    return
  }
}

#map = affine_map<(d0, d1) -> (0, 0)>
#map1 = affine_map<(d0, d1) -> (0)>
module attributes {stable_mosaic.version = 14 : i64} {
  func.func @gk(%arg0: i32, %arg1: i32, %arg2: memref<61440x16xf32, #tpu.memory_space<hbm>>, %arg3: memref<1658880xi32, #tpu.memory_space<hbm>>, %arg4: memref<1658880x16xf32, #tpu.memory_space<hbm>>, %arg5: memref<128xi32, #tpu.memory_space<vmem>>, %arg6: memref<128x16xf32, #tpu.memory_space<vmem>>, %arg7: memref<!tpu.dma_semaphore, #tpu.memory_space<semaphore_mem>>) attributes {dimension_semantics = [#tpu.dimension_semantics<core_parallel>, #tpu.dimension_semantics<subcore_parallel>], iteration_bounds = array<i64: 2, 16>, scalar_prefetch = 0 : i64, scratch_operands = 3 : i64, tpu.core_type = #tpu.core_type<sc_vector_subcore>, window_params = [{transform_indices = #map}, {transform_indices = #map1}, {transform_indices = #map}]} {
    %mul3A = arith.constant 2 : i32
    %mul3A_0 = arith.muli %arg1, %mul3A : i32
    %add3A = arith.addi %mul3A_0, %arg0 : i32
    %mul3A_1 = arith.constant 51840 : i32
    %mul3A_2 = arith.muli %add3A, %mul3A_1 : i32
    %scan3A = arith.constant 0 : i32
    %scan3A_3 = arith.constant 0 : i32
    %scan3A_4 = arith.constant 405 : i32
    %scan3A_5 = arith.addi %scan3A_3, %scan3A_4 : i32
    %scan3A_6 = arith.constant 1 : i32
    scf.for %scan3A_8 = %scan3A_3 to %scan3A_5 step %scan3A_6  : i32 {
      %mul3A_9 = arith.constant 128 : i32
      %mul3A_10 = arith.muli %scan3A_8, %mul3A_9 : i32
      %add3A_11 = arith.addi %mul3A_2, %mul3A_10 : i32
      "tpu.region"() ({
        %run_scoped3A = tpu.sem_alloc : memref<!tpu.dma_semaphore, #tpu.memory_space<semaphore_mem>>
        %dma_start3A_16 = tpu.memref_slice %arg3[%add3A_11] : memref<1658880xi32, #tpu.memory_space<hbm>> -> memref<128xi32, #tpu.memory_space<hbm>>
        %dma_start3A_17 = tpu.memref_slice %arg3[%add3A_11] : memref<1658880xi32, #tpu.memory_space<hbm>> -> memref<128xi32, #tpu.memory_space<hbm>>
        tpu.enqueue_dma source(%dma_start3A_17 : memref<128xi32, #tpu.memory_space<hbm>>) target(%arg5 : memref<128xi32, #tpu.memory_space<vmem>>) target_semaphore(%run_scoped3A : memref<!tpu.dma_semaphore, #tpu.memory_space<semaphore_mem>>)
        %dma_wait3A_18 = tpu.memref_slice %arg3[%add3A_11] : memref<1658880xi32, #tpu.memory_space<hbm>> -> memref<128xi32, #tpu.memory_space<hbm>>
        %dma_wait3A_19 = tpu.memref_slice %arg3[%add3A_11] : memref<1658880xi32, #tpu.memory_space<hbm>> -> memref<128xi32, #tpu.memory_space<hbm>>
        tpu.wait_dma2 semaphore(%run_scoped3A : memref<!tpu.dma_semaphore, #tpu.memory_space<semaphore_mem>>) src(%dma_wait3A_19 : memref<128xi32, #tpu.memory_space<hbm>>) dst(%arg5 : memref<128xi32, #tpu.memory_space<vmem>>)
        tpu.yield
      }) : () -> ()
      %dma_start3A = arith.constant 0 : i32
      %dma_start3A_12 = arith.constant 0 : i32
      %dma_start3A_13 = tpu.memref_slice %arg2[%dma_start3A, %dma_start3A_12] : memref<61440x16xf32, #tpu.memory_space<hbm>> -> memref<61440x16xf32, #tpu.memory_space<hbm>>
      tpu.enqueue_indirect_dma source(%dma_start3A_13 : memref<61440x16xf32, #tpu.memory_space<hbm>>) target(%arg6 : memref<128x16xf32, #tpu.memory_space<vmem>>) offsets(%arg5 : memref<128xi32, #tpu.memory_space<vmem>>) semaphore(%arg7 : memref<!tpu.dma_semaphore, #tpu.memory_space<semaphore_mem>>)
      %dma_wait3A = arith.constant 0 : i32
      %dma_wait3A_14 = arith.constant 0 : i32
      %dma_wait3A_15 = tpu.memref_slice %arg2[%dma_wait3A, %dma_wait3A_14] : memref<61440x16xf32, #tpu.memory_space<hbm>> -> memref<61440x16xf32, #tpu.memory_space<hbm>>
      tpu.wait_indirect_dma semaphore(%arg7 : memref<!tpu.dma_semaphore, #tpu.memory_space<semaphore_mem>>) src(%dma_wait3A_15 : memref<61440x16xf32, #tpu.memory_space<hbm>>) dst(%arg6 : memref<128x16xf32, #tpu.memory_space<vmem>>)
      "tpu.region"() ({
        %run_scoped3A = tpu.sem_alloc : memref<!tpu.dma_semaphore, #tpu.memory_space<semaphore_mem>>
        %dma_start3A_16 = arith.constant 0 : i32
        %dma_start3A_17 = tpu.memref_slice %arg4[%add3A_11, %dma_start3A_16] : memref<1658880x16xf32, #tpu.memory_space<hbm>> -> memref<128x16xf32, #tpu.memory_space<hbm>>
        %dma_start3A_18 = arith.constant 0 : i32
        %dma_start3A_19 = tpu.memref_slice %arg4[%add3A_11, %dma_start3A_18] : memref<1658880x16xf32, #tpu.memory_space<hbm>> -> memref<128x16xf32, #tpu.memory_space<hbm>>
        tpu.enqueue_dma source(%arg6 : memref<128x16xf32, #tpu.memory_space<vmem>>) target(%dma_start3A_19 : memref<128x16xf32, #tpu.memory_space<hbm>>) target_semaphore(%run_scoped3A : memref<!tpu.dma_semaphore, #tpu.memory_space<semaphore_mem>>)
        %dma_wait3A_20 = arith.constant 0 : i32
        %dma_wait3A_21 = tpu.memref_slice %arg4[%add3A_11, %dma_wait3A_20] : memref<1658880x16xf32, #tpu.memory_space<hbm>> -> memref<128x16xf32, #tpu.memory_space<hbm>>
        %dma_wait3A_22 = arith.constant 0 : i32
        %dma_wait3A_23 = tpu.memref_slice %arg4[%add3A_11, %dma_wait3A_22] : memref<1658880x16xf32, #tpu.memory_space<hbm>> -> memref<128x16xf32, #tpu.memory_space<hbm>>
        tpu.wait_dma2 semaphore(%run_scoped3A : memref<!tpu.dma_semaphore, #tpu.memory_space<semaphore_mem>>) src(%arg6 : memref<128x16xf32, #tpu.memory_space<vmem>>) dst(%dma_wait3A_23 : memref<128x16xf32, #tpu.memory_space<hbm>>)
        tpu.yield
      }) : () -> ()
    }
    %scan3A_7 = arith.constant 405 : i32
    return
  }
}

#map = affine_map<(d0, d1) -> (0, 0)>
#map1 = affine_map<(d0, d1) -> (0)>
module attributes {stable_mosaic.version = 14 : i64} {
  func.func @gk(%arg0: i32, %arg1: i32, %arg2: memref<61440x16xf32, #tpu.memory_space<hbm>>, %arg3: memref<1658880xi32, #tpu.memory_space<hbm>>, %arg4: memref<1658880x16xf32, #tpu.memory_space<hbm>>, %arg5: memref<128xi32, #tpu.memory_space<vmem>>, %arg6: memref<128x16xf32, #tpu.memory_space<vmem>>, %arg7: memref<!tpu.dma_semaphore, #tpu.memory_space<semaphore_mem>>) attributes {dimension_semantics = [#tpu.dimension_semantics<core_parallel>, #tpu.dimension_semantics<subcore_parallel>], iteration_bounds = array<i64: 2, 16>, scalar_prefetch = 0 : i64, scratch_operands = 3 : i64, tpu.core_type = #tpu.core_type<sc_vector_subcore>, window_params = [{transform_indices = #map}, {transform_indices = #map1}, {transform_indices = #map}]} {
    %mul3A = arith.constant 2 : i32
    %mul3A_0 = arith.muli %arg1, %mul3A : i32
    %add3A = arith.addi %mul3A_0, %arg0 : i32
    %mul3A_1 = arith.constant 51840 : i32
    %mul3A_2 = arith.muli %add3A, %mul3A_1 : i32
    %scan3A = arith.constant 0 : i32
    %scan3A_3 = arith.constant 0 : i32
    %scan3A_4 = arith.constant 405 : i32
    %scan3A_5 = arith.addi %scan3A_3, %scan3A_4 : i32
    %scan3A_6 = arith.constant 1 : i32
    scf.for %scan3A_8 = %scan3A_3 to %scan3A_5 step %scan3A_6  : i32 {
      %mul3A_9 = arith.constant 128 : i32
      %mul3A_10 = arith.muli %scan3A_8, %mul3A_9 : i32
      %add3A_11 = arith.addi %mul3A_2, %mul3A_10 : i32
      "tpu.region"() ({
        %run_scoped3A = tpu.sem_alloc : memref<!tpu.dma_semaphore, #tpu.memory_space<semaphore_mem>>
        %dma_start3A_16 = tpu.memref_slice %arg3[%add3A_11] : memref<1658880xi32, #tpu.memory_space<hbm>> -> memref<128xi32, #tpu.memory_space<hbm>>
        %dma_start3A_17 = tpu.memref_slice %arg3[%add3A_11] : memref<1658880xi32, #tpu.memory_space<hbm>> -> memref<128xi32, #tpu.memory_space<hbm>>
        tpu.enqueue_dma source(%dma_start3A_17 : memref<128xi32, #tpu.memory_space<hbm>>) target(%arg5 : memref<128xi32, #tpu.memory_space<vmem>>) target_semaphore(%run_scoped3A : memref<!tpu.dma_semaphore, #tpu.memory_space<semaphore_mem>>)
        %dma_wait3A_18 = tpu.memref_slice %arg3[%add3A_11] : memref<1658880xi32, #tpu.memory_space<hbm>> -> memref<128xi32, #tpu.memory_space<hbm>>
        %dma_wait3A_19 = tpu.memref_slice %arg3[%add3A_11] : memref<1658880xi32, #tpu.memory_space<hbm>> -> memref<128xi32, #tpu.memory_space<hbm>>
        tpu.wait_dma2 semaphore(%run_scoped3A : memref<!tpu.dma_semaphore, #tpu.memory_space<semaphore_mem>>) src(%dma_wait3A_19 : memref<128xi32, #tpu.memory_space<hbm>>) dst(%arg5 : memref<128xi32, #tpu.memory_space<vmem>>)
        tpu.yield
      }) : () -> ()
      %dma_start3A = arith.constant 0 : i32
      %dma_start3A_12 = arith.constant 0 : i32
      %dma_start3A_13 = tpu.memref_slice %arg2[%dma_start3A, %dma_start3A_12] : memref<61440x16xf32, #tpu.memory_space<hbm>> -> memref<61440x16xf32, #tpu.memory_space<hbm>>
      tpu.enqueue_indirect_dma source(%dma_start3A_13 : memref<61440x16xf32, #tpu.memory_space<hbm>>) target(%arg6 : memref<128x16xf32, #tpu.memory_space<vmem>>) offsets(%arg5 : memref<128xi32, #tpu.memory_space<vmem>>) semaphore(%arg7 : memref<!tpu.dma_semaphore, #tpu.memory_space<semaphore_mem>>)
      %dma_wait3A = arith.constant 0 : i32
      %dma_wait3A_14 = arith.constant 0 : i32
      %dma_wait3A_15 = tpu.memref_slice %arg2[%dma_wait3A, %dma_wait3A_14] : memref<61440x16xf32, #tpu.memory_space<hbm>> -> memref<61440x16xf32, #tpu.memory_space<hbm>>
      tpu.wait_indirect_dma semaphore(%arg7 : memref<!tpu.dma_semaphore, #tpu.memory_space<semaphore_mem>>) src(%dma_wait3A_15 : memref<61440x16xf32, #tpu.memory_space<hbm>>) dst(%arg6 : memref<128x16xf32, #tpu.memory_space<vmem>>)
      "tpu.region"() ({
        %run_scoped3A = tpu.sem_alloc : memref<!tpu.dma_semaphore, #tpu.memory_space<semaphore_mem>>
        %dma_start3A_16 = arith.constant 0 : i32
        %dma_start3A_17 = tpu.memref_slice %arg4[%add3A_11, %dma_start3A_16] : memref<1658880x16xf32, #tpu.memory_space<hbm>> -> memref<128x16xf32, #tpu.memory_space<hbm>>
        %dma_start3A_18 = arith.constant 0 : i32
        %dma_start3A_19 = tpu.memref_slice %arg4[%add3A_11, %dma_start3A_18] : memref<1658880x16xf32, #tpu.memory_space<hbm>> -> memref<128x16xf32, #tpu.memory_space<hbm>>
        tpu.enqueue_dma source(%arg6 : memref<128x16xf32, #tpu.memory_space<vmem>>) target(%dma_start3A_19 : memref<128x16xf32, #tpu.memory_space<hbm>>) target_semaphore(%run_scoped3A : memref<!tpu.dma_semaphore, #tpu.memory_space<semaphore_mem>>)
        %dma_wait3A_20 = arith.constant 0 : i32
        %dma_wait3A_21 = tpu.memref_slice %arg4[%add3A_11, %dma_wait3A_20] : memref<1658880x16xf32, #tpu.memory_space<hbm>> -> memref<128x16xf32, #tpu.memory_space<hbm>>
        %dma_wait3A_22 = arith.constant 0 : i32
        %dma_wait3A_23 = tpu.memref_slice %arg4[%add3A_11, %dma_wait3A_22] : memref<1658880x16xf32, #tpu.memory_space<hbm>> -> memref<128x16xf32, #tpu.memory_space<hbm>>
        tpu.wait_dma2 semaphore(%run_scoped3A : memref<!tpu.dma_semaphore, #tpu.memory_space<semaphore_mem>>) src(%arg6 : memref<128x16xf32, #tpu.memory_space<vmem>>) dst(%dma_wait3A_23 : memref<128x16xf32, #tpu.memory_space<hbm>>)
        tpu.yield
      }) : () -> ()
    }
    %scan3A_7 = arith.constant 405 : i32
    return
  }
}

#map = affine_map<(d0, d1) -> (0, 0)>
#map1 = affine_map<(d0, d1) -> (0)>
module attributes {stable_mosaic.version = 14 : i64} {
  func.func @gk(%arg0: i32, %arg1: i32, %arg2: memref<73728x32xf32, #tpu.memory_space<hbm>>, %arg3: memref<1990656xi32, #tpu.memory_space<hbm>>, %arg4: memref<1990656x32xf32, #tpu.memory_space<hbm>>, %arg5: memref<128xi32, #tpu.memory_space<vmem>>, %arg6: memref<128x32xf32, #tpu.memory_space<vmem>>, %arg7: memref<!tpu.dma_semaphore, #tpu.memory_space<semaphore_mem>>) attributes {dimension_semantics = [#tpu.dimension_semantics<core_parallel>, #tpu.dimension_semantics<subcore_parallel>], iteration_bounds = array<i64: 2, 16>, scalar_prefetch = 0 : i64, scratch_operands = 3 : i64, tpu.core_type = #tpu.core_type<sc_vector_subcore>, window_params = [{transform_indices = #map}, {transform_indices = #map1}, {transform_indices = #map}]} {
    %mul3A = arith.constant 2 : i32
    %mul3A_0 = arith.muli %arg1, %mul3A : i32
    %add3A = arith.addi %mul3A_0, %arg0 : i32
    %mul3A_1 = arith.constant 62208 : i32
    %mul3A_2 = arith.muli %add3A, %mul3A_1 : i32
    %scan3A = arith.constant 0 : i32
    %scan3A_3 = arith.constant 0 : i32
    %scan3A_4 = arith.constant 486 : i32
    %scan3A_5 = arith.addi %scan3A_3, %scan3A_4 : i32
    %scan3A_6 = arith.constant 1 : i32
    scf.for %scan3A_8 = %scan3A_3 to %scan3A_5 step %scan3A_6  : i32 {
      %mul3A_9 = arith.constant 128 : i32
      %mul3A_10 = arith.muli %scan3A_8, %mul3A_9 : i32
      %add3A_11 = arith.addi %mul3A_2, %mul3A_10 : i32
      "tpu.region"() ({
        %run_scoped3A = tpu.sem_alloc : memref<!tpu.dma_semaphore, #tpu.memory_space<semaphore_mem>>
        %dma_start3A_16 = tpu.memref_slice %arg3[%add3A_11] : memref<1990656xi32, #tpu.memory_space<hbm>> -> memref<128xi32, #tpu.memory_space<hbm>>
        %dma_start3A_17 = tpu.memref_slice %arg3[%add3A_11] : memref<1990656xi32, #tpu.memory_space<hbm>> -> memref<128xi32, #tpu.memory_space<hbm>>
        tpu.enqueue_dma source(%dma_start3A_17 : memref<128xi32, #tpu.memory_space<hbm>>) target(%arg5 : memref<128xi32, #tpu.memory_space<vmem>>) target_semaphore(%run_scoped3A : memref<!tpu.dma_semaphore, #tpu.memory_space<semaphore_mem>>)
        %dma_wait3A_18 = tpu.memref_slice %arg3[%add3A_11] : memref<1990656xi32, #tpu.memory_space<hbm>> -> memref<128xi32, #tpu.memory_space<hbm>>
        %dma_wait3A_19 = tpu.memref_slice %arg3[%add3A_11] : memref<1990656xi32, #tpu.memory_space<hbm>> -> memref<128xi32, #tpu.memory_space<hbm>>
        tpu.wait_dma2 semaphore(%run_scoped3A : memref<!tpu.dma_semaphore, #tpu.memory_space<semaphore_mem>>) src(%dma_wait3A_19 : memref<128xi32, #tpu.memory_space<hbm>>) dst(%arg5 : memref<128xi32, #tpu.memory_space<vmem>>)
        tpu.yield
      }) : () -> ()
      %dma_start3A = arith.constant 0 : i32
      %dma_start3A_12 = arith.constant 0 : i32
      %dma_start3A_13 = tpu.memref_slice %arg2[%dma_start3A, %dma_start3A_12] : memref<73728x32xf32, #tpu.memory_space<hbm>> -> memref<73728x32xf32, #tpu.memory_space<hbm>>
      tpu.enqueue_indirect_dma source(%dma_start3A_13 : memref<73728x32xf32, #tpu.memory_space<hbm>>) target(%arg6 : memref<128x32xf32, #tpu.memory_space<vmem>>) offsets(%arg5 : memref<128xi32, #tpu.memory_space<vmem>>) semaphore(%arg7 : memref<!tpu.dma_semaphore, #tpu.memory_space<semaphore_mem>>)
      %dma_wait3A = arith.constant 0 : i32
      %dma_wait3A_14 = arith.constant 0 : i32
      %dma_wait3A_15 = tpu.memref_slice %arg2[%dma_wait3A, %dma_wait3A_14] : memref<73728x32xf32, #tpu.memory_space<hbm>> -> memref<73728x32xf32, #tpu.memory_space<hbm>>
      tpu.wait_indirect_dma semaphore(%arg7 : memref<!tpu.dma_semaphore, #tpu.memory_space<semaphore_mem>>) src(%dma_wait3A_15 : memref<73728x32xf32, #tpu.memory_space<hbm>>) dst(%arg6 : memref<128x32xf32, #tpu.memory_space<vmem>>)
      "tpu.region"() ({
        %run_scoped3A = tpu.sem_alloc : memref<!tpu.dma_semaphore, #tpu.memory_space<semaphore_mem>>
        %dma_start3A_16 = arith.constant 0 : i32
        %dma_start3A_17 = tpu.memref_slice %arg4[%add3A_11, %dma_start3A_16] : memref<1990656x32xf32, #tpu.memory_space<hbm>> -> memref<128x32xf32, #tpu.memory_space<hbm>>
        %dma_start3A_18 = arith.constant 0 : i32
        %dma_start3A_19 = tpu.memref_slice %arg4[%add3A_11, %dma_start3A_18] : memref<1990656x32xf32, #tpu.memory_space<hbm>> -> memref<128x32xf32, #tpu.memory_space<hbm>>
        tpu.enqueue_dma source(%arg6 : memref<128x32xf32, #tpu.memory_space<vmem>>) target(%dma_start3A_19 : memref<128x32xf32, #tpu.memory_space<hbm>>) target_semaphore(%run_scoped3A : memref<!tpu.dma_semaphore, #tpu.memory_space<semaphore_mem>>)
        %dma_wait3A_20 = arith.constant 0 : i32
        %dma_wait3A_21 = tpu.memref_slice %arg4[%add3A_11, %dma_wait3A_20] : memref<1990656x32xf32, #tpu.memory_space<hbm>> -> memref<128x32xf32, #tpu.memory_space<hbm>>
        %dma_wait3A_22 = arith.constant 0 : i32
        %dma_wait3A_23 = tpu.memref_slice %arg4[%add3A_11, %dma_wait3A_22] : memref<1990656x32xf32, #tpu.memory_space<hbm>> -> memref<128x32xf32, #tpu.memory_space<hbm>>
        tpu.wait_dma2 semaphore(%run_scoped3A : memref<!tpu.dma_semaphore, #tpu.memory_space<semaphore_mem>>) src(%arg6 : memref<128x32xf32, #tpu.memory_space<vmem>>) dst(%dma_wait3A_23 : memref<128x32xf32, #tpu.memory_space<hbm>>)
        tpu.yield
      }) : () -> ()
    }
    %scan3A_7 = arith.constant 486 : i32
    return
  }
}

#map = affine_map<(d0, d1) -> (0, 0)>
#map1 = affine_map<(d0, d1) -> (0)>
module attributes {stable_mosaic.version = 14 : i64} {
  func.func @gk(%arg0: i32, %arg1: i32, %arg2: memref<73728x32xf32, #tpu.memory_space<hbm>>, %arg3: memref<1990656xi32, #tpu.memory_space<hbm>>, %arg4: memref<1990656x32xf32, #tpu.memory_space<hbm>>, %arg5: memref<128xi32, #tpu.memory_space<vmem>>, %arg6: memref<128x32xf32, #tpu.memory_space<vmem>>, %arg7: memref<!tpu.dma_semaphore, #tpu.memory_space<semaphore_mem>>) attributes {dimension_semantics = [#tpu.dimension_semantics<core_parallel>, #tpu.dimension_semantics<subcore_parallel>], iteration_bounds = array<i64: 2, 16>, scalar_prefetch = 0 : i64, scratch_operands = 3 : i64, tpu.core_type = #tpu.core_type<sc_vector_subcore>, window_params = [{transform_indices = #map}, {transform_indices = #map1}, {transform_indices = #map}]} {
    %mul3A = arith.constant 2 : i32
    %mul3A_0 = arith.muli %arg1, %mul3A : i32
    %add3A = arith.addi %mul3A_0, %arg0 : i32
    %mul3A_1 = arith.constant 62208 : i32
    %mul3A_2 = arith.muli %add3A, %mul3A_1 : i32
    %scan3A = arith.constant 0 : i32
    %scan3A_3 = arith.constant 0 : i32
    %scan3A_4 = arith.constant 486 : i32
    %scan3A_5 = arith.addi %scan3A_3, %scan3A_4 : i32
    %scan3A_6 = arith.constant 1 : i32
    scf.for %scan3A_8 = %scan3A_3 to %scan3A_5 step %scan3A_6  : i32 {
      %mul3A_9 = arith.constant 128 : i32
      %mul3A_10 = arith.muli %scan3A_8, %mul3A_9 : i32
      %add3A_11 = arith.addi %mul3A_2, %mul3A_10 : i32
      "tpu.region"() ({
        %run_scoped3A = tpu.sem_alloc : memref<!tpu.dma_semaphore, #tpu.memory_space<semaphore_mem>>
        %dma_start3A_16 = tpu.memref_slice %arg3[%add3A_11] : memref<1990656xi32, #tpu.memory_space<hbm>> -> memref<128xi32, #tpu.memory_space<hbm>>
        %dma_start3A_17 = tpu.memref_slice %arg3[%add3A_11] : memref<1990656xi32, #tpu.memory_space<hbm>> -> memref<128xi32, #tpu.memory_space<hbm>>
        tpu.enqueue_dma source(%dma_start3A_17 : memref<128xi32, #tpu.memory_space<hbm>>) target(%arg5 : memref<128xi32, #tpu.memory_space<vmem>>) target_semaphore(%run_scoped3A : memref<!tpu.dma_semaphore, #tpu.memory_space<semaphore_mem>>)
        %dma_wait3A_18 = tpu.memref_slice %arg3[%add3A_11] : memref<1990656xi32, #tpu.memory_space<hbm>> -> memref<128xi32, #tpu.memory_space<hbm>>
        %dma_wait3A_19 = tpu.memref_slice %arg3[%add3A_11] : memref<1990656xi32, #tpu.memory_space<hbm>> -> memref<128xi32, #tpu.memory_space<hbm>>
        tpu.wait_dma2 semaphore(%run_scoped3A : memref<!tpu.dma_semaphore, #tpu.memory_space<semaphore_mem>>) src(%dma_wait3A_19 : memref<128xi32, #tpu.memory_space<hbm>>) dst(%arg5 : memref<128xi32, #tpu.memory_space<vmem>>)
        tpu.yield
      }) : () -> ()
      %dma_start3A = arith.constant 0 : i32
      %dma_start3A_12 = arith.constant 0 : i32
      %dma_start3A_13 = tpu.memref_slice %arg2[%dma_start3A, %dma_start3A_12] : memref<73728x32xf32, #tpu.memory_space<hbm>> -> memref<73728x32xf32, #tpu.memory_space<hbm>>
      tpu.enqueue_indirect_dma source(%dma_start3A_13 : memref<73728x32xf32, #tpu.memory_space<hbm>>) target(%arg6 : memref<128x32xf32, #tpu.memory_space<vmem>>) offsets(%arg5 : memref<128xi32, #tpu.memory_space<vmem>>) semaphore(%arg7 : memref<!tpu.dma_semaphore, #tpu.memory_space<semaphore_mem>>)
      %dma_wait3A = arith.constant 0 : i32
      %dma_wait3A_14 = arith.constant 0 : i32
      %dma_wait3A_15 = tpu.memref_slice %arg2[%dma_wait3A, %dma_wait3A_14] : memref<73728x32xf32, #tpu.memory_space<hbm>> -> memref<73728x32xf32, #tpu.memory_space<hbm>>
      tpu.wait_indirect_dma semaphore(%arg7 : memref<!tpu.dma_semaphore, #tpu.memory_space<semaphore_mem>>) src(%dma_wait3A_15 : memref<73728x32xf32, #tpu.memory_space<hbm>>) dst(%arg6 : memref<128x32xf32, #tpu.memory_space<vmem>>)
      "tpu.region"() ({
        %run_scoped3A = tpu.sem_alloc : memref<!tpu.dma_semaphore, #tpu.memory_space<semaphore_mem>>
        %dma_start3A_16 = arith.constant 0 : i32
        %dma_start3A_17 = tpu.memref_slice %arg4[%add3A_11, %dma_start3A_16] : memref<1990656x32xf32, #tpu.memory_space<hbm>> -> memref<128x32xf32, #tpu.memory_space<hbm>>
        %dma_start3A_18 = arith.constant 0 : i32
        %dma_start3A_19 = tpu.memref_slice %arg4[%add3A_11, %dma_start3A_18] : memref<1990656x32xf32, #tpu.memory_space<hbm>> -> memref<128x32xf32, #tpu.memory_space<hbm>>
        tpu.enqueue_dma source(%arg6 : memref<128x32xf32, #tpu.memory_space<vmem>>) target(%dma_start3A_19 : memref<128x32xf32, #tpu.memory_space<hbm>>) target_semaphore(%run_scoped3A : memref<!tpu.dma_semaphore, #tpu.memory_space<semaphore_mem>>)
        %dma_wait3A_20 = arith.constant 0 : i32
        %dma_wait3A_21 = tpu.memref_slice %arg4[%add3A_11, %dma_wait3A_20] : memref<1990656x32xf32, #tpu.memory_space<hbm>> -> memref<128x32xf32, #tpu.memory_space<hbm>>
        %dma_wait3A_22 = arith.constant 0 : i32
        %dma_wait3A_23 = tpu.memref_slice %arg4[%add3A_11, %dma_wait3A_22] : memref<1990656x32xf32, #tpu.memory_space<hbm>> -> memref<128x32xf32, #tpu.memory_space<hbm>>
        tpu.wait_dma2 semaphore(%run_scoped3A : memref<!tpu.dma_semaphore, #tpu.memory_space<semaphore_mem>>) src(%arg6 : memref<128x32xf32, #tpu.memory_space<vmem>>) dst(%dma_wait3A_23 : memref<128x32xf32, #tpu.memory_space<hbm>>)
        tpu.yield
      }) : () -> ()
    }
    %scan3A_7 = arith.constant 486 : i32
    return
  }
}

#map = affine_map<(d0, d1) -> (0, 0)>
#map1 = affine_map<(d0, d1) -> (0)>
module attributes {stable_mosaic.version = 14 : i64} {
  func.func @gk(%arg0: i32, %arg1: i32, %arg2: memref<73728x32xf32, #tpu.memory_space<hbm>>, %arg3: memref<995328xi32, #tpu.memory_space<hbm>>, %arg4: memref<995328x32xf32, #tpu.memory_space<hbm>>, %arg5: memref<128xi32, #tpu.memory_space<vmem>>, %arg6: memref<128x32xf32, #tpu.memory_space<vmem>>, %arg7: memref<!tpu.dma_semaphore, #tpu.memory_space<semaphore_mem>>) attributes {dimension_semantics = [#tpu.dimension_semantics<core_parallel>, #tpu.dimension_semantics<subcore_parallel>], iteration_bounds = array<i64: 2, 16>, scalar_prefetch = 0 : i64, scratch_operands = 3 : i64, tpu.core_type = #tpu.core_type<sc_vector_subcore>, window_params = [{transform_indices = #map}, {transform_indices = #map1}, {transform_indices = #map}]} {
    %mul3A = arith.constant 2 : i32
    %mul3A_0 = arith.muli %arg1, %mul3A : i32
    %add3A = arith.addi %mul3A_0, %arg0 : i32
    %mul3A_1 = arith.constant 31104 : i32
    %mul3A_2 = arith.muli %add3A, %mul3A_1 : i32
    %scan3A = arith.constant 0 : i32
    %scan3A_3 = arith.constant 0 : i32
    %scan3A_4 = arith.constant 243 : i32
    %scan3A_5 = arith.addi %scan3A_3, %scan3A_4 : i32
    %scan3A_6 = arith.constant 1 : i32
    scf.for %scan3A_8 = %scan3A_3 to %scan3A_5 step %scan3A_6  : i32 {
      %mul3A_9 = arith.constant 128 : i32
      %mul3A_10 = arith.muli %scan3A_8, %mul3A_9 : i32
      %add3A_11 = arith.addi %mul3A_2, %mul3A_10 : i32
      "tpu.region"() ({
        %run_scoped3A = tpu.sem_alloc : memref<!tpu.dma_semaphore, #tpu.memory_space<semaphore_mem>>
        %dma_start3A_16 = tpu.memref_slice %arg3[%add3A_11] : memref<995328xi32, #tpu.memory_space<hbm>> -> memref<128xi32, #tpu.memory_space<hbm>>
        %dma_start3A_17 = tpu.memref_slice %arg3[%add3A_11] : memref<995328xi32, #tpu.memory_space<hbm>> -> memref<128xi32, #tpu.memory_space<hbm>>
        tpu.enqueue_dma source(%dma_start3A_17 : memref<128xi32, #tpu.memory_space<hbm>>) target(%arg5 : memref<128xi32, #tpu.memory_space<vmem>>) target_semaphore(%run_scoped3A : memref<!tpu.dma_semaphore, #tpu.memory_space<semaphore_mem>>)
        %dma_wait3A_18 = tpu.memref_slice %arg3[%add3A_11] : memref<995328xi32, #tpu.memory_space<hbm>> -> memref<128xi32, #tpu.memory_space<hbm>>
        %dma_wait3A_19 = tpu.memref_slice %arg3[%add3A_11] : memref<995328xi32, #tpu.memory_space<hbm>> -> memref<128xi32, #tpu.memory_space<hbm>>
        tpu.wait_dma2 semaphore(%run_scoped3A : memref<!tpu.dma_semaphore, #tpu.memory_space<semaphore_mem>>) src(%dma_wait3A_19 : memref<128xi32, #tpu.memory_space<hbm>>) dst(%arg5 : memref<128xi32, #tpu.memory_space<vmem>>)
        tpu.yield
      }) : () -> ()
      %dma_start3A = arith.constant 0 : i32
      %dma_start3A_12 = arith.constant 0 : i32
      %dma_start3A_13 = tpu.memref_slice %arg2[%dma_start3A, %dma_start3A_12] : memref<73728x32xf32, #tpu.memory_space<hbm>> -> memref<73728x32xf32, #tpu.memory_space<hbm>>
      tpu.enqueue_indirect_dma source(%dma_start3A_13 : memref<73728x32xf32, #tpu.memory_space<hbm>>) target(%arg6 : memref<128x32xf32, #tpu.memory_space<vmem>>) offsets(%arg5 : memref<128xi32, #tpu.memory_space<vmem>>) semaphore(%arg7 : memref<!tpu.dma_semaphore, #tpu.memory_space<semaphore_mem>>)
      %dma_wait3A = arith.constant 0 : i32
      %dma_wait3A_14 = arith.constant 0 : i32
      %dma_wait3A_15 = tpu.memref_slice %arg2[%dma_wait3A, %dma_wait3A_14] : memref<73728x32xf32, #tpu.memory_space<hbm>> -> memref<73728x32xf32, #tpu.memory_space<hbm>>
      tpu.wait_indirect_dma semaphore(%arg7 : memref<!tpu.dma_semaphore, #tpu.memory_space<semaphore_mem>>) src(%dma_wait3A_15 : memref<73728x32xf32, #tpu.memory_space<hbm>>) dst(%arg6 : memref<128x32xf32, #tpu.memory_space<vmem>>)
      "tpu.region"() ({
        %run_scoped3A = tpu.sem_alloc : memref<!tpu.dma_semaphore, #tpu.memory_space<semaphore_mem>>
        %dma_start3A_16 = arith.constant 0 : i32
        %dma_start3A_17 = tpu.memref_slice %arg4[%add3A_11, %dma_start3A_16] : memref<995328x32xf32, #tpu.memory_space<hbm>> -> memref<128x32xf32, #tpu.memory_space<hbm>>
        %dma_start3A_18 = arith.constant 0 : i32
        %dma_start3A_19 = tpu.memref_slice %arg4[%add3A_11, %dma_start3A_18] : memref<995328x32xf32, #tpu.memory_space<hbm>> -> memref<128x32xf32, #tpu.memory_space<hbm>>
        tpu.enqueue_dma source(%arg6 : memref<128x32xf32, #tpu.memory_space<vmem>>) target(%dma_start3A_19 : memref<128x32xf32, #tpu.memory_space<hbm>>) target_semaphore(%run_scoped3A : memref<!tpu.dma_semaphore, #tpu.memory_space<semaphore_mem>>)
        %dma_wait3A_20 = arith.constant 0 : i32
        %dma_wait3A_21 = tpu.memref_slice %arg4[%add3A_11, %dma_wait3A_20] : memref<995328x32xf32, #tpu.memory_space<hbm>> -> memref<128x32xf32, #tpu.memory_space<hbm>>
        %dma_wait3A_22 = arith.constant 0 : i32
        %dma_wait3A_23 = tpu.memref_slice %arg4[%add3A_11, %dma_wait3A_22] : memref<995328x32xf32, #tpu.memory_space<hbm>> -> memref<128x32xf32, #tpu.memory_space<hbm>>
        tpu.wait_dma2 semaphore(%run_scoped3A : memref<!tpu.dma_semaphore, #tpu.memory_space<semaphore_mem>>) src(%arg6 : memref<128x32xf32, #tpu.memory_space<vmem>>) dst(%dma_wait3A_23 : memref<128x32xf32, #tpu.memory_space<hbm>>)
        tpu.yield
      }) : () -> ()
    }
    %scan3A_7 = arith.constant 243 : i32
    return
  }
}

#map = affine_map<(d0, d1) -> (0, 0)>
#map1 = affine_map<(d0, d1) -> (0)>
module attributes {stable_mosaic.version = 14 : i64} {
  func.func @gk(%arg0: i32, %arg1: i32, %arg2: memref<36864x64xf32, #tpu.memory_space<hbm>>, %arg3: memref<995328xi32, #tpu.memory_space<hbm>>, %arg4: memref<995328x64xf32, #tpu.memory_space<hbm>>, %arg5: memref<128xi32, #tpu.memory_space<vmem>>, %arg6: memref<128x64xf32, #tpu.memory_space<vmem>>, %arg7: memref<!tpu.dma_semaphore, #tpu.memory_space<semaphore_mem>>) attributes {dimension_semantics = [#tpu.dimension_semantics<core_parallel>, #tpu.dimension_semantics<subcore_parallel>], iteration_bounds = array<i64: 2, 16>, scalar_prefetch = 0 : i64, scratch_operands = 3 : i64, tpu.core_type = #tpu.core_type<sc_vector_subcore>, window_params = [{transform_indices = #map}, {transform_indices = #map1}, {transform_indices = #map}]} {
    %mul3A = arith.constant 2 : i32
    %mul3A_0 = arith.muli %arg1, %mul3A : i32
    %add3A = arith.addi %mul3A_0, %arg0 : i32
    %mul3A_1 = arith.constant 31104 : i32
    %mul3A_2 = arith.muli %add3A, %mul3A_1 : i32
    %scan3A = arith.constant 0 : i32
    %scan3A_3 = arith.constant 0 : i32
    %scan3A_4 = arith.constant 243 : i32
    %scan3A_5 = arith.addi %scan3A_3, %scan3A_4 : i32
    %scan3A_6 = arith.constant 1 : i32
    scf.for %scan3A_8 = %scan3A_3 to %scan3A_5 step %scan3A_6  : i32 {
      %mul3A_9 = arith.constant 128 : i32
      %mul3A_10 = arith.muli %scan3A_8, %mul3A_9 : i32
      %add3A_11 = arith.addi %mul3A_2, %mul3A_10 : i32
      "tpu.region"() ({
        %run_scoped3A = tpu.sem_alloc : memref<!tpu.dma_semaphore, #tpu.memory_space<semaphore_mem>>
        %dma_start3A_16 = tpu.memref_slice %arg3[%add3A_11] : memref<995328xi32, #tpu.memory_space<hbm>> -> memref<128xi32, #tpu.memory_space<hbm>>
        %dma_start3A_17 = tpu.memref_slice %arg3[%add3A_11] : memref<995328xi32, #tpu.memory_space<hbm>> -> memref<128xi32, #tpu.memory_space<hbm>>
        tpu.enqueue_dma source(%dma_start3A_17 : memref<128xi32, #tpu.memory_space<hbm>>) target(%arg5 : memref<128xi32, #tpu.memory_space<vmem>>) target_semaphore(%run_scoped3A : memref<!tpu.dma_semaphore, #tpu.memory_space<semaphore_mem>>)
        %dma_wait3A_18 = tpu.memref_slice %arg3[%add3A_11] : memref<995328xi32, #tpu.memory_space<hbm>> -> memref<128xi32, #tpu.memory_space<hbm>>
        %dma_wait3A_19 = tpu.memref_slice %arg3[%add3A_11] : memref<995328xi32, #tpu.memory_space<hbm>> -> memref<128xi32, #tpu.memory_space<hbm>>
        tpu.wait_dma2 semaphore(%run_scoped3A : memref<!tpu.dma_semaphore, #tpu.memory_space<semaphore_mem>>) src(%dma_wait3A_19 : memref<128xi32, #tpu.memory_space<hbm>>) dst(%arg5 : memref<128xi32, #tpu.memory_space<vmem>>)
        tpu.yield
      }) : () -> ()
      %dma_start3A = arith.constant 0 : i32
      %dma_start3A_12 = arith.constant 0 : i32
      %dma_start3A_13 = tpu.memref_slice %arg2[%dma_start3A, %dma_start3A_12] : memref<36864x64xf32, #tpu.memory_space<hbm>> -> memref<36864x64xf32, #tpu.memory_space<hbm>>
      tpu.enqueue_indirect_dma source(%dma_start3A_13 : memref<36864x64xf32, #tpu.memory_space<hbm>>) target(%arg6 : memref<128x64xf32, #tpu.memory_space<vmem>>) offsets(%arg5 : memref<128xi32, #tpu.memory_space<vmem>>) semaphore(%arg7 : memref<!tpu.dma_semaphore, #tpu.memory_space<semaphore_mem>>)
      %dma_wait3A = arith.constant 0 : i32
      %dma_wait3A_14 = arith.constant 0 : i32
      %dma_wait3A_15 = tpu.memref_slice %arg2[%dma_wait3A, %dma_wait3A_14] : memref<36864x64xf32, #tpu.memory_space<hbm>> -> memref<36864x64xf32, #tpu.memory_space<hbm>>
      tpu.wait_indirect_dma semaphore(%arg7 : memref<!tpu.dma_semaphore, #tpu.memory_space<semaphore_mem>>) src(%dma_wait3A_15 : memref<36864x64xf32, #tpu.memory_space<hbm>>) dst(%arg6 : memref<128x64xf32, #tpu.memory_space<vmem>>)
      "tpu.region"() ({
        %run_scoped3A = tpu.sem_alloc : memref<!tpu.dma_semaphore, #tpu.memory_space<semaphore_mem>>
        %dma_start3A_16 = arith.constant 0 : i32
        %dma_start3A_17 = tpu.memref_slice %arg4[%add3A_11, %dma_start3A_16] : memref<995328x64xf32, #tpu.memory_space<hbm>> -> memref<128x64xf32, #tpu.memory_space<hbm>>
        %dma_start3A_18 = arith.constant 0 : i32
        %dma_start3A_19 = tpu.memref_slice %arg4[%add3A_11, %dma_start3A_18] : memref<995328x64xf32, #tpu.memory_space<hbm>> -> memref<128x64xf32, #tpu.memory_space<hbm>>
        tpu.enqueue_dma source(%arg6 : memref<128x64xf32, #tpu.memory_space<vmem>>) target(%dma_start3A_19 : memref<128x64xf32, #tpu.memory_space<hbm>>) target_semaphore(%run_scoped3A : memref<!tpu.dma_semaphore, #tpu.memory_space<semaphore_mem>>)
        %dma_wait3A_20 = arith.constant 0 : i32
        %dma_wait3A_21 = tpu.memref_slice %arg4[%add3A_11, %dma_wait3A_20] : memref<995328x64xf32, #tpu.memory_space<hbm>> -> memref<128x64xf32, #tpu.memory_space<hbm>>
        %dma_wait3A_22 = arith.constant 0 : i32
        %dma_wait3A_23 = tpu.memref_slice %arg4[%add3A_11, %dma_wait3A_22] : memref<995328x64xf32, #tpu.memory_space<hbm>> -> memref<128x64xf32, #tpu.memory_space<hbm>>
        tpu.wait_dma2 semaphore(%run_scoped3A : memref<!tpu.dma_semaphore, #tpu.memory_space<semaphore_mem>>) src(%arg6 : memref<128x64xf32, #tpu.memory_space<vmem>>) dst(%dma_wait3A_23 : memref<128x64xf32, #tpu.memory_space<hbm>>)
        tpu.yield
      }) : () -> ()
    }
    %scan3A_7 = arith.constant 243 : i32
    return
  }
}

#map = affine_map<(d0, d1) -> (0, 0)>
#map1 = affine_map<(d0, d1) -> (0)>
module attributes {stable_mosaic.version = 14 : i64} {
  func.func @gk(%arg0: i32, %arg1: i32, %arg2: memref<36864x64xf32, #tpu.memory_space<hbm>>, %arg3: memref<995328xi32, #tpu.memory_space<hbm>>, %arg4: memref<995328x64xf32, #tpu.memory_space<hbm>>, %arg5: memref<128xi32, #tpu.memory_space<vmem>>, %arg6: memref<128x64xf32, #tpu.memory_space<vmem>>, %arg7: memref<!tpu.dma_semaphore, #tpu.memory_space<semaphore_mem>>) attributes {dimension_semantics = [#tpu.dimension_semantics<core_parallel>, #tpu.dimension_semantics<subcore_parallel>], iteration_bounds = array<i64: 2, 16>, scalar_prefetch = 0 : i64, scratch_operands = 3 : i64, tpu.core_type = #tpu.core_type<sc_vector_subcore>, window_params = [{transform_indices = #map}, {transform_indices = #map1}, {transform_indices = #map}]} {
    %mul3A = arith.constant 2 : i32
    %mul3A_0 = arith.muli %arg1, %mul3A : i32
    %add3A = arith.addi %mul3A_0, %arg0 : i32
    %mul3A_1 = arith.constant 31104 : i32
    %mul3A_2 = arith.muli %add3A, %mul3A_1 : i32
    %scan3A = arith.constant 0 : i32
    %scan3A_3 = arith.constant 0 : i32
    %scan3A_4 = arith.constant 243 : i32
    %scan3A_5 = arith.addi %scan3A_3, %scan3A_4 : i32
    %scan3A_6 = arith.constant 1 : i32
    scf.for %scan3A_8 = %scan3A_3 to %scan3A_5 step %scan3A_6  : i32 {
      %mul3A_9 = arith.constant 128 : i32
      %mul3A_10 = arith.muli %scan3A_8, %mul3A_9 : i32
      %add3A_11 = arith.addi %mul3A_2, %mul3A_10 : i32
      "tpu.region"() ({
        %run_scoped3A = tpu.sem_alloc : memref<!tpu.dma_semaphore, #tpu.memory_space<semaphore_mem>>
        %dma_start3A_16 = tpu.memref_slice %arg3[%add3A_11] : memref<995328xi32, #tpu.memory_space<hbm>> -> memref<128xi32, #tpu.memory_space<hbm>>
        %dma_start3A_17 = tpu.memref_slice %arg3[%add3A_11] : memref<995328xi32, #tpu.memory_space<hbm>> -> memref<128xi32, #tpu.memory_space<hbm>>
        tpu.enqueue_dma source(%dma_start3A_17 : memref<128xi32, #tpu.memory_space<hbm>>) target(%arg5 : memref<128xi32, #tpu.memory_space<vmem>>) target_semaphore(%run_scoped3A : memref<!tpu.dma_semaphore, #tpu.memory_space<semaphore_mem>>)
        %dma_wait3A_18 = tpu.memref_slice %arg3[%add3A_11] : memref<995328xi32, #tpu.memory_space<hbm>> -> memref<128xi32, #tpu.memory_space<hbm>>
        %dma_wait3A_19 = tpu.memref_slice %arg3[%add3A_11] : memref<995328xi32, #tpu.memory_space<hbm>> -> memref<128xi32, #tpu.memory_space<hbm>>
        tpu.wait_dma2 semaphore(%run_scoped3A : memref<!tpu.dma_semaphore, #tpu.memory_space<semaphore_mem>>) src(%dma_wait3A_19 : memref<128xi32, #tpu.memory_space<hbm>>) dst(%arg5 : memref<128xi32, #tpu.memory_space<vmem>>)
        tpu.yield
      }) : () -> ()
      %dma_start3A = arith.constant 0 : i32
      %dma_start3A_12 = arith.constant 0 : i32
      %dma_start3A_13 = tpu.memref_slice %arg2[%dma_start3A, %dma_start3A_12] : memref<36864x64xf32, #tpu.memory_space<hbm>> -> memref<36864x64xf32, #tpu.memory_space<hbm>>
      tpu.enqueue_indirect_dma source(%dma_start3A_13 : memref<36864x64xf32, #tpu.memory_space<hbm>>) target(%arg6 : memref<128x64xf32, #tpu.memory_space<vmem>>) offsets(%arg5 : memref<128xi32, #tpu.memory_space<vmem>>) semaphore(%arg7 : memref<!tpu.dma_semaphore, #tpu.memory_space<semaphore_mem>>)
      %dma_wait3A = arith.constant 0 : i32
      %dma_wait3A_14 = arith.constant 0 : i32
      %dma_wait3A_15 = tpu.memref_slice %arg2[%dma_wait3A, %dma_wait3A_14] : memref<36864x64xf32, #tpu.memory_space<hbm>> -> memref<36864x64xf32, #tpu.memory_space<hbm>>
      tpu.wait_indirect_dma semaphore(%arg7 : memref<!tpu.dma_semaphore, #tpu.memory_space<semaphore_mem>>) src(%dma_wait3A_15 : memref<36864x64xf32, #tpu.memory_space<hbm>>) dst(%arg6 : memref<128x64xf32, #tpu.memory_space<vmem>>)
      "tpu.region"() ({
        %run_scoped3A = tpu.sem_alloc : memref<!tpu.dma_semaphore, #tpu.memory_space<semaphore_mem>>
        %dma_start3A_16 = arith.constant 0 : i32
        %dma_start3A_17 = tpu.memref_slice %arg4[%add3A_11, %dma_start3A_16] : memref<995328x64xf32, #tpu.memory_space<hbm>> -> memref<128x64xf32, #tpu.memory_space<hbm>>
        %dma_start3A_18 = arith.constant 0 : i32
        %dma_start3A_19 = tpu.memref_slice %arg4[%add3A_11, %dma_start3A_18] : memref<995328x64xf32, #tpu.memory_space<hbm>> -> memref<128x64xf32, #tpu.memory_space<hbm>>
        tpu.enqueue_dma source(%arg6 : memref<128x64xf32, #tpu.memory_space<vmem>>) target(%dma_start3A_19 : memref<128x64xf32, #tpu.memory_space<hbm>>) target_semaphore(%run_scoped3A : memref<!tpu.dma_semaphore, #tpu.memory_space<semaphore_mem>>)
        %dma_wait3A_20 = arith.constant 0 : i32
        %dma_wait3A_21 = tpu.memref_slice %arg4[%add3A_11, %dma_wait3A_20] : memref<995328x64xf32, #tpu.memory_space<hbm>> -> memref<128x64xf32, #tpu.memory_space<hbm>>
        %dma_wait3A_22 = arith.constant 0 : i32
        %dma_wait3A_23 = tpu.memref_slice %arg4[%add3A_11, %dma_wait3A_22] : memref<995328x64xf32, #tpu.memory_space<hbm>> -> memref<128x64xf32, #tpu.memory_space<hbm>>
        tpu.wait_dma2 semaphore(%run_scoped3A : memref<!tpu.dma_semaphore, #tpu.memory_space<semaphore_mem>>) src(%arg6 : memref<128x64xf32, #tpu.memory_space<vmem>>) dst(%dma_wait3A_23 : memref<128x64xf32, #tpu.memory_space<hbm>>)
        tpu.yield
      }) : () -> ()
    }
    %scan3A_7 = arith.constant 243 : i32
    return
  }
}

#map = affine_map<(d0, d1) -> (0, 0)>
#map1 = affine_map<(d0, d1) -> (0)>
module attributes {stable_mosaic.version = 14 : i64} {
  func.func @gk(%arg0: i32, %arg1: i32, %arg2: memref<20480x64xf32, #tpu.memory_space<hbm>>, %arg3: memref<552960xi32, #tpu.memory_space<hbm>>, %arg4: memref<552960x64xf32, #tpu.memory_space<hbm>>, %arg5: memref<128xi32, #tpu.memory_space<vmem>>, %arg6: memref<128x64xf32, #tpu.memory_space<vmem>>, %arg7: memref<!tpu.dma_semaphore, #tpu.memory_space<semaphore_mem>>) attributes {dimension_semantics = [#tpu.dimension_semantics<core_parallel>, #tpu.dimension_semantics<subcore_parallel>], iteration_bounds = array<i64: 2, 16>, scalar_prefetch = 0 : i64, scratch_operands = 3 : i64, tpu.core_type = #tpu.core_type<sc_vector_subcore>, window_params = [{transform_indices = #map}, {transform_indices = #map1}, {transform_indices = #map}]} {
    %mul3A = arith.constant 2 : i32
    %mul3A_0 = arith.muli %arg1, %mul3A : i32
    %add3A = arith.addi %mul3A_0, %arg0 : i32
    %mul3A_1 = arith.constant 17280 : i32
    %mul3A_2 = arith.muli %add3A, %mul3A_1 : i32
    %scan3A = arith.constant 0 : i32
    %scan3A_3 = arith.constant 0 : i32
    %scan3A_4 = arith.constant 135 : i32
    %scan3A_5 = arith.addi %scan3A_3, %scan3A_4 : i32
    %scan3A_6 = arith.constant 1 : i32
    scf.for %scan3A_8 = %scan3A_3 to %scan3A_5 step %scan3A_6  : i32 {
      %mul3A_9 = arith.constant 128 : i32
      %mul3A_10 = arith.muli %scan3A_8, %mul3A_9 : i32
      %add3A_11 = arith.addi %mul3A_2, %mul3A_10 : i32
      "tpu.region"() ({
        %run_scoped3A = tpu.sem_alloc : memref<!tpu.dma_semaphore, #tpu.memory_space<semaphore_mem>>
        %dma_start3A_16 = tpu.memref_slice %arg3[%add3A_11] : memref<552960xi32, #tpu.memory_space<hbm>> -> memref<128xi32, #tpu.memory_space<hbm>>
        %dma_start3A_17 = tpu.memref_slice %arg3[%add3A_11] : memref<552960xi32, #tpu.memory_space<hbm>> -> memref<128xi32, #tpu.memory_space<hbm>>
        tpu.enqueue_dma source(%dma_start3A_17 : memref<128xi32, #tpu.memory_space<hbm>>) target(%arg5 : memref<128xi32, #tpu.memory_space<vmem>>) target_semaphore(%run_scoped3A : memref<!tpu.dma_semaphore, #tpu.memory_space<semaphore_mem>>)
        %dma_wait3A_18 = tpu.memref_slice %arg3[%add3A_11] : memref<552960xi32, #tpu.memory_space<hbm>> -> memref<128xi32, #tpu.memory_space<hbm>>
        %dma_wait3A_19 = tpu.memref_slice %arg3[%add3A_11] : memref<552960xi32, #tpu.memory_space<hbm>> -> memref<128xi32, #tpu.memory_space<hbm>>
        tpu.wait_dma2 semaphore(%run_scoped3A : memref<!tpu.dma_semaphore, #tpu.memory_space<semaphore_mem>>) src(%dma_wait3A_19 : memref<128xi32, #tpu.memory_space<hbm>>) dst(%arg5 : memref<128xi32, #tpu.memory_space<vmem>>)
        tpu.yield
      }) : () -> ()
      %dma_start3A = arith.constant 0 : i32
      %dma_start3A_12 = arith.constant 0 : i32
      %dma_start3A_13 = tpu.memref_slice %arg2[%dma_start3A, %dma_start3A_12] : memref<20480x64xf32, #tpu.memory_space<hbm>> -> memref<20480x64xf32, #tpu.memory_space<hbm>>
      tpu.enqueue_indirect_dma source(%dma_start3A_13 : memref<20480x64xf32, #tpu.memory_space<hbm>>) target(%arg6 : memref<128x64xf32, #tpu.memory_space<vmem>>) offsets(%arg5 : memref<128xi32, #tpu.memory_space<vmem>>) semaphore(%arg7 : memref<!tpu.dma_semaphore, #tpu.memory_space<semaphore_mem>>)
      %dma_wait3A = arith.constant 0 : i32
      %dma_wait3A_14 = arith.constant 0 : i32
      %dma_wait3A_15 = tpu.memref_slice %arg2[%dma_wait3A, %dma_wait3A_14] : memref<20480x64xf32, #tpu.memory_space<hbm>> -> memref<20480x64xf32, #tpu.memory_space<hbm>>
      tpu.wait_indirect_dma semaphore(%arg7 : memref<!tpu.dma_semaphore, #tpu.memory_space<semaphore_mem>>) src(%dma_wait3A_15 : memref<20480x64xf32, #tpu.memory_space<hbm>>) dst(%arg6 : memref<128x64xf32, #tpu.memory_space<vmem>>)
      "tpu.region"() ({
        %run_scoped3A = tpu.sem_alloc : memref<!tpu.dma_semaphore, #tpu.memory_space<semaphore_mem>>
        %dma_start3A_16 = arith.constant 0 : i32
        %dma_start3A_17 = tpu.memref_slice %arg4[%add3A_11, %dma_start3A_16] : memref<552960x64xf32, #tpu.memory_space<hbm>> -> memref<128x64xf32, #tpu.memory_space<hbm>>
        %dma_start3A_18 = arith.constant 0 : i32
        %dma_start3A_19 = tpu.memref_slice %arg4[%add3A_11, %dma_start3A_18] : memref<552960x64xf32, #tpu.memory_space<hbm>> -> memref<128x64xf32, #tpu.memory_space<hbm>>
        tpu.enqueue_dma source(%arg6 : memref<128x64xf32, #tpu.memory_space<vmem>>) target(%dma_start3A_19 : memref<128x64xf32, #tpu.memory_space<hbm>>) target_semaphore(%run_scoped3A : memref<!tpu.dma_semaphore, #tpu.memory_space<semaphore_mem>>)
        %dma_wait3A_20 = arith.constant 0 : i32
        %dma_wait3A_21 = tpu.memref_slice %arg4[%add3A_11, %dma_wait3A_20] : memref<552960x64xf32, #tpu.memory_space<hbm>> -> memref<128x64xf32, #tpu.memory_space<hbm>>
        %dma_wait3A_22 = arith.constant 0 : i32
        %dma_wait3A_23 = tpu.memref_slice %arg4[%add3A_11, %dma_wait3A_22] : memref<552960x64xf32, #tpu.memory_space<hbm>> -> memref<128x64xf32, #tpu.memory_space<hbm>>
        tpu.wait_dma2 semaphore(%run_scoped3A : memref<!tpu.dma_semaphore, #tpu.memory_space<semaphore_mem>>) src(%arg6 : memref<128x64xf32, #tpu.memory_space<vmem>>) dst(%dma_wait3A_23 : memref<128x64xf32, #tpu.memory_space<hbm>>)
        tpu.yield
      }) : () -> ()
    }
    %scan3A_7 = arith.constant 135 : i32
    return
  }
}

#map = affine_map<(d0, d1) -> (0, 0)>
#map1 = affine_map<(d0, d1) -> (0)>
module attributes {stable_mosaic.version = 14 : i64} {
  func.func @gk(%arg0: i32, %arg1: i32, %arg2: memref<36864x64xf32, #tpu.memory_space<hbm>>, %arg3: memref<552960xi32, #tpu.memory_space<hbm>>, %arg4: memref<552960x64xf32, #tpu.memory_space<hbm>>, %arg5: memref<128xi32, #tpu.memory_space<vmem>>, %arg6: memref<128x64xf32, #tpu.memory_space<vmem>>, %arg7: memref<!tpu.dma_semaphore, #tpu.memory_space<semaphore_mem>>) attributes {dimension_semantics = [#tpu.dimension_semantics<core_parallel>, #tpu.dimension_semantics<subcore_parallel>], iteration_bounds = array<i64: 2, 16>, scalar_prefetch = 0 : i64, scratch_operands = 3 : i64, tpu.core_type = #tpu.core_type<sc_vector_subcore>, window_params = [{transform_indices = #map}, {transform_indices = #map1}, {transform_indices = #map}]} {
    %mul3A = arith.constant 2 : i32
    %mul3A_0 = arith.muli %arg1, %mul3A : i32
    %add3A = arith.addi %mul3A_0, %arg0 : i32
    %mul3A_1 = arith.constant 17280 : i32
    %mul3A_2 = arith.muli %add3A, %mul3A_1 : i32
    %scan3A = arith.constant 0 : i32
    %scan3A_3 = arith.constant 0 : i32
    %scan3A_4 = arith.constant 135 : i32
    %scan3A_5 = arith.addi %scan3A_3, %scan3A_4 : i32
    %scan3A_6 = arith.constant 1 : i32
    scf.for %scan3A_8 = %scan3A_3 to %scan3A_5 step %scan3A_6  : i32 {
      %mul3A_9 = arith.constant 128 : i32
      %mul3A_10 = arith.muli %scan3A_8, %mul3A_9 : i32
      %add3A_11 = arith.addi %mul3A_2, %mul3A_10 : i32
      "tpu.region"() ({
        %run_scoped3A = tpu.sem_alloc : memref<!tpu.dma_semaphore, #tpu.memory_space<semaphore_mem>>
        %dma_start3A_16 = tpu.memref_slice %arg3[%add3A_11] : memref<552960xi32, #tpu.memory_space<hbm>> -> memref<128xi32, #tpu.memory_space<hbm>>
        %dma_start3A_17 = tpu.memref_slice %arg3[%add3A_11] : memref<552960xi32, #tpu.memory_space<hbm>> -> memref<128xi32, #tpu.memory_space<hbm>>
        tpu.enqueue_dma source(%dma_start3A_17 : memref<128xi32, #tpu.memory_space<hbm>>) target(%arg5 : memref<128xi32, #tpu.memory_space<vmem>>) target_semaphore(%run_scoped3A : memref<!tpu.dma_semaphore, #tpu.memory_space<semaphore_mem>>)
        %dma_wait3A_18 = tpu.memref_slice %arg3[%add3A_11] : memref<552960xi32, #tpu.memory_space<hbm>> -> memref<128xi32, #tpu.memory_space<hbm>>
        %dma_wait3A_19 = tpu.memref_slice %arg3[%add3A_11] : memref<552960xi32, #tpu.memory_space<hbm>> -> memref<128xi32, #tpu.memory_space<hbm>>
        tpu.wait_dma2 semaphore(%run_scoped3A : memref<!tpu.dma_semaphore, #tpu.memory_space<semaphore_mem>>) src(%dma_wait3A_19 : memref<128xi32, #tpu.memory_space<hbm>>) dst(%arg5 : memref<128xi32, #tpu.memory_space<vmem>>)
        tpu.yield
      }) : () -> ()
      %dma_start3A = arith.constant 0 : i32
      %dma_start3A_12 = arith.constant 0 : i32
      %dma_start3A_13 = tpu.memref_slice %arg2[%dma_start3A, %dma_start3A_12] : memref<36864x64xf32, #tpu.memory_space<hbm>> -> memref<36864x64xf32, #tpu.memory_space<hbm>>
      tpu.enqueue_indirect_dma source(%dma_start3A_13 : memref<36864x64xf32, #tpu.memory_space<hbm>>) target(%arg6 : memref<128x64xf32, #tpu.memory_space<vmem>>) offsets(%arg5 : memref<128xi32, #tpu.memory_space<vmem>>) semaphore(%arg7 : memref<!tpu.dma_semaphore, #tpu.memory_space<semaphore_mem>>)
      %dma_wait3A = arith.constant 0 : i32
      %dma_wait3A_14 = arith.constant 0 : i32
      %dma_wait3A_15 = tpu.memref_slice %arg2[%dma_wait3A, %dma_wait3A_14] : memref<36864x64xf32, #tpu.memory_space<hbm>> -> memref<36864x64xf32, #tpu.memory_space<hbm>>
      tpu.wait_indirect_dma semaphore(%arg7 : memref<!tpu.dma_semaphore, #tpu.memory_space<semaphore_mem>>) src(%dma_wait3A_15 : memref<36864x64xf32, #tpu.memory_space<hbm>>) dst(%arg6 : memref<128x64xf32, #tpu.memory_space<vmem>>)
      "tpu.region"() ({
        %run_scoped3A = tpu.sem_alloc : memref<!tpu.dma_semaphore, #tpu.memory_space<semaphore_mem>>
        %dma_start3A_16 = arith.constant 0 : i32
        %dma_start3A_17 = tpu.memref_slice %arg4[%add3A_11, %dma_start3A_16] : memref<552960x64xf32, #tpu.memory_space<hbm>> -> memref<128x64xf32, #tpu.memory_space<hbm>>
        %dma_start3A_18 = arith.constant 0 : i32
        %dma_start3A_19 = tpu.memref_slice %arg4[%add3A_11, %dma_start3A_18] : memref<552960x64xf32, #tpu.memory_space<hbm>> -> memref<128x64xf32, #tpu.memory_space<hbm>>
        tpu.enqueue_dma source(%arg6 : memref<128x64xf32, #tpu.memory_space<vmem>>) target(%dma_start3A_19 : memref<128x64xf32, #tpu.memory_space<hbm>>) target_semaphore(%run_scoped3A : memref<!tpu.dma_semaphore, #tpu.memory_space<semaphore_mem>>)
        %dma_wait3A_20 = arith.constant 0 : i32
        %dma_wait3A_21 = tpu.memref_slice %arg4[%add3A_11, %dma_wait3A_20] : memref<552960x64xf32, #tpu.memory_space<hbm>> -> memref<128x64xf32, #tpu.memory_space<hbm>>
        %dma_wait3A_22 = arith.constant 0 : i32
        %dma_wait3A_23 = tpu.memref_slice %arg4[%add3A_11, %dma_wait3A_22] : memref<552960x64xf32, #tpu.memory_space<hbm>> -> memref<128x64xf32, #tpu.memory_space<hbm>>
        tpu.wait_dma2 semaphore(%run_scoped3A : memref<!tpu.dma_semaphore, #tpu.memory_space<semaphore_mem>>) src(%arg6 : memref<128x64xf32, #tpu.memory_space<vmem>>) dst(%dma_wait3A_23 : memref<128x64xf32, #tpu.memory_space<hbm>>)
        tpu.yield
      }) : () -> ()
    }
    %scan3A_7 = arith.constant 135 : i32
    return
  }
}

#map = affine_map<(d0, d1) -> (0, 0)>
#map1 = affine_map<(d0, d1) -> (0)>
module attributes {stable_mosaic.version = 14 : i64} {
  func.func @gk(%arg0: i32, %arg1: i32, %arg2: memref<20480x64xf32, #tpu.memory_space<hbm>>, %arg3: memref<552960xi32, #tpu.memory_space<hbm>>, %arg4: memref<552960x64xf32, #tpu.memory_space<hbm>>, %arg5: memref<128xi32, #tpu.memory_space<vmem>>, %arg6: memref<128x64xf32, #tpu.memory_space<vmem>>, %arg7: memref<!tpu.dma_semaphore, #tpu.memory_space<semaphore_mem>>) attributes {dimension_semantics = [#tpu.dimension_semantics<core_parallel>, #tpu.dimension_semantics<subcore_parallel>], iteration_bounds = array<i64: 2, 16>, scalar_prefetch = 0 : i64, scratch_operands = 3 : i64, tpu.core_type = #tpu.core_type<sc_vector_subcore>, window_params = [{transform_indices = #map}, {transform_indices = #map1}, {transform_indices = #map}]} {
    %mul3A = arith.constant 2 : i32
    %mul3A_0 = arith.muli %arg1, %mul3A : i32
    %add3A = arith.addi %mul3A_0, %arg0 : i32
    %mul3A_1 = arith.constant 17280 : i32
    %mul3A_2 = arith.muli %add3A, %mul3A_1 : i32
    %scan3A = arith.constant 0 : i32
    %scan3A_3 = arith.constant 0 : i32
    %scan3A_4 = arith.constant 135 : i32
    %scan3A_5 = arith.addi %scan3A_3, %scan3A_4 : i32
    %scan3A_6 = arith.constant 1 : i32
    scf.for %scan3A_8 = %scan3A_3 to %scan3A_5 step %scan3A_6  : i32 {
      %mul3A_9 = arith.constant 128 : i32
      %mul3A_10 = arith.muli %scan3A_8, %mul3A_9 : i32
      %add3A_11 = arith.addi %mul3A_2, %mul3A_10 : i32
      "tpu.region"() ({
        %run_scoped3A = tpu.sem_alloc : memref<!tpu.dma_semaphore, #tpu.memory_space<semaphore_mem>>
        %dma_start3A_16 = tpu.memref_slice %arg3[%add3A_11] : memref<552960xi32, #tpu.memory_space<hbm>> -> memref<128xi32, #tpu.memory_space<hbm>>
        %dma_start3A_17 = tpu.memref_slice %arg3[%add3A_11] : memref<552960xi32, #tpu.memory_space<hbm>> -> memref<128xi32, #tpu.memory_space<hbm>>
        tpu.enqueue_dma source(%dma_start3A_17 : memref<128xi32, #tpu.memory_space<hbm>>) target(%arg5 : memref<128xi32, #tpu.memory_space<vmem>>) target_semaphore(%run_scoped3A : memref<!tpu.dma_semaphore, #tpu.memory_space<semaphore_mem>>)
        %dma_wait3A_18 = tpu.memref_slice %arg3[%add3A_11] : memref<552960xi32, #tpu.memory_space<hbm>> -> memref<128xi32, #tpu.memory_space<hbm>>
        %dma_wait3A_19 = tpu.memref_slice %arg3[%add3A_11] : memref<552960xi32, #tpu.memory_space<hbm>> -> memref<128xi32, #tpu.memory_space<hbm>>
        tpu.wait_dma2 semaphore(%run_scoped3A : memref<!tpu.dma_semaphore, #tpu.memory_space<semaphore_mem>>) src(%dma_wait3A_19 : memref<128xi32, #tpu.memory_space<hbm>>) dst(%arg5 : memref<128xi32, #tpu.memory_space<vmem>>)
        tpu.yield
      }) : () -> ()
      %dma_start3A = arith.constant 0 : i32
      %dma_start3A_12 = arith.constant 0 : i32
      %dma_start3A_13 = tpu.memref_slice %arg2[%dma_start3A, %dma_start3A_12] : memref<20480x64xf32, #tpu.memory_space<hbm>> -> memref<20480x64xf32, #tpu.memory_space<hbm>>
      tpu.enqueue_indirect_dma source(%dma_start3A_13 : memref<20480x64xf32, #tpu.memory_space<hbm>>) target(%arg6 : memref<128x64xf32, #tpu.memory_space<vmem>>) offsets(%arg5 : memref<128xi32, #tpu.memory_space<vmem>>) semaphore(%arg7 : memref<!tpu.dma_semaphore, #tpu.memory_space<semaphore_mem>>)
      %dma_wait3A = arith.constant 0 : i32
      %dma_wait3A_14 = arith.constant 0 : i32
      %dma_wait3A_15 = tpu.memref_slice %arg2[%dma_wait3A, %dma_wait3A_14] : memref<20480x64xf32, #tpu.memory_space<hbm>> -> memref<20480x64xf32, #tpu.memory_space<hbm>>
      tpu.wait_indirect_dma semaphore(%arg7 : memref<!tpu.dma_semaphore, #tpu.memory_space<semaphore_mem>>) src(%dma_wait3A_15 : memref<20480x64xf32, #tpu.memory_space<hbm>>) dst(%arg6 : memref<128x64xf32, #tpu.memory_space<vmem>>)
      "tpu.region"() ({
        %run_scoped3A = tpu.sem_alloc : memref<!tpu.dma_semaphore, #tpu.memory_space<semaphore_mem>>
        %dma_start3A_16 = arith.constant 0 : i32
        %dma_start3A_17 = tpu.memref_slice %arg4[%add3A_11, %dma_start3A_16] : memref<552960x64xf32, #tpu.memory_space<hbm>> -> memref<128x64xf32, #tpu.memory_space<hbm>>
        %dma_start3A_18 = arith.constant 0 : i32
        %dma_start3A_19 = tpu.memref_slice %arg4[%add3A_11, %dma_start3A_18] : memref<552960x64xf32, #tpu.memory_space<hbm>> -> memref<128x64xf32, #tpu.memory_space<hbm>>
        tpu.enqueue_dma source(%arg6 : memref<128x64xf32, #tpu.memory_space<vmem>>) target(%dma_start3A_19 : memref<128x64xf32, #tpu.memory_space<hbm>>) target_semaphore(%run_scoped3A : memref<!tpu.dma_semaphore, #tpu.memory_space<semaphore_mem>>)
        %dma_wait3A_20 = arith.constant 0 : i32
        %dma_wait3A_21 = tpu.memref_slice %arg4[%add3A_11, %dma_wait3A_20] : memref<552960x64xf32, #tpu.memory_space<hbm>> -> memref<128x64xf32, #tpu.memory_space<hbm>>
        %dma_wait3A_22 = arith.constant 0 : i32
        %dma_wait3A_23 = tpu.memref_slice %arg4[%add3A_11, %dma_wait3A_22] : memref<552960x64xf32, #tpu.memory_space<hbm>> -> memref<128x64xf32, #tpu.memory_space<hbm>>
        tpu.wait_dma2 semaphore(%run_scoped3A : memref<!tpu.dma_semaphore, #tpu.memory_space<semaphore_mem>>) src(%arg6 : memref<128x64xf32, #tpu.memory_space<vmem>>) dst(%dma_wait3A_23 : memref<128x64xf32, #tpu.memory_space<hbm>>)
        tpu.yield
      }) : () -> ()
    }
    %scan3A_7 = arith.constant 135 : i32
    return
  }
}

#map = affine_map<(d0, d1) -> (0, 0)>
#map1 = affine_map<(d0, d1) -> (0)>
module attributes {stable_mosaic.version = 14 : i64} {
  func.func @gk(%arg0: i32, %arg1: i32, %arg2: memref<20480x64xf32, #tpu.memory_space<hbm>>, %arg3: memref<36864xi32, #tpu.memory_space<hbm>>, %arg4: memref<36864x64xf32, #tpu.memory_space<hbm>>, %arg5: memref<128xi32, #tpu.memory_space<vmem>>, %arg6: memref<128x64xf32, #tpu.memory_space<vmem>>, %arg7: memref<!tpu.dma_semaphore, #tpu.memory_space<semaphore_mem>>) attributes {dimension_semantics = [#tpu.dimension_semantics<core_parallel>, #tpu.dimension_semantics<subcore_parallel>], iteration_bounds = array<i64: 2, 16>, scalar_prefetch = 0 : i64, scratch_operands = 3 : i64, tpu.core_type = #tpu.core_type<sc_vector_subcore>, window_params = [{transform_indices = #map}, {transform_indices = #map1}, {transform_indices = #map}]} {
    %mul3A = arith.constant 2 : i32
    %mul3A_0 = arith.muli %arg1, %mul3A : i32
    %add3A = arith.addi %mul3A_0, %arg0 : i32
    %mul3A_1 = arith.constant 1152 : i32
    %mul3A_2 = arith.muli %add3A, %mul3A_1 : i32
    %scan3A = arith.constant 0 : i32
    %scan3A_3 = arith.constant 0 : i32
    %scan3A_4 = arith.constant 9 : i32
    %scan3A_5 = arith.addi %scan3A_3, %scan3A_4 : i32
    %scan3A_6 = arith.constant 1 : i32
    scf.for %scan3A_8 = %scan3A_3 to %scan3A_5 step %scan3A_6  : i32 {
      %mul3A_9 = arith.constant 128 : i32
      %mul3A_10 = arith.muli %scan3A_8, %mul3A_9 : i32
      %add3A_11 = arith.addi %mul3A_2, %mul3A_10 : i32
      "tpu.region"() ({
        %run_scoped3A = tpu.sem_alloc : memref<!tpu.dma_semaphore, #tpu.memory_space<semaphore_mem>>
        %dma_start3A_16 = tpu.memref_slice %arg3[%add3A_11] : memref<36864xi32, #tpu.memory_space<hbm>> -> memref<128xi32, #tpu.memory_space<hbm>>
        %dma_start3A_17 = tpu.memref_slice %arg3[%add3A_11] : memref<36864xi32, #tpu.memory_space<hbm>> -> memref<128xi32, #tpu.memory_space<hbm>>
        tpu.enqueue_dma source(%dma_start3A_17 : memref<128xi32, #tpu.memory_space<hbm>>) target(%arg5 : memref<128xi32, #tpu.memory_space<vmem>>) target_semaphore(%run_scoped3A : memref<!tpu.dma_semaphore, #tpu.memory_space<semaphore_mem>>)
        %dma_wait3A_18 = tpu.memref_slice %arg3[%add3A_11] : memref<36864xi32, #tpu.memory_space<hbm>> -> memref<128xi32, #tpu.memory_space<hbm>>
        %dma_wait3A_19 = tpu.memref_slice %arg3[%add3A_11] : memref<36864xi32, #tpu.memory_space<hbm>> -> memref<128xi32, #tpu.memory_space<hbm>>
        tpu.wait_dma2 semaphore(%run_scoped3A : memref<!tpu.dma_semaphore, #tpu.memory_space<semaphore_mem>>) src(%dma_wait3A_19 : memref<128xi32, #tpu.memory_space<hbm>>) dst(%arg5 : memref<128xi32, #tpu.memory_space<vmem>>)
        tpu.yield
      }) : () -> ()
      %dma_start3A = arith.constant 0 : i32
      %dma_start3A_12 = arith.constant 0 : i32
      %dma_start3A_13 = tpu.memref_slice %arg2[%dma_start3A, %dma_start3A_12] : memref<20480x64xf32, #tpu.memory_space<hbm>> -> memref<20480x64xf32, #tpu.memory_space<hbm>>
      tpu.enqueue_indirect_dma source(%dma_start3A_13 : memref<20480x64xf32, #tpu.memory_space<hbm>>) target(%arg6 : memref<128x64xf32, #tpu.memory_space<vmem>>) offsets(%arg5 : memref<128xi32, #tpu.memory_space<vmem>>) semaphore(%arg7 : memref<!tpu.dma_semaphore, #tpu.memory_space<semaphore_mem>>)
      %dma_wait3A = arith.constant 0 : i32
      %dma_wait3A_14 = arith.constant 0 : i32
      %dma_wait3A_15 = tpu.memref_slice %arg2[%dma_wait3A, %dma_wait3A_14] : memref<20480x64xf32, #tpu.memory_space<hbm>> -> memref<20480x64xf32, #tpu.memory_space<hbm>>
      tpu.wait_indirect_dma semaphore(%arg7 : memref<!tpu.dma_semaphore, #tpu.memory_space<semaphore_mem>>) src(%dma_wait3A_15 : memref<20480x64xf32, #tpu.memory_space<hbm>>) dst(%arg6 : memref<128x64xf32, #tpu.memory_space<vmem>>)
      "tpu.region"() ({
        %run_scoped3A = tpu.sem_alloc : memref<!tpu.dma_semaphore, #tpu.memory_space<semaphore_mem>>
        %dma_start3A_16 = arith.constant 0 : i32
        %dma_start3A_17 = tpu.memref_slice %arg4[%add3A_11, %dma_start3A_16] : memref<36864x64xf32, #tpu.memory_space<hbm>> -> memref<128x64xf32, #tpu.memory_space<hbm>>
        %dma_start3A_18 = arith.constant 0 : i32
        %dma_start3A_19 = tpu.memref_slice %arg4[%add3A_11, %dma_start3A_18] : memref<36864x64xf32, #tpu.memory_space<hbm>> -> memref<128x64xf32, #tpu.memory_space<hbm>>
        tpu.enqueue_dma source(%arg6 : memref<128x64xf32, #tpu.memory_space<vmem>>) target(%dma_start3A_19 : memref<128x64xf32, #tpu.memory_space<hbm>>) target_semaphore(%run_scoped3A : memref<!tpu.dma_semaphore, #tpu.memory_space<semaphore_mem>>)
        %dma_wait3A_20 = arith.constant 0 : i32
        %dma_wait3A_21 = tpu.memref_slice %arg4[%add3A_11, %dma_wait3A_20] : memref<36864x64xf32, #tpu.memory_space<hbm>> -> memref<128x64xf32, #tpu.memory_space<hbm>>
        %dma_wait3A_22 = arith.constant 0 : i32
        %dma_wait3A_23 = tpu.memref_slice %arg4[%add3A_11, %dma_wait3A_22] : memref<36864x64xf32, #tpu.memory_space<hbm>> -> memref<128x64xf32, #tpu.memory_space<hbm>>
        tpu.wait_dma2 semaphore(%run_scoped3A : memref<!tpu.dma_semaphore, #tpu.memory_space<semaphore_mem>>) src(%arg6 : memref<128x64xf32, #tpu.memory_space<vmem>>) dst(%dma_wait3A_23 : memref<128x64xf32, #tpu.memory_space<hbm>>)
        tpu.yield
      }) : () -> ()
    }
    %scan3A_7 = arith.constant 9 : i32
    return
  }
}

module attributes {stable_mosaic.version = 14 : i64} {
  func.func @mk(%arg0: i32, %arg1: memref<256x432xf32, #tpu.memory_space<vmem>>, %arg2: memref<432x16xf32, #tpu.memory_space<vmem>>, %arg3: memref<8x432xf32, #tpu.memory_space<vmem>>, %arg4: memref<8x16xf32, #tpu.memory_space<vmem>>, %arg5: memref<256x16xf32, #tpu.memory_space<vmem>>, %arg6: memref<8x16xf32, #tpu.memory_space<vmem>>, %arg7: memref<8x16xf32, #tpu.memory_space<vmem>>) attributes {dimension_semantics = [#tpu.dimension_semantics<arbitrary>], iteration_bounds = array<i64: 240>, scalar_prefetch = 0 : i64, scratch_operands = 1 : i64, tpu.core_type = #tpu.core_type<tc>, window_params = [{transform_indices = @transform_0, window_bounds = array<i64: 256, 432>}, {pipeline_mode = #tpu.pipeline_mode<synchronous>, transform_indices = @transform_1, window_bounds = array<i64: 432, 16>}, {pipeline_mode = #tpu.pipeline_mode<synchronous>, transform_indices = @transform_2, window_bounds = array<i64: 8, 432>}, {pipeline_mode = #tpu.pipeline_mode<synchronous>, transform_indices = @transform_3, window_bounds = array<i64: 8, 16>}, {transform_indices = @transform_4, window_bounds = array<i64: 256, 16>}, {pipeline_mode = #tpu.pipeline_mode<synchronous>, transform_indices = @transform_5, window_bounds = array<i64: 8, 16>}]} {
    %eq3A = arith.constant 0 : i32
    %eq3A_0 = arith.cmpi eq, %arg0, %eq3A : i32
    %convert_element_type3A = arith.extui %eq3A_0 : i1 to i32
    %cond3A = arith.constant 0 : i32
    %cond3A_1 = arith.cmpi ne, %convert_element_type3A, %cond3A : i32
    scf.if %cond3A_1 {
      %broadcast_in_dim3A_46 = arith.constant 0.000000e+00 : f32
      %broadcast_in_dim3A_47 = vector.broadcast %broadcast_in_dim3A_46 : f32 to vector<8x16xf32>
      %swap3A_48 = arith.constant 0 : index
      %swap3A_49 = arith.constant 0 : index
      %swap3A_50 = vector.load %arg7[%swap3A_48, %swap3A_49] : memref<8x16xf32, #tpu.memory_space<vmem>>, vector<8x16xf32>
      tpu.vector_store %arg7[%swap3A_48, %swap3A_49], %broadcast_in_dim3A_47 {strides = array<i32>} : memref<8x16xf32, #tpu.memory_space<vmem>>, vector<8x16xf32>,
    } else {
    }
    %get3A = arith.constant 0 : index
    %get3A_2 = arith.constant 0 : index
    %get3A_3 = vector.load %arg1[%get3A, %get3A_2] : memref<256x432xf32, #tpu.memory_space<vmem>>, vector<256x432xf32>
    %get3A_4 = arith.constant 0 : index
    %get3A_5 = arith.constant 0 : index
    %get3A_6 = vector.load %arg2[%get3A_4, %get3A_5] : memref<432x16xf32, #tpu.memory_space<vmem>>, vector<432x16xf32>
    %dot_general3A = arith.constant dense<0.000000e+00> : vector<256x16xf32>
    %dot_general3A_7 = tpu.matmul %get3A_3, %get3A_6, %dot_general3A {dimension_numbers = #tpu.dot_dimension_numbers<[1], [0], [0], [1], [0, 0, 1, 1], [], []>, transpose_lhs_hint = false} : vector<256x432xf32>, vector<432x16xf32>, vector<256x16xf32> -> vector<256x16xf32>
    %mul3A = arith.constant 256 : i32
    %mul3A_8 = arith.muli %arg0, %mul3A : i32
    %iota3A = tpu.iota {dimensions = array<i32: 0>} : vector<256x1xi32>
    %add3A = vector.broadcast %mul3A_8 : i32 to vector<256x1xi32>
    %add3A_9 = arith.addi %add3A, %iota3A : vector<256x1xi32>
    %lt3A = arith.constant 60000 : i32
    %lt3A_10 = vector.broadcast %lt3A : i32 to vector<256x1xi32>
    %lt3A_11 = arith.cmpi slt, %add3A_9, %lt3A_10 : vector<256x1xi32>
    %jit3A = arith.constant 0.000000e+00 : f32
    %broadcast_in_dim3A = vector.shape_cast %lt3A_11 : vector<256x1xi1> to vector<256x1xi1>
    %broadcast_in_dim3A_12 = vector.broadcast %broadcast_in_dim3A : vector<256x1xi1> to vector<256x16xi1>
    %broadcast_in_dim3A_13 = vector.broadcast %jit3A : f32 to vector<256x16xf32>
    %select_n3A = arith.select %broadcast_in_dim3A_12, %dot_general3A_7, %broadcast_in_dim3A_13 : vector<256x16xi1>, vector<256x16xf32>
    %get3A_14 = arith.constant 0 : index
    %get3A_15 = arith.constant 0 : index
    %get3A_16 = vector.load %arg7[%get3A_14, %get3A_15] : memref<8x16xf32, #tpu.memory_space<vmem>>, vector<1x16xf32>
    %reduce_sum3A = arith.constant dense<0.000000e+00> : vector<16xf32>
    %reduce_sum3A_17 = vector.multi_reduction <add>, %select_n3A, %reduce_sum3A [0] : vector<256x16xf32> to vector<16xf32>
    %broadcast_in_dim3A_18 = vector.shape_cast %reduce_sum3A_17 : vector<16xf32> to vector<1x16xf32>
    %add3A_19 = arith.addf %get3A_16, %broadcast_in_dim3A_18 : vector<1x16xf32>
    %swap3A = arith.constant 0 : index
    %swap3A_20 = arith.constant 0 : index
    %swap3A_21 = vector.load %arg7[%swap3A, %swap3A_20] : memref<8x16xf32, #tpu.memory_space<vmem>>, vector<1x16xf32>
    tpu.vector_store %arg7[%swap3A, %swap3A_20], %add3A_19 {strides = array<i32>} : memref<8x16xf32, #tpu.memory_space<vmem>>, vector<1x16xf32>,
    %get3A_22 = arith.constant 1 : index
    %get3A_23 = arith.constant 0 : index
    %get3A_24 = vector.load %arg7[%get3A_22, %get3A_23] : memref<8x16xf32, #tpu.memory_space<vmem>>, vector<1x16xf32>
    %mul3A_25 = arith.mulf %select_n3A, %select_n3A : vector<256x16xf32>
    %reduce_sum3A_26 = arith.constant dense<0.000000e+00> : vector<16xf32>
    %reduce_sum3A_27 = vector.multi_reduction <add>, %mul3A_25, %reduce_sum3A_26 [0] : vector<256x16xf32> to vector<16xf32>
    %broadcast_in_dim3A_28 = vector.shape_cast %reduce_sum3A_27 : vector<16xf32> to vector<1x16xf32>
    %add3A_29 = arith.addf %get3A_24, %broadcast_in_dim3A_28 : vector<1x16xf32>
    %swap3A_30 = arith.constant 1 : index
    %swap3A_31 = arith.constant 0 : index
    %swap3A_32 = vector.load %arg7[%swap3A_30, %swap3A_31] : memref<8x16xf32, #tpu.memory_space<vmem>>, vector<1x16xf32>
    tpu.vector_store %arg7[%swap3A_30, %swap3A_31], %add3A_29 {strides = array<i32>} : memref<8x16xf32, #tpu.memory_space<vmem>>, vector<1x16xf32>,
    %jit3A_33 = arith.constant -1.000000e+30 : f32
    %broadcast_in_dim3A_34 = vector.shape_cast %lt3A_11 : vector<256x1xi1> to vector<256x1xi1>
    %broadcast_in_dim3A_35 = vector.broadcast %broadcast_in_dim3A_34 : vector<256x1xi1> to vector<256x16xi1>
    %broadcast_in_dim3A_36 = vector.broadcast %jit3A_33 : f32 to vector<256x16xf32>
    %select_n3A_37 = arith.select %broadcast_in_dim3A_35, %dot_general3A_7, %broadcast_in_dim3A_36 : vector<256x16xi1>, vector<256x16xf32>
    %swap3A_38 = arith.constant 0 : index
    %swap3A_39 = arith.constant 0 : index
    %swap3A_40 = vector.load %arg5[%swap3A_38, %swap3A_39] : memref<256x16xf32, #tpu.memory_space<vmem>>, vector<256x16xf32>
    tpu.vector_store %arg5[%swap3A_38, %swap3A_39], %select_n3A_37 {strides = array<i32>} : memref<256x16xf32, #tpu.memory_space<vmem>>, vector<256x16xf32>,
    %eq3A_41 = arith.constant 239 : i32
    %eq3A_42 = arith.cmpi eq, %arg0, %eq3A_41 : i32
    %convert_element_type3A_43 = arith.extui %eq3A_42 : i1 to i32
    %cond3A_44 = arith.constant 0 : i32
    %cond3A_45 = arith.cmpi ne, %convert_element_type3A_43, %cond3A_44 : i32
    scf.if %cond3A_45 {
      %get3A_46 = arith.constant 0 : index
      %get3A_47 = arith.constant 0 : index
      %get3A_48 = vector.load %arg7[%get3A_46, %get3A_47] : memref<8x16xf32, #tpu.memory_space<vmem>>, vector<1x16xf32>
      %div3A = arith.constant 6.000000e+04 : f32
      %div3A_49 = vector.broadcast %div3A : f32 to vector<1x16xf32>
      %div3A_50 = arith.divf %get3A_48, %div3A_49 : vector<1x16xf32>
      %get3A_51 = arith.constant 1 : index
      %get3A_52 = arith.constant 0 : index
      %get3A_53 = vector.load %arg7[%get3A_51, %get3A_52] : memref<8x16xf32, #tpu.memory_space<vmem>>, vector<1x16xf32>
      %div3A_54 = arith.constant 6.000000e+04 : f32
      %div3A_55 = vector.broadcast %div3A_54 : f32 to vector<1x16xf32>
      %div3A_56 = arith.divf %get3A_53, %div3A_55 : vector<1x16xf32>
      %mul3A_57 = arith.mulf %div3A_50, %div3A_50 : vector<1x16xf32>
      %sub3A = arith.subf %div3A_56, %mul3A_57 : vector<1x16xf32>
      %add3A_58 = arith.constant 1.000000e-03 : f32
      %add3A_59 = vector.broadcast %add3A_58 : f32 to vector<1x16xf32>
      %add3A_60 = arith.addf %sub3A, %add3A_59 : vector<1x16xf32>
      %rsqrt3A = math.rsqrt %add3A_60 : vector<1x16xf32>
      %get3A_61 = arith.constant 0 : index
      %get3A_62 = arith.constant 0 : index
      %get3A_63 = vector.load %arg4[%get3A_61, %get3A_62] : memref<8x16xf32, #tpu.memory_space<vmem>>, vector<1x16xf32>
      %mul3A_64 = arith.mulf %rsqrt3A, %get3A_63 : vector<1x16xf32>
      %get3A_65 = arith.constant 1 : index
      %get3A_66 = arith.constant 0 : index
      %get3A_67 = vector.load %arg4[%get3A_65, %get3A_66] : memref<8x16xf32, #tpu.memory_space<vmem>>, vector<1x16xf32>
      %broadcast_in_dim3A_68 = arith.constant 0.000000e+00 : f32
      %broadcast_in_dim3A_69 = vector.broadcast %broadcast_in_dim3A_68 : f32 to vector<5x16xf32>
      %concatenate3A = tpu.concatenate %div3A_50, %mul3A_64, %get3A_67, %broadcast_in_dim3A_69 in 0 : vector<1x16xf32>, vector<1x16xf32>, vector<1x16xf32>, vector<5x16xf32> -> vector<8x16xf32>
      %swap3A_70 = arith.constant 0 : index
      %swap3A_71 = arith.constant 0 : index
      %swap3A_72 = vector.load %arg6[%swap3A_70, %swap3A_71] : memref<8x16xf32, #tpu.memory_space<vmem>>, vector<8x16xf32>
      tpu.vector_store %arg6[%swap3A_70, %swap3A_71], %concatenate3A {strides = array<i32>} : memref<8x16xf32, #tpu.memory_space<vmem>>, vector<8x16xf32>,
    } else {
    }
    return
  }
  func.func @transform_0(%arg0: i32) -> (i32, i32) {
    %c0_i32 = arith.constant 0 : i32
    %c0_i32_0 = arith.constant 0 : i32
    return %arg0, %c0_i32 : i32, i32
  }
  func.func @transform_1(%arg0: i32) -> (i32, i32) {
    %c0_i32 = arith.constant 0 : i32
    %c0_i32_0 = arith.constant 0 : i32
    %c0_i32_1 = arith.constant 0 : i32
    return %c0_i32, %c0_i32_0 : i32, i32
  }
  func.func @transform_2(%arg0: i32) -> (i32, i32) {
    %c0_i32 = arith.constant 0 : i32
    %c0_i32_0 = arith.constant 0 : i32
    %c0_i32_1 = arith.constant 0 : i32
    return %c0_i32, %c0_i32_0 : i32, i32
  }
  func.func @transform_3(%arg0: i32) -> (i32, i32) {
    %c0_i32 = arith.constant 0 : i32
    %c0_i32_0 = arith.constant 0 : i32
    %c0_i32_1 = arith.constant 0 : i32
    return %c0_i32, %c0_i32_0 : i32, i32
  }
  func.func @transform_4(%arg0: i32) -> (i32, i32) {
    %c0_i32 = arith.constant 0 : i32
    %c0_i32_0 = arith.constant 0 : i32
    return %arg0, %c0_i32 : i32, i32
  }
  func.func @transform_5(%arg0: i32) -> (i32, i32) {
    %c0_i32 = arith.constant 0 : i32
    %c0_i32_0 = arith.constant 0 : i32
    %c0_i32_1 = arith.constant 0 : i32
    return %c0_i32, %c0_i32_0 : i32, i32
  }
}

module attributes {stable_mosaic.version = 14 : i64} {
  func.func @mk(%arg0: i32, %arg1: memref<256x432xf32, #tpu.memory_space<vmem>>, %arg2: memref<432x16xf32, #tpu.memory_space<vmem>>, %arg3: memref<8x432xf32, #tpu.memory_space<vmem>>, %arg4: memref<8x16xf32, #tpu.memory_space<vmem>>, %arg5: memref<256x16xf32, #tpu.memory_space<vmem>>, %arg6: memref<8x16xf32, #tpu.memory_space<vmem>>, %arg7: memref<8x16xf32, #tpu.memory_space<vmem>>) attributes {dimension_semantics = [#tpu.dimension_semantics<arbitrary>], iteration_bounds = array<i64: 240>, scalar_prefetch = 0 : i64, scratch_operands = 1 : i64, tpu.core_type = #tpu.core_type<tc>, window_params = [{transform_indices = @transform_0, window_bounds = array<i64: 256, 432>}, {pipeline_mode = #tpu.pipeline_mode<synchronous>, transform_indices = @transform_1, window_bounds = array<i64: 432, 16>}, {pipeline_mode = #tpu.pipeline_mode<synchronous>, transform_indices = @transform_2, window_bounds = array<i64: 8, 432>}, {pipeline_mode = #tpu.pipeline_mode<synchronous>, transform_indices = @transform_3, window_bounds = array<i64: 8, 16>}, {transform_indices = @transform_4, window_bounds = array<i64: 256, 16>}, {pipeline_mode = #tpu.pipeline_mode<synchronous>, transform_indices = @transform_5, window_bounds = array<i64: 8, 16>}]} {
    %eq3A = arith.constant 0 : i32
    %eq3A_0 = arith.cmpi eq, %arg0, %eq3A : i32
    %convert_element_type3A = arith.extui %eq3A_0 : i1 to i32
    %cond3A = arith.constant 0 : i32
    %cond3A_1 = arith.cmpi ne, %convert_element_type3A, %cond3A : i32
    scf.if %cond3A_1 {
      %broadcast_in_dim3A_62 = arith.constant 0.000000e+00 : f32
      %broadcast_in_dim3A_63 = vector.broadcast %broadcast_in_dim3A_62 : f32 to vector<8x16xf32>
      %swap3A_64 = arith.constant 0 : index
      %swap3A_65 = arith.constant 0 : index
      %swap3A_66 = vector.load %arg7[%swap3A_64, %swap3A_65] : memref<8x16xf32, #tpu.memory_space<vmem>>, vector<8x16xf32>
      tpu.vector_store %arg7[%swap3A_64, %swap3A_65], %broadcast_in_dim3A_63 {strides = array<i32>} : memref<8x16xf32, #tpu.memory_space<vmem>>, vector<8x16xf32>,
    } else {
    }
    %get3A = arith.constant 0 : index
    %get3A_2 = arith.constant 0 : index
    %get3A_3 = vector.load %arg1[%get3A, %get3A_2] : memref<256x432xf32, #tpu.memory_space<vmem>>, vector<256x432xf32>
    %get3A_4 = arith.constant 0 : index
    %get3A_5 = arith.constant 0 : index
    %get3A_6 = vector.load %arg3[%get3A_4, %get3A_5] : memref<8x432xf32, #tpu.memory_space<vmem>>, vector<1x432xf32>
    %sub3A = vector.broadcast %get3A_6 : vector<1x432xf32> to vector<256x432xf32>
    %sub3A_7 = arith.subf %get3A_3, %sub3A : vector<256x432xf32>
    %get3A_8 = arith.constant 1 : index
    %get3A_9 = arith.constant 0 : index
    %get3A_10 = vector.load %arg3[%get3A_8, %get3A_9] : memref<8x432xf32, #tpu.memory_space<vmem>>, vector<1x432xf32>
    %mul3A = vector.broadcast %get3A_10 : vector<1x432xf32> to vector<256x432xf32>
    %mul3A_11 = arith.mulf %sub3A_7, %mul3A : vector<256x432xf32>
    %get3A_12 = arith.constant 2 : index
    %get3A_13 = arith.constant 0 : index
    %get3A_14 = vector.load %arg3[%get3A_12, %get3A_13] : memref<8x432xf32, #tpu.memory_space<vmem>>, vector<1x432xf32>
    %add3A = vector.broadcast %get3A_14 : vector<1x432xf32> to vector<256x432xf32>
    %add3A_15 = arith.addf %mul3A_11, %add3A : vector<256x432xf32>
    %max3A = arith.constant 0.000000e+00 : f32
    %max3A_16 = vector.broadcast %max3A : f32 to vector<256x432xf32>
    %max3A_17 = arith.maximumf %add3A_15, %max3A_16 : vector<256x432xf32>
    %get3A_18 = arith.constant 0 : index
    %get3A_19 = arith.constant 0 : index
    %get3A_20 = vector.load %arg2[%get3A_18, %get3A_19] : memref<432x16xf32, #tpu.memory_space<vmem>>, vector<432x16xf32>
    %dot_general3A = arith.constant dense<0.000000e+00> : vector<256x16xf32>
    %dot_general3A_21 = tpu.matmul %max3A_17, %get3A_20, %dot_general3A {dimension_numbers = #tpu.dot_dimension_numbers<[1], [0], [0], [1], [0, 0, 1, 1], [], []>, transpose_lhs_hint = false} : vector<256x432xf32>, vector<432x16xf32>, vector<256x16xf32> -> vector<256x16xf32>
    %mul3A_22 = arith.constant 256 : i32
    %mul3A_23 = arith.muli %arg0, %mul3A_22 : i32
    %iota3A = tpu.iota {dimensions = array<i32: 0>} : vector<256x1xi32>
    %add3A_24 = vector.broadcast %mul3A_23 : i32 to vector<256x1xi32>
    %add3A_25 = arith.addi %add3A_24, %iota3A : vector<256x1xi32>
    %lt3A = arith.constant 60000 : i32
    %lt3A_26 = vector.broadcast %lt3A : i32 to vector<256x1xi32>
    %lt3A_27 = arith.cmpi slt, %add3A_25, %lt3A_26 : vector<256x1xi32>
    %jit3A = arith.constant 0.000000e+00 : f32
    %broadcast_in_dim3A = vector.shape_cast %lt3A_27 : vector<256x1xi1> to vector<256x1xi1>
    %broadcast_in_dim3A_28 = vector.broadcast %broadcast_in_dim3A : vector<256x1xi1> to vector<256x16xi1>
    %broadcast_in_dim3A_29 = vector.broadcast %jit3A : f32 to vector<256x16xf32>
    %select_n3A = arith.select %broadcast_in_dim3A_28, %dot_general3A_21, %broadcast_in_dim3A_29 : vector<256x16xi1>, vector<256x16xf32>
    %get3A_30 = arith.constant 0 : index
    %get3A_31 = arith.constant 0 : index
    %get3A_32 = vector.load %arg7[%get3A_30, %get3A_31] : memref<8x16xf32, #tpu.memory_space<vmem>>, vector<1x16xf32>
    %reduce_sum3A = arith.constant dense<0.000000e+00> : vector<16xf32>
    %reduce_sum3A_33 = vector.multi_reduction <add>, %select_n3A, %reduce_sum3A [0] : vector<256x16xf32> to vector<16xf32>
    %broadcast_in_dim3A_34 = vector.shape_cast %reduce_sum3A_33 : vector<16xf32> to vector<1x16xf32>
    %add3A_35 = arith.addf %get3A_32, %broadcast_in_dim3A_34 : vector<1x16xf32>
    %swap3A = arith.constant 0 : index
    %swap3A_36 = arith.constant 0 : index
    %swap3A_37 = vector.load %arg7[%swap3A, %swap3A_36] : memref<8x16xf32, #tpu.memory_space<vmem>>, vector<1x16xf32>
    tpu.vector_store %arg7[%swap3A, %swap3A_36], %add3A_35 {strides = array<i32>} : memref<8x16xf32, #tpu.memory_space<vmem>>, vector<1x16xf32>,
    %get3A_38 = arith.constant 1 : index
    %get3A_39 = arith.constant 0 : index
    %get3A_40 = vector.load %arg7[%get3A_38, %get3A_39] : memref<8x16xf32, #tpu.memory_space<vmem>>, vector<1x16xf32>
    %mul3A_41 = arith.mulf %select_n3A, %select_n3A : vector<256x16xf32>
    %reduce_sum3A_42 = arith.constant dense<0.000000e+00> : vector<16xf32>
    %reduce_sum3A_43 = vector.multi_reduction <add>, %mul3A_41, %reduce_sum3A_42 [0] : vector<256x16xf32> to vector<16xf32>
    %broadcast_in_dim3A_44 = vector.shape_cast %reduce_sum3A_43 : vector<16xf32> to vector<1x16xf32>
    %add3A_45 = arith.addf %get3A_40, %broadcast_in_dim3A_44 : vector<1x16xf32>
    %swap3A_46 = arith.constant 1 : index
    %swap3A_47 = arith.constant 0 : index
    %swap3A_48 = vector.load %arg7[%swap3A_46, %swap3A_47] : memref<8x16xf32, #tpu.memory_space<vmem>>, vector<1x16xf32>
    tpu.vector_store %arg7[%swap3A_46, %swap3A_47], %add3A_45 {strides = array<i32>} : memref<8x16xf32, #tpu.memory_space<vmem>>, vector<1x16xf32>,
    %jit3A_49 = arith.constant -1.000000e+30 : f32
    %broadcast_in_dim3A_50 = vector.shape_cast %lt3A_27 : vector<256x1xi1> to vector<256x1xi1>
    %broadcast_in_dim3A_51 = vector.broadcast %broadcast_in_dim3A_50 : vector<256x1xi1> to vector<256x16xi1>
    %broadcast_in_dim3A_52 = vector.broadcast %jit3A_49 : f32 to vector<256x16xf32>
    %select_n3A_53 = arith.select %broadcast_in_dim3A_51, %dot_general3A_21, %broadcast_in_dim3A_52 : vector<256x16xi1>, vector<256x16xf32>
    %swap3A_54 = arith.constant 0 : index
    %swap3A_55 = arith.constant 0 : index
    %swap3A_56 = vector.load %arg5[%swap3A_54, %swap3A_55] : memref<256x16xf32, #tpu.memory_space<vmem>>, vector<256x16xf32>
    tpu.vector_store %arg5[%swap3A_54, %swap3A_55], %select_n3A_53 {strides = array<i32>} : memref<256x16xf32, #tpu.memory_space<vmem>>, vector<256x16xf32>,
    %eq3A_57 = arith.constant 239 : i32
    %eq3A_58 = arith.cmpi eq, %arg0, %eq3A_57 : i32
    %convert_element_type3A_59 = arith.extui %eq3A_58 : i1 to i32
    %cond3A_60 = arith.constant 0 : i32
    %cond3A_61 = arith.cmpi ne, %convert_element_type3A_59, %cond3A_60 : i32
    scf.if %cond3A_61 {
      %get3A_62 = arith.constant 0 : index
      %get3A_63 = arith.constant 0 : index
      %get3A_64 = vector.load %arg7[%get3A_62, %get3A_63] : memref<8x16xf32, #tpu.memory_space<vmem>>, vector<1x16xf32>
      %div3A = arith.constant 6.000000e+04 : f32
      %div3A_65 = vector.broadcast %div3A : f32 to vector<1x16xf32>
      %div3A_66 = arith.divf %get3A_64, %div3A_65 : vector<1x16xf32>
      %get3A_67 = arith.constant 1 : index
      %get3A_68 = arith.constant 0 : index
      %get3A_69 = vector.load %arg7[%get3A_67, %get3A_68] : memref<8x16xf32, #tpu.memory_space<vmem>>, vector<1x16xf32>
      %div3A_70 = arith.constant 6.000000e+04 : f32
      %div3A_71 = vector.broadcast %div3A_70 : f32 to vector<1x16xf32>
      %div3A_72 = arith.divf %get3A_69, %div3A_71 : vector<1x16xf32>
      %mul3A_73 = arith.mulf %div3A_66, %div3A_66 : vector<1x16xf32>
      %sub3A_74 = arith.subf %div3A_72, %mul3A_73 : vector<1x16xf32>
      %add3A_75 = arith.constant 1.000000e-03 : f32
      %add3A_76 = vector.broadcast %add3A_75 : f32 to vector<1x16xf32>
      %add3A_77 = arith.addf %sub3A_74, %add3A_76 : vector<1x16xf32>
      %rsqrt3A = math.rsqrt %add3A_77 : vector<1x16xf32>
      %get3A_78 = arith.constant 0 : index
      %get3A_79 = arith.constant 0 : index
      %get3A_80 = vector.load %arg4[%get3A_78, %get3A_79] : memref<8x16xf32, #tpu.memory_space<vmem>>, vector<1x16xf32>
      %mul3A_81 = arith.mulf %rsqrt3A, %get3A_80 : vector<1x16xf32>
      %get3A_82 = arith.constant 1 : index
      %get3A_83 = arith.constant 0 : index
      %get3A_84 = vector.load %arg4[%get3A_82, %get3A_83] : memref<8x16xf32, #tpu.memory_space<vmem>>, vector<1x16xf32>
      %broadcast_in_dim3A_85 = arith.constant 0.000000e+00 : f32
      %broadcast_in_dim3A_86 = vector.broadcast %broadcast_in_dim3A_85 : f32 to vector<5x16xf32>
      %concatenate3A = tpu.concatenate %div3A_66, %mul3A_81, %get3A_84, %broadcast_in_dim3A_86 in 0 : vector<1x16xf32>, vector<1x16xf32>, vector<1x16xf32>, vector<5x16xf32> -> vector<8x16xf32>
      %swap3A_87 = arith.constant 0 : index
      %swap3A_88 = arith.constant 0 : index
      %swap3A_89 = vector.load %arg6[%swap3A_87, %swap3A_88] : memref<8x16xf32, #tpu.memory_space<vmem>>, vector<8x16xf32>
      tpu.vector_store %arg6[%swap3A_87, %swap3A_88], %concatenate3A {strides = array<i32>} : memref<8x16xf32, #tpu.memory_space<vmem>>, vector<8x16xf32>,
    } else {
    }
    return
  }
  func.func @transform_0(%arg0: i32) -> (i32, i32) {
    %c0_i32 = arith.constant 0 : i32
    %c0_i32_0 = arith.constant 0 : i32
    return %arg0, %c0_i32 : i32, i32
  }
  func.func @transform_1(%arg0: i32) -> (i32, i32) {
    %c0_i32 = arith.constant 0 : i32
    %c0_i32_0 = arith.constant 0 : i32
    %c0_i32_1 = arith.constant 0 : i32
    return %c0_i32, %c0_i32_0 : i32, i32
  }
  func.func @transform_2(%arg0: i32) -> (i32, i32) {
    %c0_i32 = arith.constant 0 : i32
    %c0_i32_0 = arith.constant 0 : i32
    %c0_i32_1 = arith.constant 0 : i32
    return %c0_i32, %c0_i32_0 : i32, i32
  }
  func.func @transform_3(%arg0: i32) -> (i32, i32) {
    %c0_i32 = arith.constant 0 : i32
    %c0_i32_0 = arith.constant 0 : i32
    %c0_i32_1 = arith.constant 0 : i32
    return %c0_i32, %c0_i32_0 : i32, i32
  }
  func.func @transform_4(%arg0: i32) -> (i32, i32) {
    %c0_i32 = arith.constant 0 : i32
    %c0_i32_0 = arith.constant 0 : i32
    return %arg0, %c0_i32 : i32, i32
  }
  func.func @transform_5(%arg0: i32) -> (i32, i32) {
    %c0_i32 = arith.constant 0 : i32
    %c0_i32_0 = arith.constant 0 : i32
    %c0_i32_1 = arith.constant 0 : i32
    return %c0_i32, %c0_i32_0 : i32, i32
  }
}

module attributes {stable_mosaic.version = 14 : i64} {
  func.func @mk(%arg0: i32, %arg1: memref<256x96xf32, #tpu.memory_space<vmem>>, %arg2: memref<96x16xf32, #tpu.memory_space<vmem>>, %arg3: memref<8x96xf32, #tpu.memory_space<vmem>>, %arg4: memref<8x16xf32, #tpu.memory_space<vmem>>, %arg5: memref<256x16xf32, #tpu.memory_space<vmem>>, %arg6: memref<8x16xf32, #tpu.memory_space<vmem>>, %arg7: memref<8x16xf32, #tpu.memory_space<vmem>>) attributes {dimension_semantics = [#tpu.dimension_semantics<arbitrary>], iteration_bounds = array<i64: 224>, scalar_prefetch = 0 : i64, scratch_operands = 1 : i64, tpu.core_type = #tpu.core_type<tc>, window_params = [{transform_indices = @transform_0, window_bounds = array<i64: 256, 96>}, {pipeline_mode = #tpu.pipeline_mode<synchronous>, transform_indices = @transform_1, window_bounds = array<i64: 96, 16>}, {pipeline_mode = #tpu.pipeline_mode<synchronous>, transform_indices = @transform_2, window_bounds = array<i64: 8, 96>}, {pipeline_mode = #tpu.pipeline_mode<synchronous>, transform_indices = @transform_3, window_bounds = array<i64: 8, 16>}, {transform_indices = @transform_4, window_bounds = array<i64: 256, 16>}, {pipeline_mode = #tpu.pipeline_mode<synchronous>, transform_indices = @transform_5, window_bounds = array<i64: 8, 16>}]} {
    %eq3A = arith.constant 0 : i32
    %eq3A_0 = arith.cmpi eq, %arg0, %eq3A : i32
    %convert_element_type3A = arith.extui %eq3A_0 : i1 to i32
    %cond3A = arith.constant 0 : i32
    %cond3A_1 = arith.cmpi ne, %convert_element_type3A, %cond3A : i32
    scf.if %cond3A_1 {
      %broadcast_in_dim3A_62 = arith.constant 0.000000e+00 : f32
      %broadcast_in_dim3A_63 = vector.broadcast %broadcast_in_dim3A_62 : f32 to vector<8x16xf32>
      %swap3A_64 = arith.constant 0 : index
      %swap3A_65 = arith.constant 0 : index
      %swap3A_66 = vector.load %arg7[%swap3A_64, %swap3A_65] : memref<8x16xf32, #tpu.memory_space<vmem>>, vector<8x16xf32>
      tpu.vector_store %arg7[%swap3A_64, %swap3A_65], %broadcast_in_dim3A_63 {strides = array<i32>} : memref<8x16xf32, #tpu.memory_space<vmem>>, vector<8x16xf32>,
    } else {
    }
    %get3A = arith.constant 0 : index
    %get3A_2 = arith.constant 0 : index
    %get3A_3 = vector.load %arg1[%get3A, %get3A_2] : memref<256x96xf32, #tpu.memory_space<vmem>>, vector<256x96xf32>
    %get3A_4 = arith.constant 0 : index
    %get3A_5 = arith.constant 0 : index
    %get3A_6 = vector.load %arg3[%get3A_4, %get3A_5] : memref<8x96xf32, #tpu.memory_space<vmem>>, vector<1x96xf32>
    %sub3A = vector.broadcast %get3A_6 : vector<1x96xf32> to vector<256x96xf32>
    %sub3A_7 = arith.subf %get3A_3, %sub3A : vector<256x96xf32>
    %get3A_8 = arith.constant 1 : index
    %get3A_9 = arith.constant 0 : index
    %get3A_10 = vector.load %arg3[%get3A_8, %get3A_9] : memref<8x96xf32, #tpu.memory_space<vmem>>, vector<1x96xf32>
    %mul3A = vector.broadcast %get3A_10 : vector<1x96xf32> to vector<256x96xf32>
    %mul3A_11 = arith.mulf %sub3A_7, %mul3A : vector<256x96xf32>
    %get3A_12 = arith.constant 2 : index
    %get3A_13 = arith.constant 0 : index
    %get3A_14 = vector.load %arg3[%get3A_12, %get3A_13] : memref<8x96xf32, #tpu.memory_space<vmem>>, vector<1x96xf32>
    %add3A = vector.broadcast %get3A_14 : vector<1x96xf32> to vector<256x96xf32>
    %add3A_15 = arith.addf %mul3A_11, %add3A : vector<256x96xf32>
    %max3A = arith.constant 0.000000e+00 : f32
    %max3A_16 = vector.broadcast %max3A : f32 to vector<256x96xf32>
    %max3A_17 = arith.maximumf %add3A_15, %max3A_16 : vector<256x96xf32>
    %get3A_18 = arith.constant 0 : index
    %get3A_19 = arith.constant 0 : index
    %get3A_20 = vector.load %arg2[%get3A_18, %get3A_19] : memref<96x16xf32, #tpu.memory_space<vmem>>, vector<96x16xf32>
    %dot_general3A = arith.constant dense<0.000000e+00> : vector<256x16xf32>
    %dot_general3A_21 = tpu.matmul %max3A_17, %get3A_20, %dot_general3A {dimension_numbers = #tpu.dot_dimension_numbers<[1], [0], [0], [1], [0, 0, 1, 1], [], []>, transpose_lhs_hint = false} : vector<256x96xf32>, vector<96x16xf32>, vector<256x16xf32> -> vector<256x16xf32>
    %mul3A_22 = arith.constant 256 : i32
    %mul3A_23 = arith.muli %arg0, %mul3A_22 : i32
    %iota3A = tpu.iota {dimensions = array<i32: 0>} : vector<256x1xi32>
    %add3A_24 = vector.broadcast %mul3A_23 : i32 to vector<256x1xi32>
    %add3A_25 = arith.addi %add3A_24, %iota3A : vector<256x1xi32>
    %lt3A = arith.constant 54346 : i32
    %lt3A_26 = vector.broadcast %lt3A : i32 to vector<256x1xi32>
    %lt3A_27 = arith.cmpi slt, %add3A_25, %lt3A_26 : vector<256x1xi32>
    %jit3A = arith.constant 0.000000e+00 : f32
    %broadcast_in_dim3A = vector.shape_cast %lt3A_27 : vector<256x1xi1> to vector<256x1xi1>
    %broadcast_in_dim3A_28 = vector.broadcast %broadcast_in_dim3A : vector<256x1xi1> to vector<256x16xi1>
    %broadcast_in_dim3A_29 = vector.broadcast %jit3A : f32 to vector<256x16xf32>
    %select_n3A = arith.select %broadcast_in_dim3A_28, %dot_general3A_21, %broadcast_in_dim3A_29 : vector<256x16xi1>, vector<256x16xf32>
    %get3A_30 = arith.constant 0 : index
    %get3A_31 = arith.constant 0 : index
    %get3A_32 = vector.load %arg7[%get3A_30, %get3A_31] : memref<8x16xf32, #tpu.memory_space<vmem>>, vector<1x16xf32>
    %reduce_sum3A = arith.constant dense<0.000000e+00> : vector<16xf32>
    %reduce_sum3A_33 = vector.multi_reduction <add>, %select_n3A, %reduce_sum3A [0] : vector<256x16xf32> to vector<16xf32>
    %broadcast_in_dim3A_34 = vector.shape_cast %reduce_sum3A_33 : vector<16xf32> to vector<1x16xf32>
    %add3A_35 = arith.addf %get3A_32, %broadcast_in_dim3A_34 : vector<1x16xf32>
    %swap3A = arith.constant 0 : index
    %swap3A_36 = arith.constant 0 : index
    %swap3A_37 = vector.load %arg7[%swap3A, %swap3A_36] : memref<8x16xf32, #tpu.memory_space<vmem>>, vector<1x16xf32>
    tpu.vector_store %arg7[%swap3A, %swap3A_36], %add3A_35 {strides = array<i32>} : memref<8x16xf32, #tpu.memory_space<vmem>>, vector<1x16xf32>,
    %get3A_38 = arith.constant 1 : index
    %get3A_39 = arith.constant 0 : index
    %get3A_40 = vector.load %arg7[%get3A_38, %get3A_39] : memref<8x16xf32, #tpu.memory_space<vmem>>, vector<1x16xf32>
    %mul3A_41 = arith.mulf %select_n3A, %select_n3A : vector<256x16xf32>
    %reduce_sum3A_42 = arith.constant dense<0.000000e+00> : vector<16xf32>
    %reduce_sum3A_43 = vector.multi_reduction <add>, %mul3A_41, %reduce_sum3A_42 [0] : vector<256x16xf32> to vector<16xf32>
    %broadcast_in_dim3A_44 = vector.shape_cast %reduce_sum3A_43 : vector<16xf32> to vector<1x16xf32>
    %add3A_45 = arith.addf %get3A_40, %broadcast_in_dim3A_44 : vector<1x16xf32>
    %swap3A_46 = arith.constant 1 : index
    %swap3A_47 = arith.constant 0 : index
    %swap3A_48 = vector.load %arg7[%swap3A_46, %swap3A_47] : memref<8x16xf32, #tpu.memory_space<vmem>>, vector<1x16xf32>
    tpu.vector_store %arg7[%swap3A_46, %swap3A_47], %add3A_45 {strides = array<i32>} : memref<8x16xf32, #tpu.memory_space<vmem>>, vector<1x16xf32>,
    %jit3A_49 = arith.constant 0.000000e+00 : f32
    %broadcast_in_dim3A_50 = vector.shape_cast %lt3A_27 : vector<256x1xi1> to vector<256x1xi1>
    %broadcast_in_dim3A_51 = vector.broadcast %broadcast_in_dim3A_50 : vector<256x1xi1> to vector<256x16xi1>
    %broadcast_in_dim3A_52 = vector.broadcast %jit3A_49 : f32 to vector<256x16xf32>
    %select_n3A_53 = arith.select %broadcast_in_dim3A_51, %dot_general3A_21, %broadcast_in_dim3A_52 : vector<256x16xi1>, vector<256x16xf32>
    %swap3A_54 = arith.constant 0 : index
    %swap3A_55 = arith.constant 0 : index
    %swap3A_56 = vector.load %arg5[%swap3A_54, %swap3A_55] : memref<256x16xf32, #tpu.memory_space<vmem>>, vector<256x16xf32>
    tpu.vector_store %arg5[%swap3A_54, %swap3A_55], %select_n3A_53 {strides = array<i32>} : memref<256x16xf32, #tpu.memory_space<vmem>>, vector<256x16xf32>,
    %eq3A_57 = arith.constant 223 : i32
    %eq3A_58 = arith.cmpi eq, %arg0, %eq3A_57 : i32
    %convert_element_type3A_59 = arith.extui %eq3A_58 : i1 to i32
    %cond3A_60 = arith.constant 0 : i32
    %cond3A_61 = arith.cmpi ne, %convert_element_type3A_59, %cond3A_60 : i32
    scf.if %cond3A_61 {
      %get3A_62 = arith.constant 0 : index
      %get3A_63 = arith.constant 0 : index
      %get3A_64 = vector.load %arg7[%get3A_62, %get3A_63] : memref<8x16xf32, #tpu.memory_space<vmem>>, vector<1x16xf32>
      %div3A = arith.constant 5.434600e+04 : f32
      %div3A_65 = vector.broadcast %div3A : f32 to vector<1x16xf32>
      %div3A_66 = arith.divf %get3A_64, %div3A_65 : vector<1x16xf32>
      %get3A_67 = arith.constant 1 : index
      %get3A_68 = arith.constant 0 : index
      %get3A_69 = vector.load %arg7[%get3A_67, %get3A_68] : memref<8x16xf32, #tpu.memory_space<vmem>>, vector<1x16xf32>
      %div3A_70 = arith.constant 5.434600e+04 : f32
      %div3A_71 = vector.broadcast %div3A_70 : f32 to vector<1x16xf32>
      %div3A_72 = arith.divf %get3A_69, %div3A_71 : vector<1x16xf32>
      %mul3A_73 = arith.mulf %div3A_66, %div3A_66 : vector<1x16xf32>
      %sub3A_74 = arith.subf %div3A_72, %mul3A_73 : vector<1x16xf32>
      %add3A_75 = arith.constant 1.000000e-03 : f32
      %add3A_76 = vector.broadcast %add3A_75 : f32 to vector<1x16xf32>
      %add3A_77 = arith.addf %sub3A_74, %add3A_76 : vector<1x16xf32>
      %rsqrt3A = math.rsqrt %add3A_77 : vector<1x16xf32>
      %get3A_78 = arith.constant 0 : index
      %get3A_79 = arith.constant 0 : index
      %get3A_80 = vector.load %arg4[%get3A_78, %get3A_79] : memref<8x16xf32, #tpu.memory_space<vmem>>, vector<1x16xf32>
      %mul3A_81 = arith.mulf %rsqrt3A, %get3A_80 : vector<1x16xf32>
      %get3A_82 = arith.constant 1 : index
      %get3A_83 = arith.constant 0 : index
      %get3A_84 = vector.load %arg4[%get3A_82, %get3A_83] : memref<8x16xf32, #tpu.memory_space<vmem>>, vector<1x16xf32>
      %broadcast_in_dim3A_85 = arith.constant 0.000000e+00 : f32
      %broadcast_in_dim3A_86 = vector.broadcast %broadcast_in_dim3A_85 : f32 to vector<5x16xf32>
      %concatenate3A = tpu.concatenate %div3A_66, %mul3A_81, %get3A_84, %broadcast_in_dim3A_86 in 0 : vector<1x16xf32>, vector<1x16xf32>, vector<1x16xf32>, vector<5x16xf32> -> vector<8x16xf32>
      %swap3A_87 = arith.constant 0 : index
      %swap3A_88 = arith.constant 0 : index
      %swap3A_89 = vector.load %arg6[%swap3A_87, %swap3A_88] : memref<8x16xf32, #tpu.memory_space<vmem>>, vector<8x16xf32>
      tpu.vector_store %arg6[%swap3A_87, %swap3A_88], %concatenate3A {strides = array<i32>} : memref<8x16xf32, #tpu.memory_space<vmem>>, vector<8x16xf32>,
    } else {
    }
    return
  }
  func.func @transform_0(%arg0: i32) -> (i32, i32) {
    %c0_i32 = arith.constant 0 : i32
    %c0_i32_0 = arith.constant 0 : i32
    return %arg0, %c0_i32 : i32, i32
  }
  func.func @transform_1(%arg0: i32) -> (i32, i32) {
    %c0_i32 = arith.constant 0 : i32
    %c0_i32_0 = arith.constant 0 : i32
    %c0_i32_1 = arith.constant 0 : i32
    return %c0_i32, %c0_i32_0 : i32, i32
  }
  func.func @transform_2(%arg0: i32) -> (i32, i32) {
    %c0_i32 = arith.constant 0 : i32
    %c0_i32_0 = arith.constant 0 : i32
    %c0_i32_1 = arith.constant 0 : i32
    return %c0_i32, %c0_i32_0 : i32, i32
  }
  func.func @transform_3(%arg0: i32) -> (i32, i32) {
    %c0_i32 = arith.constant 0 : i32
    %c0_i32_0 = arith.constant 0 : i32
    %c0_i32_1 = arith.constant 0 : i32
    return %c0_i32, %c0_i32_0 : i32, i32
  }
  func.func @transform_4(%arg0: i32) -> (i32, i32) {
    %c0_i32 = arith.constant 0 : i32
    %c0_i32_0 = arith.constant 0 : i32
    return %arg0, %c0_i32 : i32, i32
  }
  func.func @transform_5(%arg0: i32) -> (i32, i32) {
    %c0_i32 = arith.constant 0 : i32
    %c0_i32_0 = arith.constant 0 : i32
    %c0_i32_1 = arith.constant 0 : i32
    return %c0_i32, %c0_i32_0 : i32, i32
  }
}

module attributes {stable_mosaic.version = 14 : i64} {
  func.func @mk(%arg0: i32, %arg1: memref<256x432xf32, #tpu.memory_space<vmem>>, %arg2: memref<432x32xf32, #tpu.memory_space<vmem>>, %arg3: memref<8x432xf32, #tpu.memory_space<vmem>>, %arg4: memref<8x32xf32, #tpu.memory_space<vmem>>, %arg5: memref<256x32xf32, #tpu.memory_space<vmem>>, %arg6: memref<8x32xf32, #tpu.memory_space<vmem>>, %arg7: memref<8x32xf32, #tpu.memory_space<vmem>>) attributes {dimension_semantics = [#tpu.dimension_semantics<arbitrary>], iteration_bounds = array<i64: 288>, scalar_prefetch = 0 : i64, scratch_operands = 1 : i64, tpu.core_type = #tpu.core_type<tc>, window_params = [{transform_indices = @transform_0, window_bounds = array<i64: 256, 432>}, {pipeline_mode = #tpu.pipeline_mode<synchronous>, transform_indices = @transform_1, window_bounds = array<i64: 432, 32>}, {pipeline_mode = #tpu.pipeline_mode<synchronous>, transform_indices = @transform_2, window_bounds = array<i64: 8, 432>}, {pipeline_mode = #tpu.pipeline_mode<synchronous>, transform_indices = @transform_3, window_bounds = array<i64: 8, 32>}, {transform_indices = @transform_4, window_bounds = array<i64: 256, 32>}, {pipeline_mode = #tpu.pipeline_mode<synchronous>, transform_indices = @transform_5, window_bounds = array<i64: 8, 32>}]} {
    %eq3A = arith.constant 0 : i32
    %eq3A_0 = arith.cmpi eq, %arg0, %eq3A : i32
    %convert_element_type3A = arith.extui %eq3A_0 : i1 to i32
    %cond3A = arith.constant 0 : i32
    %cond3A_1 = arith.cmpi ne, %convert_element_type3A, %cond3A : i32
    scf.if %cond3A_1 {
      %broadcast_in_dim3A_46 = arith.constant 0.000000e+00 : f32
      %broadcast_in_dim3A_47 = vector.broadcast %broadcast_in_dim3A_46 : f32 to vector<8x32xf32>
      %swap3A_48 = arith.constant 0 : index
      %swap3A_49 = arith.constant 0 : index
      %swap3A_50 = vector.load %arg7[%swap3A_48, %swap3A_49] : memref<8x32xf32, #tpu.memory_space<vmem>>, vector<8x32xf32>
      tpu.vector_store %arg7[%swap3A_48, %swap3A_49], %broadcast_in_dim3A_47 {strides = array<i32>} : memref<8x32xf32, #tpu.memory_space<vmem>>, vector<8x32xf32>,
    } else {
    }
    %get3A = arith.constant 0 : index
    %get3A_2 = arith.constant 0 : index
    %get3A_3 = vector.load %arg1[%get3A, %get3A_2] : memref<256x432xf32, #tpu.memory_space<vmem>>, vector<256x432xf32>
    %get3A_4 = arith.constant 0 : index
    %get3A_5 = arith.constant 0 : index
    %get3A_6 = vector.load %arg2[%get3A_4, %get3A_5] : memref<432x32xf32, #tpu.memory_space<vmem>>, vector<432x32xf32>
    %dot_general3A = arith.constant dense<0.000000e+00> : vector<256x32xf32>
    %dot_general3A_7 = tpu.matmul %get3A_3, %get3A_6, %dot_general3A {dimension_numbers = #tpu.dot_dimension_numbers<[1], [0], [0], [1], [0, 0, 1, 1], [], []>, transpose_lhs_hint = false} : vector<256x432xf32>, vector<432x32xf32>, vector<256x32xf32> -> vector<256x32xf32>
    %mul3A = arith.constant 256 : i32
    %mul3A_8 = arith.muli %arg0, %mul3A : i32
    %iota3A = tpu.iota {dimensions = array<i32: 0>} : vector<256x1xi32>
    %add3A = vector.broadcast %mul3A_8 : i32 to vector<256x1xi32>
    %add3A_9 = arith.addi %add3A, %iota3A : vector<256x1xi32>
    %lt3A = arith.constant 70313 : i32
    %lt3A_10 = vector.broadcast %lt3A : i32 to vector<256x1xi32>
    %lt3A_11 = arith.cmpi slt, %add3A_9, %lt3A_10 : vector<256x1xi32>
    %jit3A = arith.constant 0.000000e+00 : f32
    %broadcast_in_dim3A = vector.shape_cast %lt3A_11 : vector<256x1xi1> to vector<256x1xi1>
    %broadcast_in_dim3A_12 = vector.broadcast %broadcast_in_dim3A : vector<256x1xi1> to vector<256x32xi1>
    %broadcast_in_dim3A_13 = vector.broadcast %jit3A : f32 to vector<256x32xf32>
    %select_n3A = arith.select %broadcast_in_dim3A_12, %dot_general3A_7, %broadcast_in_dim3A_13 : vector<256x32xi1>, vector<256x32xf32>
    %get3A_14 = arith.constant 0 : index
    %get3A_15 = arith.constant 0 : index
    %get3A_16 = vector.load %arg7[%get3A_14, %get3A_15] : memref<8x32xf32, #tpu.memory_space<vmem>>, vector<1x32xf32>
    %reduce_sum3A = arith.constant dense<0.000000e+00> : vector<32xf32>
    %reduce_sum3A_17 = vector.multi_reduction <add>, %select_n3A, %reduce_sum3A [0] : vector<256x32xf32> to vector<32xf32>
    %broadcast_in_dim3A_18 = vector.shape_cast %reduce_sum3A_17 : vector<32xf32> to vector<1x32xf32>
    %add3A_19 = arith.addf %get3A_16, %broadcast_in_dim3A_18 : vector<1x32xf32>
    %swap3A = arith.constant 0 : index
    %swap3A_20 = arith.constant 0 : index
    %swap3A_21 = vector.load %arg7[%swap3A, %swap3A_20] : memref<8x32xf32, #tpu.memory_space<vmem>>, vector<1x32xf32>
    tpu.vector_store %arg7[%swap3A, %swap3A_20], %add3A_19 {strides = array<i32>} : memref<8x32xf32, #tpu.memory_space<vmem>>, vector<1x32xf32>,
    %get3A_22 = arith.constant 1 : index
    %get3A_23 = arith.constant 0 : index
    %get3A_24 = vector.load %arg7[%get3A_22, %get3A_23] : memref<8x32xf32, #tpu.memory_space<vmem>>, vector<1x32xf32>
    %mul3A_25 = arith.mulf %select_n3A, %select_n3A : vector<256x32xf32>
    %reduce_sum3A_26 = arith.constant dense<0.000000e+00> : vector<32xf32>
    %reduce_sum3A_27 = vector.multi_reduction <add>, %mul3A_25, %reduce_sum3A_26 [0] : vector<256x32xf32> to vector<32xf32>
    %broadcast_in_dim3A_28 = vector.shape_cast %reduce_sum3A_27 : vector<32xf32> to vector<1x32xf32>
    %add3A_29 = arith.addf %get3A_24, %broadcast_in_dim3A_28 : vector<1x32xf32>
    %swap3A_30 = arith.constant 1 : index
    %swap3A_31 = arith.constant 0 : index
    %swap3A_32 = vector.load %arg7[%swap3A_30, %swap3A_31] : memref<8x32xf32, #tpu.memory_space<vmem>>, vector<1x32xf32>
    tpu.vector_store %arg7[%swap3A_30, %swap3A_31], %add3A_29 {strides = array<i32>} : memref<8x32xf32, #tpu.memory_space<vmem>>, vector<1x32xf32>,
    %jit3A_33 = arith.constant -1.000000e+30 : f32
    %broadcast_in_dim3A_34 = vector.shape_cast %lt3A_11 : vector<256x1xi1> to vector<256x1xi1>
    %broadcast_in_dim3A_35 = vector.broadcast %broadcast_in_dim3A_34 : vector<256x1xi1> to vector<256x32xi1>
    %broadcast_in_dim3A_36 = vector.broadcast %jit3A_33 : f32 to vector<256x32xf32>
    %select_n3A_37 = arith.select %broadcast_in_dim3A_35, %dot_general3A_7, %broadcast_in_dim3A_36 : vector<256x32xi1>, vector<256x32xf32>
    %swap3A_38 = arith.constant 0 : index
    %swap3A_39 = arith.constant 0 : index
    %swap3A_40 = vector.load %arg5[%swap3A_38, %swap3A_39] : memref<256x32xf32, #tpu.memory_space<vmem>>, vector<256x32xf32>
    tpu.vector_store %arg5[%swap3A_38, %swap3A_39], %select_n3A_37 {strides = array<i32>} : memref<256x32xf32, #tpu.memory_space<vmem>>, vector<256x32xf32>,
    %eq3A_41 = arith.constant 287 : i32
    %eq3A_42 = arith.cmpi eq, %arg0, %eq3A_41 : i32
    %convert_element_type3A_43 = arith.extui %eq3A_42 : i1 to i32
    %cond3A_44 = arith.constant 0 : i32
    %cond3A_45 = arith.cmpi ne, %convert_element_type3A_43, %cond3A_44 : i32
    scf.if %cond3A_45 {
      %get3A_46 = arith.constant 0 : index
      %get3A_47 = arith.constant 0 : index
      %get3A_48 = vector.load %arg7[%get3A_46, %get3A_47] : memref<8x32xf32, #tpu.memory_space<vmem>>, vector<1x32xf32>
      %div3A = arith.constant 7.031300e+04 : f32
      %div3A_49 = vector.broadcast %div3A : f32 to vector<1x32xf32>
      %div3A_50 = arith.divf %get3A_48, %div3A_49 : vector<1x32xf32>
      %get3A_51 = arith.constant 1 : index
      %get3A_52 = arith.constant 0 : index
      %get3A_53 = vector.load %arg7[%get3A_51, %get3A_52] : memref<8x32xf32, #tpu.memory_space<vmem>>, vector<1x32xf32>
      %div3A_54 = arith.constant 7.031300e+04 : f32
      %div3A_55 = vector.broadcast %div3A_54 : f32 to vector<1x32xf32>
      %div3A_56 = arith.divf %get3A_53, %div3A_55 : vector<1x32xf32>
      %mul3A_57 = arith.mulf %div3A_50, %div3A_50 : vector<1x32xf32>
      %sub3A = arith.subf %div3A_56, %mul3A_57 : vector<1x32xf32>
      %add3A_58 = arith.constant 1.000000e-03 : f32
      %add3A_59 = vector.broadcast %add3A_58 : f32 to vector<1x32xf32>
      %add3A_60 = arith.addf %sub3A, %add3A_59 : vector<1x32xf32>
      %rsqrt3A = math.rsqrt %add3A_60 : vector<1x32xf32>
      %get3A_61 = arith.constant 0 : index
      %get3A_62 = arith.constant 0 : index
      %get3A_63 = vector.load %arg4[%get3A_61, %get3A_62] : memref<8x32xf32, #tpu.memory_space<vmem>>, vector<1x32xf32>
      %mul3A_64 = arith.mulf %rsqrt3A, %get3A_63 : vector<1x32xf32>
      %get3A_65 = arith.constant 1 : index
      %get3A_66 = arith.constant 0 : index
      %get3A_67 = vector.load %arg4[%get3A_65, %get3A_66] : memref<8x32xf32, #tpu.memory_space<vmem>>, vector<1x32xf32>
      %broadcast_in_dim3A_68 = arith.constant 0.000000e+00 : f32
      %broadcast_in_dim3A_69 = vector.broadcast %broadcast_in_dim3A_68 : f32 to vector<5x32xf32>
      %concatenate3A = tpu.concatenate %div3A_50, %mul3A_64, %get3A_67, %broadcast_in_dim3A_69 in 0 : vector<1x32xf32>, vector<1x32xf32>, vector<1x32xf32>, vector<5x32xf32> -> vector<8x32xf32>
      %swap3A_70 = arith.constant 0 : index
      %swap3A_71 = arith.constant 0 : index
      %swap3A_72 = vector.load %arg6[%swap3A_70, %swap3A_71] : memref<8x32xf32, #tpu.memory_space<vmem>>, vector<8x32xf32>
      tpu.vector_store %arg6[%swap3A_70, %swap3A_71], %concatenate3A {strides = array<i32>} : memref<8x32xf32, #tpu.memory_space<vmem>>, vector<8x32xf32>,
    } else {
    }
    return
  }
  func.func @transform_0(%arg0: i32) -> (i32, i32) {
    %c0_i32 = arith.constant 0 : i32
    %c0_i32_0 = arith.constant 0 : i32
    return %arg0, %c0_i32 : i32, i32
  }
  func.func @transform_1(%arg0: i32) -> (i32, i32) {
    %c0_i32 = arith.constant 0 : i32
    %c0_i32_0 = arith.constant 0 : i32
    %c0_i32_1 = arith.constant 0 : i32
    return %c0_i32, %c0_i32_0 : i32, i32
  }
  func.func @transform_2(%arg0: i32) -> (i32, i32) {
    %c0_i32 = arith.constant 0 : i32
    %c0_i32_0 = arith.constant 0 : i32
    %c0_i32_1 = arith.constant 0 : i32
    return %c0_i32, %c0_i32_0 : i32, i32
  }
  func.func @transform_3(%arg0: i32) -> (i32, i32) {
    %c0_i32 = arith.constant 0 : i32
    %c0_i32_0 = arith.constant 0 : i32
    %c0_i32_1 = arith.constant 0 : i32
    return %c0_i32, %c0_i32_0 : i32, i32
  }
  func.func @transform_4(%arg0: i32) -> (i32, i32) {
    %c0_i32 = arith.constant 0 : i32
    %c0_i32_0 = arith.constant 0 : i32
    return %arg0, %c0_i32 : i32, i32
  }
  func.func @transform_5(%arg0: i32) -> (i32, i32) {
    %c0_i32 = arith.constant 0 : i32
    %c0_i32_0 = arith.constant 0 : i32
    %c0_i32_1 = arith.constant 0 : i32
    return %c0_i32, %c0_i32_0 : i32, i32
  }
}

module attributes {stable_mosaic.version = 14 : i64} {
  func.func @mk(%arg0: i32, %arg1: memref<256x864xf32, #tpu.memory_space<vmem>>, %arg2: memref<864x32xf32, #tpu.memory_space<vmem>>, %arg3: memref<8x864xf32, #tpu.memory_space<vmem>>, %arg4: memref<8x32xf32, #tpu.memory_space<vmem>>, %arg5: memref<256x32xf32, #tpu.memory_space<vmem>>, %arg6: memref<8x32xf32, #tpu.memory_space<vmem>>, %arg7: memref<8x32xf32, #tpu.memory_space<vmem>>) attributes {dimension_semantics = [#tpu.dimension_semantics<arbitrary>], iteration_bounds = array<i64: 288>, scalar_prefetch = 0 : i64, scratch_operands = 1 : i64, tpu.core_type = #tpu.core_type<tc>, window_params = [{transform_indices = @transform_0, window_bounds = array<i64: 256, 864>}, {pipeline_mode = #tpu.pipeline_mode<synchronous>, transform_indices = @transform_1, window_bounds = array<i64: 864, 32>}, {pipeline_mode = #tpu.pipeline_mode<synchronous>, transform_indices = @transform_2, window_bounds = array<i64: 8, 864>}, {pipeline_mode = #tpu.pipeline_mode<synchronous>, transform_indices = @transform_3, window_bounds = array<i64: 8, 32>}, {transform_indices = @transform_4, window_bounds = array<i64: 256, 32>}, {pipeline_mode = #tpu.pipeline_mode<synchronous>, transform_indices = @transform_5, window_bounds = array<i64: 8, 32>}]} {
    %eq3A = arith.constant 0 : i32
    %eq3A_0 = arith.cmpi eq, %arg0, %eq3A : i32
    %convert_element_type3A = arith.extui %eq3A_0 : i1 to i32
    %cond3A = arith.constant 0 : i32
    %cond3A_1 = arith.cmpi ne, %convert_element_type3A, %cond3A : i32
    scf.if %cond3A_1 {
      %broadcast_in_dim3A_62 = arith.constant 0.000000e+00 : f32
      %broadcast_in_dim3A_63 = vector.broadcast %broadcast_in_dim3A_62 : f32 to vector<8x32xf32>
      %swap3A_64 = arith.constant 0 : index
      %swap3A_65 = arith.constant 0 : index
      %swap3A_66 = vector.load %arg7[%swap3A_64, %swap3A_65] : memref<8x32xf32, #tpu.memory_space<vmem>>, vector<8x32xf32>
      tpu.vector_store %arg7[%swap3A_64, %swap3A_65], %broadcast_in_dim3A_63 {strides = array<i32>} : memref<8x32xf32, #tpu.memory_space<vmem>>, vector<8x32xf32>,
    } else {
    }
    %get3A = arith.constant 0 : index
    %get3A_2 = arith.constant 0 : index
    %get3A_3 = vector.load %arg1[%get3A, %get3A_2] : memref<256x864xf32, #tpu.memory_space<vmem>>, vector<256x864xf32>
    %get3A_4 = arith.constant 0 : index
    %get3A_5 = arith.constant 0 : index
    %get3A_6 = vector.load %arg3[%get3A_4, %get3A_5] : memref<8x864xf32, #tpu.memory_space<vmem>>, vector<1x864xf32>
    %sub3A = vector.broadcast %get3A_6 : vector<1x864xf32> to vector<256x864xf32>
    %sub3A_7 = arith.subf %get3A_3, %sub3A : vector<256x864xf32>
    %get3A_8 = arith.constant 1 : index
    %get3A_9 = arith.constant 0 : index
    %get3A_10 = vector.load %arg3[%get3A_8, %get3A_9] : memref<8x864xf32, #tpu.memory_space<vmem>>, vector<1x864xf32>
    %mul3A = vector.broadcast %get3A_10 : vector<1x864xf32> to vector<256x864xf32>
    %mul3A_11 = arith.mulf %sub3A_7, %mul3A : vector<256x864xf32>
    %get3A_12 = arith.constant 2 : index
    %get3A_13 = arith.constant 0 : index
    %get3A_14 = vector.load %arg3[%get3A_12, %get3A_13] : memref<8x864xf32, #tpu.memory_space<vmem>>, vector<1x864xf32>
    %add3A = vector.broadcast %get3A_14 : vector<1x864xf32> to vector<256x864xf32>
    %add3A_15 = arith.addf %mul3A_11, %add3A : vector<256x864xf32>
    %max3A = arith.constant 0.000000e+00 : f32
    %max3A_16 = vector.broadcast %max3A : f32 to vector<256x864xf32>
    %max3A_17 = arith.maximumf %add3A_15, %max3A_16 : vector<256x864xf32>
    %get3A_18 = arith.constant 0 : index
    %get3A_19 = arith.constant 0 : index
    %get3A_20 = vector.load %arg2[%get3A_18, %get3A_19] : memref<864x32xf32, #tpu.memory_space<vmem>>, vector<864x32xf32>
    %dot_general3A = arith.constant dense<0.000000e+00> : vector<256x32xf32>
    %dot_general3A_21 = tpu.matmul %max3A_17, %get3A_20, %dot_general3A {dimension_numbers = #tpu.dot_dimension_numbers<[1], [0], [0], [1], [0, 0, 1, 1], [], []>, transpose_lhs_hint = false} : vector<256x864xf32>, vector<864x32xf32>, vector<256x32xf32> -> vector<256x32xf32>
    %mul3A_22 = arith.constant 256 : i32
    %mul3A_23 = arith.muli %arg0, %mul3A_22 : i32
    %iota3A = tpu.iota {dimensions = array<i32: 0>} : vector<256x1xi32>
    %add3A_24 = vector.broadcast %mul3A_23 : i32 to vector<256x1xi32>
    %add3A_25 = arith.addi %add3A_24, %iota3A : vector<256x1xi32>
    %lt3A = arith.constant 70313 : i32
    %lt3A_26 = vector.broadcast %lt3A : i32 to vector<256x1xi32>
    %lt3A_27 = arith.cmpi slt, %add3A_25, %lt3A_26 : vector<256x1xi32>
    %jit3A = arith.constant 0.000000e+00 : f32
    %broadcast_in_dim3A = vector.shape_cast %lt3A_27 : vector<256x1xi1> to vector<256x1xi1>
    %broadcast_in_dim3A_28 = vector.broadcast %broadcast_in_dim3A : vector<256x1xi1> to vector<256x32xi1>
    %broadcast_in_dim3A_29 = vector.broadcast %jit3A : f32 to vector<256x32xf32>
    %select_n3A = arith.select %broadcast_in_dim3A_28, %dot_general3A_21, %broadcast_in_dim3A_29 : vector<256x32xi1>, vector<256x32xf32>
    %get3A_30 = arith.constant 0 : index
    %get3A_31 = arith.constant 0 : index
    %get3A_32 = vector.load %arg7[%get3A_30, %get3A_31] : memref<8x32xf32, #tpu.memory_space<vmem>>, vector<1x32xf32>
    %reduce_sum3A = arith.constant dense<0.000000e+00> : vector<32xf32>
    %reduce_sum3A_33 = vector.multi_reduction <add>, %select_n3A, %reduce_sum3A [0] : vector<256x32xf32> to vector<32xf32>
    %broadcast_in_dim3A_34 = vector.shape_cast %reduce_sum3A_33 : vector<32xf32> to vector<1x32xf32>
    %add3A_35 = arith.addf %get3A_32, %broadcast_in_dim3A_34 : vector<1x32xf32>
    %swap3A = arith.constant 0 : index
    %swap3A_36 = arith.constant 0 : index
    %swap3A_37 = vector.load %arg7[%swap3A, %swap3A_36] : memref<8x32xf32, #tpu.memory_space<vmem>>, vector<1x32xf32>
    tpu.vector_store %arg7[%swap3A, %swap3A_36], %add3A_35 {strides = array<i32>} : memref<8x32xf32, #tpu.memory_space<vmem>>, vector<1x32xf32>,
    %get3A_38 = arith.constant 1 : index
    %get3A_39 = arith.constant 0 : index
    %get3A_40 = vector.load %arg7[%get3A_38, %get3A_39] : memref<8x32xf32, #tpu.memory_space<vmem>>, vector<1x32xf32>
    %mul3A_41 = arith.mulf %select_n3A, %select_n3A : vector<256x32xf32>
    %reduce_sum3A_42 = arith.constant dense<0.000000e+00> : vector<32xf32>
    %reduce_sum3A_43 = vector.multi_reduction <add>, %mul3A_41, %reduce_sum3A_42 [0] : vector<256x32xf32> to vector<32xf32>
    %broadcast_in_dim3A_44 = vector.shape_cast %reduce_sum3A_43 : vector<32xf32> to vector<1x32xf32>
    %add3A_45 = arith.addf %get3A_40, %broadcast_in_dim3A_44 : vector<1x32xf32>
    %swap3A_46 = arith.constant 1 : index
    %swap3A_47 = arith.constant 0 : index
    %swap3A_48 = vector.load %arg7[%swap3A_46, %swap3A_47] : memref<8x32xf32, #tpu.memory_space<vmem>>, vector<1x32xf32>
    tpu.vector_store %arg7[%swap3A_46, %swap3A_47], %add3A_45 {strides = array<i32>} : memref<8x32xf32, #tpu.memory_space<vmem>>, vector<1x32xf32>,
    %jit3A_49 = arith.constant -1.000000e+30 : f32
    %broadcast_in_dim3A_50 = vector.shape_cast %lt3A_27 : vector<256x1xi1> to vector<256x1xi1>
    %broadcast_in_dim3A_51 = vector.broadcast %broadcast_in_dim3A_50 : vector<256x1xi1> to vector<256x32xi1>
    %broadcast_in_dim3A_52 = vector.broadcast %jit3A_49 : f32 to vector<256x32xf32>
    %select_n3A_53 = arith.select %broadcast_in_dim3A_51, %dot_general3A_21, %broadcast_in_dim3A_52 : vector<256x32xi1>, vector<256x32xf32>
    %swap3A_54 = arith.constant 0 : index
    %swap3A_55 = arith.constant 0 : index
    %swap3A_56 = vector.load %arg5[%swap3A_54, %swap3A_55] : memref<256x32xf32, #tpu.memory_space<vmem>>, vector<256x32xf32>
    tpu.vector_store %arg5[%swap3A_54, %swap3A_55], %select_n3A_53 {strides = array<i32>} : memref<256x32xf32, #tpu.memory_space<vmem>>, vector<256x32xf32>,
    %eq3A_57 = arith.constant 287 : i32
    %eq3A_58 = arith.cmpi eq, %arg0, %eq3A_57 : i32
    %convert_element_type3A_59 = arith.extui %eq3A_58 : i1 to i32
    %cond3A_60 = arith.constant 0 : i32
    %cond3A_61 = arith.cmpi ne, %convert_element_type3A_59, %cond3A_60 : i32
    scf.if %cond3A_61 {
      %get3A_62 = arith.constant 0 : index
      %get3A_63 = arith.constant 0 : index
      %get3A_64 = vector.load %arg7[%get3A_62, %get3A_63] : memref<8x32xf32, #tpu.memory_space<vmem>>, vector<1x32xf32>
      %div3A = arith.constant 7.031300e+04 : f32
      %div3A_65 = vector.broadcast %div3A : f32 to vector<1x32xf32>
      %div3A_66 = arith.divf %get3A_64, %div3A_65 : vector<1x32xf32>
      %get3A_67 = arith.constant 1 : index
      %get3A_68 = arith.constant 0 : index
      %get3A_69 = vector.load %arg7[%get3A_67, %get3A_68] : memref<8x32xf32, #tpu.memory_space<vmem>>, vector<1x32xf32>
      %div3A_70 = arith.constant 7.031300e+04 : f32
      %div3A_71 = vector.broadcast %div3A_70 : f32 to vector<1x32xf32>
      %div3A_72 = arith.divf %get3A_69, %div3A_71 : vector<1x32xf32>
      %mul3A_73 = arith.mulf %div3A_66, %div3A_66 : vector<1x32xf32>
      %sub3A_74 = arith.subf %div3A_72, %mul3A_73 : vector<1x32xf32>
      %add3A_75 = arith.constant 1.000000e-03 : f32
      %add3A_76 = vector.broadcast %add3A_75 : f32 to vector<1x32xf32>
      %add3A_77 = arith.addf %sub3A_74, %add3A_76 : vector<1x32xf32>
      %rsqrt3A = math.rsqrt %add3A_77 : vector<1x32xf32>
      %get3A_78 = arith.constant 0 : index
      %get3A_79 = arith.constant 0 : index
      %get3A_80 = vector.load %arg4[%get3A_78, %get3A_79] : memref<8x32xf32, #tpu.memory_space<vmem>>, vector<1x32xf32>
      %mul3A_81 = arith.mulf %rsqrt3A, %get3A_80 : vector<1x32xf32>
      %get3A_82 = arith.constant 1 : index
      %get3A_83 = arith.constant 0 : index
      %get3A_84 = vector.load %arg4[%get3A_82, %get3A_83] : memref<8x32xf32, #tpu.memory_space<vmem>>, vector<1x32xf32>
      %broadcast_in_dim3A_85 = arith.constant 0.000000e+00 : f32
      %broadcast_in_dim3A_86 = vector.broadcast %broadcast_in_dim3A_85 : f32 to vector<5x32xf32>
      %concatenate3A = tpu.concatenate %div3A_66, %mul3A_81, %get3A_84, %broadcast_in_dim3A_86 in 0 : vector<1x32xf32>, vector<1x32xf32>, vector<1x32xf32>, vector<5x32xf32> -> vector<8x32xf32>
      %swap3A_87 = arith.constant 0 : index
      %swap3A_88 = arith.constant 0 : index
      %swap3A_89 = vector.load %arg6[%swap3A_87, %swap3A_88] : memref<8x32xf32, #tpu.memory_space<vmem>>, vector<8x32xf32>
      tpu.vector_store %arg6[%swap3A_87, %swap3A_88], %concatenate3A {strides = array<i32>} : memref<8x32xf32, #tpu.memory_space<vmem>>, vector<8x32xf32>,
    } else {
    }
    return
  }
  func.func @transform_0(%arg0: i32) -> (i32, i32) {
    %c0_i32 = arith.constant 0 : i32
    %c0_i32_0 = arith.constant 0 : i32
    return %arg0, %c0_i32 : i32, i32
  }
  func.func @transform_1(%arg0: i32) -> (i32, i32) {
    %c0_i32 = arith.constant 0 : i32
    %c0_i32_0 = arith.constant 0 : i32
    %c0_i32_1 = arith.constant 0 : i32
    return %c0_i32, %c0_i32_0 : i32, i32
  }
  func.func @transform_2(%arg0: i32) -> (i32, i32) {
    %c0_i32 = arith.constant 0 : i32
    %c0_i32_0 = arith.constant 0 : i32
    %c0_i32_1 = arith.constant 0 : i32
    return %c0_i32, %c0_i32_0 : i32, i32
  }
  func.func @transform_3(%arg0: i32) -> (i32, i32) {
    %c0_i32 = arith.constant 0 : i32
    %c0_i32_0 = arith.constant 0 : i32
    %c0_i32_1 = arith.constant 0 : i32
    return %c0_i32, %c0_i32_0 : i32, i32
  }
  func.func @transform_4(%arg0: i32) -> (i32, i32) {
    %c0_i32 = arith.constant 0 : i32
    %c0_i32_0 = arith.constant 0 : i32
    return %arg0, %c0_i32 : i32, i32
  }
  func.func @transform_5(%arg0: i32) -> (i32, i32) {
    %c0_i32 = arith.constant 0 : i32
    %c0_i32_0 = arith.constant 0 : i32
    %c0_i32_1 = arith.constant 0 : i32
    return %c0_i32, %c0_i32_0 : i32, i32
  }
}

module attributes {stable_mosaic.version = 14 : i64} {
  func.func @mk(%arg0: i32, %arg1: memref<256x864xf32, #tpu.memory_space<vmem>>, %arg2: memref<864x64xf32, #tpu.memory_space<vmem>>, %arg3: memref<8x864xf32, #tpu.memory_space<vmem>>, %arg4: memref<8x64xf32, #tpu.memory_space<vmem>>, %arg5: memref<256x64xf32, #tpu.memory_space<vmem>>, %arg6: memref<8x64xf32, #tpu.memory_space<vmem>>, %arg7: memref<8x64xf32, #tpu.memory_space<vmem>>) attributes {dimension_semantics = [#tpu.dimension_semantics<arbitrary>], iteration_bounds = array<i64: 144>, scalar_prefetch = 0 : i64, scratch_operands = 1 : i64, tpu.core_type = #tpu.core_type<tc>, window_params = [{transform_indices = @transform_0, window_bounds = array<i64: 256, 864>}, {pipeline_mode = #tpu.pipeline_mode<synchronous>, transform_indices = @transform_1, window_bounds = array<i64: 864, 64>}, {pipeline_mode = #tpu.pipeline_mode<synchronous>, transform_indices = @transform_2, window_bounds = array<i64: 8, 864>}, {pipeline_mode = #tpu.pipeline_mode<synchronous>, transform_indices = @transform_3, window_bounds = array<i64: 8, 64>}, {transform_indices = @transform_4, window_bounds = array<i64: 256, 64>}, {pipeline_mode = #tpu.pipeline_mode<synchronous>, transform_indices = @transform_5, window_bounds = array<i64: 8, 64>}]} {
    %eq3A = arith.constant 0 : i32
    %eq3A_0 = arith.cmpi eq, %arg0, %eq3A : i32
    %convert_element_type3A = arith.extui %eq3A_0 : i1 to i32
    %cond3A = arith.constant 0 : i32
    %cond3A_1 = arith.cmpi ne, %convert_element_type3A, %cond3A : i32
    scf.if %cond3A_1 {
      %broadcast_in_dim3A_62 = arith.constant 0.000000e+00 : f32
      %broadcast_in_dim3A_63 = vector.broadcast %broadcast_in_dim3A_62 : f32 to vector<8x64xf32>
      %swap3A_64 = arith.constant 0 : index
      %swap3A_65 = arith.constant 0 : index
      %swap3A_66 = vector.load %arg7[%swap3A_64, %swap3A_65] : memref<8x64xf32, #tpu.memory_space<vmem>>, vector<8x64xf32>
      tpu.vector_store %arg7[%swap3A_64, %swap3A_65], %broadcast_in_dim3A_63 {strides = array<i32>} : memref<8x64xf32, #tpu.memory_space<vmem>>, vector<8x64xf32>,
    } else {
    }
    %get3A = arith.constant 0 : index
    %get3A_2 = arith.constant 0 : index
    %get3A_3 = vector.load %arg1[%get3A, %get3A_2] : memref<256x864xf32, #tpu.memory_space<vmem>>, vector<256x864xf32>
    %get3A_4 = arith.constant 0 : index
    %get3A_5 = arith.constant 0 : index
    %get3A_6 = vector.load %arg3[%get3A_4, %get3A_5] : memref<8x864xf32, #tpu.memory_space<vmem>>, vector<1x864xf32>
    %sub3A = vector.broadcast %get3A_6 : vector<1x864xf32> to vector<256x864xf32>
    %sub3A_7 = arith.subf %get3A_3, %sub3A : vector<256x864xf32>
    %get3A_8 = arith.constant 1 : index
    %get3A_9 = arith.constant 0 : index
    %get3A_10 = vector.load %arg3[%get3A_8, %get3A_9] : memref<8x864xf32, #tpu.memory_space<vmem>>, vector<1x864xf32>
    %mul3A = vector.broadcast %get3A_10 : vector<1x864xf32> to vector<256x864xf32>
    %mul3A_11 = arith.mulf %sub3A_7, %mul3A : vector<256x864xf32>
    %get3A_12 = arith.constant 2 : index
    %get3A_13 = arith.constant 0 : index
    %get3A_14 = vector.load %arg3[%get3A_12, %get3A_13] : memref<8x864xf32, #tpu.memory_space<vmem>>, vector<1x864xf32>
    %add3A = vector.broadcast %get3A_14 : vector<1x864xf32> to vector<256x864xf32>
    %add3A_15 = arith.addf %mul3A_11, %add3A : vector<256x864xf32>
    %max3A = arith.constant 0.000000e+00 : f32
    %max3A_16 = vector.broadcast %max3A : f32 to vector<256x864xf32>
    %max3A_17 = arith.maximumf %add3A_15, %max3A_16 : vector<256x864xf32>
    %get3A_18 = arith.constant 0 : index
    %get3A_19 = arith.constant 0 : index
    %get3A_20 = vector.load %arg2[%get3A_18, %get3A_19] : memref<864x64xf32, #tpu.memory_space<vmem>>, vector<864x64xf32>
    %dot_general3A = arith.constant dense<0.000000e+00> : vector<256x64xf32>
    %dot_general3A_21 = tpu.matmul %max3A_17, %get3A_20, %dot_general3A {dimension_numbers = #tpu.dot_dimension_numbers<[1], [0], [0], [1], [0, 0, 1, 1], [], []>, transpose_lhs_hint = false} : vector<256x864xf32>, vector<864x64xf32>, vector<256x64xf32> -> vector<256x64xf32>
    %mul3A_22 = arith.constant 256 : i32
    %mul3A_23 = arith.muli %arg0, %mul3A_22 : i32
    %iota3A = tpu.iota {dimensions = array<i32: 0>} : vector<256x1xi32>
    %add3A_24 = vector.broadcast %mul3A_23 : i32 to vector<256x1xi32>
    %add3A_25 = arith.addi %add3A_24, %iota3A : vector<256x1xi32>
    %lt3A = arith.constant 33770 : i32
    %lt3A_26 = vector.broadcast %lt3A : i32 to vector<256x1xi32>
    %lt3A_27 = arith.cmpi slt, %add3A_25, %lt3A_26 : vector<256x1xi32>
    %jit3A = arith.constant 0.000000e+00 : f32
    %broadcast_in_dim3A = vector.shape_cast %lt3A_27 : vector<256x1xi1> to vector<256x1xi1>
    %broadcast_in_dim3A_28 = vector.broadcast %broadcast_in_dim3A : vector<256x1xi1> to vector<256x64xi1>
    %broadcast_in_dim3A_29 = vector.broadcast %jit3A : f32 to vector<256x64xf32>
    %select_n3A = arith.select %broadcast_in_dim3A_28, %dot_general3A_21, %broadcast_in_dim3A_29 : vector<256x64xi1>, vector<256x64xf32>
    %get3A_30 = arith.constant 0 : index
    %get3A_31 = arith.constant 0 : index
    %get3A_32 = vector.load %arg7[%get3A_30, %get3A_31] : memref<8x64xf32, #tpu.memory_space<vmem>>, vector<1x64xf32>
    %reduce_sum3A = arith.constant dense<0.000000e+00> : vector<64xf32>
    %reduce_sum3A_33 = vector.multi_reduction <add>, %select_n3A, %reduce_sum3A [0] : vector<256x64xf32> to vector<64xf32>
    %broadcast_in_dim3A_34 = vector.shape_cast %reduce_sum3A_33 : vector<64xf32> to vector<1x64xf32>
    %add3A_35 = arith.addf %get3A_32, %broadcast_in_dim3A_34 : vector<1x64xf32>
    %swap3A = arith.constant 0 : index
    %swap3A_36 = arith.constant 0 : index
    %swap3A_37 = vector.load %arg7[%swap3A, %swap3A_36] : memref<8x64xf32, #tpu.memory_space<vmem>>, vector<1x64xf32>
    tpu.vector_store %arg7[%swap3A, %swap3A_36], %add3A_35 {strides = array<i32>} : memref<8x64xf32, #tpu.memory_space<vmem>>, vector<1x64xf32>,
    %get3A_38 = arith.constant 1 : index
    %get3A_39 = arith.constant 0 : index
    %get3A_40 = vector.load %arg7[%get3A_38, %get3A_39] : memref<8x64xf32, #tpu.memory_space<vmem>>, vector<1x64xf32>
    %mul3A_41 = arith.mulf %select_n3A, %select_n3A : vector<256x64xf32>
    %reduce_sum3A_42 = arith.constant dense<0.000000e+00> : vector<64xf32>
    %reduce_sum3A_43 = vector.multi_reduction <add>, %mul3A_41, %reduce_sum3A_42 [0] : vector<256x64xf32> to vector<64xf32>
    %broadcast_in_dim3A_44 = vector.shape_cast %reduce_sum3A_43 : vector<64xf32> to vector<1x64xf32>
    %add3A_45 = arith.addf %get3A_40, %broadcast_in_dim3A_44 : vector<1x64xf32>
    %swap3A_46 = arith.constant 1 : index
    %swap3A_47 = arith.constant 0 : index
    %swap3A_48 = vector.load %arg7[%swap3A_46, %swap3A_47] : memref<8x64xf32, #tpu.memory_space<vmem>>, vector<1x64xf32>
    tpu.vector_store %arg7[%swap3A_46, %swap3A_47], %add3A_45 {strides = array<i32>} : memref<8x64xf32, #tpu.memory_space<vmem>>, vector<1x64xf32>,
    %jit3A_49 = arith.constant -1.000000e+30 : f32
    %broadcast_in_dim3A_50 = vector.shape_cast %lt3A_27 : vector<256x1xi1> to vector<256x1xi1>
    %broadcast_in_dim3A_51 = vector.broadcast %broadcast_in_dim3A_50 : vector<256x1xi1> to vector<256x64xi1>
    %broadcast_in_dim3A_52 = vector.broadcast %jit3A_49 : f32 to vector<256x64xf32>
    %select_n3A_53 = arith.select %broadcast_in_dim3A_51, %dot_general3A_21, %broadcast_in_dim3A_52 : vector<256x64xi1>, vector<256x64xf32>
    %swap3A_54 = arith.constant 0 : index
    %swap3A_55 = arith.constant 0 : index
    %swap3A_56 = vector.load %arg5[%swap3A_54, %swap3A_55] : memref<256x64xf32, #tpu.memory_space<vmem>>, vector<256x64xf32>
    tpu.vector_store %arg5[%swap3A_54, %swap3A_55], %select_n3A_53 {strides = array<i32>} : memref<256x64xf32, #tpu.memory_space<vmem>>, vector<256x64xf32>,
    %eq3A_57 = arith.constant 143 : i32
    %eq3A_58 = arith.cmpi eq, %arg0, %eq3A_57 : i32
    %convert_element_type3A_59 = arith.extui %eq3A_58 : i1 to i32
    %cond3A_60 = arith.constant 0 : i32
    %cond3A_61 = arith.cmpi ne, %convert_element_type3A_59, %cond3A_60 : i32
    scf.if %cond3A_61 {
      %get3A_62 = arith.constant 0 : index
      %get3A_63 = arith.constant 0 : index
      %get3A_64 = vector.load %arg7[%get3A_62, %get3A_63] : memref<8x64xf32, #tpu.memory_space<vmem>>, vector<1x64xf32>
      %div3A = arith.constant 3.377000e+04 : f32
      %div3A_65 = vector.broadcast %div3A : f32 to vector<1x64xf32>
      %div3A_66 = arith.divf %get3A_64, %div3A_65 : vector<1x64xf32>
      %get3A_67 = arith.constant 1 : index
      %get3A_68 = arith.constant 0 : index
      %get3A_69 = vector.load %arg7[%get3A_67, %get3A_68] : memref<8x64xf32, #tpu.memory_space<vmem>>, vector<1x64xf32>
      %div3A_70 = arith.constant 3.377000e+04 : f32
      %div3A_71 = vector.broadcast %div3A_70 : f32 to vector<1x64xf32>
      %div3A_72 = arith.divf %get3A_69, %div3A_71 : vector<1x64xf32>
      %mul3A_73 = arith.mulf %div3A_66, %div3A_66 : vector<1x64xf32>
      %sub3A_74 = arith.subf %div3A_72, %mul3A_73 : vector<1x64xf32>
      %add3A_75 = arith.constant 1.000000e-03 : f32
      %add3A_76 = vector.broadcast %add3A_75 : f32 to vector<1x64xf32>
      %add3A_77 = arith.addf %sub3A_74, %add3A_76 : vector<1x64xf32>
      %rsqrt3A = math.rsqrt %add3A_77 : vector<1x64xf32>
      %get3A_78 = arith.constant 0 : index
      %get3A_79 = arith.constant 0 : index
      %get3A_80 = vector.load %arg4[%get3A_78, %get3A_79] : memref<8x64xf32, #tpu.memory_space<vmem>>, vector<1x64xf32>
      %mul3A_81 = arith.mulf %rsqrt3A, %get3A_80 : vector<1x64xf32>
      %get3A_82 = arith.constant 1 : index
      %get3A_83 = arith.constant 0 : index
      %get3A_84 = vector.load %arg4[%get3A_82, %get3A_83] : memref<8x64xf32, #tpu.memory_space<vmem>>, vector<1x64xf32>
      %broadcast_in_dim3A_85 = arith.constant 0.000000e+00 : f32
      %broadcast_in_dim3A_86 = vector.broadcast %broadcast_in_dim3A_85 : f32 to vector<5x64xf32>
      %concatenate3A = tpu.concatenate %div3A_66, %mul3A_81, %get3A_84, %broadcast_in_dim3A_86 in 0 : vector<1x64xf32>, vector<1x64xf32>, vector<1x64xf32>, vector<5x64xf32> -> vector<8x64xf32>
      %swap3A_87 = arith.constant 0 : index
      %swap3A_88 = arith.constant 0 : index
      %swap3A_89 = vector.load %arg6[%swap3A_87, %swap3A_88] : memref<8x64xf32, #tpu.memory_space<vmem>>, vector<8x64xf32>
      tpu.vector_store %arg6[%swap3A_87, %swap3A_88], %concatenate3A {strides = array<i32>} : memref<8x64xf32, #tpu.memory_space<vmem>>, vector<8x64xf32>,
    } else {
    }
    return
  }
  func.func @transform_0(%arg0: i32) -> (i32, i32) {
    %c0_i32 = arith.constant 0 : i32
    %c0_i32_0 = arith.constant 0 : i32
    return %arg0, %c0_i32 : i32, i32
  }
  func.func @transform_1(%arg0: i32) -> (i32, i32) {
    %c0_i32 = arith.constant 0 : i32
    %c0_i32_0 = arith.constant 0 : i32
    %c0_i32_1 = arith.constant 0 : i32
    return %c0_i32, %c0_i32_0 : i32, i32
  }
  func.func @transform_2(%arg0: i32) -> (i32, i32) {
    %c0_i32 = arith.constant 0 : i32
    %c0_i32_0 = arith.constant 0 : i32
    %c0_i32_1 = arith.constant 0 : i32
    return %c0_i32, %c0_i32_0 : i32, i32
  }
  func.func @transform_3(%arg0: i32) -> (i32, i32) {
    %c0_i32 = arith.constant 0 : i32
    %c0_i32_0 = arith.constant 0 : i32
    %c0_i32_1 = arith.constant 0 : i32
    return %c0_i32, %c0_i32_0 : i32, i32
  }
  func.func @transform_4(%arg0: i32) -> (i32, i32) {
    %c0_i32 = arith.constant 0 : i32
    %c0_i32_0 = arith.constant 0 : i32
    return %arg0, %c0_i32 : i32, i32
  }
  func.func @transform_5(%arg0: i32) -> (i32, i32) {
    %c0_i32 = arith.constant 0 : i32
    %c0_i32_0 = arith.constant 0 : i32
    %c0_i32_1 = arith.constant 0 : i32
    return %c0_i32, %c0_i32_0 : i32, i32
  }
}

module attributes {stable_mosaic.version = 14 : i64} {
  func.func @mk(%arg0: i32, %arg1: memref<256x1728xf32, #tpu.memory_space<vmem>>, %arg2: memref<1728x64xf32, #tpu.memory_space<vmem>>, %arg3: memref<8x1728xf32, #tpu.memory_space<vmem>>, %arg4: memref<8x64xf32, #tpu.memory_space<vmem>>, %arg5: memref<256x64xf32, #tpu.memory_space<vmem>>, %arg6: memref<8x64xf32, #tpu.memory_space<vmem>>, %arg7: memref<8x64xf32, #tpu.memory_space<vmem>>) attributes {dimension_semantics = [#tpu.dimension_semantics<arbitrary>], iteration_bounds = array<i64: 144>, scalar_prefetch = 0 : i64, scratch_operands = 1 : i64, tpu.core_type = #tpu.core_type<tc>, window_params = [{transform_indices = @transform_0, window_bounds = array<i64: 256, 1728>}, {pipeline_mode = #tpu.pipeline_mode<synchronous>, transform_indices = @transform_1, window_bounds = array<i64: 1728, 64>}, {pipeline_mode = #tpu.pipeline_mode<synchronous>, transform_indices = @transform_2, window_bounds = array<i64: 8, 1728>}, {pipeline_mode = #tpu.pipeline_mode<synchronous>, transform_indices = @transform_3, window_bounds = array<i64: 8, 64>}, {transform_indices = @transform_4, window_bounds = array<i64: 256, 64>}, {pipeline_mode = #tpu.pipeline_mode<synchronous>, transform_indices = @transform_5, window_bounds = array<i64: 8, 64>}]} {
    %eq3A = arith.constant 0 : i32
    %eq3A_0 = arith.cmpi eq, %arg0, %eq3A : i32
    %convert_element_type3A = arith.extui %eq3A_0 : i1 to i32
    %cond3A = arith.constant 0 : i32
    %cond3A_1 = arith.cmpi ne, %convert_element_type3A, %cond3A : i32
    scf.if %cond3A_1 {
      %broadcast_in_dim3A_62 = arith.constant 0.000000e+00 : f32
      %broadcast_in_dim3A_63 = vector.broadcast %broadcast_in_dim3A_62 : f32 to vector<8x64xf32>
      %swap3A_64 = arith.constant 0 : index
      %swap3A_65 = arith.constant 0 : index
      %swap3A_66 = vector.load %arg7[%swap3A_64, %swap3A_65] : memref<8x64xf32, #tpu.memory_space<vmem>>, vector<8x64xf32>
      tpu.vector_store %arg7[%swap3A_64, %swap3A_65], %broadcast_in_dim3A_63 {strides = array<i32>} : memref<8x64xf32, #tpu.memory_space<vmem>>, vector<8x64xf32>,
    } else {
    }
    %get3A = arith.constant 0 : index
    %get3A_2 = arith.constant 0 : index
    %get3A_3 = vector.load %arg1[%get3A, %get3A_2] : memref<256x1728xf32, #tpu.memory_space<vmem>>, vector<256x1728xf32>
    %get3A_4 = arith.constant 0 : index
    %get3A_5 = arith.constant 0 : index
    %get3A_6 = vector.load %arg3[%get3A_4, %get3A_5] : memref<8x1728xf32, #tpu.memory_space<vmem>>, vector<1x1728xf32>
    %sub3A = vector.broadcast %get3A_6 : vector<1x1728xf32> to vector<256x1728xf32>
    %sub3A_7 = arith.subf %get3A_3, %sub3A : vector<256x1728xf32>
    %get3A_8 = arith.constant 1 : index
    %get3A_9 = arith.constant 0 : index
    %get3A_10 = vector.load %arg3[%get3A_8, %get3A_9] : memref<8x1728xf32, #tpu.memory_space<vmem>>, vector<1x1728xf32>
    %mul3A = vector.broadcast %get3A_10 : vector<1x1728xf32> to vector<256x1728xf32>
    %mul3A_11 = arith.mulf %sub3A_7, %mul3A : vector<256x1728xf32>
    %get3A_12 = arith.constant 2 : index
    %get3A_13 = arith.constant 0 : index
    %get3A_14 = vector.load %arg3[%get3A_12, %get3A_13] : memref<8x1728xf32, #tpu.memory_space<vmem>>, vector<1x1728xf32>
    %add3A = vector.broadcast %get3A_14 : vector<1x1728xf32> to vector<256x1728xf32>
    %add3A_15 = arith.addf %mul3A_11, %add3A : vector<256x1728xf32>
    %max3A = arith.constant 0.000000e+00 : f32
    %max3A_16 = vector.broadcast %max3A : f32 to vector<256x1728xf32>
    %max3A_17 = arith.maximumf %add3A_15, %max3A_16 : vector<256x1728xf32>
    %get3A_18 = arith.constant 0 : index
    %get3A_19 = arith.constant 0 : index
    %get3A_20 = vector.load %arg2[%get3A_18, %get3A_19] : memref<1728x64xf32, #tpu.memory_space<vmem>>, vector<1728x64xf32>
    %dot_general3A = arith.constant dense<0.000000e+00> : vector<256x64xf32>
    %dot_general3A_21 = tpu.matmul %max3A_17, %get3A_20, %dot_general3A {dimension_numbers = #tpu.dot_dimension_numbers<[1], [0], [0], [1], [0, 0, 1, 1], [], []>, transpose_lhs_hint = false} : vector<256x1728xf32>, vector<1728x64xf32>, vector<256x64xf32> -> vector<256x64xf32>
    %mul3A_22 = arith.constant 256 : i32
    %mul3A_23 = arith.muli %arg0, %mul3A_22 : i32
    %iota3A = tpu.iota {dimensions = array<i32: 0>} : vector<256x1xi32>
    %add3A_24 = vector.broadcast %mul3A_23 : i32 to vector<256x1xi32>
    %add3A_25 = arith.addi %add3A_24, %iota3A : vector<256x1xi32>
    %lt3A = arith.constant 33770 : i32
    %lt3A_26 = vector.broadcast %lt3A : i32 to vector<256x1xi32>
    %lt3A_27 = arith.cmpi slt, %add3A_25, %lt3A_26 : vector<256x1xi32>
    %jit3A = arith.constant 0.000000e+00 : f32
    %broadcast_in_dim3A = vector.shape_cast %lt3A_27 : vector<256x1xi1> to vector<256x1xi1>
    %broadcast_in_dim3A_28 = vector.broadcast %broadcast_in_dim3A : vector<256x1xi1> to vector<256x64xi1>
    %broadcast_in_dim3A_29 = vector.broadcast %jit3A : f32 to vector<256x64xf32>
    %select_n3A = arith.select %broadcast_in_dim3A_28, %dot_general3A_21, %broadcast_in_dim3A_29 : vector<256x64xi1>, vector<256x64xf32>
    %get3A_30 = arith.constant 0 : index
    %get3A_31 = arith.constant 0 : index
    %get3A_32 = vector.load %arg7[%get3A_30, %get3A_31] : memref<8x64xf32, #tpu.memory_space<vmem>>, vector<1x64xf32>
    %reduce_sum3A = arith.constant dense<0.000000e+00> : vector<64xf32>
    %reduce_sum3A_33 = vector.multi_reduction <add>, %select_n3A, %reduce_sum3A [0] : vector<256x64xf32> to vector<64xf32>
    %broadcast_in_dim3A_34 = vector.shape_cast %reduce_sum3A_33 : vector<64xf32> to vector<1x64xf32>
    %add3A_35 = arith.addf %get3A_32, %broadcast_in_dim3A_34 : vector<1x64xf32>
    %swap3A = arith.constant 0 : index
    %swap3A_36 = arith.constant 0 : index
    %swap3A_37 = vector.load %arg7[%swap3A, %swap3A_36] : memref<8x64xf32, #tpu.memory_space<vmem>>, vector<1x64xf32>
    tpu.vector_store %arg7[%swap3A, %swap3A_36], %add3A_35 {strides = array<i32>} : memref<8x64xf32, #tpu.memory_space<vmem>>, vector<1x64xf32>,
    %get3A_38 = arith.constant 1 : index
    %get3A_39 = arith.constant 0 : index
    %get3A_40 = vector.load %arg7[%get3A_38, %get3A_39] : memref<8x64xf32, #tpu.memory_space<vmem>>, vector<1x64xf32>
    %mul3A_41 = arith.mulf %select_n3A, %select_n3A : vector<256x64xf32>
    %reduce_sum3A_42 = arith.constant dense<0.000000e+00> : vector<64xf32>
    %reduce_sum3A_43 = vector.multi_reduction <add>, %mul3A_41, %reduce_sum3A_42 [0] : vector<256x64xf32> to vector<64xf32>
    %broadcast_in_dim3A_44 = vector.shape_cast %reduce_sum3A_43 : vector<64xf32> to vector<1x64xf32>
    %add3A_45 = arith.addf %get3A_40, %broadcast_in_dim3A_44 : vector<1x64xf32>
    %swap3A_46 = arith.constant 1 : index
    %swap3A_47 = arith.constant 0 : index
    %swap3A_48 = vector.load %arg7[%swap3A_46, %swap3A_47] : memref<8x64xf32, #tpu.memory_space<vmem>>, vector<1x64xf32>
    tpu.vector_store %arg7[%swap3A_46, %swap3A_47], %add3A_45 {strides = array<i32>} : memref<8x64xf32, #tpu.memory_space<vmem>>, vector<1x64xf32>,
    %jit3A_49 = arith.constant -1.000000e+30 : f32
    %broadcast_in_dim3A_50 = vector.shape_cast %lt3A_27 : vector<256x1xi1> to vector<256x1xi1>
    %broadcast_in_dim3A_51 = vector.broadcast %broadcast_in_dim3A_50 : vector<256x1xi1> to vector<256x64xi1>
    %broadcast_in_dim3A_52 = vector.broadcast %jit3A_49 : f32 to vector<256x64xf32>
    %select_n3A_53 = arith.select %broadcast_in_dim3A_51, %dot_general3A_21, %broadcast_in_dim3A_52 : vector<256x64xi1>, vector<256x64xf32>
    %swap3A_54 = arith.constant 0 : index
    %swap3A_55 = arith.constant 0 : index
    %swap3A_56 = vector.load %arg5[%swap3A_54, %swap3A_55] : memref<256x64xf32, #tpu.memory_space<vmem>>, vector<256x64xf32>
    tpu.vector_store %arg5[%swap3A_54, %swap3A_55], %select_n3A_53 {strides = array<i32>} : memref<256x64xf32, #tpu.memory_space<vmem>>, vector<256x64xf32>,
    %eq3A_57 = arith.constant 143 : i32
    %eq3A_58 = arith.cmpi eq, %arg0, %eq3A_57 : i32
    %convert_element_type3A_59 = arith.extui %eq3A_58 : i1 to i32
    %cond3A_60 = arith.constant 0 : i32
    %cond3A_61 = arith.cmpi ne, %convert_element_type3A_59, %cond3A_60 : i32
    scf.if %cond3A_61 {
      %get3A_62 = arith.constant 0 : index
      %get3A_63 = arith.constant 0 : index
      %get3A_64 = vector.load %arg7[%get3A_62, %get3A_63] : memref<8x64xf32, #tpu.memory_space<vmem>>, vector<1x64xf32>
      %div3A = arith.constant 3.377000e+04 : f32
      %div3A_65 = vector.broadcast %div3A : f32 to vector<1x64xf32>
      %div3A_66 = arith.divf %get3A_64, %div3A_65 : vector<1x64xf32>
      %get3A_67 = arith.constant 1 : index
      %get3A_68 = arith.constant 0 : index
      %get3A_69 = vector.load %arg7[%get3A_67, %get3A_68] : memref<8x64xf32, #tpu.memory_space<vmem>>, vector<1x64xf32>
      %div3A_70 = arith.constant 3.377000e+04 : f32
      %div3A_71 = vector.broadcast %div3A_70 : f32 to vector<1x64xf32>
      %div3A_72 = arith.divf %get3A_69, %div3A_71 : vector<1x64xf32>
      %mul3A_73 = arith.mulf %div3A_66, %div3A_66 : vector<1x64xf32>
      %sub3A_74 = arith.subf %div3A_72, %mul3A_73 : vector<1x64xf32>
      %add3A_75 = arith.constant 1.000000e-03 : f32
      %add3A_76 = vector.broadcast %add3A_75 : f32 to vector<1x64xf32>
      %add3A_77 = arith.addf %sub3A_74, %add3A_76 : vector<1x64xf32>
      %rsqrt3A = math.rsqrt %add3A_77 : vector<1x64xf32>
      %get3A_78 = arith.constant 0 : index
      %get3A_79 = arith.constant 0 : index
      %get3A_80 = vector.load %arg4[%get3A_78, %get3A_79] : memref<8x64xf32, #tpu.memory_space<vmem>>, vector<1x64xf32>
      %mul3A_81 = arith.mulf %rsqrt3A, %get3A_80 : vector<1x64xf32>
      %get3A_82 = arith.constant 1 : index
      %get3A_83 = arith.constant 0 : index
      %get3A_84 = vector.load %arg4[%get3A_82, %get3A_83] : memref<8x64xf32, #tpu.memory_space<vmem>>, vector<1x64xf32>
      %broadcast_in_dim3A_85 = arith.constant 0.000000e+00 : f32
      %broadcast_in_dim3A_86 = vector.broadcast %broadcast_in_dim3A_85 : f32 to vector<5x64xf32>
      %concatenate3A = tpu.concatenate %div3A_66, %mul3A_81, %get3A_84, %broadcast_in_dim3A_86 in 0 : vector<1x64xf32>, vector<1x64xf32>, vector<1x64xf32>, vector<5x64xf32> -> vector<8x64xf32>
      %swap3A_87 = arith.constant 0 : index
      %swap3A_88 = arith.constant 0 : index
      %swap3A_89 = vector.load %arg6[%swap3A_87, %swap3A_88] : memref<8x64xf32, #tpu.memory_space<vmem>>, vector<8x64xf32>
      tpu.vector_store %arg6[%swap3A_87, %swap3A_88], %concatenate3A {strides = array<i32>} : memref<8x64xf32, #tpu.memory_space<vmem>>, vector<8x64xf32>,
    } else {
    }
    return
  }
  func.func @transform_0(%arg0: i32) -> (i32, i32) {
    %c0_i32 = arith.constant 0 : i32
    %c0_i32_0 = arith.constant 0 : i32
    return %arg0, %c0_i32 : i32, i32
  }
  func.func @transform_1(%arg0: i32) -> (i32, i32) {
    %c0_i32 = arith.constant 0 : i32
    %c0_i32_0 = arith.constant 0 : i32
    %c0_i32_1 = arith.constant 0 : i32
    return %c0_i32, %c0_i32_0 : i32, i32
  }
  func.func @transform_2(%arg0: i32) -> (i32, i32) {
    %c0_i32 = arith.constant 0 : i32
    %c0_i32_0 = arith.constant 0 : i32
    %c0_i32_1 = arith.constant 0 : i32
    return %c0_i32, %c0_i32_0 : i32, i32
  }
  func.func @transform_3(%arg0: i32) -> (i32, i32) {
    %c0_i32 = arith.constant 0 : i32
    %c0_i32_0 = arith.constant 0 : i32
    %c0_i32_1 = arith.constant 0 : i32
    return %c0_i32, %c0_i32_0 : i32, i32
  }
  func.func @transform_4(%arg0: i32) -> (i32, i32) {
    %c0_i32 = arith.constant 0 : i32
    %c0_i32_0 = arith.constant 0 : i32
    return %arg0, %c0_i32 : i32, i32
  }
  func.func @transform_5(%arg0: i32) -> (i32, i32) {
    %c0_i32 = arith.constant 0 : i32
    %c0_i32_0 = arith.constant 0 : i32
    %c0_i32_1 = arith.constant 0 : i32
    return %c0_i32, %c0_i32_0 : i32, i32
  }
}

module attributes {stable_mosaic.version = 14 : i64} {
  func.func @mk(%arg0: i32, %arg1: memref<256x1728xf32, #tpu.memory_space<vmem>>, %arg2: memref<1728x64xf32, #tpu.memory_space<vmem>>, %arg3: memref<8x1728xf32, #tpu.memory_space<vmem>>, %arg4: memref<8x64xf32, #tpu.memory_space<vmem>>, %arg5: memref<256x64xf32, #tpu.memory_space<vmem>>, %arg6: memref<8x64xf32, #tpu.memory_space<vmem>>, %arg7: memref<8x64xf32, #tpu.memory_space<vmem>>) attributes {dimension_semantics = [#tpu.dimension_semantics<arbitrary>], iteration_bounds = array<i64: 80>, scalar_prefetch = 0 : i64, scratch_operands = 1 : i64, tpu.core_type = #tpu.core_type<tc>, window_params = [{transform_indices = @transform_0, window_bounds = array<i64: 256, 1728>}, {pipeline_mode = #tpu.pipeline_mode<synchronous>, transform_indices = @transform_1, window_bounds = array<i64: 1728, 64>}, {pipeline_mode = #tpu.pipeline_mode<synchronous>, transform_indices = @transform_2, window_bounds = array<i64: 8, 1728>}, {pipeline_mode = #tpu.pipeline_mode<synchronous>, transform_indices = @transform_3, window_bounds = array<i64: 8, 64>}, {transform_indices = @transform_4, window_bounds = array<i64: 256, 64>}, {pipeline_mode = #tpu.pipeline_mode<synchronous>, transform_indices = @transform_5, window_bounds = array<i64: 8, 64>}]} {
    %eq3A = arith.constant 0 : i32
    %eq3A_0 = arith.cmpi eq, %arg0, %eq3A : i32
    %convert_element_type3A = arith.extui %eq3A_0 : i1 to i32
    %cond3A = arith.constant 0 : i32
    %cond3A_1 = arith.cmpi ne, %convert_element_type3A, %cond3A : i32
    scf.if %cond3A_1 {
      %broadcast_in_dim3A_62 = arith.constant 0.000000e+00 : f32
      %broadcast_in_dim3A_63 = vector.broadcast %broadcast_in_dim3A_62 : f32 to vector<8x64xf32>
      %swap3A_64 = arith.constant 0 : index
      %swap3A_65 = arith.constant 0 : index
      %swap3A_66 = vector.load %arg7[%swap3A_64, %swap3A_65] : memref<8x64xf32, #tpu.memory_space<vmem>>, vector<8x64xf32>
      tpu.vector_store %arg7[%swap3A_64, %swap3A_65], %broadcast_in_dim3A_63 {strides = array<i32>} : memref<8x64xf32, #tpu.memory_space<vmem>>, vector<8x64xf32>,
    } else {
    }
    %get3A = arith.constant 0 : index
    %get3A_2 = arith.constant 0 : index
    %get3A_3 = vector.load %arg1[%get3A, %get3A_2] : memref<256x1728xf32, #tpu.memory_space<vmem>>, vector<256x1728xf32>
    %get3A_4 = arith.constant 0 : index
    %get3A_5 = arith.constant 0 : index
    %get3A_6 = vector.load %arg3[%get3A_4, %get3A_5] : memref<8x1728xf32, #tpu.memory_space<vmem>>, vector<1x1728xf32>
    %sub3A = vector.broadcast %get3A_6 : vector<1x1728xf32> to vector<256x1728xf32>
    %sub3A_7 = arith.subf %get3A_3, %sub3A : vector<256x1728xf32>
    %get3A_8 = arith.constant 1 : index
    %get3A_9 = arith.constant 0 : index
    %get3A_10 = vector.load %arg3[%get3A_8, %get3A_9] : memref<8x1728xf32, #tpu.memory_space<vmem>>, vector<1x1728xf32>
    %mul3A = vector.broadcast %get3A_10 : vector<1x1728xf32> to vector<256x1728xf32>
    %mul3A_11 = arith.mulf %sub3A_7, %mul3A : vector<256x1728xf32>
    %get3A_12 = arith.constant 2 : index
    %get3A_13 = arith.constant 0 : index
    %get3A_14 = vector.load %arg3[%get3A_12, %get3A_13] : memref<8x1728xf32, #tpu.memory_space<vmem>>, vector<1x1728xf32>
    %add3A = vector.broadcast %get3A_14 : vector<1x1728xf32> to vector<256x1728xf32>
    %add3A_15 = arith.addf %mul3A_11, %add3A : vector<256x1728xf32>
    %max3A = arith.constant 0.000000e+00 : f32
    %max3A_16 = vector.broadcast %max3A : f32 to vector<256x1728xf32>
    %max3A_17 = arith.maximumf %add3A_15, %max3A_16 : vector<256x1728xf32>
    %get3A_18 = arith.constant 0 : index
    %get3A_19 = arith.constant 0 : index
    %get3A_20 = vector.load %arg2[%get3A_18, %get3A_19] : memref<1728x64xf32, #tpu.memory_space<vmem>>, vector<1728x64xf32>
    %dot_general3A = arith.constant dense<0.000000e+00> : vector<256x64xf32>
    %dot_general3A_21 = tpu.matmul %max3A_17, %get3A_20, %dot_general3A {dimension_numbers = #tpu.dot_dimension_numbers<[1], [0], [0], [1], [0, 0, 1, 1], [], []>, transpose_lhs_hint = false} : vector<256x1728xf32>, vector<1728x64xf32>, vector<256x64xf32> -> vector<256x64xf32>
    %mul3A_22 = arith.constant 256 : i32
    %mul3A_23 = arith.muli %arg0, %mul3A_22 : i32
    %iota3A = tpu.iota {dimensions = array<i32: 0>} : vector<256x1xi32>
    %add3A_24 = vector.broadcast %mul3A_23 : i32 to vector<256x1xi32>
    %add3A_25 = arith.addi %add3A_24, %iota3A : vector<256x1xi32>
    %lt3A = arith.constant 16517 : i32
    %lt3A_26 = vector.broadcast %lt3A : i32 to vector<256x1xi32>
    %lt3A_27 = arith.cmpi slt, %add3A_25, %lt3A_26 : vector<256x1xi32>
    %jit3A = arith.constant 0.000000e+00 : f32
    %broadcast_in_dim3A = vector.shape_cast %lt3A_27 : vector<256x1xi1> to vector<256x1xi1>
    %broadcast_in_dim3A_28 = vector.broadcast %broadcast_in_dim3A : vector<256x1xi1> to vector<256x64xi1>
    %broadcast_in_dim3A_29 = vector.broadcast %jit3A : f32 to vector<256x64xf32>
    %select_n3A = arith.select %broadcast_in_dim3A_28, %dot_general3A_21, %broadcast_in_dim3A_29 : vector<256x64xi1>, vector<256x64xf32>
    %get3A_30 = arith.constant 0 : index
    %get3A_31 = arith.constant 0 : index
    %get3A_32 = vector.load %arg7[%get3A_30, %get3A_31] : memref<8x64xf32, #tpu.memory_space<vmem>>, vector<1x64xf32>
    %reduce_sum3A = arith.constant dense<0.000000e+00> : vector<64xf32>
    %reduce_sum3A_33 = vector.multi_reduction <add>, %select_n3A, %reduce_sum3A [0] : vector<256x64xf32> to vector<64xf32>
    %broadcast_in_dim3A_34 = vector.shape_cast %reduce_sum3A_33 : vector<64xf32> to vector<1x64xf32>
    %add3A_35 = arith.addf %get3A_32, %broadcast_in_dim3A_34 : vector<1x64xf32>
    %swap3A = arith.constant 0 : index
    %swap3A_36 = arith.constant 0 : index
    %swap3A_37 = vector.load %arg7[%swap3A, %swap3A_36] : memref<8x64xf32, #tpu.memory_space<vmem>>, vector<1x64xf32>
    tpu.vector_store %arg7[%swap3A, %swap3A_36], %add3A_35 {strides = array<i32>} : memref<8x64xf32, #tpu.memory_space<vmem>>, vector<1x64xf32>,
    %get3A_38 = arith.constant 1 : index
    %get3A_39 = arith.constant 0 : index
    %get3A_40 = vector.load %arg7[%get3A_38, %get3A_39] : memref<8x64xf32, #tpu.memory_space<vmem>>, vector<1x64xf32>
    %mul3A_41 = arith.mulf %select_n3A, %select_n3A : vector<256x64xf32>
    %reduce_sum3A_42 = arith.constant dense<0.000000e+00> : vector<64xf32>
    %reduce_sum3A_43 = vector.multi_reduction <add>, %mul3A_41, %reduce_sum3A_42 [0] : vector<256x64xf32> to vector<64xf32>
    %broadcast_in_dim3A_44 = vector.shape_cast %reduce_sum3A_43 : vector<64xf32> to vector<1x64xf32>
    %add3A_45 = arith.addf %get3A_40, %broadcast_in_dim3A_44 : vector<1x64xf32>
    %swap3A_46 = arith.constant 1 : index
    %swap3A_47 = arith.constant 0 : index
    %swap3A_48 = vector.load %arg7[%swap3A_46, %swap3A_47] : memref<8x64xf32, #tpu.memory_space<vmem>>, vector<1x64xf32>
    tpu.vector_store %arg7[%swap3A_46, %swap3A_47], %add3A_45 {strides = array<i32>} : memref<8x64xf32, #tpu.memory_space<vmem>>, vector<1x64xf32>,
    %jit3A_49 = arith.constant -1.000000e+30 : f32
    %broadcast_in_dim3A_50 = vector.shape_cast %lt3A_27 : vector<256x1xi1> to vector<256x1xi1>
    %broadcast_in_dim3A_51 = vector.broadcast %broadcast_in_dim3A_50 : vector<256x1xi1> to vector<256x64xi1>
    %broadcast_in_dim3A_52 = vector.broadcast %jit3A_49 : f32 to vector<256x64xf32>
    %select_n3A_53 = arith.select %broadcast_in_dim3A_51, %dot_general3A_21, %broadcast_in_dim3A_52 : vector<256x64xi1>, vector<256x64xf32>
    %swap3A_54 = arith.constant 0 : index
    %swap3A_55 = arith.constant 0 : index
    %swap3A_56 = vector.load %arg5[%swap3A_54, %swap3A_55] : memref<256x64xf32, #tpu.memory_space<vmem>>, vector<256x64xf32>
    tpu.vector_store %arg5[%swap3A_54, %swap3A_55], %select_n3A_53 {strides = array<i32>} : memref<256x64xf32, #tpu.memory_space<vmem>>, vector<256x64xf32>,
    %eq3A_57 = arith.constant 79 : i32
    %eq3A_58 = arith.cmpi eq, %arg0, %eq3A_57 : i32
    %convert_element_type3A_59 = arith.extui %eq3A_58 : i1 to i32
    %cond3A_60 = arith.constant 0 : i32
    %cond3A_61 = arith.cmpi ne, %convert_element_type3A_59, %cond3A_60 : i32
    scf.if %cond3A_61 {
      %get3A_62 = arith.constant 0 : index
      %get3A_63 = arith.constant 0 : index
      %get3A_64 = vector.load %arg7[%get3A_62, %get3A_63] : memref<8x64xf32, #tpu.memory_space<vmem>>, vector<1x64xf32>
      %div3A = arith.constant 1.651700e+04 : f32
      %div3A_65 = vector.broadcast %div3A : f32 to vector<1x64xf32>
      %div3A_66 = arith.divf %get3A_64, %div3A_65 : vector<1x64xf32>
      %get3A_67 = arith.constant 1 : index
      %get3A_68 = arith.constant 0 : index
      %get3A_69 = vector.load %arg7[%get3A_67, %get3A_68] : memref<8x64xf32, #tpu.memory_space<vmem>>, vector<1x64xf32>
      %div3A_70 = arith.constant 1.651700e+04 : f32
      %div3A_71 = vector.broadcast %div3A_70 : f32 to vector<1x64xf32>
      %div3A_72 = arith.divf %get3A_69, %div3A_71 : vector<1x64xf32>
      %mul3A_73 = arith.mulf %div3A_66, %div3A_66 : vector<1x64xf32>
      %sub3A_74 = arith.subf %div3A_72, %mul3A_73 : vector<1x64xf32>
      %add3A_75 = arith.constant 1.000000e-03 : f32
      %add3A_76 = vector.broadcast %add3A_75 : f32 to vector<1x64xf32>
      %add3A_77 = arith.addf %sub3A_74, %add3A_76 : vector<1x64xf32>
      %rsqrt3A = math.rsqrt %add3A_77 : vector<1x64xf32>
      %get3A_78 = arith.constant 0 : index
      %get3A_79 = arith.constant 0 : index
      %get3A_80 = vector.load %arg4[%get3A_78, %get3A_79] : memref<8x64xf32, #tpu.memory_space<vmem>>, vector<1x64xf32>
      %mul3A_81 = arith.mulf %rsqrt3A, %get3A_80 : vector<1x64xf32>
      %get3A_82 = arith.constant 1 : index
      %get3A_83 = arith.constant 0 : index
      %get3A_84 = vector.load %arg4[%get3A_82, %get3A_83] : memref<8x64xf32, #tpu.memory_space<vmem>>, vector<1x64xf32>
      %broadcast_in_dim3A_85 = arith.constant 0.000000e+00 : f32
      %broadcast_in_dim3A_86 = vector.broadcast %broadcast_in_dim3A_85 : f32 to vector<5x64xf32>
      %concatenate3A = tpu.concatenate %div3A_66, %mul3A_81, %get3A_84, %broadcast_in_dim3A_86 in 0 : vector<1x64xf32>, vector<1x64xf32>, vector<1x64xf32>, vector<5x64xf32> -> vector<8x64xf32>
      %swap3A_87 = arith.constant 0 : index
      %swap3A_88 = arith.constant 0 : index
      %swap3A_89 = vector.load %arg6[%swap3A_87, %swap3A_88] : memref<8x64xf32, #tpu.memory_space<vmem>>, vector<8x64xf32>
      tpu.vector_store %arg6[%swap3A_87, %swap3A_88], %concatenate3A {strides = array<i32>} : memref<8x64xf32, #tpu.memory_space<vmem>>, vector<8x64xf32>,
    } else {
    }
    return
  }
  func.func @transform_0(%arg0: i32) -> (i32, i32) {
    %c0_i32 = arith.constant 0 : i32
    %c0_i32_0 = arith.constant 0 : i32
    return %arg0, %c0_i32 : i32, i32
  }
  func.func @transform_1(%arg0: i32) -> (i32, i32) {
    %c0_i32 = arith.constant 0 : i32
    %c0_i32_0 = arith.constant 0 : i32
    %c0_i32_1 = arith.constant 0 : i32
    return %c0_i32, %c0_i32_0 : i32, i32
  }
  func.func @transform_2(%arg0: i32) -> (i32, i32) {
    %c0_i32 = arith.constant 0 : i32
    %c0_i32_0 = arith.constant 0 : i32
    %c0_i32_1 = arith.constant 0 : i32
    return %c0_i32, %c0_i32_0 : i32, i32
  }
  func.func @transform_3(%arg0: i32) -> (i32, i32) {
    %c0_i32 = arith.constant 0 : i32
    %c0_i32_0 = arith.constant 0 : i32
    %c0_i32_1 = arith.constant 0 : i32
    return %c0_i32, %c0_i32_0 : i32, i32
  }
  func.func @transform_4(%arg0: i32) -> (i32, i32) {
    %c0_i32 = arith.constant 0 : i32
    %c0_i32_0 = arith.constant 0 : i32
    return %arg0, %c0_i32 : i32, i32
  }
  func.func @transform_5(%arg0: i32) -> (i32, i32) {
    %c0_i32 = arith.constant 0 : i32
    %c0_i32_0 = arith.constant 0 : i32
    %c0_i32_1 = arith.constant 0 : i32
    return %c0_i32, %c0_i32_0 : i32, i32
  }
}

module attributes {stable_mosaic.version = 14 : i64} {
  func.func @mk(%arg0: i32, %arg1: memref<256x192xf32, #tpu.memory_space<vmem>>, %arg2: memref<192x128xf32, #tpu.memory_space<vmem>>, %arg3: memref<8x192xf32, #tpu.memory_space<vmem>>, %arg4: memref<8x128xf32, #tpu.memory_space<vmem>>, %arg5: memref<256x128xf32, #tpu.memory_space<vmem>>, %arg6: memref<8x128xf32, #tpu.memory_space<vmem>>, %arg7: memref<8x128xf32, #tpu.memory_space<vmem>>) attributes {dimension_semantics = [#tpu.dimension_semantics<arbitrary>], iteration_bounds = array<i64: 48>, scalar_prefetch = 0 : i64, scratch_operands = 1 : i64, tpu.core_type = #tpu.core_type<tc>, window_params = [{transform_indices = @transform_0, window_bounds = array<i64: 256, 192>}, {pipeline_mode = #tpu.pipeline_mode<synchronous>, transform_indices = @transform_1, window_bounds = array<i64: 192, 128>}, {pipeline_mode = #tpu.pipeline_mode<synchronous>, transform_indices = @transform_2, window_bounds = array<i64: 8, 192>}, {pipeline_mode = #tpu.pipeline_mode<synchronous>, transform_indices = @transform_3, window_bounds = array<i64: 8, 128>}, {transform_indices = @transform_4, window_bounds = array<i64: 256, 128>}, {pipeline_mode = #tpu.pipeline_mode<synchronous>, transform_indices = @transform_5, window_bounds = array<i64: 8, 128>}]} {
    %eq3A = arith.constant 0 : i32
    %eq3A_0 = arith.cmpi eq, %arg0, %eq3A : i32
    %convert_element_type3A = arith.extui %eq3A_0 : i1 to i32
    %cond3A = arith.constant 0 : i32
    %cond3A_1 = arith.cmpi ne, %convert_element_type3A, %cond3A : i32
    scf.if %cond3A_1 {
      %broadcast_in_dim3A_62 = arith.constant 0.000000e+00 : f32
      %broadcast_in_dim3A_63 = vector.broadcast %broadcast_in_dim3A_62 : f32 to vector<8x128xf32>
      %swap3A_64 = arith.constant 0 : index
      %swap3A_65 = arith.constant 0 : index
      %swap3A_66 = vector.load %arg7[%swap3A_64, %swap3A_65] : memref<8x128xf32, #tpu.memory_space<vmem>>, vector<8x128xf32>
      tpu.vector_store %arg7[%swap3A_64, %swap3A_65], %broadcast_in_dim3A_63 {strides = array<i32>} : memref<8x128xf32, #tpu.memory_space<vmem>>, vector<8x128xf32>,
    } else {
    }
    %get3A = arith.constant 0 : index
    %get3A_2 = arith.constant 0 : index
    %get3A_3 = vector.load %arg1[%get3A, %get3A_2] : memref<256x192xf32, #tpu.memory_space<vmem>>, vector<256x192xf32>
    %get3A_4 = arith.constant 0 : index
    %get3A_5 = arith.constant 0 : index
    %get3A_6 = vector.load %arg3[%get3A_4, %get3A_5] : memref<8x192xf32, #tpu.memory_space<vmem>>, vector<1x192xf32>
    %sub3A = vector.broadcast %get3A_6 : vector<1x192xf32> to vector<256x192xf32>
    %sub3A_7 = arith.subf %get3A_3, %sub3A : vector<256x192xf32>
    %get3A_8 = arith.constant 1 : index
    %get3A_9 = arith.constant 0 : index
    %get3A_10 = vector.load %arg3[%get3A_8, %get3A_9] : memref<8x192xf32, #tpu.memory_space<vmem>>, vector<1x192xf32>
    %mul3A = vector.broadcast %get3A_10 : vector<1x192xf32> to vector<256x192xf32>
    %mul3A_11 = arith.mulf %sub3A_7, %mul3A : vector<256x192xf32>
    %get3A_12 = arith.constant 2 : index
    %get3A_13 = arith.constant 0 : index
    %get3A_14 = vector.load %arg3[%get3A_12, %get3A_13] : memref<8x192xf32, #tpu.memory_space<vmem>>, vector<1x192xf32>
    %add3A = vector.broadcast %get3A_14 : vector<1x192xf32> to vector<256x192xf32>
    %add3A_15 = arith.addf %mul3A_11, %add3A : vector<256x192xf32>
    %max3A = arith.constant 0.000000e+00 : f32
    %max3A_16 = vector.broadcast %max3A : f32 to vector<256x192xf32>
    %max3A_17 = arith.maximumf %add3A_15, %max3A_16 : vector<256x192xf32>
    %get3A_18 = arith.constant 0 : index
    %get3A_19 = arith.constant 0 : index
    %get3A_20 = vector.load %arg2[%get3A_18, %get3A_19] : memref<192x128xf32, #tpu.memory_space<vmem>>, vector<192x128xf32>
    %dot_general3A = arith.constant dense<0.000000e+00> : vector<256x128xf32>
    %dot_general3A_21 = tpu.matmul %max3A_17, %get3A_20, %dot_general3A {dimension_numbers = #tpu.dot_dimension_numbers<[1], [0], [0], [1], [0, 0, 1, 1], [], []>, transpose_lhs_hint = false} : vector<256x192xf32>, vector<192x128xf32>, vector<256x128xf32> -> vector<256x128xf32>
    %mul3A_22 = arith.constant 256 : i32
    %mul3A_23 = arith.muli %arg0, %mul3A_22 : i32
    %iota3A = tpu.iota {dimensions = array<i32: 0>} : vector<256x1xi32>
    %add3A_24 = vector.broadcast %mul3A_23 : i32 to vector<256x1xi32>
    %add3A_25 = arith.addi %add3A_24, %iota3A : vector<256x1xi32>
    %lt3A = arith.constant 10837 : i32
    %lt3A_26 = vector.broadcast %lt3A : i32 to vector<256x1xi32>
    %lt3A_27 = arith.cmpi slt, %add3A_25, %lt3A_26 : vector<256x1xi32>
    %jit3A = arith.constant 0.000000e+00 : f32
    %broadcast_in_dim3A = vector.shape_cast %lt3A_27 : vector<256x1xi1> to vector<256x1xi1>
    %broadcast_in_dim3A_28 = vector.broadcast %broadcast_in_dim3A : vector<256x1xi1> to vector<256x128xi1>
    %broadcast_in_dim3A_29 = vector.broadcast %jit3A : f32 to vector<256x128xf32>
    %select_n3A = arith.select %broadcast_in_dim3A_28, %dot_general3A_21, %broadcast_in_dim3A_29 : vector<256x128xi1>, vector<256x128xf32>
    %get3A_30 = arith.constant 0 : index
    %get3A_31 = arith.constant 0 : index
    %get3A_32 = vector.load %arg7[%get3A_30, %get3A_31] : memref<8x128xf32, #tpu.memory_space<vmem>>, vector<1x128xf32>
    %reduce_sum3A = arith.constant dense<0.000000e+00> : vector<128xf32>
    %reduce_sum3A_33 = vector.multi_reduction <add>, %select_n3A, %reduce_sum3A [0] : vector<256x128xf32> to vector<128xf32>
    %broadcast_in_dim3A_34 = vector.shape_cast %reduce_sum3A_33 : vector<128xf32> to vector<1x128xf32>
    %add3A_35 = arith.addf %get3A_32, %broadcast_in_dim3A_34 : vector<1x128xf32>
    %swap3A = arith.constant 0 : index
    %swap3A_36 = arith.constant 0 : index
    %swap3A_37 = vector.load %arg7[%swap3A, %swap3A_36] : memref<8x128xf32, #tpu.memory_space<vmem>>, vector<1x128xf32>
    tpu.vector_store %arg7[%swap3A, %swap3A_36], %add3A_35 {strides = array<i32>} : memref<8x128xf32, #tpu.memory_space<vmem>>, vector<1x128xf32>,
    %get3A_38 = arith.constant 1 : index
    %get3A_39 = arith.constant 0 : index
    %get3A_40 = vector.load %arg7[%get3A_38, %get3A_39] : memref<8x128xf32, #tpu.memory_space<vmem>>, vector<1x128xf32>
    %mul3A_41 = arith.mulf %select_n3A, %select_n3A : vector<256x128xf32>
    %reduce_sum3A_42 = arith.constant dense<0.000000e+00> : vector<128xf32>
    %reduce_sum3A_43 = vector.multi_reduction <add>, %mul3A_41, %reduce_sum3A_42 [0] : vector<256x128xf32> to vector<128xf32>
    %broadcast_in_dim3A_44 = vector.shape_cast %reduce_sum3A_43 : vector<128xf32> to vector<1x128xf32>
    %add3A_45 = arith.addf %get3A_40, %broadcast_in_dim3A_44 : vector<1x128xf32>
    %swap3A_46 = arith.constant 1 : index
    %swap3A_47 = arith.constant 0 : index
    %swap3A_48 = vector.load %arg7[%swap3A_46, %swap3A_47] : memref<8x128xf32, #tpu.memory_space<vmem>>, vector<1x128xf32>
    tpu.vector_store %arg7[%swap3A_46, %swap3A_47], %add3A_45 {strides = array<i32>} : memref<8x128xf32, #tpu.memory_space<vmem>>, vector<1x128xf32>,
    %jit3A_49 = arith.constant -1.000000e+30 : f32
    %broadcast_in_dim3A_50 = vector.shape_cast %lt3A_27 : vector<256x1xi1> to vector<256x1xi1>
    %broadcast_in_dim3A_51 = vector.broadcast %broadcast_in_dim3A_50 : vector<256x1xi1> to vector<256x128xi1>
    %broadcast_in_dim3A_52 = vector.broadcast %jit3A_49 : f32 to vector<256x128xf32>
    %select_n3A_53 = arith.select %broadcast_in_dim3A_51, %dot_general3A_21, %broadcast_in_dim3A_52 : vector<256x128xi1>, vector<256x128xf32>
    %swap3A_54 = arith.constant 0 : index
    %swap3A_55 = arith.constant 0 : index
    %swap3A_56 = vector.load %arg5[%swap3A_54, %swap3A_55] : memref<256x128xf32, #tpu.memory_space<vmem>>, vector<256x128xf32>
    tpu.vector_store %arg5[%swap3A_54, %swap3A_55], %select_n3A_53 {strides = array<i32>} : memref<256x128xf32, #tpu.memory_space<vmem>>, vector<256x128xf32>,
    %eq3A_57 = arith.constant 47 : i32
    %eq3A_58 = arith.cmpi eq, %arg0, %eq3A_57 : i32
    %convert_element_type3A_59 = arith.extui %eq3A_58 : i1 to i32
    %cond3A_60 = arith.constant 0 : i32
    %cond3A_61 = arith.cmpi ne, %convert_element_type3A_59, %cond3A_60 : i32
    scf.if %cond3A_61 {
      %get3A_62 = arith.constant 0 : index
      %get3A_63 = arith.constant 0 : index
      %get3A_64 = vector.load %arg7[%get3A_62, %get3A_63] : memref<8x128xf32, #tpu.memory_space<vmem>>, vector<1x128xf32>
      %div3A = arith.constant 1.083700e+04 : f32
      %div3A_65 = vector.broadcast %div3A : f32 to vector<1x128xf32>
      %div3A_66 = arith.divf %get3A_64, %div3A_65 : vector<1x128xf32>
      %get3A_67 = arith.constant 1 : index
      %get3A_68 = arith.constant 0 : index
      %get3A_69 = vector.load %arg7[%get3A_67, %get3A_68] : memref<8x128xf32, #tpu.memory_space<vmem>>, vector<1x128xf32>
      %div3A_70 = arith.constant 1.083700e+04 : f32
      %div3A_71 = vector.broadcast %div3A_70 : f32 to vector<1x128xf32>
      %div3A_72 = arith.divf %get3A_69, %div3A_71 : vector<1x128xf32>
      %mul3A_73 = arith.mulf %div3A_66, %div3A_66 : vector<1x128xf32>
      %sub3A_74 = arith.subf %div3A_72, %mul3A_73 : vector<1x128xf32>
      %add3A_75 = arith.constant 1.000000e-03 : f32
      %add3A_76 = vector.broadcast %add3A_75 : f32 to vector<1x128xf32>
      %add3A_77 = arith.addf %sub3A_74, %add3A_76 : vector<1x128xf32>
      %rsqrt3A = math.rsqrt %add3A_77 : vector<1x128xf32>
      %get3A_78 = arith.constant 0 : index
      %get3A_79 = arith.constant 0 : index
      %get3A_80 = vector.load %arg4[%get3A_78, %get3A_79] : memref<8x128xf32, #tpu.memory_space<vmem>>, vector<1x128xf32>
      %mul3A_81 = arith.mulf %rsqrt3A, %get3A_80 : vector<1x128xf32>
      %get3A_82 = arith.constant 1 : index
      %get3A_83 = arith.constant 0 : index
      %get3A_84 = vector.load %arg4[%get3A_82, %get3A_83] : memref<8x128xf32, #tpu.memory_space<vmem>>, vector<1x128xf32>
      %broadcast_in_dim3A_85 = arith.constant 0.000000e+00 : f32
      %broadcast_in_dim3A_86 = vector.broadcast %broadcast_in_dim3A_85 : f32 to vector<5x128xf32>
      %concatenate3A = tpu.concatenate %div3A_66, %mul3A_81, %get3A_84, %broadcast_in_dim3A_86 in 0 : vector<1x128xf32>, vector<1x128xf32>, vector<1x128xf32>, vector<5x128xf32> -> vector<8x128xf32>
      %swap3A_87 = arith.constant 0 : index
      %swap3A_88 = arith.constant 0 : index
      %swap3A_89 = vector.load %arg6[%swap3A_87, %swap3A_88] : memref<8x128xf32, #tpu.memory_space<vmem>>, vector<8x128xf32>
      tpu.vector_store %arg6[%swap3A_87, %swap3A_88], %concatenate3A {strides = array<i32>} : memref<8x128xf32, #tpu.memory_space<vmem>>, vector<8x128xf32>,
    } else {
    }
    return
  }
  func.func @transform_0(%arg0: i32) -> (i32, i32) {
    %c0_i32 = arith.constant 0 : i32
    %c0_i32_0 = arith.constant 0 : i32
    return %arg0, %c0_i32 : i32, i32
  }
  func.func @transform_1(%arg0: i32) -> (i32, i32) {
    %c0_i32 = arith.constant 0 : i32
    %c0_i32_0 = arith.constant 0 : i32
    %c0_i32_1 = arith.constant 0 : i32
    return %c0_i32, %c0_i32_0 : i32, i32
  }
  func.func @transform_2(%arg0: i32) -> (i32, i32) {
    %c0_i32 = arith.constant 0 : i32
    %c0_i32_0 = arith.constant 0 : i32
    %c0_i32_1 = arith.constant 0 : i32
    return %c0_i32, %c0_i32_0 : i32, i32
  }
  func.func @transform_3(%arg0: i32) -> (i32, i32) {
    %c0_i32 = arith.constant 0 : i32
    %c0_i32_0 = arith.constant 0 : i32
    %c0_i32_1 = arith.constant 0 : i32
    return %c0_i32, %c0_i32_0 : i32, i32
  }
  func.func @transform_4(%arg0: i32) -> (i32, i32) {
    %c0_i32 = arith.constant 0 : i32
    %c0_i32_0 = arith.constant 0 : i32
    return %arg0, %c0_i32 : i32, i32
  }
  func.func @transform_5(%arg0: i32) -> (i32, i32) {
    %c0_i32 = arith.constant 0 : i32
    %c0_i32_0 = arith.constant 0 : i32
    %c0_i32_1 = arith.constant 0 : i32
    return %c0_i32, %c0_i32_0 : i32, i32
  }
}

module attributes {stable_mosaic.version = 14 : i64} {
  func.func @fk(%arg0: i32, %arg1: memref<256x128xf32, #tpu.memory_space<vmem>>, %arg2: memref<8x128xf32, #tpu.memory_space<vmem>>, %arg3: memref<256x128xf32, #tpu.memory_space<vmem>>) attributes {dimension_semantics = [#tpu.dimension_semantics<arbitrary>], iteration_bounds = array<i64: 48>, scalar_prefetch = 0 : i64, scratch_operands = 0 : i64, tpu.core_type = #tpu.core_type<tc>, window_params = [{transform_indices = @transform_0, window_bounds = array<i64: 256, 128>}, {pipeline_mode = #tpu.pipeline_mode<synchronous>, transform_indices = @transform_1, window_bounds = array<i64: 8, 128>}, {transform_indices = @transform_2, window_bounds = array<i64: 256, 128>}]} {
    %get3A = arith.constant 0 : index
    %get3A_0 = arith.constant 0 : index
    %get3A_1 = vector.load %arg1[%get3A, %get3A_0] : memref<256x128xf32, #tpu.memory_space<vmem>>, vector<256x128xf32>
    %get3A_2 = arith.constant 0 : index
    %get3A_3 = arith.constant 0 : index
    %get3A_4 = vector.load %arg2[%get3A_2, %get3A_3] : memref<8x128xf32, #tpu.memory_space<vmem>>, vector<1x128xf32>
    %sub3A = vector.broadcast %get3A_4 : vector<1x128xf32> to vector<256x128xf32>
    %sub3A_5 = arith.subf %get3A_1, %sub3A : vector<256x128xf32>
    %get3A_6 = arith.constant 1 : index
    %get3A_7 = arith.constant 0 : index
    %get3A_8 = vector.load %arg2[%get3A_6, %get3A_7] : memref<8x128xf32, #tpu.memory_space<vmem>>, vector<1x128xf32>
    %mul3A = vector.broadcast %get3A_8 : vector<1x128xf32> to vector<256x128xf32>
    %mul3A_9 = arith.mulf %sub3A_5, %mul3A : vector<256x128xf32>
    %get3A_10 = arith.constant 2 : index
    %get3A_11 = arith.constant 0 : index
    %get3A_12 = vector.load %arg2[%get3A_10, %get3A_11] : memref<8x128xf32, #tpu.memory_space<vmem>>, vector<1x128xf32>
    %add3A = vector.broadcast %get3A_12 : vector<1x128xf32> to vector<256x128xf32>
    %add3A_13 = arith.addf %mul3A_9, %add3A : vector<256x128xf32>
    %max3A = arith.constant 0.000000e+00 : f32
    %max3A_14 = vector.broadcast %max3A : f32 to vector<256x128xf32>
    %max3A_15 = arith.maximumf %add3A_13, %max3A_14 : vector<256x128xf32>
    %swap3A = arith.constant 0 : index
    %swap3A_16 = arith.constant 0 : index
    %swap3A_17 = vector.load %arg3[%swap3A, %swap3A_16] : memref<256x128xf32, #tpu.memory_space<vmem>>, vector<256x128xf32>
    tpu.vector_store %arg3[%swap3A, %swap3A_16], %max3A_15 {strides = array<i32>} : memref<256x128xf32, #tpu.memory_space<vmem>>, vector<256x128xf32>,
    return
  }
  func.func @transform_0(%arg0: i32) -> (i32, i32) {
    %c0_i32 = arith.constant 0 : i32
    %c0_i32_0 = arith.constant 0 : i32
    return %arg0, %c0_i32 : i32, i32
  }
  func.func @transform_1(%arg0: i32) -> (i32, i32) {
    %c0_i32 = arith.constant 0 : i32
    %c0_i32_0 = arith.constant 0 : i32
    %c0_i32_1 = arith.constant 0 : i32
    return %c0_i32, %c0_i32_0 : i32, i32
  }
  func.func @transform_2(%arg0: i32) -> (i32, i32) {
    %c0_i32 = arith.constant 0 : i32
    %c0_i32_0 = arith.constant 0 : i32
    return %arg0, %c0_i32 : i32, i32
  }
}

</mosaic_0001>

<sc_bundles>
// kernel: kernel.29.cloned.1.call-start
scs
__scs_entry_jumppad:
0x0: {  	(pc) =	sbr.rel $0x88, $3  }
0x1: {  	(tag) =	ssettag $0x0;
	lr =	simm.s32 $0x1  }
0x2: {  	[smem:$0x3F7C] =	sst lr;
	_ =	strace $0xD0000000  }
0x3: {  	_ = 	snop  }
0x4: {  	_ = 	snop  }
0x5: {  	_ = 	snop  }
0x6: {  	_ = 	snop  }
0x7: {  	_ = 	snop  }
__scs_overlays_trampoline_lowered:
0x8: {  	[smem:$0x3F8B] =	sst s0  }
0x9: {  	[smem:$0x3F8C] =	sst s1  }
0xa: {  	[smem:$0x3F8D] =	sst s2  }
0xb: {  	[smem:$0x3F8E] =	sst s3  }
0xc: {  	[smem:$0x3F8F] =	sst s4  }
0xd: {  	[smem:$0x3F90] =	sst s5  }
0xe: {  	[smem:$0x3F91] =	sst s6  }
0xf: {  	[smem:$0x3F92] =	sst s7  }
0x10: {  	[smem:$0x3F93] =	sst s8  }
0x11: {  	[smem:$0x3F94] =	sst s9;
	s0 =	simm.s32 @!p0 $0x0  }
0x12: {  	s1 =	sld [smem:$0x3F7A];
	s0 =	simm.s32 @p0 $0x1  }
0x13: {  	[smem:$0x3F95] =	sst s0;
	s0 =	simm.s32 @!p1 $0x0  }
0x14: {  	s2 =	sld [smem:$0x3F79];
	s0 =	simm.s32 @p1 $0x1  }
0x15: {  	[smem:$0x3F96] =	sst s0;
	s0 =	simm.s32 @!p2 $0x0  }
0x16: {  	s3 =	sld [smem:$0x3FDB];
	s0 =	simm.s32 @p2 $0x1  }
0x17: {  	s4 =	simm.s32 $0x1BF5;
	[smem:$0x3F98] =	sst s0  }
0x18: {  	s0 =	sld [smem:$0x3F7B];
	_ =	swait.ge [sflag:s4], $0x0  }
0x19: {  	s7 =	sld [smem:$0x3F7C]  }
0x1a: {  	s8 =	sadd.s32 $0xFFFFE003, lr  }
0x1b: {  	s9 =	sadd.s32 $0xFFFFFEF7, lr;
	s5 =	simm.s32 $0xFFFFFFFF;
	p2 =	slt.u32 s8, $0xFFFFF086  }
0x1c: {  	p1 =	slt.u32 s9, $0xF7A;
	s5 =	simm.s32 @!p2 $0x0  }
0x1d: {  	s5 =	simm.s32 @p1 $0x1;
	p0 =	seq.s32 s7, s2  }
0x1e: {  	s7 =	smul.u32 @!p0 $0xF7A, s2;
	p2 =	seq.s32 @!p0 s5, $0x0  }
0x1f: {  	s9 =	smul.u32 $0xF7A, s1;
	s8 =	simm.s32 @!p0 $0x1BF5;
	p2 =	por !p2, p0  }
0x20: {  	[sflag:s8] =	ssyncset.s32 @!p0 $0xFFFFF086;
	s6 =	sadd.s32 @!p0 s3, s7;
	s7 =	simm.s32 @!p0 $0x108  }
0x21: {  	s3 =	sadd.s32 s3, s9;
	s6 =	sadd.s32 @!p0 $0x88, s6;
	s7 =	simm.s32 @p2 $0x1082  }
0x22: {  	[simem:s7], [sflag:s8] =	dma.local @!p0 [hbm:s6], $0xF7A  }
0x23: {  	s9 =	sor.u32 $0xD0000000, s2;
	s6 =	simm.s32 $0x108;
	_ =	swait.ge @!p0 [sflag:s8], $0x0  }
0x24: {  	s3 =	sadd.s32 $0x88, s3;
	s6 =	simm.s32 @!p1 $0x1082;
	[sflag:s4] =	ssyncset.s32 $0xFFFFF086  }
0x25: {  	[simem:s6], [sflag:s4] =	dma.local [hbm:s3], $0xF7A  }
0x26: {  	[smem:$0x3F7C] =	sst s1;
	(tag) =	ssettag s2;
	_ =	strace s9  }
0x27: {  	s1 =	sld [smem:$0x3F8C]  }
0x28: {  	s2 =	sld [smem:$0x3F8D]  }
0x29: {  	s4 =	sld [smem:$0x3F8F]  }
0x2a: {  	p0 =	seq.s32 s5, $0x0;
	s5 =	sld [smem:$0x3F90]  }
0x2b: {  	s6 =	sld [smem:$0x3F91]  }
0x2c: {  	s7 =	sld [smem:$0x3F92]  }
0x2d: {  	s3 =	simm.s32 $0x108;
	s8 =	sld [smem:$0x3F93]  }
0x2e: {  	s3 =	simm.s32 @!p0 $0x1082;
	s9 =	sld [smem:$0x3F94]  }
0x2f: {  	lr =	sadd.s32 s0, s3;
	s0 =	sld [smem:$0x3F8B]  }
0x30: {  	s3 =	sld [smem:$0x3F8E]  }
0x31: {  	[smem:$0x3F97] =	sst s10  }
0x32: {  	s10 =	sld [smem:$0x3F95];
	_ =	sdelay $0x3  }
0x33: {  	p0 =	seq.s32 s10, $0x1;
	s10 =	sld [smem:$0x3F97];
	_ =	sdelay $0x3  }
0x34: {  	[smem:$0x3F97] =	sst s10  }
0x35: {  	s10 =	sld [smem:$0x3F96];
	_ =	sdelay $0x3  }
0x36: {  	p1 =	seq.s32 s10, $0x1;
	s10 =	sld [smem:$0x3F97];
	_ =	sdelay $0x3  }
0x37: {  	[smem:$0x3F97] =	sst s10  }
0x38: {  	s10 =	sld [smem:$0x3F98]  }
0x39: {  	_ = 	snop;
	(pc) =	sbr.ind lr, $3  }
0x3a: {  	_ = 	snop  }
0x3b: {  	_ = 	snop  }
0x3c: {  	p2 =	seq.s32 s10, $0x1;
	s10 =	sld [smem:$0x3F97]  }
0x3d: {  	_ =	shalt  }
0x3e: {  	_ =	shalt  }
0x3f: {  	_ =	shalt  }
0x40: {  	_ =	shalt  }
0x41: {  	_ =	shalt  }
0x42: {  	_ =	shalt  }
0x43: {  	_ =	shalt  }
0x44: {  	_ =	shalt  }
0x45: {  	_ =	shalt  }
0x46: {  	_ =	shalt  }
0x47: {  	_ =	shalt  }
0x48: {  	_ =	shalt  }
0x49: {  	_ =	shalt  }
0x4a: {  	_ =	shalt  }
0x4b: {  	_ =	shalt  }
0x4c: {  	_ =	shalt  }
0x4d: {  	_ =	shalt  }
0x4e: {  	_ =	shalt  }
0x4f: {  	_ =	shalt  }
0x50: {  	_ =	shalt  }
0x51: {  	_ =	shalt  }
0x52: {  	_ =	shalt  }
0x53: {  	_ =	shalt  }
0x54: {  	_ =	shalt  }
0x55: {  	_ =	shalt  }
0x56: {  	_ =	shalt  }
0x57: {  	_ =	shalt  }
0x58: {  	_ =	shalt  }
0x59: {  	_ =	shalt  }
0x5a: {  	_ =	shalt  }
0x5b: {  	_ =	shalt  }
0x5c: {  	_ =	shalt  }
0x5d: {  	_ =	shalt  }
0x5e: {  	_ =	shalt  }
0x5f: {  	_ =	shalt  }
0x60: {  	_ =	shalt  }
0x61: {  	_ =	shalt  }
0x62: {  	_ =	shalt  }
0x63: {  	_ =	shalt  }
0x64: {  	_ =	shalt  }
0x65: {  	_ =	shalt  }
0x66: {  	_ =	shalt  }
0x67: {  	_ =	shalt  }
0x68: {  	_ =	shalt  }
0x69: {  	_ =	shalt  }
0x6a: {  	_ =	shalt  }
0x6b: {  	_ =	shalt  }
0x6c: {  	_ =	shalt  }
0x6d: {  	_ =	shalt  }
0x6e: {  	_ =	shalt  }
0x6f: {  	_ =	shalt  }
0x70: {  	_ =	shalt  }
0x71: {  	_ =	shalt  }
0x72: {  	_ =	shalt  }
0x73: {  	_ =	shalt  }
0x74: {  	_ =	shalt  }
0x75: {  	_ =	shalt  }
0x76: {  	_ =	shalt  }
0x77: {  	_ =	shalt  }
0x78: {  	_ =	shalt  }
0x79: {  	_ =	shalt  }
0x7a: {  	_ =	shalt  }
0x7b: {  	_ =	shalt  }
0x7c: {  	_ =	shalt  }
0x7d: {  	_ =	shalt  }
0x7e: {  	_ =	shalt  }
0x7f: {  	_ =	shalt  }
0x80: {  	_ =	shalt  }
0x81: {  	_ =	shalt  }
0x82: {  	_ =	shalt  }
0x83: {  	_ =	shalt  }
0x84: {  	_ =	shalt  }
0x85: {  	_ =	shalt  }
0x86: {  	_ =	shalt  }
0x87: {  	_ =	shalt  }
.Lfunc_end0:
.L_simem_size_0:
called_computation_lowered:
.L_overlay_start_0:
0x88: {  	s2 =	sld [smem:$0x3FD9]  }
0x89: {  	s3 =	sld [smem:$0x3FFE];
	_ =	sdelay $0x1  }
0x8a: {  	s1 =	srdreg.scid  }
0x8b: {  	s0 =	sand.u32 $0x1, s1  }
0x8c: {  	s17 =	sshll.u32 s0, $0xA;
	s2 =	sadd.s32 s3, s2  }
0x8d: {  	s2 =	sadd.s32 s2, s17  }
0x8e: {  	[smem:$0x3FA3] =	sst s2  }
0x8f: {  	_ = 	snop  }
0x90: {  	s2 =	sld [smem:$0x3FD0];
	(tm) =	ssettm $0x1  }
0x91: {  	s18 =	sld [smem:$0x3FFB];
	_ =	sdelay $0x3  }
0x92: {  	_ =	strace s18  }
0x93: {  	s3 =	sld [smem:$0x3FFC];
	_ =	sdelay $0x3  }
0x94: {  	_ =	strace s3  }
0x95: {  	s3 =	sld [smem:$0x3FFD];
	_ =	sdelay $0x3  }
0x96: {  	_ =	strace s3  }
0x97: {  	_ =	strace $0x8FFFFFFF  }
0x98: {  	s19 =	sld [smem:$0x3FDB];
	_ =	sdelay $0x1  }
0x99: {  	s4 =	simm.s32 $_scs_section_size  }
0x9a: {  	s5 =	simm.s32 $_size__tile_overlayer_lowered;
	s6 =	simm.s32 $_tile_overlayer_lowered  }
0x9b: {  	s22 =	simm.s32 $0x1BFF;
	s21 =	sshll.u32 s6, $0x1;
	s3 =	sadd.s32 s4, s19  }
0x9c: {  	s7 =	simm.s32 $0x0;
	s20 =	sshll.u32 s5, $0x1;
	s5 =	sadd.s32 s21, s3  }
0x9d: {  	[timem:s7], [sflag:s22] =	dma.local [hbm:s5], s20  }
0x9e: {  	_ =	swait.ge [sflag:s22], s20  }
0x9f: {  	s4 =	ssub.s32 $0x0, s20;
	[sflag:s22] =	ssyncset.done $0x0  }
0xa0: {  	[sflag:s22] =	ssyncadd.s32 s4;
	_ =	sdelay $0x1  }
0xa1: {  	s23 =	simm.s32 $0x1B8B  }
0xa2: {  	_ =	swait.ge [sflag:s23], $0x1  }
0xa3: {  	[sflag:s23] =	ssyncset.done $0x0  }
0xa4: {  	s25 =	simm.s32 $0x1B8E;
	s24 =	sld [smem:$0x3FFE];
	[sflag:s23] =	ssyncadd.s32 $0xFFFFFFFF  }
0xa5: {  	s26 =	simm.s32 $execute0_lowered;
	[smem:$0x3FD2] =	sst s25  }
0xa6: {  	s5 =	sshll.u32 s26, $0x1;
	_ =	strace $0x80000046;
	[dreg:$0x1] =	wrdreg $0xFFFFFFFF  }
0xa7: {  	s28 =	simm.s32 $_size_execute0_lowered;
	s3 =	sadd.s32 s3, s5;
	[dreg:$0x0] =	wrdreg $0x0  }
0xa8: {  	s5 =	sshll.u32 s28, $0x1;
	[dreg:$0x2] =	wrdreg s3  }
0xa9: {  	[dreg:$0x3] =	wrdreg s5  }
0xaa: {  	[dreg:$0x4] =	wrdreg $0xC0  }
0xab: {  	_ =	task [dreg:s7], $0x5FFFF  }
0xac: {  	[dreg:$0x1] =	wrdreg $0xFFFFFFFF  }
0xad: {  	[dreg:$0x0] =	wrdreg $0x60  }
0xae: {  	[dreg:$0x2] =	wrdreg s2  }
0xaf: {  	[dreg:$0x3] =	wrdreg s24  }
0xb0: {  	[dreg:$0x4] =	wrdreg $0x9  }
0xb1: {  	_ =	task.clear_ibuf [dreg:s7], $0x5FFFF;
	_ =	strace $0x90000046  }
0xb2: {  	s29 =	simm.s32 $0x9;
	_ =	strace $0x80000048  }
0xb3: {  	_ =	swait.ge [sflag:s29], $0x1  }
0xb4: {  	[sflag:s29] =	ssyncadd.s32 $0xFFFFFFFF  }
0xb5: {  	_ =	strace $0x90000048  }
0xb6: {  	_ =	sfence  }
0xb7: {  	s30 =	sld [smem:$0x0];
	_ =	sdelay $0x2  }
0xb8: {  	s31 =	sshll.u32 s1, $0xD;
	s1 =	sshrl.u32 s1, $0x2  }
0xb9: {  	s3 =	sand.u32 $0x4000, s31;
	s1 =	sadd.s32 s1, s30  }
0xba: {  	s0 =	sor.u32 s3, s0;
	s1 =	sshll.u32 s1, $0x11  }
0xbb: {  	s0 =	sor.u32 s1, s0  }
0xbc: {  	s0 =	sadd.s32 $0x8F2B, s0  }
0xbd: {  	[sflag:s0] =	ssyncadd.remote.s32 $0x1  }
0xbe: {  	_ =	sfence.sel $0xFFFF  }
0xbf: {  	[dreg:$0x0] =	wrdreg $0xFFFFFFFF;
	(pc) =	sbr.abs _section_cstart, $3  }
0xc0: {  	[dreg:$0x1] =	wrdreg $0xFFFFFFFF  }
0xc1: {  	_ =	task.clear_ibuf [dreg:s7], $0x2FFFF;
	_ =	strace $0x9FFFFFFF  }
0xc2: {  	(tm) =	ssettm $0x7FFFFFFF  }
0xc3: {  	_ =	shalt  }
tec
execute0_lowered:
.L_overlay_start_1:
0x0: {  	(tag) =	ssettag $0x1  }
0x1: {  	s2 =	rddreg [dreg:$0x0]  }
0x2: {  	s4 =	rddreg [dreg:$0x1]  }
0x3: {  	s0 =	rddreg [dreg:$0x2];
	s1 =	stileid.u32  }
0x4: {  	s5 =	srdreg.scid;
	s3 =	simm.s32 $0x0;
	s6 =	smul.u32 $0x19500, s1  }
0x5: {  	s10 =	simm.s32 $0x0;
	s5 =	sand.u32 $0x1, s5;
	s8 =	smul.u32 $0x32A00, s1  }
0x6: {  	[smem:$0x7FF] =	sst s3;
	s7 =	smul.u32 $0xCA80, s5;
	s9 =	ssub.s32 $0x2, s5  }
0x7: {  	_ =	strace $0x80000047;
	s5 =	smul.u32 $0x19500, s5;
	s31 =	sshrl.u32 s9, $0x1  }
0x8: {  	s8 =	sadd.s32 s8, s4;
	s6 =	sadd.s32 s7, s6;
	s7 =	ssub.s32 s9, s31  }
0x9: {  	s5 =	sadd.s32 s5, s8;
	s8 =	simm.s32 $0x80;
	s6 =	sshrl.u32 s6, $0x3  }
0xa: {  	s9 =	simm.s32 $0x1;
	s5 =	sadd.s32 $0x74600, s5;
	s6 =	sadd.s32 s6, s4  }
0xb: {  	s4 =	smax.u32 s7, $0x1;
	s7 =	simm.s32 $0x2;
	s6 =	sadd.s32 $0xF200, s6  }
.LBB2_1:
0xc: {  	s11 =	sadd.s32 $0x0, s6  }
0xd: {  	[tilespmem:s3], [sflag:$0x2] =	stream.linear.gather [hbm4b:s11+s3], $0x80, $0x38;
	[tilespmem:$0x880] =	vst v63  }
0xe: {  	_ =	swait.ge [sflag:s7], $0x80  }
0xf: {  	[sflag:s7] =	ssyncset.done $0x0  }
0x10: {  	[sflag:s7] =	ssyncadd.s32 $0xFFFFFF80  }
0x11: {  	[tilespmem:s8], [sflag:$0x1] =	stream.indirect.gather [hbm4b:s2+s8], $0x10, s3, s8, $0xb8;
	[tilespmem:$0x880] =	vst v63  }
0x12: {  	_ =	swait.ge [sflag:s9], $0x800  }
0x13: {  	[sflag:s9] =	ssyncset.done $0x0  }
0x14: {  	[sflag:s9] =	ssyncadd.s32 $0xFFFFF800  }
0x15: {  	[hbm4b:s5+s3] =	stream.linear.scatter [tilespmem:s8], [sflag:$0x2], $0x800, $0x38;
	[tilespmem:$0x880] =	vst v63  }
0x16: {  	s12 =	simm.s32 $0x10;
	_ =	swait.ge [sflag:s7], $0x800  }
0x17: {  	s13 =	simm.s32 $0x20;
	s11 =	sadd.s32 $0x100, s5;
	[sflag:s7] =	ssyncset.done $0x0  }
.LBB2_2:
0x18: {  	s14 =	sadd.s32 s12, s6  }
0x19: {  	[sflag:s7] =	ssyncadd.s32 $0xFFFFF800;
	s12 =	smov.u32 s13;
	s15 =	sadd.s32 $0x10, s13  }
0x1a: {  	[tilespmem:s3], [sflag:$0x2] =	stream.linear.gather [hbm4b:s14+s3], $0x80, $0x38;
	[tilespmem:$0x880] =	vst v63  }
0x1b: {  	p0 =	sne.s32 s13, $0x1940;
	_ =	swait.ge [sflag:s7], $0x80  }
0x1c: {  	[sflag:s7] =	ssyncset.done $0x0  }
0x1d: {  	[sflag:s7] =	ssyncadd.s32 $0xFFFFFF80  }
0x1e: {  	[tilespmem:s8], [sflag:$0x1] =	stream.indirect.gather [hbm4b:s2+s8], $0x10, s3, s8, $0xb8;
	[tilespmem:$0x880] =	vst v63  }
0x1f: {  	_ =	swait.ge [sflag:s9], $0x800  }
.Ltmp0:
0x20: {  	[sflag:s9] =	ssyncset.done $0x0;
	(pc) =	sbr.rel @p0 .LBB2_2-.Ltmp0, $4  }
0x21: {  	[sflag:s9] =	ssyncadd.s32 $0xFFFFF800  }
0x22: {  	[hbm4b:s11+s3] =	stream.linear.scatter [tilespmem:s8], [sflag:$0x2], $0x800, $0x38;
	[tilespmem:$0x880] =	vst v63  }
0x23: {  	_ =	swait.ge [sflag:s7], $0x800  }
0x24: {  	s13 =	smov.u32 s15;
	s11 =	sadd.s32 $0x100, s11;
	[sflag:s7] =	ssyncset.done $0x0  }
0x25: {  	s12 =	sadd.s32 s12, s6;
	[sflag:s7] =	ssyncadd.s32 $0xFFFFF800  }
0x26: {  	[tilespmem:s3], [sflag:$0x2] =	stream.linear.gather [hbm4b:s12+s3], $0x80, $0x38;
	[tilespmem:$0x880] =	vst v63  }
0x27: {  	_ =	swait.ge [sflag:s7], $0x80  }
0x28: {  	[sflag:s7] =	ssyncset.done $0x0  }
0x29: {  	[sflag:s7] =	ssyncadd.s32 $0xFFFFFF80  }
0x2a: {  	[tilespmem:s8], [sflag:$0x1] =	stream.indirect.gather [hbm4b:s2+s8], $0x10, s3, s8, $0xb8;
	[tilespmem:$0x880] =	vst v63  }
0x2b: {  	s10 =	sadd.s32 $0x1, s10;
	_ =	swait.ge [sflag:s9], $0x800  }
0x2c: {  	p0 =	sne.s32 s10, s4;
	[sflag:s9] =	ssyncset.done $0x0  }
.Ltmp1:
0x2d: {  	[sflag:s9] =	ssyncadd.s32 $0xFFFFF800;
	(pc) =	sbr.rel @p0 .LBB2_1-.Ltmp1, $4  }
0x2e: {  	[hbm4b:s11+s3] =	stream.linear.scatter [tilespmem:s8], [sflag:$0x2], $0x800, $0x38;
	[tilespmem:$0x880] =	vst v63  }
0x2f: {  	_ =	swait.ge [sflag:s7], $0x800  }
0x30: {  	[sflag:s7] =	ssyncset.done $0x0  }
0x31: {  	[sflag:s7] =	ssyncadd.s32 $0xFFFFF800  }
0x32: {  	_ =	sfence.sel $0x180000  }
0x33: {  	[bflag:$0x0] =	sbarrier.arrive $0xFFFF  }
0x34: {  	p0 =	sne.s32 s1, $0x0;
	_ =	strace $0x90000047  }
0x35: {  	s0 =	sadd.s32 @!p0 $0x100000, s0;
	[bflag:$0x2] =	sbarrier.arrive $0xFFFF  }
0x36: {  	[sflag:s0] =	ssyncadd.tile.s32 @!p0 $0x1;
	_ =	shalt  }
.Lfunc_end2:
_tile_overlayer_lowered:
.L_overlay_start_2:
0x37: {  	(tag) =	ssettag $0x2  }
0x38: {  	s0 =	rddreg [dreg:$0x0];
	s2 =	stileid.u32  }
0x39: {  	s1 =	rddreg [dreg:$0x1];
	p0 =	sne.s32 s2, $0x0  }
0x3a: {  	s3 =	rddreg [dreg:$0x2];
	[bflag:$0x3] =	sbarrier.arrive $0xFFFF;
	s2 =	simm.s32 @!p0 $0x1C02  }
0x3b: {  	[timem:s3], [sflag:s2] =	dma.local @!p0 [hbm:s0], s1  }
0x3c: {  	s0 =	simm.s32 @!p0 $0x2  }
0x3d: {  	_ =	swait.ge @!p0 [sflag:s0], s1  }
0x3e: {  	s1 =	ssub.s32 @!p0 $0x0, s1;
	[sflag:s0] =	ssyncset.done @!p0 $0x0  }
0x3f: {  	[sflag:s0] =	ssyncadd.s32 @!p0 s1  }
0x40: {  	[bflag:$0x3] =	sbarrier.arrive $0xFFFF  }
0x41: {  	_ =	shalt  }

// kernel: kernel.32.cloned.1.call-start
scs
__scs_entry_jumppad:
0x0: {  	(pc) =	sbr.rel $0x88, $3  }
0x1: {  	(tag) =	ssettag $0x0;
	lr =	simm.s32 $0x1  }
0x2: {  	[smem:$0x3F7C] =	sst lr;
	_ =	strace $0xD0000000  }
0x3: {  	_ = 	snop  }
0x4: {  	_ = 	snop  }
0x5: {  	_ = 	snop  }
0x6: {  	_ = 	snop  }
0x7: {  	_ = 	snop  }
__scs_overlays_trampoline_lowered:
0x8: {  	[smem:$0x3F8B] =	sst s0  }
0x9: {  	[smem:$0x3F8C] =	sst s1  }
0xa: {  	[smem:$0x3F8D] =	sst s2  }
0xb: {  	[smem:$0x3F8E] =	sst s3  }
0xc: {  	[smem:$0x3F8F] =	sst s4  }
0xd: {  	[smem:$0x3F90] =	sst s5  }
0xe: {  	[smem:$0x3F91] =	sst s6  }
0xf: {  	[smem:$0x3F92] =	sst s7  }
0x10: {  	[smem:$0x3F93] =	sst s8  }
0x11: {  	[smem:$0x3F94] =	sst s9;
	s0 =	simm.s32 @!p0 $0x0  }
0x12: {  	s1 =	sld [smem:$0x3F7A];
	s0 =	simm.s32 @p0 $0x1  }
0x13: {  	[smem:$0x3F95] =	sst s0;
	s0 =	simm.s32 @!p1 $0x0  }
0x14: {  	s2 =	sld [smem:$0x3F79];
	s0 =	simm.s32 @p1 $0x1  }
0x15: {  	[smem:$0x3F96] =	sst s0;
	s0 =	simm.s32 @!p2 $0x0  }
0x16: {  	s3 =	sld [smem:$0x3FDB];
	s0 =	simm.s32 @p2 $0x1  }
0x17: {  	s4 =	simm.s32 $0x1BF5;
	[smem:$0x3F98] =	sst s0  }
0x18: {  	s0 =	sld [smem:$0x3F7B];
	_ =	swait.ge [sflag:s4], $0x0  }
0x19: {  	s7 =	sld [smem:$0x3F7C]  }
0x1a: {  	s8 =	sadd.s32 $0xFFFFE003, lr  }
0x1b: {  	s9 =	sadd.s32 $0xFFFFFEF7, lr;
	s5 =	simm.s32 $0xFFFFFFFF;
	p2 =	slt.u32 s8, $0xFFFFF086  }
0x1c: {  	p1 =	slt.u32 s9, $0xF7A;
	s5 =	simm.s32 @!p2 $0x0  }
0x1d: {  	s5 =	simm.s32 @p1 $0x1;
	p0 =	seq.s32 s7, s2  }
0x1e: {  	s7 =	smul.u32 @!p0 $0xF7A, s2;
	p2 =	seq.s32 @!p0 s5, $0x0  }
0x1f: {  	s9 =	smul.u32 $0xF7A, s1;
	s8 =	simm.s32 @!p0 $0x1BF5;
	p2 =	por !p2, p0  }
0x20: {  	[sflag:s8] =	ssyncset.s32 @!p0 $0xFFFFF086;
	s6 =	sadd.s32 @!p0 s3, s7;
	s7 =	simm.s32 @!p0 $0x108  }
0x21: {  	s3 =	sadd.s32 s3, s9;
	s6 =	sadd.s32 @!p0 $0x88, s6;
	s7 =	simm.s32 @p2 $0x1082  }
0x22: {  	[simem:s7], [sflag:s8] =	dma.local @!p0 [hbm:s6], $0xF7A  }
0x23: {  	s9 =	sor.u32 $0xD0000000, s2;
	s6 =	simm.s32 $0x108;
	_ =	swait.ge @!p0 [sflag:s8], $0x0  }
0x24: {  	s3 =	sadd.s32 $0x88, s3;
	s6 =	simm.s32 @!p1 $0x1082;
	[sflag:s4] =	ssyncset.s32 $0xFFFFF086  }
0x25: {  	[simem:s6], [sflag:s4] =	dma.local [hbm:s3], $0xF7A  }
0x26: {  	[smem:$0x3F7C] =	sst s1;
	(tag) =	ssettag s2;
	_ =	strace s9  }
0x27: {  	s1 =	sld [smem:$0x3F8C]  }
0x28: {  	s2 =	sld [smem:$0x3F8D]  }
0x29: {  	s4 =	sld [smem:$0x3F8F]  }
0x2a: {  	p0 =	seq.s32 s5, $0x0;
	s5 =	sld [smem:$0x3F90]  }
0x2b: {  	s6 =	sld [smem:$0x3F91]  }
0x2c: {  	s7 =	sld [smem:$0x3F92]  }
0x2d: {  	s3 =	simm.s32 $0x108;
	s8 =	sld [smem:$0x3F93]  }
0x2e: {  	s3 =	simm.s32 @!p0 $0x1082;
	s9 =	sld [smem:$0x3F94]  }
0x2f: {  	lr =	sadd.s32 s0, s3;
	s0 =	sld [smem:$0x3F8B]  }
0x30: {  	s3 =	sld [smem:$0x3F8E]  }
0x31: {  	[smem:$0x3F97] =	sst s10  }
0x32: {  	s10 =	sld [smem:$0x3F95];
	_ =	sdelay $0x3  }
0x33: {  	p0 =	seq.s32 s10, $0x1;
	s10 =	sld [smem:$0x3F97];
	_ =	sdelay $0x3  }
0x34: {  	[smem:$0x3F97] =	sst s10  }
0x35: {  	s10 =	sld [smem:$0x3F96];
	_ =	sdelay $0x3  }
0x36: {  	p1 =	seq.s32 s10, $0x1;
	s10 =	sld [smem:$0x3F97];
	_ =	sdelay $0x3  }
0x37: {  	[smem:$0x3F97] =	sst s10  }
0x38: {  	s10 =	sld [smem:$0x3F98]  }
0x39: {  	_ = 	snop;
	(pc) =	sbr.ind lr, $3  }
0x3a: {  	_ = 	snop  }
0x3b: {  	_ = 	snop  }
0x3c: {  	p2 =	seq.s32 s10, $0x1;
	s10 =	sld [smem:$0x3F97]  }
0x3d: {  	_ =	shalt  }
0x3e: {  	_ =	shalt  }
0x3f: {  	_ =	shalt  }
0x40: {  	_ =	shalt  }
0x41: {  	_ =	shalt  }
0x42: {  	_ =	shalt  }
0x43: {  	_ =	shalt  }
0x44: {  	_ =	shalt  }
0x45: {  	_ =	shalt  }
0x46: {  	_ =	shalt  }
0x47: {  	_ =	shalt  }
0x48: {  	_ =	shalt  }
0x49: {  	_ =	shalt  }
0x4a: {  	_ =	shalt  }
0x4b: {  	_ =	shalt  }
0x4c: {  	_ =	shalt  }
0x4d: {  	_ =	shalt  }
0x4e: {  	_ =	shalt  }
0x4f: {  	_ =	shalt  }
0x50: {  	_ =	shalt  }
0x51: {  	_ =	shalt  }
0x52: {  	_ =	shalt  }
0x53: {  	_ =	shalt  }
0x54: {  	_ =	shalt  }
0x55: {  	_ =	shalt  }
0x56: {  	_ =	shalt  }
0x57: {  	_ =	shalt  }
0x58: {  	_ =	shalt  }
0x59: {  	_ =	shalt  }
0x5a: {  	_ =	shalt  }
0x5b: {  	_ =	shalt  }
0x5c: {  	_ =	shalt  }
0x5d: {  	_ =	shalt  }
0x5e: {  	_ =	shalt  }
0x5f: {  	_ =	shalt  }
0x60: {  	_ =	shalt  }
0x61: {  	_ =	shalt  }
0x62: {  	_ =	shalt  }
0x63: {  	_ =	shalt  }
0x64: {  	_ =	shalt  }
0x65: {  	_ =	shalt  }
0x66: {  	_ =	shalt  }
0x67: {  	_ =	shalt  }
0x68: {  	_ =	shalt  }
0x69: {  	_ =	shalt  }
0x6a: {  	_ =	shalt  }
0x6b: {  	_ =	shalt  }
0x6c: {  	_ =	shalt  }
0x6d: {  	_ =	shalt  }
0x6e: {  	_ =	shalt  }
0x6f: {  	_ =	shalt  }
0x70: {  	_ =	shalt  }
0x71: {  	_ =	shalt  }
0x72: {  	_ =	shalt  }
0x73: {  	_ =	shalt  }
0x74: {  	_ =	shalt  }
0x75: {  	_ =	shalt  }
0x76: {  	_ =	shalt  }
0x77: {  	_ =	shalt  }
0x78: {  	_ =	shalt  }
0x79: {  	_ =	shalt  }
0x7a: {  	_ =	shalt  }
0x7b: {  	_ =	shalt  }
0x7c: {  	_ =	shalt  }
0x7d: {  	_ =	shalt  }
0x7e: {  	_ =	shalt  }
0x7f: {  	_ =	shalt  }
0x80: {  	_ =	shalt  }
0x81: {  	_ =	shalt  }
0x82: {  	_ =	shalt  }
0x83: {  	_ =	shalt  }
0x84: {  	_ =	shalt  }
0x85: {  	_ =	shalt  }
0x86: {  	_ =	shalt  }
0x87: {  	_ =	shalt  }
.Lfunc_end0:
.L_simem_size_0:
called_computation.1_lowered:
.L_overlay_start_0:
0x88: {  	s2 =	sld [smem:$0x3FD9]  }
0x89: {  	s3 =	sld [smem:$0x3FFE];
	_ =	sdelay $0x1  }
0x8a: {  	s1 =	srdreg.scid  }
0x8b: {  	s0 =	sand.u32 $0x1, s1  }
0x8c: {  	s17 =	sshll.u32 s0, $0xA;
	s2 =	sadd.s32 s3, s2  }
0x8d: {  	s2 =	sadd.s32 s2, s17  }
0x8e: {  	[smem:$0x3FA3] =	sst s2  }
0x8f: {  	_ = 	snop  }
0x90: {  	s2 =	sld [smem:$0x3FD0];
	(tm) =	ssettm $0x1  }
0x91: {  	s18 =	sld [smem:$0x3FFB];
	_ =	sdelay $0x3  }
0x92: {  	_ =	strace s18  }
0x93: {  	s3 =	sld [smem:$0x3FFC];
	_ =	sdelay $0x3  }
0x94: {  	_ =	strace s3  }
0x95: {  	s3 =	sld [smem:$0x3FFD];
	_ =	sdelay $0x3  }
0x96: {  	_ =	strace s3  }
0x97: {  	_ =	strace $0x8FFFFFFF  }
0x98: {  	s19 =	sld [smem:$0x3FDB];
	_ =	sdelay $0x1  }
0x99: {  	s4 =	simm.s32 $_scs_section_size  }
0x9a: {  	s5 =	simm.s32 $_size__tile_overlayer_lowered;
	s6 =	simm.s32 $_tile_overlayer_lowered  }
0x9b: {  	s22 =	simm.s32 $0x1BFF;
	s21 =	sshll.u32 s6, $0x1;
	s3 =	sadd.s32 s4, s19  }
0x9c: {  	s7 =	simm.s32 $0x0;
	s20 =	sshll.u32 s5, $0x1;
	s5 =	sadd.s32 s21, s3  }
0x9d: {  	[timem:s7], [sflag:s22] =	dma.local [hbm:s5], s20  }
0x9e: {  	_ =	swait.ge [sflag:s22], s20  }
0x9f: {  	s4 =	ssub.s32 $0x0, s20;
	[sflag:s22] =	ssyncset.done $0x0  }
0xa0: {  	[sflag:s22] =	ssyncadd.s32 s4;
	_ =	sdelay $0x1  }
0xa1: {  	s23 =	simm.s32 $0x1B8B  }
0xa2: {  	_ =	swait.ge [sflag:s23], $0x1  }
0xa3: {  	[sflag:s23] =	ssyncset.done $0x0  }
0xa4: {  	s25 =	simm.s32 $0x1B8E;
	s24 =	sld [smem:$0x3FFE];
	[sflag:s23] =	ssyncadd.s32 $0xFFFFFFFF  }
0xa5: {  	s26 =	simm.s32 $execute0_lowered;
	[smem:$0x3FD2] =	sst s25  }
0xa6: {  	s5 =	sshll.u32 s26, $0x1;
	_ =	strace $0x80000049;
	[dreg:$0x1] =	wrdreg $0xFFFFFFFF  }
0xa7: {  	s28 =	simm.s32 $_size_execute0_lowered;
	s3 =	sadd.s32 s3, s5;
	[dreg:$0x0] =	wrdreg $0x0  }
0xa8: {  	s5 =	sshll.u32 s28, $0x1;
	[dreg:$0x2] =	wrdreg s3  }
0xa9: {  	[dreg:$0x3] =	wrdreg s5  }
0xaa: {  	[dreg:$0x4] =	wrdreg $0xC0  }
0xab: {  	_ =	task [dreg:s7], $0x5FFFF  }
0xac: {  	[dreg:$0x1] =	wrdreg $0xFFFFFFFF  }
0xad: {  	[dreg:$0x0] =	wrdreg $0x60  }
0xae: {  	[dreg:$0x2] =	wrdreg s2  }
0xaf: {  	[dreg:$0x3] =	wrdreg s24  }
0xb0: {  	[dreg:$0x4] =	wrdreg $0x9  }
0xb1: {  	_ =	task.clear_ibuf [dreg:s7], $0x5FFFF;
	_ =	strace $0x90000049  }
0xb2: {  	s29 =	simm.s32 $0x9;
	_ =	strace $0x8000004B  }
0xb3: {  	_ =	swait.ge [sflag:s29], $0x1  }
0xb4: {  	[sflag:s29] =	ssyncadd.s32 $0xFFFFFFFF  }
0xb5: {  	_ =	strace $0x9000004B  }
0xb6: {  	_ =	sfence  }
0xb7: {  	s30 =	sld [smem:$0x0];
	_ =	sdelay $0x2  }
0xb8: {  	s31 =	sshll.u32 s1, $0xD;
	s1 =	sshrl.u32 s1, $0x2  }
0xb9: {  	s3 =	sand.u32 $0x4000, s31;
	s1 =	sadd.s32 s1, s30  }
0xba: {  	s0 =	sor.u32 s3, s0;
	s1 =	sshll.u32 s1, $0x11  }
0xbb: {  	s0 =	sor.u32 s1, s0  }
0xbc: {  	s0 =	sadd.s32 $0x8F2B, s0  }
0xbd: {  	[sflag:s0] =	ssyncadd.remote.s32 $0x1  }
0xbe: {  	_ =	sfence.sel $0xFFFF  }
0xbf: {  	[dreg:$0x0] =	wrdreg $0xFFFFFFFF;
	(pc) =	sbr.abs _section_cstart, $3  }
0xc0: {  	[dreg:$0x1] =	wrdreg $0xFFFFFFFF  }
0xc1: {  	_ =	task.clear_ibuf [dreg:s7], $0x2FFFF;
	_ =	strace $0x9FFFFFFF  }
0xc2: {  	(tm) =	ssettm $0x7FFFFFFF  }
0xc3: {  	_ =	shalt  }
tec
execute0_lowered:
.L_overlay_start_1:
0x0: {  	(tag) =	ssettag $0x1  }
0x1: {  	s2 =	rddreg [dreg:$0x0]  }
0x2: {  	s4 =	rddreg [dreg:$0x1]  }
0x3: {  	s0 =	rddreg [dreg:$0x2];
	s1 =	stileid.u32  }
0x4: {  	s5 =	srdreg.scid;
	s3 =	simm.s32 $0x0;
	s6 =	smul.u32 $0x19500, s1  }
0x5: {  	s10 =	simm.s32 $0x0;
	s5 =	sand.u32 $0x1, s5;
	s8 =	smul.u32 $0x32A00, s1  }
0x6: {  	[smem:$0x7FF] =	sst s3;
	s7 =	smul.u32 $0xCA80, s5;
	s9 =	ssub.s32 $0x2, s5  }
0x7: {  	_ =	strace $0x8000004A;
	s5 =	smul.u32 $0x19500, s5;
	s31 =	sshrl.u32 s9, $0x1  }
0x8: {  	s8 =	sadd.s32 s8, s4;
	s6 =	sadd.s32 s7, s6;
	s7 =	ssub.s32 s9, s31  }
0x9: {  	s5 =	sadd.s32 s5, s8;
	s8 =	simm.s32 $0x80;
	s6 =	sshrl.u32 s6, $0x3  }
0xa: {  	s9 =	simm.s32 $0x1;
	s5 =	sadd.s32 $0x74600, s5;
	s6 =	sadd.s32 s6, s4  }
0xb: {  	s4 =	smax.u32 s7, $0x1;
	s7 =	simm.s32 $0x2;
	s6 =	sadd.s32 $0x41C00, s6  }
.LBB2_1:
0xc: {  	s11 =	sadd.s32 $0x0, s6  }
0xd: {  	[tilespmem:s3], [sflag:$0x2] =	stream.linear.gather [hbm4b:s11+s3], $0x80, $0x38;
	[tilespmem:$0x880] =	vst v63  }
0xe: {  	_ =	swait.ge [sflag:s7], $0x80  }
0xf: {  	[sflag:s7] =	ssyncset.done $0x0  }
0x10: {  	[sflag:s7] =	ssyncadd.s32 $0xFFFFFF80  }
0x11: {  	[tilespmem:s8], [sflag:$0x1] =	stream.indirect.gather [hbm4b:s2+s8], $0x10, s3, s8, $0xb8;
	[tilespmem:$0x880] =	vst v63  }
0x12: {  	_ =	swait.ge [sflag:s9], $0x800  }
0x13: {  	[sflag:s9] =	ssyncset.done $0x0  }
0x14: {  	[sflag:s9] =	ssyncadd.s32 $0xFFFFF800  }
0x15: {  	[hbm4b:s5+s3] =	stream.linear.scatter [tilespmem:s8], [sflag:$0x2], $0x800, $0x38;
	[tilespmem:$0x880] =	vst v63  }
0x16: {  	s12 =	simm.s32 $0x10;
	_ =	swait.ge [sflag:s7], $0x800  }
0x17: {  	s13 =	simm.s32 $0x20;
	s11 =	sadd.s32 $0x100, s5;
	[sflag:s7] =	ssyncset.done $0x0  }
.LBB2_2:
0x18: {  	s14 =	sadd.s32 s12, s6  }
0x19: {  	[sflag:s7] =	ssyncadd.s32 $0xFFFFF800;
	s12 =	smov.u32 s13;
	s15 =	sadd.s32 $0x10, s13  }
0x1a: {  	[tilespmem:s3], [sflag:$0x2] =	stream.linear.gather [hbm4b:s14+s3], $0x80, $0x38;
	[tilespmem:$0x880] =	vst v63  }
0x1b: {  	p0 =	sne.s32 s13, $0x1940;
	_ =	swait.ge [sflag:s7], $0x80  }
0x1c: {  	[sflag:s7] =	ssyncset.done $0x0  }
0x1d: {  	[sflag:s7] =	ssyncadd.s32 $0xFFFFFF80  }
0x1e: {  	[tilespmem:s8], [sflag:$0x1] =	stream.indirect.gather [hbm4b:s2+s8], $0x10, s3, s8, $0xb8;
	[tilespmem:$0x880] =	vst v63  }
0x1f: {  	_ =	swait.ge [sflag:s9], $0x800  }
.Ltmp0:
0x20: {  	[sflag:s9] =	ssyncset.done $0x0;
	(pc) =	sbr.rel @p0 .LBB2_2-.Ltmp0, $4  }
0x21: {  	[sflag:s9] =	ssyncadd.s32 $0xFFFFF800  }
0x22: {  	[hbm4b:s11+s3] =	stream.linear.scatter [tilespmem:s8], [sflag:$0x2], $0x800, $0x38;
	[tilespmem:$0x880] =	vst v63  }
0x23: {  	_ =	swait.ge [sflag:s7], $0x800  }
0x24: {  	s13 =	smov.u32 s15;
	s11 =	sadd.s32 $0x100, s11;
	[sflag:s7] =	ssyncset.done $0x0  }
0x25: {  	s12 =	sadd.s32 s12, s6;
	[sflag:s7] =	ssyncadd.s32 $0xFFFFF800  }
0x26: {  	[tilespmem:s3], [sflag:$0x2] =	stream.linear.gather [hbm4b:s12+s3], $0x80, $0x38;
	[tilespmem:$0x880] =	vst v63  }
0x27: {  	_ =	swait.ge [sflag:s7], $0x80  }
0x28: {  	[sflag:s7] =	ssyncset.done $0x0  }
0x29: {  	[sflag:s7] =	ssyncadd.s32 $0xFFFFFF80  }
0x2a: {  	[tilespmem:s8], [sflag:$0x1] =	stream.indirect.gather [hbm4b:s2+s8], $0x10, s3, s8, $0xb8;
	[tilespmem:$0x880] =	vst v63  }
0x2b: {  	s10 =	sadd.s32 $0x1, s10;
	_ =	swait.ge [sflag:s9], $0x800  }
0x2c: {  	p0 =	sne.s32 s10, s4;
	[sflag:s9] =	ssyncset.done $0x0  }
.Ltmp1:
0x2d: {  	[sflag:s9] =	ssyncadd.s32 $0xFFFFF800;
	(pc) =	sbr.rel @p0 .LBB2_1-.Ltmp1, $4  }
0x2e: {  	[hbm4b:s11+s3] =	stream.linear.scatter [tilespmem:s8], [sflag:$0x2], $0x800, $0x38;
	[tilespmem:$0x880] =	vst v63  }
0x2f: {  	_ =	swait.ge [sflag:s7], $0x800  }
0x30: {  	[sflag:s7] =	ssyncset.done $0x0  }
0x31: {  	[sflag:s7] =	ssyncadd.s32 $0xFFFFF800  }
0x32: {  	_ =	sfence.sel $0x180000  }
0x33: {  	[bflag:$0x0] =	sbarrier.arrive $0xFFFF  }
0x34: {  	p0 =	sne.s32 s1, $0x0;
	_ =	strace $0x9000004A  }
0x35: {  	s0 =	sadd.s32 @!p0 $0x100000, s0;
	[bflag:$0x2] =	sbarrier.arrive $0xFFFF  }
0x36: {  	[sflag:s0] =	ssyncadd.tile.s32 @!p0 $0x1;
	_ =	shalt  }
.Lfunc_end2:
_tile_overlayer_lowered:
.L_overlay_start_2:
0x37: {  	(tag) =	ssettag $0x2  }
0x38: {  	s0 =	rddreg [dreg:$0x0];
	s2 =	stileid.u32  }
0x39: {  	s1 =	rddreg [dreg:$0x1];
	p0 =	sne.s32 s2, $0x0  }
0x3a: {  	s3 =	rddreg [dreg:$0x2];
	[bflag:$0x3] =	sbarrier.arrive $0xFFFF;
	s2 =	simm.s32 @!p0 $0x1C02  }
0x3b: {  	[timem:s3], [sflag:s2] =	dma.local @!p0 [hbm:s0], s1  }
0x3c: {  	s0 =	simm.s32 @!p0 $0x2  }
0x3d: {  	_ =	swait.ge @!p0 [sflag:s0], s1  }
0x3e: {  	s1 =	ssub.s32 @!p0 $0x0, s1;
	[sflag:s0] =	ssyncset.done @!p0 $0x0  }
0x3f: {  	[sflag:s0] =	ssyncadd.s32 @!p0 s1  }
0x40: {  	[bflag:$0x3] =	sbarrier.arrive $0xFFFF  }
0x41: {  	_ =	shalt  }

// kernel: kernel.35.cloned.1.call-start
scs
__scs_entry_jumppad:
0x0: {  	(pc) =	sbr.rel $0x88, $3  }
0x1: {  	(tag) =	ssettag $0x0;
	lr =	simm.s32 $0x1  }
0x2: {  	[smem:$0x3F7C] =	sst lr;
	_ =	strace $0xD0000000  }
0x3: {  	_ = 	snop  }
0x4: {  	_ = 	snop  }
0x5: {  	_ = 	snop  }
0x6: {  	_ = 	snop  }
0x7: {  	_ = 	snop  }
__scs_overlays_trampoline_lowered:
0x8: {  	[smem:$0x3F8B] =	sst s0  }
0x9: {  	[smem:$0x3F8C] =	sst s1  }
0xa: {  	[smem:$0x3F8D] =	sst s2  }
0xb: {  	[smem:$0x3F8E] =	sst s3  }
0xc: {  	[smem:$0x3F8F] =	sst s4  }
0xd: {  	[smem:$0x3F90] =	sst s5  }
0xe: {  	[smem:$0x3F91] =	sst s6  }
0xf: {  	[smem:$0x3F92] =	sst s7  }
0x10: {  	[smem:$0x3F93] =	sst s8  }
0x11: {  	[smem:$0x3F94] =	sst s9;
	s0 =	simm.s32 @!p0 $0x0  }
0x12: {  	s1 =	sld [smem:$0x3F7A];
	s0 =	simm.s32 @p0 $0x1  }
0x13: {  	[smem:$0x3F95] =	sst s0;
	s0 =	simm.s32 @!p1 $0x0  }
0x14: {  	s2 =	sld [smem:$0x3F79];
	s0 =	simm.s32 @p1 $0x1  }
0x15: {  	[smem:$0x3F96] =	sst s0;
	s0 =	simm.s32 @!p2 $0x0  }
0x16: {  	s3 =	sld [smem:$0x3FDB];
	s0 =	simm.s32 @p2 $0x1  }
0x17: {  	s4 =	simm.s32 $0x1BF5;
	[smem:$0x3F98] =	sst s0  }
0x18: {  	s0 =	sld [smem:$0x3F7B];
	_ =	swait.ge [sflag:s4], $0x0  }
0x19: {  	s7 =	sld [smem:$0x3F7C]  }
0x1a: {  	s8 =	sadd.s32 $0xFFFFE003, lr  }
0x1b: {  	s9 =	sadd.s32 $0xFFFFFEF7, lr;
	s5 =	simm.s32 $0xFFFFFFFF;
	p2 =	slt.u32 s8, $0xFFFFF086  }
0x1c: {  	p1 =	slt.u32 s9, $0xF7A;
	s5 =	simm.s32 @!p2 $0x0  }
0x1d: {  	s5 =	simm.s32 @p1 $0x1;
	p0 =	seq.s32 s7, s2  }
0x1e: {  	s7 =	smul.u32 @!p0 $0xF7A, s2;
	p2 =	seq.s32 @!p0 s5, $0x0  }
0x1f: {  	s9 =	smul.u32 $0xF7A, s1;
	s8 =	simm.s32 @!p0 $0x1BF5;
	p2 =	por !p2, p0  }
0x20: {  	[sflag:s8] =	ssyncset.s32 @!p0 $0xFFFFF086;
	s6 =	sadd.s32 @!p0 s3, s7;
	s7 =	simm.s32 @!p0 $0x108  }
0x21: {  	s3 =	sadd.s32 s3, s9;
	s6 =	sadd.s32 @!p0 $0x88, s6;
	s7 =	simm.s32 @p2 $0x1082  }
0x22: {  	[simem:s7], [sflag:s8] =	dma.local @!p0 [hbm:s6], $0xF7A  }
0x23: {  	s9 =	sor.u32 $0xD0000000, s2;
	s6 =	simm.s32 $0x108;
	_ =	swait.ge @!p0 [sflag:s8], $0x0  }
0x24: {  	s3 =	sadd.s32 $0x88, s3;
	s6 =	simm.s32 @!p1 $0x1082;
	[sflag:s4] =	ssyncset.s32 $0xFFFFF086  }
0x25: {  	[simem:s6], [sflag:s4] =	dma.local [hbm:s3], $0xF7A  }
0x26: {  	[smem:$0x3F7C] =	sst s1;
	(tag) =	ssettag s2;
	_ =	strace s9  }
0x27: {  	s1 =	sld [smem:$0x3F8C]  }
0x28: {  	s2 =	sld [smem:$0x3F8D]  }
0x29: {  	s4 =	sld [smem:$0x3F8F]  }
0x2a: {  	p0 =	seq.s32 s5, $0x0;
	s5 =	sld [smem:$0x3F90]  }
0x2b: {  	s6 =	sld [smem:$0x3F91]  }
0x2c: {  	s7 =	sld [smem:$0x3F92]  }
0x2d: {  	s3 =	simm.s32 $0x108;
	s8 =	sld [smem:$0x3F93]  }
0x2e: {  	s3 =	simm.s32 @!p0 $0x1082;
	s9 =	sld [smem:$0x3F94]  }
0x2f: {  	lr =	sadd.s32 s0, s3;
	s0 =	sld [smem:$0x3F8B]  }
0x30: {  	s3 =	sld [smem:$0x3F8E]  }
0x31: {  	[smem:$0x3F97] =	sst s10  }
0x32: {  	s10 =	sld [smem:$0x3F95];
	_ =	sdelay $0x3  }
0x33: {  	p0 =	seq.s32 s10, $0x1;
	s10 =	sld [smem:$0x3F97];
	_ =	sdelay $0x3  }
0x34: {  	[smem:$0x3F97] =	sst s10  }
0x35: {  	s10 =	sld [smem:$0x3F96];
	_ =	sdelay $0x3  }
0x36: {  	p1 =	seq.s32 s10, $0x1;
	s10 =	sld [smem:$0x3F97];
	_ =	sdelay $0x3  }
0x37: {  	[smem:$0x3F97] =	sst s10  }
0x38: {  	s10 =	sld [smem:$0x3F98]  }
0x39: {  	_ = 	snop;
	(pc) =	sbr.ind lr, $3  }
0x3a: {  	_ = 	snop  }
0x3b: {  	_ = 	snop  }
0x3c: {  	p2 =	seq.s32 s10, $0x1;
	s10 =	sld [smem:$0x3F97]  }
0x3d: {  	_ =	shalt  }
0x3e: {  	_ =	shalt  }
0x3f: {  	_ =	shalt  }
0x40: {  	_ =	shalt  }
0x41: {  	_ =	shalt  }
0x42: {  	_ =	shalt  }
0x43: {  	_ =	shalt  }
0x44: {  	_ =	shalt  }
0x45: {  	_ =	shalt  }
0x46: {  	_ =	shalt  }
0x47: {  	_ =	shalt  }
0x48: {  	_ =	shalt  }
0x49: {  	_ =	shalt  }
0x4a: {  	_ =	shalt  }
0x4b: {  	_ =	shalt  }
0x4c: {  	_ =	shalt  }
0x4d: {  	_ =	shalt  }
0x4e: {  	_ =	shalt  }
0x4f: {  	_ =	shalt  }
0x50: {  	_ =	shalt  }
0x51: {  	_ =	shalt  }
0x52: {  	_ =	shalt  }
0x53: {  	_ =	shalt  }
0x54: {  	_ =	shalt  }
0x55: {  	_ =	shalt  }
0x56: {  	_ =	shalt  }
0x57: {  	_ =	shalt  }
0x58: {  	_ =	shalt  }
0x59: {  	_ =	shalt  }
0x5a: {  	_ =	shalt  }
0x5b: {  	_ =	shalt  }
0x5c: {  	_ =	shalt  }
0x5d: {  	_ =	shalt  }
0x5e: {  	_ =	shalt  }
0x5f: {  	_ =	shalt  }
0x60: {  	_ =	shalt  }
0x61: {  	_ =	shalt  }
0x62: {  	_ =	shalt  }
0x63: {  	_ =	shalt  }
0x64: {  	_ =	shalt  }
0x65: {  	_ =	shalt  }
0x66: {  	_ =	shalt  }
0x67: {  	_ =	shalt  }
0x68: {  	_ =	shalt  }
0x69: {  	_ =	shalt  }
0x6a: {  	_ =	shalt  }
0x6b: {  	_ =	shalt  }
0x6c: {  	_ =	shalt  }
0x6d: {  	_ =	shalt  }
0x6e: {  	_ =	shalt  }
0x6f: {  	_ =	shalt  }
0x70: {  	_ =	shalt  }
0x71: {  	_ =	shalt  }
0x72: {  	_ =	shalt  }
0x73: {  	_ =	shalt  }
0x74: {  	_ =	shalt  }
0x75: {  	_ =	shalt  }
0x76: {  	_ =	shalt  }
0x77: {  	_ =	shalt  }
0x78: {  	_ =	shalt  }
0x79: {  	_ =	shalt  }
0x7a: {  	_ =	shalt  }
0x7b: {  	_ =	shalt  }
0x7c: {  	_ =	shalt  }
0x7d: {  	_ =	shalt  }
0x7e: {  	_ =	shalt  }
0x7f: {  	_ =	shalt  }
0x80: {  	_ =	shalt  }
0x81: {  	_ =	shalt  }
0x82: {  	_ =	shalt  }
0x83: {  	_ =	shalt  }
0x84: {  	_ =	shalt  }
0x85: {  	_ =	shalt  }
0x86: {  	_ =	shalt  }
0x87: {  	_ =	shalt  }
.Lfunc_end0:
.L_simem_size_0:
called_computation.2_lowered:
.L_overlay_start_0:
0x88: {  	s2 =	sld [smem:$0x3FD9]  }
0x89: {  	s3 =	sld [smem:$0x3FFE];
	_ =	sdelay $0x1  }
0x8a: {  	s1 =	srdreg.scid  }
0x8b: {  	s0 =	sand.u32 $0x1, s1  }
0x8c: {  	s17 =	sshll.u32 s0, $0xA;
	s2 =	sadd.s32 s3, s2  }
0x8d: {  	s2 =	sadd.s32 s2, s17  }
0x8e: {  	[smem:$0x3FA3] =	sst s2  }
0x8f: {  	_ = 	snop  }
0x90: {  	s2 =	sld [smem:$0x3FD0];
	(tm) =	ssettm $0x1  }
0x91: {  	s18 =	sld [smem:$0x3FFB];
	_ =	sdelay $0x3  }
0x92: {  	_ =	strace s18  }
0x93: {  	s3 =	sld [smem:$0x3FFC];
	_ =	sdelay $0x3  }
0x94: {  	_ =	strace s3  }
0x95: {  	s3 =	sld [smem:$0x3FFD];
	_ =	sdelay $0x3  }
0x96: {  	_ =	strace s3  }
0x97: {  	_ =	strace $0x8FFFFFFF  }
0x98: {  	s19 =	sld [smem:$0x3FDB];
	_ =	sdelay $0x1  }
0x99: {  	s4 =	simm.s32 $_scs_section_size  }
0x9a: {  	s5 =	simm.s32 $_size__tile_overlayer_lowered;
	s6 =	simm.s32 $_tile_overlayer_lowered  }
0x9b: {  	s22 =	simm.s32 $0x1BFF;
	s21 =	sshll.u32 s6, $0x1;
	s3 =	sadd.s32 s4, s19  }
0x9c: {  	s7 =	simm.s32 $0x0;
	s20 =	sshll.u32 s5, $0x1;
	s5 =	sadd.s32 s21, s3  }
0x9d: {  	[timem:s7], [sflag:s22] =	dma.local [hbm:s5], s20  }
0x9e: {  	_ =	swait.ge [sflag:s22], s20  }
0x9f: {  	s4 =	ssub.s32 $0x0, s20;
	[sflag:s22] =	ssyncset.done $0x0  }
0xa0: {  	[sflag:s22] =	ssyncadd.s32 s4;
	_ =	sdelay $0x1  }
0xa1: {  	s23 =	simm.s32 $0x1B8B  }
0xa2: {  	_ =	swait.ge [sflag:s23], $0x1  }
0xa3: {  	[sflag:s23] =	ssyncset.done $0x0  }
0xa4: {  	s25 =	simm.s32 $0x1B8E;
	s24 =	sld [smem:$0x3FFE];
	[sflag:s23] =	ssyncadd.s32 $0xFFFFFFFF  }
0xa5: {  	s26 =	simm.s32 $execute0_lowered;
	[smem:$0x3FD2] =	sst s25  }
0xa6: {  	s5 =	sshll.u32 s26, $0x1;
	_ =	strace $0x8000004C;
	[dreg:$0x1] =	wrdreg $0xFFFFFFFF  }
0xa7: {  	s28 =	simm.s32 $_size_execute0_lowered;
	s3 =	sadd.s32 s3, s5;
	[dreg:$0x0] =	wrdreg $0x0  }
0xa8: {  	s5 =	sshll.u32 s28, $0x1;
	[dreg:$0x2] =	wrdreg s3  }
0xa9: {  	[dreg:$0x3] =	wrdreg s5  }
0xaa: {  	[dreg:$0x4] =	wrdreg $0xC0  }
0xab: {  	_ =	task [dreg:s7], $0x5FFFF  }
0xac: {  	[dreg:$0x1] =	wrdreg $0xFFFFFFFF  }
0xad: {  	[dreg:$0x0] =	wrdreg $0x60  }
0xae: {  	[dreg:$0x2] =	wrdreg s2  }
0xaf: {  	[dreg:$0x3] =	wrdreg s24  }
0xb0: {  	[dreg:$0x4] =	wrdreg $0x9  }
0xb1: {  	_ =	task.clear_ibuf [dreg:s7], $0x5FFFF;
	_ =	strace $0x9000004C  }
0xb2: {  	s29 =	simm.s32 $0x9;
	_ =	strace $0x8000004E  }
0xb3: {  	_ =	swait.ge [sflag:s29], $0x1  }
0xb4: {  	[sflag:s29] =	ssyncadd.s32 $0xFFFFFFFF  }
0xb5: {  	_ =	strace $0x9000004E  }
0xb6: {  	_ =	sfence  }
0xb7: {  	s30 =	sld [smem:$0x0];
	_ =	sdelay $0x2  }
0xb8: {  	s31 =	sshll.u32 s1, $0xD;
	s1 =	sshrl.u32 s1, $0x2  }
0xb9: {  	s3 =	sand.u32 $0x4000, s31;
	s1 =	sadd.s32 s1, s30  }
0xba: {  	s0 =	sor.u32 s3, s0;
	s1 =	sshll.u32 s1, $0x11  }
0xbb: {  	s0 =	sor.u32 s1, s0  }
0xbc: {  	s0 =	sadd.s32 $0x8F2B, s0  }
0xbd: {  	[sflag:s0] =	ssyncadd.remote.s32 $0x1  }
0xbe: {  	_ =	sfence.sel $0xFFFF  }
0xbf: {  	[dreg:$0x0] =	wrdreg $0xFFFFFFFF;
	(pc) =	sbr.abs _section_cstart, $3  }
0xc0: {  	[dreg:$0x1] =	wrdreg $0xFFFFFFFF  }
0xc1: {  	_ =	task.clear_ibuf [dreg:s7], $0x2FFFF;
	_ =	strace $0x9FFFFFFF  }
0xc2: {  	(tm) =	ssettm $0x7FFFFFFF  }
0xc3: {  	_ =	shalt  }
tec
execute0_lowered:
.L_overlay_start_1:
0x0: {  	(tag) =	ssettag $0x1  }
0x1: {  	s2 =	rddreg [dreg:$0x0]  }
0x2: {  	s4 =	rddreg [dreg:$0x1]  }
0x3: {  	s0 =	rddreg [dreg:$0x2];
	s1 =	stileid.u32  }
0x4: {  	s5 =	srdreg.scid;
	s3 =	simm.s32 $0x0;
	s6 =	smul.u32 $0x5400, s1  }
0x5: {  	s10 =	simm.s32 $0x0;
	s5 =	sand.u32 $0x1, s5;
	s8 =	smul.u32 $0xA800, s1  }
0x6: {  	[smem:$0x7FF] =	sst s3;
	s7 =	smul.u32 $0x2A00, s5;
	s9 =	ssub.s32 $0x2, s5  }
0x7: {  	_ =	strace $0x8000004D;
	s5 =	smul.u32 $0x5400, s5;
	s31 =	sshrl.u32 s9, $0x1  }
0x8: {  	s8 =	sadd.s32 s8, s4;
	s6 =	sadd.s32 s7, s6;
	s7 =	ssub.s32 s9, s31  }
0x9: {  	s5 =	sadd.s32 s5, s8;
	s8 =	simm.s32 $0x80;
	s6 =	sshrl.u32 s6, $0x3  }
0xa: {  	s9 =	simm.s32 $0x1;
	s5 =	sadd.s32 $0x19E00, s5;
	s6 =	sadd.s32 s6, s4  }
0xb: {  	s4 =	smax.u32 s7, $0x1;
	s7 =	simm.s32 $0x2;
	s6 =	sadd.s32 $0xF600, s6  }
.LBB2_1:
0xc: {  	s11 =	sadd.s32 $0x0, s6  }
0xd: {  	[tilespmem:s3], [sflag:$0x2] =	stream.linear.gather [hbm4b:s11+s3], $0x80, $0x38;
	[tilespmem:$0x880] =	vst v63  }
0xe: {  	_ =	swait.ge [sflag:s7], $0x80  }
0xf: {  	[sflag:s7] =	ssyncset.done $0x0  }
0x10: {  	[sflag:s7] =	ssyncadd.s32 $0xFFFFFF80  }
0x11: {  	[tilespmem:s8], [sflag:$0x1] =	stream.indirect.gather [hbm4b:s2+s8], $0x10, s3, s8, $0xb8;
	[tilespmem:$0x880] =	vst v63  }
0x12: {  	_ =	swait.ge [sflag:s9], $0x800  }
0x13: {  	[sflag:s9] =	ssyncset.done $0x0  }
0x14: {  	[sflag:s9] =	ssyncadd.s32 $0xFFFFF800  }
0x15: {  	[hbm4b:s5+s3] =	stream.linear.scatter [tilespmem:s8], [sflag:$0x2], $0x800, $0x38;
	[tilespmem:$0x880] =	vst v63  }
0x16: {  	s12 =	simm.s32 $0x10;
	_ =	swait.ge [sflag:s7], $0x800  }
0x17: {  	s13 =	simm.s32 $0x20;
	s11 =	sadd.s32 $0x100, s5;
	[sflag:s7] =	ssyncset.done $0x0  }
.LBB2_2:
0x18: {  	s14 =	sadd.s32 s12, s6  }
0x19: {  	[sflag:s7] =	ssyncadd.s32 $0xFFFFF800;
	s12 =	smov.u32 s13;
	s15 =	sadd.s32 $0x10, s13  }
0x1a: {  	[tilespmem:s3], [sflag:$0x2] =	stream.linear.gather [hbm4b:s14+s3], $0x80, $0x38;
	[tilespmem:$0x880] =	vst v63  }
0x1b: {  	p0 =	sne.s32 s13, $0x530;
	_ =	swait.ge [sflag:s7], $0x80  }
0x1c: {  	[sflag:s7] =	ssyncset.done $0x0  }
0x1d: {  	[sflag:s7] =	ssyncadd.s32 $0xFFFFFF80  }
0x1e: {  	[tilespmem:s8], [sflag:$0x1] =	stream.indirect.gather [hbm4b:s2+s8], $0x10, s3, s8, $0xb8;
	[tilespmem:$0x880] =	vst v63  }
0x1f: {  	_ =	swait.ge [sflag:s9], $0x800  }
.Ltmp0:
0x20: {  	[sflag:s9] =	ssyncset.done $0x0;
	(pc) =	sbr.rel @p0 .LBB2_2-.Ltmp0, $4  }
0x21: {  	[sflag:s9] =	ssyncadd.s32 $0xFFFFF800  }
0x22: {  	[hbm4b:s11+s3] =	stream.linear.scatter [tilespmem:s8], [sflag:$0x2], $0x800, $0x38;
	[tilespmem:$0x880] =	vst v63  }
0x23: {  	_ =	swait.ge [sflag:s7], $0x800  }
0x24: {  	s13 =	smov.u32 s15;
	s11 =	sadd.s32 $0x100, s11;
	[sflag:s7] =	ssyncset.done $0x0  }
0x25: {  	s12 =	sadd.s32 s12, s6;
	[sflag:s7] =	ssyncadd.s32 $0xFFFFF800  }
0x26: {  	[tilespmem:s3], [sflag:$0x2] =	stream.linear.gather [hbm4b:s12+s3], $0x80, $0x38;
	[tilespmem:$0x880] =	vst v63  }
0x27: {  	_ =	swait.ge [sflag:s7], $0x80  }
0x28: {  	[sflag:s7] =	ssyncset.done $0x0  }
0x29: {  	[sflag:s7] =	ssyncadd.s32 $0xFFFFFF80  }
0x2a: {  	[tilespmem:s8], [sflag:$0x1] =	stream.indirect.gather [hbm4b:s2+s8], $0x10, s3, s8, $0xb8;
	[tilespmem:$0x880] =	vst v63  }
0x2b: {  	s10 =	sadd.s32 $0x1, s10;
	_ =	swait.ge [sflag:s9], $0x800  }
0x2c: {  	p0 =	sne.s32 s10, s4;
	[sflag:s9] =	ssyncset.done $0x0  }
.Ltmp1:
0x2d: {  	[sflag:s9] =	ssyncadd.s32 $0xFFFFF800;
	(pc) =	sbr.rel @p0 .LBB2_1-.Ltmp1, $4  }
0x2e: {  	[hbm4b:s11+s3] =	stream.linear.scatter [tilespmem:s8], [sflag:$0x2], $0x800, $0x38;
	[tilespmem:$0x880] =	vst v63  }
0x2f: {  	_ =	swait.ge [sflag:s7], $0x800  }
0x30: {  	[sflag:s7] =	ssyncset.done $0x0  }
0x31: {  	[sflag:s7] =	ssyncadd.s32 $0xFFFFF800  }
0x32: {  	_ =	sfence.sel $0x180000  }
0x33: {  	[bflag:$0x0] =	sbarrier.arrive $0xFFFF  }
0x34: {  	p0 =	sne.s32 s1, $0x0;
	_ =	strace $0x9000004D  }
0x35: {  	s0 =	sadd.s32 @!p0 $0x100000, s0;
	[bflag:$0x2] =	sbarrier.arrive $0xFFFF  }
0x36: {  	[sflag:s0] =	ssyncadd.tile.s32 @!p0 $0x1;
	_ =	shalt  }
.Lfunc_end2:
_tile_overlayer_lowered:
.L_overlay_start_2:
0x37: {  	(tag) =	ssettag $0x2  }
0x38: {  	s0 =	rddreg [dreg:$0x0];
	s2 =	stileid.u32  }
0x39: {  	s1 =	rddreg [dreg:$0x1];
	p0 =	sne.s32 s2, $0x0  }
0x3a: {  	s3 =	rddreg [dreg:$0x2];
	[bflag:$0x3] =	sbarrier.arrive $0xFFFF;
	s2 =	simm.s32 @!p0 $0x1C02  }
0x3b: {  	[timem:s3], [sflag:s2] =	dma.local @!p0 [hbm:s0], s1  }
0x3c: {  	s0 =	simm.s32 @!p0 $0x2  }
0x3d: {  	_ =	swait.ge @!p0 [sflag:s0], s1  }
0x3e: {  	s1 =	ssub.s32 @!p0 $0x0, s1;
	[sflag:s0] =	ssyncset.done @!p0 $0x0  }
0x3f: {  	[sflag:s0] =	ssyncadd.s32 @!p0 s1  }
0x40: {  	[bflag:$0x3] =	sbarrier.arrive $0xFFFF  }
0x41: {  	_ =	shalt  }

// kernel: kernel.38.cloned.1.call-start
scs
__scs_entry_jumppad:
0x0: {  	(pc) =	sbr.rel $0x88, $3  }
0x1: {  	(tag) =	ssettag $0x0;
	lr =	simm.s32 $0x1  }
0x2: {  	[smem:$0x3F7C] =	sst lr;
	_ =	strace $0xD0000000  }
0x3: {  	_ = 	snop  }
0x4: {  	_ = 	snop  }
0x5: {  	_ = 	snop  }
0x6: {  	_ = 	snop  }
0x7: {  	_ = 	snop  }
__scs_overlays_trampoline_lowered:
0x8: {  	[smem:$0x3F8B] =	sst s0  }
0x9: {  	[smem:$0x3F8C] =	sst s1  }
0xa: {  	[smem:$0x3F8D] =	sst s2  }
0xb: {  	[smem:$0x3F8E] =	sst s3  }
0xc: {  	[smem:$0x3F8F] =	sst s4  }
0xd: {  	[smem:$0x3F90] =	sst s5  }
0xe: {  	[smem:$0x3F91] =	sst s6  }
0xf: {  	[smem:$0x3F92] =	sst s7  }
0x10: {  	[smem:$0x3F93] =	sst s8  }
0x11: {  	[smem:$0x3F94] =	sst s9;
	s0 =	simm.s32 @!p0 $0x0  }
0x12: {  	s1 =	sld [smem:$0x3F7A];
	s0 =	simm.s32 @p0 $0x1  }
0x13: {  	[smem:$0x3F95] =	sst s0;
	s0 =	simm.s32 @!p1 $0x0  }
0x14: {  	s2 =	sld [smem:$0x3F79];
	s0 =	simm.s32 @p1 $0x1  }
0x15: {  	[smem:$0x3F96] =	sst s0;
	s0 =	simm.s32 @!p2 $0x0  }
0x16: {  	s3 =	sld [smem:$0x3FDB];
	s0 =	simm.s32 @p2 $0x1  }
0x17: {  	s4 =	simm.s32 $0x1BF5;
	[smem:$0x3F98] =	sst s0  }
0x18: {  	s0 =	sld [smem:$0x3F7B];
	_ =	swait.ge [sflag:s4], $0x0  }
0x19: {  	s7 =	sld [smem:$0x3F7C]  }
0x1a: {  	s8 =	sadd.s32 $0xFFFFE003, lr  }
0x1b: {  	s9 =	sadd.s32 $0xFFFFFEF7, lr;
	s5 =	simm.s32 $0xFFFFFFFF;
	p2 =	slt.u32 s8, $0xFFFFF086  }
0x1c: {  	p1 =	slt.u32 s9, $0xF7A;
	s5 =	simm.s32 @!p2 $0x0  }
0x1d: {  	s5 =	simm.s32 @p1 $0x1;
	p0 =	seq.s32 s7, s2  }
0x1e: {  	s7 =	smul.u32 @!p0 $0xF7A, s2;
	p2 =	seq.s32 @!p0 s5, $0x0  }
0x1f: {  	s9 =	smul.u32 $0xF7A, s1;
	s8 =	simm.s32 @!p0 $0x1BF5;
	p2 =	por !p2, p0  }
0x20: {  	[sflag:s8] =	ssyncset.s32 @!p0 $0xFFFFF086;
	s6 =	sadd.s32 @!p0 s3, s7;
	s7 =	simm.s32 @!p0 $0x108  }
0x21: {  	s3 =	sadd.s32 s3, s9;
	s6 =	sadd.s32 @!p0 $0x88, s6;
	s7 =	simm.s32 @p2 $0x1082  }
0x22: {  	[simem:s7], [sflag:s8] =	dma.local @!p0 [hbm:s6], $0xF7A  }
0x23: {  	s9 =	sor.u32 $0xD0000000, s2;
	s6 =	simm.s32 $0x108;
	_ =	swait.ge @!p0 [sflag:s8], $0x0  }
0x24: {  	s3 =	sadd.s32 $0x88, s3;
	s6 =	simm.s32 @!p1 $0x1082;
	[sflag:s4] =	ssyncset.s32 $0xFFFFF086  }
0x25: {  	[simem:s6], [sflag:s4] =	dma.local [hbm:s3], $0xF7A  }
0x26: {  	[smem:$0x3F7C] =	sst s1;
	(tag) =	ssettag s2;
	_ =	strace s9  }
0x27: {  	s1 =	sld [smem:$0x3F8C]  }
0x28: {  	s2 =	sld [smem:$0x3F8D]  }
0x29: {  	s4 =	sld [smem:$0x3F8F]  }
0x2a: {  	p0 =	seq.s32 s5, $0x0;
	s5 =	sld [smem:$0x3F90]  }
0x2b: {  	s6 =	sld [smem:$0x3F91]  }
0x2c: {  	s7 =	sld [smem:$0x3F92]  }
0x2d: {  	s3 =	simm.s32 $0x108;
	s8 =	sld [smem:$0x3F93]  }
0x2e: {  	s3 =	simm.s32 @!p0 $0x1082;
	s9 =	sld [smem:$0x3F94]  }
0x2f: {  	lr =	sadd.s32 s0, s3;
	s0 =	sld [smem:$0x3F8B]  }
0x30: {  	s3 =	sld [smem:$0x3F8E]  }
0x31: {  	[smem:$0x3F97] =	sst s10  }
0x32: {  	s10 =	sld [smem:$0x3F95];
	_ =	sdelay $0x3  }
0x33: {  	p0 =	seq.s32 s10, $0x1;
	s10 =	sld [smem:$0x3F97];
	_ =	sdelay $0x3  }
0x34: {  	[smem:$0x3F97] =	sst s10  }
0x35: {  	s10 =	sld [smem:$0x3F96];
	_ =	sdelay $0x3  }
0x36: {  	p1 =	seq.s32 s10, $0x1;
	s10 =	sld [smem:$0x3F97];
	_ =	sdelay $0x3  }
0x37: {  	[smem:$0x3F97] =	sst s10  }
0x38: {  	s10 =	sld [smem:$0x3F98]  }
0x39: {  	_ = 	snop;
	(pc) =	sbr.ind lr, $3  }
0x3a: {  	_ = 	snop  }
0x3b: {  	_ = 	snop  }
0x3c: {  	p2 =	seq.s32 s10, $0x1;
	s10 =	sld [smem:$0x3F97]  }
0x3d: {  	_ =	shalt  }
0x3e: {  	_ =	shalt  }
0x3f: {  	_ =	shalt  }
0x40: {  	_ =	shalt  }
0x41: {  	_ =	shalt  }
0x42: {  	_ =	shalt  }
0x43: {  	_ =	shalt  }
0x44: {  	_ =	shalt  }
0x45: {  	_ =	shalt  }
0x46: {  	_ =	shalt  }
0x47: {  	_ =	shalt  }
0x48: {  	_ =	shalt  }
0x49: {  	_ =	shalt  }
0x4a: {  	_ =	shalt  }
0x4b: {  	_ =	shalt  }
0x4c: {  	_ =	shalt  }
0x4d: {  	_ =	shalt  }
0x4e: {  	_ =	shalt  }
0x4f: {  	_ =	shalt  }
0x50: {  	_ =	shalt  }
0x51: {  	_ =	shalt  }
0x52: {  	_ =	shalt  }
0x53: {  	_ =	shalt  }
0x54: {  	_ =	shalt  }
0x55: {  	_ =	shalt  }
0x56: {  	_ =	shalt  }
0x57: {  	_ =	shalt  }
0x58: {  	_ =	shalt  }
0x59: {  	_ =	shalt  }
0x5a: {  	_ =	shalt  }
0x5b: {  	_ =	shalt  }
0x5c: {  	_ =	shalt  }
0x5d: {  	_ =	shalt  }
0x5e: {  	_ =	shalt  }
0x5f: {  	_ =	shalt  }
0x60: {  	_ =	shalt  }
0x61: {  	_ =	shalt  }
0x62: {  	_ =	shalt  }
0x63: {  	_ =	shalt  }
0x64: {  	_ =	shalt  }
0x65: {  	_ =	shalt  }
0x66: {  	_ =	shalt  }
0x67: {  	_ =	shalt  }
0x68: {  	_ =	shalt  }
0x69: {  	_ =	shalt  }
0x6a: {  	_ =	shalt  }
0x6b: {  	_ =	shalt  }
0x6c: {  	_ =	shalt  }
0x6d: {  	_ =	shalt  }
0x6e: {  	_ =	shalt  }
0x6f: {  	_ =	shalt  }
0x70: {  	_ =	shalt  }
0x71: {  	_ =	shalt  }
0x72: {  	_ =	shalt  }
0x73: {  	_ =	shalt  }
0x74: {  	_ =	shalt  }
0x75: {  	_ =	shalt  }
0x76: {  	_ =	shalt  }
0x77: {  	_ =	shalt  }
0x78: {  	_ =	shalt  }
0x79: {  	_ =	shalt  }
0x7a: {  	_ =	shalt  }
0x7b: {  	_ =	shalt  }
0x7c: {  	_ =	shalt  }
0x7d: {  	_ =	shalt  }
0x7e: {  	_ =	shalt  }
0x7f: {  	_ =	shalt  }
0x80: {  	_ =	shalt  }
0x81: {  	_ =	shalt  }
0x82: {  	_ =	shalt  }
0x83: {  	_ =	shalt  }
0x84: {  	_ =	shalt  }
0x85: {  	_ =	shalt  }
0x86: {  	_ =	shalt  }
0x87: {  	_ =	shalt  }
.Lfunc_end0:
.L_simem_size_0:
called_computation.3_lowered:
.L_overlay_start_0:
0x88: {  	s2 =	sld [smem:$0x3FD9]  }
0x89: {  	s3 =	sld [smem:$0x3FFE];
	_ =	sdelay $0x1  }
0x8a: {  	s1 =	srdreg.scid  }
0x8b: {  	s0 =	sand.u32 $0x1, s1  }
0x8c: {  	s17 =	sshll.u32 s0, $0xA;
	s2 =	sadd.s32 s3, s2  }
0x8d: {  	s2 =	sadd.s32 s2, s17  }
0x8e: {  	[smem:$0x3FA3] =	sst s2  }
0x8f: {  	_ = 	snop  }
0x90: {  	s2 =	sld [smem:$0x3FD0];
	(tm) =	ssettm $0x1  }
0x91: {  	s18 =	sld [smem:$0x3FFB];
	_ =	sdelay $0x3  }
0x92: {  	_ =	strace s18  }
0x93: {  	s3 =	sld [smem:$0x3FFC];
	_ =	sdelay $0x3  }
0x94: {  	_ =	strace s3  }
0x95: {  	s3 =	sld [smem:$0x3FFD];
	_ =	sdelay $0x3  }
0x96: {  	_ =	strace s3  }
0x97: {  	_ =	strace $0x8FFFFFFF  }
0x98: {  	s19 =	sld [smem:$0x3FDB];
	_ =	sdelay $0x1  }
0x99: {  	s4 =	simm.s32 $_scs_section_size  }
0x9a: {  	s5 =	simm.s32 $_size__tile_overlayer_lowered;
	s6 =	simm.s32 $_tile_overlayer_lowered  }
0x9b: {  	s22 =	simm.s32 $0x1BFF;
	s21 =	sshll.u32 s6, $0x1;
	s3 =	sadd.s32 s4, s19  }
0x9c: {  	s7 =	simm.s32 $0x0;
	s20 =	sshll.u32 s5, $0x1;
	s5 =	sadd.s32 s21, s3  }
0x9d: {  	[timem:s7], [sflag:s22] =	dma.local [hbm:s5], s20  }
0x9e: {  	_ =	swait.ge [sflag:s22], s20  }
0x9f: {  	s4 =	ssub.s32 $0x0, s20;
	[sflag:s22] =	ssyncset.done $0x0  }
0xa0: {  	[sflag:s22] =	ssyncadd.s32 s4;
	_ =	sdelay $0x1  }
0xa1: {  	s23 =	simm.s32 $0x1B8B  }
0xa2: {  	_ =	swait.ge [sflag:s23], $0x1  }
0xa3: {  	[sflag:s23] =	ssyncset.done $0x0  }
0xa4: {  	s25 =	simm.s32 $0x1B8E;
	s24 =	sld [smem:$0x3FFE];
	[sflag:s23] =	ssyncadd.s32 $0xFFFFFFFF  }
0xa5: {  	s26 =	simm.s32 $execute0_lowered;
	[smem:$0x3FD2] =	sst s25  }
0xa6: {  	s5 =	sshll.u32 s26, $0x1;
	_ =	strace $0x8000004F;
	[dreg:$0x1] =	wrdreg $0xFFFFFFFF  }
0xa7: {  	s28 =	simm.s32 $_size_execute0_lowered;
	s3 =	sadd.s32 s3, s5;
	[dreg:$0x0] =	wrdreg $0x0  }
0xa8: {  	s5 =	sshll.u32 s28, $0x1;
	[dreg:$0x2] =	wrdreg s3  }
0xa9: {  	[dreg:$0x3] =	wrdreg s5  }
0xaa: {  	[dreg:$0x4] =	wrdreg $0xC0  }
0xab: {  	_ =	task [dreg:s7], $0x5FFFF  }
0xac: {  	[dreg:$0x1] =	wrdreg $0xFFFFFFFF  }
0xad: {  	[dreg:$0x0] =	wrdreg $0x60  }
0xae: {  	[dreg:$0x2] =	wrdreg s2  }
0xaf: {  	[dreg:$0x3] =	wrdreg s24  }
0xb0: {  	[dreg:$0x4] =	wrdreg $0x9  }
0xb1: {  	_ =	task.clear_ibuf [dreg:s7], $0x5FFFF;
	_ =	strace $0x9000004F  }
0xb2: {  	s29 =	simm.s32 $0x9;
	_ =	strace $0x80000051  }
0xb3: {  	_ =	swait.ge [sflag:s29], $0x1  }
0xb4: {  	[sflag:s29] =	ssyncadd.s32 $0xFFFFFFFF  }
0xb5: {  	_ =	strace $0x90000051  }
0xb6: {  	_ =	sfence  }
0xb7: {  	s30 =	sld [smem:$0x0];
	_ =	sdelay $0x2  }
0xb8: {  	s31 =	sshll.u32 s1, $0xD;
	s1 =	sshrl.u32 s1, $0x2  }
0xb9: {  	s3 =	sand.u32 $0x4000, s31;
	s1 =	sadd.s32 s1, s30  }
0xba: {  	s0 =	sor.u32 s3, s0;
	s1 =	sshll.u32 s1, $0x11  }
0xbb: {  	s0 =	sor.u32 s1, s0  }
0xbc: {  	s0 =	sadd.s32 $0x8F2B, s0  }
0xbd: {  	[sflag:s0] =	ssyncadd.remote.s32 $0x1  }
0xbe: {  	_ =	sfence.sel $0xFFFF  }
0xbf: {  	[dreg:$0x0] =	wrdreg $0xFFFFFFFF;
	(pc) =	sbr.abs _section_cstart, $3  }
0xc0: {  	[dreg:$0x1] =	wrdreg $0xFFFFFFFF  }
0xc1: {  	_ =	task.clear_ibuf [dreg:s7], $0x2FFFF;
	_ =	strace $0x9FFFFFFF  }
0xc2: {  	(tm) =	ssettm $0x7FFFFFFF  }
0xc3: {  	_ =	shalt  }
tec
execute0_lowered:
.L_overlay_start_1:
0x0: {  	(tag) =	ssettag $0x1  }
0x1: {  	s2 =	rddreg [dreg:$0x0]  }
0x2: {  	s4 =	rddreg [dreg:$0x1]  }
0x3: {  	s0 =	rddreg [dreg:$0x2];
	s1 =	stileid.u32  }
0x4: {  	s5 =	srdreg.scid;
	s3 =	simm.s32 $0x0;
	s6 =	smul.u32 $0x1E600, s1  }
0x5: {  	s10 =	simm.s32 $0x0;
	s5 =	sand.u32 $0x1, s5;
	s8 =	smul.u32 $0x3CC00, s1  }
0x6: {  	[smem:$0x7FF] =	sst s3;
	s7 =	smul.u32 $0xF300, s5;
	s9 =	ssub.s32 $0x2, s5  }
0x7: {  	_ =	strace $0x80000050;
	s5 =	smul.u32 $0x1E600, s5;
	s31 =	sshrl.u32 s9, $0x1  }
0x8: {  	s8 =	sadd.s32 s8, s4;
	s6 =	sadd.s32 s7, s6;
	s7 =	ssub.s32 s9, s31  }
0x9: {  	s5 =	sadd.s32 s5, s8;
	s8 =	simm.s32 $0x80;
	s6 =	sshrl.u32 s6, $0x3  }
0xa: {  	s9 =	simm.s32 $0x1;
	s5 =	sadd.s32 $0x4C200, s5;
	s6 =	sadd.s32 s6, s4  }
0xb: {  	s4 =	smax.u32 s7, $0x1;
	s7 =	simm.s32 $0x2;
	s6 =	sadd.s32 $0xF600, s6  }
.LBB2_1:
0xc: {  	s11 =	sadd.s32 $0x0, s6  }
0xd: {  	[tilespmem:s3], [sflag:$0x2] =	stream.linear.gather [hbm4b:s11+s3], $0x80, $0x38;
	[tilespmem:$0x880] =	vst v63  }
0xe: {  	_ =	swait.ge [sflag:s7], $0x80  }
0xf: {  	[sflag:s7] =	ssyncset.done $0x0  }
0x10: {  	[sflag:s7] =	ssyncadd.s32 $0xFFFFFF80  }
0x11: {  	[tilespmem:s8], [sflag:$0x1] =	stream.indirect.gather [hbm4b:s2+s8], $0x10, s3, s8, $0xb8;
	[tilespmem:$0x880] =	vst v63  }
0x12: {  	_ =	swait.ge [sflag:s9], $0x800  }
0x13: {  	[sflag:s9] =	ssyncset.done $0x0  }
0x14: {  	[sflag:s9] =	ssyncadd.s32 $0xFFFFF800  }
0x15: {  	[hbm4b:s5+s3] =	stream.linear.scatter [tilespmem:s8], [sflag:$0x2], $0x800, $0x38;
	[tilespmem:$0x880] =	vst v63  }
0x16: {  	s12 =	simm.s32 $0x10;
	_ =	swait.ge [sflag:s7], $0x800  }
0x17: {  	s13 =	simm.s32 $0x20;
	s11 =	sadd.s32 $0x100, s5;
	[sflag:s7] =	ssyncset.done $0x0  }
.LBB2_2:
0x18: {  	s14 =	sadd.s32 s12, s6  }
0x19: {  	[sflag:s7] =	ssyncadd.s32 $0xFFFFF800;
	s12 =	smov.u32 s13;
	s15 =	sadd.s32 $0x10, s13  }
0x1a: {  	[tilespmem:s3], [sflag:$0x2] =	stream.linear.gather [hbm4b:s14+s3], $0x80, $0x38;
	[tilespmem:$0x880] =	vst v63  }
0x1b: {  	p0 =	sne.s32 s13, $0x1E50;
	_ =	swait.ge [sflag:s7], $0x80  }
0x1c: {  	[sflag:s7] =	ssyncset.done $0x0  }
0x1d: {  	[sflag:s7] =	ssyncadd.s32 $0xFFFFFF80  }
0x1e: {  	[tilespmem:s8], [sflag:$0x1] =	stream.indirect.gather [hbm4b:s2+s8], $0x10, s3, s8, $0xb8;
	[tilespmem:$0x880] =	vst v63  }
0x1f: {  	_ =	swait.ge [sflag:s9], $0x800  }
.Ltmp0:
0x20: {  	[sflag:s9] =	ssyncset.done $0x0;
	(pc) =	sbr.rel @p0 .LBB2_2-.Ltmp0, $4  }
0x21: {  	[sflag:s9] =	ssyncadd.s32 $0xFFFFF800  }
0x22: {  	[hbm4b:s11+s3] =	stream.linear.scatter [tilespmem:s8], [sflag:$0x2], $0x800, $0x38;
	[tilespmem:$0x880] =	vst v63  }
0x23: {  	_ =	swait.ge [sflag:s7], $0x800  }
0x24: {  	s13 =	smov.u32 s15;
	s11 =	sadd.s32 $0x100, s11;
	[sflag:s7] =	ssyncset.done $0x0  }
0x25: {  	s12 =	sadd.s32 s12, s6;
	[sflag:s7] =	ssyncadd.s32 $0xFFFFF800  }
0x26: {  	[tilespmem:s3], [sflag:$0x2] =	stream.linear.gather [hbm4b:s12+s3], $0x80, $0x38;
	[tilespmem:$0x880] =	vst v63  }
0x27: {  	_ =	swait.ge [sflag:s7], $0x80  }
0x28: {  	[sflag:s7] =	ssyncset.done $0x0  }
0x29: {  	[sflag:s7] =	ssyncadd.s32 $0xFFFFFF80  }
0x2a: {  	[tilespmem:s8], [sflag:$0x1] =	stream.indirect.gather [hbm4b:s2+s8], $0x10, s3, s8, $0xb8;
	[tilespmem:$0x880] =	vst v63  }
0x2b: {  	s10 =	sadd.s32 $0x1, s10;
	_ =	swait.ge [sflag:s9], $0x800  }
0x2c: {  	p0 =	sne.s32 s10, s4;
	[sflag:s9] =	ssyncset.done $0x0  }
.Ltmp1:
0x2d: {  	[sflag:s9] =	ssyncadd.s32 $0xFFFFF800;
	(pc) =	sbr.rel @p0 .LBB2_1-.Ltmp1, $4  }
0x2e: {  	[hbm4b:s11+s3] =	stream.linear.scatter [tilespmem:s8], [sflag:$0x2], $0x800, $0x38;
	[tilespmem:$0x880] =	vst v63  }
0x2f: {  	_ =	swait.ge [sflag:s7], $0x800  }
0x30: {  	[sflag:s7] =	ssyncset.done $0x0  }
0x31: {  	[sflag:s7] =	ssyncadd.s32 $0xFFFFF800  }
0x32: {  	_ =	sfence.sel $0x180000  }
0x33: {  	[bflag:$0x0] =	sbarrier.arrive $0xFFFF  }
0x34: {  	p0 =	sne.s32 s1, $0x0;
	_ =	strace $0x90000050  }
0x35: {  	s0 =	sadd.s32 @!p0 $0x100000, s0;
	[bflag:$0x2] =	sbarrier.arrive $0xFFFF  }
0x36: {  	[sflag:s0] =	ssyncadd.tile.s32 @!p0 $0x1;
	_ =	shalt  }
.Lfunc_end2:
_tile_overlayer_lowered:
.L_overlay_start_2:
0x37: {  	(tag) =	ssettag $0x2  }
0x38: {  	s0 =	rddreg [dreg:$0x0];
	s2 =	stileid.u32  }
0x39: {  	s1 =	rddreg [dreg:$0x1];
	p0 =	sne.s32 s2, $0x0  }
0x3a: {  	s3 =	rddreg [dreg:$0x2];
	[bflag:$0x3] =	sbarrier.arrive $0xFFFF;
	s2 =	simm.s32 @!p0 $0x1C02  }
0x3b: {  	[timem:s3], [sflag:s2] =	dma.local @!p0 [hbm:s0], s1  }
0x3c: {  	s0 =	simm.s32 @!p0 $0x2  }
0x3d: {  	_ =	swait.ge @!p0 [sflag:s0], s1  }
0x3e: {  	s1 =	ssub.s32 @!p0 $0x0, s1;
	[sflag:s0] =	ssyncset.done @!p0 $0x0  }
0x3f: {  	[sflag:s0] =	ssyncadd.s32 @!p0 s1  }
0x40: {  	[bflag:$0x3] =	sbarrier.arrive $0xFFFF  }
0x41: {  	_ =	shalt  }

// kernel: kernel.41.cloned.1.call-start
scs
__scs_entry_jumppad:
0x0: {  	(pc) =	sbr.rel $0x88, $3  }
0x1: {  	(tag) =	ssettag $0x0;
	lr =	simm.s32 $0x1  }
0x2: {  	[smem:$0x3F7C] =	sst lr;
	_ =	strace $0xD0000000  }
0x3: {  	_ = 	snop  }
0x4: {  	_ = 	snop  }
0x5: {  	_ = 	snop  }
0x6: {  	_ = 	snop  }
0x7: {  	_ = 	snop  }
__scs_overlays_trampoline_lowered:
0x8: {  	[smem:$0x3F8B] =	sst s0  }
0x9: {  	[smem:$0x3F8C] =	sst s1  }
0xa: {  	[smem:$0x3F8D] =	sst s2  }
0xb: {  	[smem:$0x3F8E] =	sst s3  }
0xc: {  	[smem:$0x3F8F] =	sst s4  }
0xd: {  	[smem:$0x3F90] =	sst s5  }
0xe: {  	[smem:$0x3F91] =	sst s6  }
0xf: {  	[smem:$0x3F92] =	sst s7  }
0x10: {  	[smem:$0x3F93] =	sst s8  }
0x11: {  	[smem:$0x3F94] =	sst s9;
	s0 =	simm.s32 @!p0 $0x0  }
0x12: {  	s1 =	sld [smem:$0x3F7A];
	s0 =	simm.s32 @p0 $0x1  }
0x13: {  	[smem:$0x3F95] =	sst s0;
	s0 =	simm.s32 @!p1 $0x0  }
0x14: {  	s2 =	sld [smem:$0x3F79];
	s0 =	simm.s32 @p1 $0x1  }
0x15: {  	[smem:$0x3F96] =	sst s0;
	s0 =	simm.s32 @!p2 $0x0  }
0x16: {  	s3 =	sld [smem:$0x3FDB];
	s0 =	simm.s32 @p2 $0x1  }
0x17: {  	s4 =	simm.s32 $0x1BF5;
	[smem:$0x3F98] =	sst s0  }
0x18: {  	s0 =	sld [smem:$0x3F7B];
	_ =	swait.ge [sflag:s4], $0x0  }
0x19: {  	s7 =	sld [smem:$0x3F7C]  }
0x1a: {  	s8 =	sadd.s32 $0xFFFFE003, lr  }
0x1b: {  	s9 =	sadd.s32 $0xFFFFFEF7, lr;
	s5 =	simm.s32 $0xFFFFFFFF;
	p2 =	slt.u32 s8, $0xFFFFF086  }
0x1c: {  	p1 =	slt.u32 s9, $0xF7A;
	s5 =	simm.s32 @!p2 $0x0  }
0x1d: {  	s5 =	simm.s32 @p1 $0x1;
	p0 =	seq.s32 s7, s2  }
0x1e: {  	s7 =	smul.u32 @!p0 $0xF7A, s2;
	p2 =	seq.s32 @!p0 s5, $0x0  }
0x1f: {  	s9 =	smul.u32 $0xF7A, s1;
	s8 =	simm.s32 @!p0 $0x1BF5;
	p2 =	por !p2, p0  }
0x20: {  	[sflag:s8] =	ssyncset.s32 @!p0 $0xFFFFF086;
	s6 =	sadd.s32 @!p0 s3, s7;
	s7 =	simm.s32 @!p0 $0x108  }
0x21: {  	s3 =	sadd.s32 s3, s9;
	s6 =	sadd.s32 @!p0 $0x88, s6;
	s7 =	simm.s32 @p2 $0x1082  }
0x22: {  	[simem:s7], [sflag:s8] =	dma.local @!p0 [hbm:s6], $0xF7A  }
0x23: {  	s9 =	sor.u32 $0xD0000000, s2;
	s6 =	simm.s32 $0x108;
	_ =	swait.ge @!p0 [sflag:s8], $0x0  }
0x24: {  	s3 =	sadd.s32 $0x88, s3;
	s6 =	simm.s32 @!p1 $0x1082;
	[sflag:s4] =	ssyncset.s32 $0xFFFFF086  }
0x25: {  	[simem:s6], [sflag:s4] =	dma.local [hbm:s3], $0xF7A  }
0x26: {  	[smem:$0x3F7C] =	sst s1;
	(tag) =	ssettag s2;
	_ =	strace s9  }
0x27: {  	s1 =	sld [smem:$0x3F8C]  }
0x28: {  	s2 =	sld [smem:$0x3F8D]  }
0x29: {  	s4 =	sld [smem:$0x3F8F]  }
0x2a: {  	p0 =	seq.s32 s5, $0x0;
	s5 =	sld [smem:$0x3F90]  }
0x2b: {  	s6 =	sld [smem:$0x3F91]  }
0x2c: {  	s7 =	sld [smem:$0x3F92]  }
0x2d: {  	s3 =	simm.s32 $0x108;
	s8 =	sld [smem:$0x3F93]  }
0x2e: {  	s3 =	simm.s32 @!p0 $0x1082;
	s9 =	sld [smem:$0x3F94]  }
0x2f: {  	lr =	sadd.s32 s0, s3;
	s0 =	sld [smem:$0x3F8B]  }
0x30: {  	s3 =	sld [smem:$0x3F8E]  }
0x31: {  	[smem:$0x3F97] =	sst s10  }
0x32: {  	s10 =	sld [smem:$0x3F95];
	_ =	sdelay $0x3  }
0x33: {  	p0 =	seq.s32 s10, $0x1;
	s10 =	sld [smem:$0x3F97];
	_ =	sdelay $0x3  }
0x34: {  	[smem:$0x3F97] =	sst s10  }
0x35: {  	s10 =	sld [smem:$0x3F96];
	_ =	sdelay $0x3  }
0x36: {  	p1 =	seq.s32 s10, $0x1;
	s10 =	sld [smem:$0x3F97];
	_ =	sdelay $0x3  }
0x37: {  	[smem:$0x3F97] =	sst s10  }
0x38: {  	s10 =	sld [smem:$0x3F98]  }
0x39: {  	_ = 	snop;
	(pc) =	sbr.ind lr, $3  }
0x3a: {  	_ = 	snop  }
0x3b: {  	_ = 	snop  }
0x3c: {  	p2 =	seq.s32 s10, $0x1;
	s10 =	sld [smem:$0x3F97]  }
0x3d: {  	_ =	shalt  }
0x3e: {  	_ =	shalt  }
0x3f: {  	_ =	shalt  }
0x40: {  	_ =	shalt  }
0x41: {  	_ =	shalt  }
0x42: {  	_ =	shalt  }
0x43: {  	_ =	shalt  }
0x44: {  	_ =	shalt  }
0x45: {  	_ =	shalt  }
0x46: {  	_ =	shalt  }
0x47: {  	_ =	shalt  }
0x48: {  	_ =	shalt  }
0x49: {  	_ =	shalt  }
0x4a: {  	_ =	shalt  }
0x4b: {  	_ =	shalt  }
0x4c: {  	_ =	shalt  }
0x4d: {  	_ =	shalt  }
0x4e: {  	_ =	shalt  }
0x4f: {  	_ =	shalt  }
0x50: {  	_ =	shalt  }
0x51: {  	_ =	shalt  }
0x52: {  	_ =	shalt  }
0x53: {  	_ =	shalt  }
0x54: {  	_ =	shalt  }
0x55: {  	_ =	shalt  }
0x56: {  	_ =	shalt  }
0x57: {  	_ =	shalt  }
0x58: {  	_ =	shalt  }
0x59: {  	_ =	shalt  }
0x5a: {  	_ =	shalt  }
0x5b: {  	_ =	shalt  }
0x5c: {  	_ =	shalt  }
0x5d: {  	_ =	shalt  }
0x5e: {  	_ =	shalt  }
0x5f: {  	_ =	shalt  }
0x60: {  	_ =	shalt  }
0x61: {  	_ =	shalt  }
0x62: {  	_ =	shalt  }
0x63: {  	_ =	shalt  }
0x64: {  	_ =	shalt  }
0x65: {  	_ =	shalt  }
0x66: {  	_ =	shalt  }
0x67: {  	_ =	shalt  }
0x68: {  	_ =	shalt  }
0x69: {  	_ =	shalt  }
0x6a: {  	_ =	shalt  }
0x6b: {  	_ =	shalt  }
0x6c: {  	_ =	shalt  }
0x6d: {  	_ =	shalt  }
0x6e: {  	_ =	shalt  }
0x6f: {  	_ =	shalt  }
0x70: {  	_ =	shalt  }
0x71: {  	_ =	shalt  }
0x72: {  	_ =	shalt  }
0x73: {  	_ =	shalt  }
0x74: {  	_ =	shalt  }
0x75: {  	_ =	shalt  }
0x76: {  	_ =	shalt  }
0x77: {  	_ =	shalt  }
0x78: {  	_ =	shalt  }
0x79: {  	_ =	shalt  }
0x7a: {  	_ =	shalt  }
0x7b: {  	_ =	shalt  }
0x7c: {  	_ =	shalt  }
0x7d: {  	_ =	shalt  }
0x7e: {  	_ =	shalt  }
0x7f: {  	_ =	shalt  }
0x80: {  	_ =	shalt  }
0x81: {  	_ =	shalt  }
0x82: {  	_ =	shalt  }
0x83: {  	_ =	shalt  }
0x84: {  	_ =	shalt  }
0x85: {  	_ =	shalt  }
0x86: {  	_ =	shalt  }
0x87: {  	_ =	shalt  }
.Lfunc_end0:
.L_simem_size_0:
called_computation.4_lowered:
.L_overlay_start_0:
0x88: {  	s2 =	sld [smem:$0x3FD9]  }
0x89: {  	s3 =	sld [smem:$0x3FFE];
	_ =	sdelay $0x1  }
0x8a: {  	s1 =	srdreg.scid  }
0x8b: {  	s0 =	sand.u32 $0x1, s1  }
0x8c: {  	s16 =	sshll.u32 s0, $0xA;
	s2 =	sadd.s32 s3, s2  }
0x8d: {  	s2 =	sadd.s32 s2, s16  }
0x8e: {  	[smem:$0x3FA3] =	sst s2  }
0x8f: {  	_ = 	snop  }
0x90: {  	(tm) =	ssettm $0x1  }
0x91: {  	s17 =	sld [smem:$0x3FFB];
	_ =	sdelay $0x3  }
0x92: {  	_ =	strace s17  }
0x93: {  	s2 =	sld [smem:$0x3FFC];
	_ =	sdelay $0x3  }
0x94: {  	_ =	strace s2  }
0x95: {  	s2 =	sld [smem:$0x3FFD];
	_ =	sdelay $0x3  }
0x96: {  	_ =	strace s2  }
0x97: {  	_ =	strace $0x8FFFFFFF  }
0x98: {  	s18 =	sld [smem:$0x3FDB];
	_ =	sdelay $0x1  }
0x99: {  	s19 =	simm.s32 $_scs_section_size  }
0x9a: {  	s4 =	simm.s32 $_size__tile_overlayer_lowered;
	s5 =	simm.s32 $_tile_overlayer_lowered  }
0x9b: {  	s22 =	simm.s32 $0x1BFF;
	s21 =	sshll.u32 s5, $0x1;
	s2 =	sadd.s32 s19, s18  }
0x9c: {  	s6 =	simm.s32 $0x0;
	s20 =	sshll.u32 s4, $0x1;
	s4 =	sadd.s32 s21, s2  }
0x9d: {  	[timem:s6], [sflag:s22] =	dma.local [hbm:s4], s20  }
0x9e: {  	_ =	swait.ge [sflag:s22], s20  }
0x9f: {  	s3 =	ssub.s32 $0x0, s20;
	[sflag:s22] =	ssyncset.done $0x0  }
0xa0: {  	[sflag:s22] =	ssyncadd.s32 s3;
	_ =	sdelay $0x1  }
0xa1: {  	s23 =	simm.s32 $0x1B8B  }
0xa2: {  	_ =	swait.ge [sflag:s23], $0x1  }
0xa3: {  	[sflag:s23] =	ssyncset.done $0x0  }
0xa4: {  	s25 =	simm.s32 $0x1B8E;
	s24 =	sld [smem:$0x3FFE];
	[sflag:s23] =	ssyncadd.s32 $0xFFFFFFFF  }
0xa5: {  	s26 =	simm.s32 $execute0_lowered;
	[smem:$0x3FD2] =	sst s25  }
0xa6: {  	s4 =	sshll.u32 s26, $0x1;
	_ =	strace $0x80000052;
	[dreg:$0x1] =	wrdreg $0xFFFFFFFF  }
0xa7: {  	s28 =	simm.s32 $_size_execute0_lowered;
	s2 =	sadd.s32 s2, s4;
	[dreg:$0x0] =	wrdreg $0x0  }
0xa8: {  	s4 =	sshll.u32 s28, $0x1;
	[dreg:$0x2] =	wrdreg s2  }
0xa9: {  	[dreg:$0x3] =	wrdreg s4  }
0xaa: {  	[dreg:$0x4] =	wrdreg $0xC0  }
0xab: {  	_ =	task [dreg:s6], $0x5FFFF  }
0xac: {  	[dreg:$0x1] =	wrdreg $0xFFFFFFFF  }
0xad: {  	[dreg:$0x0] =	wrdreg $0x60  }
0xae: {  	[dreg:$0x2] =	wrdreg s24  }
0xaf: {  	[dreg:$0x3] =	wrdreg $0x9  }
0xb0: {  	_ =	task.clear_ibuf [dreg:s6], $0x4FFFF;
	_ =	strace $0x90000052  }
0xb1: {  	s29 =	simm.s32 $0x9;
	_ =	strace $0x80000054  }
0xb2: {  	_ =	swait.ge [sflag:s29], $0x1  }
0xb3: {  	[sflag:s29] =	ssyncadd.s32 $0xFFFFFFFF  }
0xb4: {  	_ =	strace $0x90000054  }
0xb5: {  	_ =	sfence  }
0xb6: {  	s30 =	sld [smem:$0x0];
	_ =	sdelay $0x2  }
0xb7: {  	s31 =	sshll.u32 s1, $0xD;
	s1 =	sshrl.u32 s1, $0x2  }
0xb8: {  	s3 =	sand.u32 $0x4000, s31;
	s1 =	sadd.s32 s1, s30  }
0xb9: {  	s0 =	sor.u32 s3, s0;
	s1 =	sshll.u32 s1, $0x11  }
0xba: {  	s0 =	sor.u32 s1, s0  }
0xbb: {  	s0 =	sadd.s32 $0x8F2B, s0  }
0xbc: {  	[sflag:s0] =	ssyncadd.remote.s32 $0x1  }
0xbd: {  	_ =	sfence.sel $0xFFFF  }
0xbe: {  	[dreg:$0x0] =	wrdreg $0xFFFFFFFF;
	(pc) =	sbr.abs _section_cstart, $3  }
0xbf: {  	[dreg:$0x1] =	wrdreg $0xFFFFFFFF  }
0xc0: {  	_ =	task.clear_ibuf [dreg:s6], $0x2FFFF;
	_ =	strace $0x9FFFFFFF  }
0xc1: {  	(tm) =	ssettm $0x7FFFFFFF  }
tec
execute0_lowered:
.L_overlay_start_1:
0x0: {  	(tag) =	ssettag $0x1  }
0x1: {  	s4 =	rddreg [dreg:$0x0]  }
0x2: {  	s0 =	rddreg [dreg:$0x1];
	s2 =	simm.s32 $0x0;
	s1 =	stileid.u32  }
0x3: {  	s3 =	srdreg.scid;
	s10 =	simm.s32 $0x0;
	s6 =	smul.u32 $0x1E600, s1  }
0x4: {  	[smem:$0x7FF] =	sst s2;
	s5 =	sand.u32 $0x1, s3;
	s8 =	smul.u32 $0x79800, s1  }
0x5: {  	s3 =	sadd.s32 $0x12F600, s4;
	s7 =	smul.u32 $0xF300, s5;
	s9 =	ssub.s32 $0x2, s5  }
0x6: {  	_ =	strace $0x80000053;
	s5 =	smul.u32 $0x3CC00, s5;
	s31 =	sshrl.u32 s9, $0x1  }
0x7: {  	s8 =	sadd.s32 s8, s4;
	s6 =	sadd.s32 s7, s6;
	s7 =	ssub.s32 s9, s31  }
0x8: {  	s5 =	sadd.s32 s5, s8;
	s8 =	simm.s32 $0x80;
	s6 =	sshrl.u32 s6, $0x3  }
0x9: {  	s9 =	simm.s32 $0x1;
	s5 =	sadd.s32 $0x177600, s5;
	s6 =	sadd.s32 s6, s4  }
0xa: {  	s4 =	smax.u32 s7, $0x1;
	s7 =	simm.s32 $0x2;
	s6 =	sadd.s32 $0xF600, s6  }
.LBB2_1:
0xb: {  	s11 =	sadd.s32 $0x0, s6  }
0xc: {  	[tilespmem:s2], [sflag:$0x2] =	stream.linear.gather [hbm4b:s11+s2], $0x80, $0x38;
	[tilespmem:$0x1080] =	vst v63  }
0xd: {  	_ =	swait.ge [sflag:s7], $0x80  }
0xe: {  	[sflag:s7] =	ssyncset.done $0x0  }
0xf: {  	[sflag:s7] =	ssyncadd.s32 $0xFFFFFF80  }
0x10: {  	[tilespmem:s8], [sflag:$0x1] =	stream.indirect.gather [hbm4b:s3+s8], $0x20, s2, s8, $0xb8;
	[tilespmem:$0x1080] =	vst v63  }
0x11: {  	_ =	swait.ge [sflag:s9], $0x1000  }
0x12: {  	[sflag:s9] =	ssyncset.done $0x0  }
0x13: {  	[sflag:s9] =	ssyncadd.s32 $0xFFFFF000  }
0x14: {  	[hbm4b:s5+s2] =	stream.linear.scatter [tilespmem:s8], [sflag:$0x2], $0x1000, $0x38;
	[tilespmem:$0x1080] =	vst v63  }
0x15: {  	s12 =	simm.s32 $0x10;
	_ =	swait.ge [sflag:s7], $0x1000  }
0x16: {  	s13 =	simm.s32 $0x20;
	s11 =	sadd.s32 $0x200, s5;
	[sflag:s7] =	ssyncset.done $0x0  }
.LBB2_2:
0x17: {  	s14 =	sadd.s32 s12, s6  }
0x18: {  	[sflag:s7] =	ssyncadd.s32 $0xFFFFF000;
	s12 =	smov.u32 s13;
	s15 =	sadd.s32 $0x10, s13  }
0x19: {  	[tilespmem:s2], [sflag:$0x2] =	stream.linear.gather [hbm4b:s14+s2], $0x80, $0x38;
	[tilespmem:$0x1080] =	vst v63  }
0x1a: {  	p0 =	sne.s32 s13, $0x1E50;
	_ =	swait.ge [sflag:s7], $0x80  }
0x1b: {  	[sflag:s7] =	ssyncset.done $0x0  }
0x1c: {  	[sflag:s7] =	ssyncadd.s32 $0xFFFFFF80  }
0x1d: {  	[tilespmem:s8], [sflag:$0x1] =	stream.indirect.gather [hbm4b:s3+s8], $0x20, s2, s8, $0xb8;
	[tilespmem:$0x1080] =	vst v63  }
0x1e: {  	_ =	swait.ge [sflag:s9], $0x1000  }
.Ltmp0:
0x1f: {  	[sflag:s9] =	ssyncset.done $0x0;
	(pc) =	sbr.rel @p0 .LBB2_2-.Ltmp0, $4  }
0x20: {  	[sflag:s9] =	ssyncadd.s32 $0xFFFFF000  }
0x21: {  	[hbm4b:s11+s2] =	stream.linear.scatter [tilespmem:s8], [sflag:$0x2], $0x1000, $0x38;
	[tilespmem:$0x1080] =	vst v63  }
0x22: {  	_ =	swait.ge [sflag:s7], $0x1000  }
0x23: {  	s13 =	smov.u32 s15;
	s11 =	sadd.s32 $0x200, s11;
	[sflag:s7] =	ssyncset.done $0x0  }
0x24: {  	s12 =	sadd.s32 s12, s6;
	[sflag:s7] =	ssyncadd.s32 $0xFFFFF000  }
0x25: {  	[tilespmem:s2], [sflag:$0x2] =	stream.linear.gather [hbm4b:s12+s2], $0x80, $0x38;
	[tilespmem:$0x1080] =	vst v63  }
0x26: {  	_ =	swait.ge [sflag:s7], $0x80  }
0x27: {  	[sflag:s7] =	ssyncset.done $0x0  }
0x28: {  	[sflag:s7] =	ssyncadd.s32 $0xFFFFFF80  }
0x29: {  	[tilespmem:s8], [sflag:$0x1] =	stream.indirect.gather [hbm4b:s3+s8], $0x20, s2, s8, $0xb8;
	[tilespmem:$0x1080] =	vst v63  }
0x2a: {  	s10 =	sadd.s32 $0x1, s10;
	_ =	swait.ge [sflag:s9], $0x1000  }
0x2b: {  	p0 =	sne.s32 s10, s4;
	[sflag:s9] =	ssyncset.done $0x0  }
.Ltmp1:
0x2c: {  	[sflag:s9] =	ssyncadd.s32 $0xFFFFF000;
	(pc) =	sbr.rel @p0 .LBB2_1-.Ltmp1, $4  }
0x2d: {  	[hbm4b:s11+s2] =	stream.linear.scatter [tilespmem:s8], [sflag:$0x2], $0x1000, $0x38;
	[tilespmem:$0x1080] =	vst v63  }
0x2e: {  	_ =	swait.ge [sflag:s7], $0x1000  }
0x2f: {  	[sflag:s7] =	ssyncset.done $0x0  }
0x30: {  	[sflag:s7] =	ssyncadd.s32 $0xFFFFF000  }
0x31: {  	_ =	sfence.sel $0x180000  }
0x32: {  	[bflag:$0x0] =	sbarrier.arrive $0xFFFF  }
0x33: {  	p0 =	sne.s32 s1, $0x0;
	_ =	strace $0x90000053  }
0x34: {  	s0 =	sadd.s32 @!p0 $0x100000, s0;
	[bflag:$0x2] =	sbarrier.arrive $0xFFFF  }
0x35: {  	[sflag:s0] =	ssyncadd.tile.s32 @!p0 $0x1;
	_ =	shalt  }
.Lfunc_end2:
_tile_overlayer_lowered:
.L_overlay_start_2:
0x36: {  	(tag) =	ssettag $0x2  }
0x37: {  	s0 =	rddreg [dreg:$0x0];
	s2 =	stileid.u32  }
0x38: {  	s1 =	rddreg [dreg:$0x1];
	p0 =	sne.s32 s2, $0x0  }
0x39: {  	s3 =	rddreg [dreg:$0x2];
	[bflag:$0x3] =	sbarrier.arrive $0xFFFF;
	s2 =	simm.s32 @!p0 $0x1C02  }
0x3a: {  	[timem:s3], [sflag:s2] =	dma.local @!p0 [hbm:s0], s1  }
0x3b: {  	s0 =	simm.s32 @!p0 $0x2  }
0x3c: {  	_ =	swait.ge @!p0 [sflag:s0], s1  }
0x3d: {  	s1 =	ssub.s32 @!p0 $0x0, s1;
	[sflag:s0] =	ssyncset.done @!p0 $0x0  }
0x3e: {  	[sflag:s0] =	ssyncadd.s32 @!p0 s1  }
0x3f: {  	[bflag:$0x3] =	sbarrier.arrive $0xFFFF  }
0x40: {  	_ =	shalt  }

// kernel: kernel.44.cloned.1.call-start
scs
__scs_entry_jumppad:
0x0: {  	(pc) =	sbr.rel $0x88, $3  }
0x1: {  	(tag) =	ssettag $0x0;
	lr =	simm.s32 $0x1  }
0x2: {  	[smem:$0x3F7C] =	sst lr;
	_ =	strace $0xD0000000  }
0x3: {  	_ = 	snop  }
0x4: {  	_ = 	snop  }
0x5: {  	_ = 	snop  }
0x6: {  	_ = 	snop  }
0x7: {  	_ = 	snop  }
__scs_overlays_trampoline_lowered:
0x8: {  	[smem:$0x3F8B] =	sst s0  }
0x9: {  	[smem:$0x3F8C] =	sst s1  }
0xa: {  	[smem:$0x3F8D] =	sst s2  }
0xb: {  	[smem:$0x3F8E] =	sst s3  }
0xc: {  	[smem:$0x3F8F] =	sst s4  }
0xd: {  	[smem:$0x3F90] =	sst s5  }
0xe: {  	[smem:$0x3F91] =	sst s6  }
0xf: {  	[smem:$0x3F92] =	sst s7  }
0x10: {  	[smem:$0x3F93] =	sst s8  }
0x11: {  	[smem:$0x3F94] =	sst s9;
	s0 =	simm.s32 @!p0 $0x0  }
0x12: {  	s1 =	sld [smem:$0x3F7A];
	s0 =	simm.s32 @p0 $0x1  }
0x13: {  	[smem:$0x3F95] =	sst s0;
	s0 =	simm.s32 @!p1 $0x0  }
0x14: {  	s2 =	sld [smem:$0x3F79];
	s0 =	simm.s32 @p1 $0x1  }
0x15: {  	[smem:$0x3F96] =	sst s0;
	s0 =	simm.s32 @!p2 $0x0  }
0x16: {  	s3 =	sld [smem:$0x3FDB];
	s0 =	simm.s32 @p2 $0x1  }
0x17: {  	s4 =	simm.s32 $0x1BF5;
	[smem:$0x3F98] =	sst s0  }
0x18: {  	s0 =	sld [smem:$0x3F7B];
	_ =	swait.ge [sflag:s4], $0x0  }
0x19: {  	s7 =	sld [smem:$0x3F7C]  }
0x1a: {  	s8 =	sadd.s32 $0xFFFFE003, lr  }
0x1b: {  	s9 =	sadd.s32 $0xFFFFFEF7, lr;
	s5 =	simm.s32 $0xFFFFFFFF;
	p2 =	slt.u32 s8, $0xFFFFF086  }
0x1c: {  	p1 =	slt.u32 s9, $0xF7A;
	s5 =	simm.s32 @!p2 $0x0  }
0x1d: {  	s5 =	simm.s32 @p1 $0x1;
	p0 =	seq.s32 s7, s2  }
0x1e: {  	s7 =	smul.u32 @!p0 $0xF7A, s2;
	p2 =	seq.s32 @!p0 s5, $0x0  }
0x1f: {  	s9 =	smul.u32 $0xF7A, s1;
	s8 =	simm.s32 @!p0 $0x1BF5;
	p2 =	por !p2, p0  }
0x20: {  	[sflag:s8] =	ssyncset.s32 @!p0 $0xFFFFF086;
	s6 =	sadd.s32 @!p0 s3, s7;
	s7 =	simm.s32 @!p0 $0x108  }
0x21: {  	s3 =	sadd.s32 s3, s9;
	s6 =	sadd.s32 @!p0 $0x88, s6;
	s7 =	simm.s32 @p2 $0x1082  }
0x22: {  	[simem:s7], [sflag:s8] =	dma.local @!p0 [hbm:s6], $0xF7A  }
0x23: {  	s9 =	sor.u32 $0xD0000000, s2;
	s6 =	simm.s32 $0x108;
	_ =	swait.ge @!p0 [sflag:s8], $0x0  }
0x24: {  	s3 =	sadd.s32 $0x88, s3;
	s6 =	simm.s32 @!p1 $0x1082;
	[sflag:s4] =	ssyncset.s32 $0xFFFFF086  }
0x25: {  	[simem:s6], [sflag:s4] =	dma.local [hbm:s3], $0xF7A  }
0x26: {  	[smem:$0x3F7C] =	sst s1;
	(tag) =	ssettag s2;
	_ =	strace s9  }
0x27: {  	s1 =	sld [smem:$0x3F8C]  }
0x28: {  	s2 =	sld [smem:$0x3F8D]  }
0x29: {  	s4 =	sld [smem:$0x3F8F]  }
0x2a: {  	p0 =	seq.s32 s5, $0x0;
	s5 =	sld [smem:$0x3F90]  }
0x2b: {  	s6 =	sld [smem:$0x3F91]  }
0x2c: {  	s7 =	sld [smem:$0x3F92]  }
0x2d: {  	s3 =	simm.s32 $0x108;
	s8 =	sld [smem:$0x3F93]  }
0x2e: {  	s3 =	simm.s32 @!p0 $0x1082;
	s9 =	sld [smem:$0x3F94]  }
0x2f: {  	lr =	sadd.s32 s0, s3;
	s0 =	sld [smem:$0x3F8B]  }
0x30: {  	s3 =	sld [smem:$0x3F8E]  }
0x31: {  	[smem:$0x3F97] =	sst s10  }
0x32: {  	s10 =	sld [smem:$0x3F95];
	_ =	sdelay $0x3  }
0x33: {  	p0 =	seq.s32 s10, $0x1;
	s10 =	sld [smem:$0x3F97];
	_ =	sdelay $0x3  }
0x34: {  	[smem:$0x3F97] =	sst s10  }
0x35: {  	s10 =	sld [smem:$0x3F96];
	_ =	sdelay $0x3  }
0x36: {  	p1 =	seq.s32 s10, $0x1;
	s10 =	sld [smem:$0x3F97];
	_ =	sdelay $0x3  }
0x37: {  	[smem:$0x3F97] =	sst s10  }
0x38: {  	s10 =	sld [smem:$0x3F98]  }
0x39: {  	_ = 	snop;
	(pc) =	sbr.ind lr, $3  }
0x3a: {  	_ = 	snop  }
0x3b: {  	_ = 	snop  }
0x3c: {  	p2 =	seq.s32 s10, $0x1;
	s10 =	sld [smem:$0x3F97]  }
0x3d: {  	_ =	shalt  }
0x3e: {  	_ =	shalt  }
0x3f: {  	_ =	shalt  }
0x40: {  	_ =	shalt  }
0x41: {  	_ =	shalt  }
0x42: {  	_ =	shalt  }
0x43: {  	_ =	shalt  }
0x44: {  	_ =	shalt  }
0x45: {  	_ =	shalt  }
0x46: {  	_ =	shalt  }
0x47: {  	_ =	shalt  }
0x48: {  	_ =	shalt  }
0x49: {  	_ =	shalt  }
0x4a: {  	_ =	shalt  }
0x4b: {  	_ =	shalt  }
0x4c: {  	_ =	shalt  }
0x4d: {  	_ =	shalt  }
0x4e: {  	_ =	shalt  }
0x4f: {  	_ =	shalt  }
0x50: {  	_ =	shalt  }
0x51: {  	_ =	shalt  }
0x52: {  	_ =	shalt  }
0x53: {  	_ =	shalt  }
0x54: {  	_ =	shalt  }
0x55: {  	_ =	shalt  }
0x56: {  	_ =	shalt  }
0x57: {  	_ =	shalt  }
0x58: {  	_ =	shalt  }
0x59: {  	_ =	shalt  }
0x5a: {  	_ =	shalt  }
0x5b: {  	_ =	shalt  }
0x5c: {  	_ =	shalt  }
0x5d: {  	_ =	shalt  }
0x5e: {  	_ =	shalt  }
0x5f: {  	_ =	shalt  }
0x60: {  	_ =	shalt  }
0x61: {  	_ =	shalt  }
0x62: {  	_ =	shalt  }
0x63: {  	_ =	shalt  }
0x64: {  	_ =	shalt  }
0x65: {  	_ =	shalt  }
0x66: {  	_ =	shalt  }
0x67: {  	_ =	shalt  }
0x68: {  	_ =	shalt  }
0x69: {  	_ =	shalt  }
0x6a: {  	_ =	shalt  }
0x6b: {  	_ =	shalt  }
0x6c: {  	_ =	shalt  }
0x6d: {  	_ =	shalt  }
0x6e: {  	_ =	shalt  }
0x6f: {  	_ =	shalt  }
0x70: {  	_ =	shalt  }
0x71: {  	_ =	shalt  }
0x72: {  	_ =	shalt  }
0x73: {  	_ =	shalt  }
0x74: {  	_ =	shalt  }
0x75: {  	_ =	shalt  }
0x76: {  	_ =	shalt  }
0x77: {  	_ =	shalt  }
0x78: {  	_ =	shalt  }
0x79: {  	_ =	shalt  }
0x7a: {  	_ =	shalt  }
0x7b: {  	_ =	shalt  }
0x7c: {  	_ =	shalt  }
0x7d: {  	_ =	shalt  }
0x7e: {  	_ =	shalt  }
0x7f: {  	_ =	shalt  }
0x80: {  	_ =	shalt  }
0x81: {  	_ =	shalt  }
0x82: {  	_ =	shalt  }
0x83: {  	_ =	shalt  }
0x84: {  	_ =	shalt  }
0x85: {  	_ =	shalt  }
0x86: {  	_ =	shalt  }
0x87: {  	_ =	shalt  }
.Lfunc_end0:
.L_simem_size_0:
called_computation.5_lowered:
.L_overlay_start_0:
0x88: {  	s2 =	sld [smem:$0x3FD9]  }
0x89: {  	s3 =	sld [smem:$0x3FFE];
	_ =	sdelay $0x1  }
0x8a: {  	s1 =	srdreg.scid  }
0x8b: {  	s0 =	sand.u32 $0x1, s1  }
0x8c: {  	s16 =	sshll.u32 s0, $0xA;
	s2 =	sadd.s32 s3, s2  }
0x8d: {  	s2 =	sadd.s32 s2, s16  }
0x8e: {  	[smem:$0x3FA3] =	sst s2  }
0x8f: {  	_ = 	snop  }
0x90: {  	(tm) =	ssettm $0x1  }
0x91: {  	s17 =	sld [smem:$0x3FFB];
	_ =	sdelay $0x3  }
0x92: {  	_ =	strace s17  }
0x93: {  	s2 =	sld [smem:$0x3FFC];
	_ =	sdelay $0x3  }
0x94: {  	_ =	strace s2  }
0x95: {  	s2 =	sld [smem:$0x3FFD];
	_ =	sdelay $0x3  }
0x96: {  	_ =	strace s2  }
0x97: {  	_ =	strace $0x8FFFFFFF  }
0x98: {  	s18 =	sld [smem:$0x3FDB];
	_ =	sdelay $0x1  }
0x99: {  	s19 =	simm.s32 $_scs_section_size  }
0x9a: {  	s4 =	simm.s32 $_size__tile_overlayer_lowered;
	s5 =	simm.s32 $_tile_overlayer_lowered  }
0x9b: {  	s22 =	simm.s32 $0x1BFF;
	s21 =	sshll.u32 s5, $0x1;
	s2 =	sadd.s32 s19, s18  }
0x9c: {  	s6 =	simm.s32 $0x0;
	s20 =	sshll.u32 s4, $0x1;
	s4 =	sadd.s32 s21, s2  }
0x9d: {  	[timem:s6], [sflag:s22] =	dma.local [hbm:s4], s20  }
0x9e: {  	_ =	swait.ge [sflag:s22], s20  }
0x9f: {  	s3 =	ssub.s32 $0x0, s20;
	[sflag:s22] =	ssyncset.done $0x0  }
0xa0: {  	[sflag:s22] =	ssyncadd.s32 s3;
	_ =	sdelay $0x1  }
0xa1: {  	s23 =	simm.s32 $0x1B8B  }
0xa2: {  	_ =	swait.ge [sflag:s23], $0x1  }
0xa3: {  	[sflag:s23] =	ssyncset.done $0x0  }
0xa4: {  	s25 =	simm.s32 $0x1B8E;
	s24 =	sld [smem:$0x3FFE];
	[sflag:s23] =	ssyncadd.s32 $0xFFFFFFFF  }
0xa5: {  	s26 =	simm.s32 $execute0_lowered;
	[smem:$0x3FD2] =	sst s25  }
0xa6: {  	s4 =	sshll.u32 s26, $0x1;
	_ =	strace $0x80000055;
	[dreg:$0x1] =	wrdreg $0xFFFFFFFF  }
0xa7: {  	s28 =	simm.s32 $_size_execute0_lowered;
	s2 =	sadd.s32 s2, s4;
	[dreg:$0x0] =	wrdreg $0x0  }
0xa8: {  	s4 =	sshll.u32 s28, $0x1;
	[dreg:$0x2] =	wrdreg s2  }
0xa9: {  	[dreg:$0x3] =	wrdreg s4  }
0xaa: {  	[dreg:$0x4] =	wrdreg $0xC0  }
0xab: {  	_ =	task [dreg:s6], $0x5FFFF  }
0xac: {  	[dreg:$0x1] =	wrdreg $0xFFFFFFFF  }
0xad: {  	[dreg:$0x0] =	wrdreg $0x60  }
0xae: {  	[dreg:$0x2] =	wrdreg s24  }
0xaf: {  	[dreg:$0x3] =	wrdreg $0x9  }
0xb0: {  	_ =	task.clear_ibuf [dreg:s6], $0x4FFFF;
	_ =	strace $0x90000055  }
0xb1: {  	s29 =	simm.s32 $0x9;
	_ =	strace $0x80000057  }
0xb2: {  	_ =	swait.ge [sflag:s29], $0x1  }
0xb3: {  	[sflag:s29] =	ssyncadd.s32 $0xFFFFFFFF  }
0xb4: {  	_ =	strace $0x90000057  }
0xb5: {  	_ =	sfence  }
0xb6: {  	s30 =	sld [smem:$0x0];
	_ =	sdelay $0x2  }
0xb7: {  	s31 =	sshll.u32 s1, $0xD;
	s1 =	sshrl.u32 s1, $0x2  }
0xb8: {  	s3 =	sand.u32 $0x4000, s31;
	s1 =	sadd.s32 s1, s30  }
0xb9: {  	s0 =	sor.u32 s3, s0;
	s1 =	sshll.u32 s1, $0x11  }
0xba: {  	s0 =	sor.u32 s1, s0  }
0xbb: {  	s0 =	sadd.s32 $0x8F2B, s0  }
0xbc: {  	[sflag:s0] =	ssyncadd.remote.s32 $0x1  }
0xbd: {  	_ =	sfence.sel $0xFFFF  }
0xbe: {  	[dreg:$0x0] =	wrdreg $0xFFFFFFFF;
	(pc) =	sbr.abs _section_cstart, $3  }
0xbf: {  	[dreg:$0x1] =	wrdreg $0xFFFFFFFF  }
0xc0: {  	_ =	task.clear_ibuf [dreg:s6], $0x2FFFF;
	_ =	strace $0x9FFFFFFF  }
0xc1: {  	(tm) =	ssettm $0x7FFFFFFF  }
tec
execute0_lowered:
.L_overlay_start_1:
0x0: {  	(tag) =	ssettag $0x1  }
0x1: {  	s4 =	rddreg [dreg:$0x0]  }
0x2: {  	s0 =	rddreg [dreg:$0x1];
	s2 =	simm.s32 $0x0;
	s1 =	stileid.u32  }
0x3: {  	s3 =	srdreg.scid;
	s10 =	simm.s32 $0x0;
	s6 =	smul.u32 $0x1E600, s1  }
0x4: {  	[smem:$0x7FF] =	sst s2;
	s5 =	sand.u32 $0x1, s3;
	s8 =	smul.u32 $0x79800, s1  }
0x5: {  	s3 =	sadd.s32 $0x1A8E00, s4;
	s7 =	smul.u32 $0xF300, s5;
	s9 =	ssub.s32 $0x2, s5  }
0x6: {  	_ =	strace $0x80000056;
	s5 =	smul.u32 $0x3CC00, s5;
	s31 =	sshrl.u32 s9, $0x1  }
0x7: {  	s8 =	sadd.s32 s8, s4;
	s6 =	sadd.s32 s7, s6;
	s7 =	ssub.s32 s9, s31  }
0x8: {  	s5 =	sadd.s32 s5, s8;
	s8 =	simm.s32 $0x80;
	s6 =	sshrl.u32 s6, $0x3  }
0x9: {  	s9 =	simm.s32 $0x1;
	s5 =	sadd.s32 $0x1F0E00, s5;
	s6 =	sadd.s32 s6, s4  }
0xa: {  	s4 =	smax.u32 s7, $0x1;
	s7 =	simm.s32 $0x2;
	s6 =	sadd.s32 $0x4C200, s6  }
.LBB2_1:
0xb: {  	s11 =	sadd.s32 $0x0, s6  }
0xc: {  	[tilespmem:s2], [sflag:$0x2] =	stream.linear.gather [hbm4b:s11+s2], $0x80, $0x38;
	[tilespmem:$0x1080] =	vst v63  }
0xd: {  	_ =	swait.ge [sflag:s7], $0x80  }
0xe: {  	[sflag:s7] =	ssyncset.done $0x0  }
0xf: {  	[sflag:s7] =	ssyncadd.s32 $0xFFFFFF80  }
0x10: {  	[tilespmem:s8], [sflag:$0x1] =	stream.indirect.gather [hbm4b:s3+s8], $0x20, s2, s8, $0xb8;
	[tilespmem:$0x1080] =	vst v63  }
0x11: {  	_ =	swait.ge [sflag:s9], $0x1000  }
0x12: {  	[sflag:s9] =	ssyncset.done $0x0  }
0x13: {  	[sflag:s9] =	ssyncadd.s32 $0xFFFFF000  }
0x14: {  	[hbm4b:s5+s2] =	stream.linear.scatter [tilespmem:s8], [sflag:$0x2], $0x1000, $0x38;
	[tilespmem:$0x1080] =	vst v63  }
0x15: {  	s12 =	simm.s32 $0x10;
	_ =	swait.ge [sflag:s7], $0x1000  }
0x16: {  	s13 =	simm.s32 $0x20;
	s11 =	sadd.s32 $0x200, s5;
	[sflag:s7] =	ssyncset.done $0x0  }
.LBB2_2:
0x17: {  	s14 =	sadd.s32 s12, s6  }
0x18: {  	[sflag:s7] =	ssyncadd.s32 $0xFFFFF000;
	s12 =	smov.u32 s13;
	s15 =	sadd.s32 $0x10, s13  }
0x19: {  	[tilespmem:s2], [sflag:$0x2] =	stream.linear.gather [hbm4b:s14+s2], $0x80, $0x38;
	[tilespmem:$0x1080] =	vst v63  }
0x1a: {  	p0 =	sne.s32 s13, $0x1E50;
	_ =	swait.ge [sflag:s7], $0x80  }
0x1b: {  	[sflag:s7] =	ssyncset.done $0x0  }
0x1c: {  	[sflag:s7] =	ssyncadd.s32 $0xFFFFFF80  }
0x1d: {  	[tilespmem:s8], [sflag:$0x1] =	stream.indirect.gather [hbm4b:s3+s8], $0x20, s2, s8, $0xb8;
	[tilespmem:$0x1080] =	vst v63  }
0x1e: {  	_ =	swait.ge [sflag:s9], $0x1000  }
.Ltmp0:
0x1f: {  	[sflag:s9] =	ssyncset.done $0x0;
	(pc) =	sbr.rel @p0 .LBB2_2-.Ltmp0, $4  }
0x20: {  	[sflag:s9] =	ssyncadd.s32 $0xFFFFF000  }
0x21: {  	[hbm4b:s11+s2] =	stream.linear.scatter [tilespmem:s8], [sflag:$0x2], $0x1000, $0x38;
	[tilespmem:$0x1080] =	vst v63  }
0x22: {  	_ =	swait.ge [sflag:s7], $0x1000  }
0x23: {  	s13 =	smov.u32 s15;
	s11 =	sadd.s32 $0x200, s11;
	[sflag:s7] =	ssyncset.done $0x0  }
0x24: {  	s12 =	sadd.s32 s12, s6;
	[sflag:s7] =	ssyncadd.s32 $0xFFFFF000  }
0x25: {  	[tilespmem:s2], [sflag:$0x2] =	stream.linear.gather [hbm4b:s12+s2], $0x80, $0x38;
	[tilespmem:$0x1080] =	vst v63  }
0x26: {  	_ =	swait.ge [sflag:s7], $0x80  }
0x27: {  	[sflag:s7] =	ssyncset.done $0x0  }
0x28: {  	[sflag:s7] =	ssyncadd.s32 $0xFFFFFF80  }
0x29: {  	[tilespmem:s8], [sflag:$0x1] =	stream.indirect.gather [hbm4b:s3+s8], $0x20, s2, s8, $0xb8;
	[tilespmem:$0x1080] =	vst v63  }
0x2a: {  	s10 =	sadd.s32 $0x1, s10;
	_ =	swait.ge [sflag:s9], $0x1000  }
0x2b: {  	p0 =	sne.s32 s10, s4;
	[sflag:s9] =	ssyncset.done $0x0  }
.Ltmp1:
0x2c: {  	[sflag:s9] =	ssyncadd.s32 $0xFFFFF000;
	(pc) =	sbr.rel @p0 .LBB2_1-.Ltmp1, $4  }
0x2d: {  	[hbm4b:s11+s2] =	stream.linear.scatter [tilespmem:s8], [sflag:$0x2], $0x1000, $0x38;
	[tilespmem:$0x1080] =	vst v63  }
0x2e: {  	_ =	swait.ge [sflag:s7], $0x1000  }
0x2f: {  	[sflag:s7] =	ssyncset.done $0x0  }
0x30: {  	[sflag:s7] =	ssyncadd.s32 $0xFFFFF000  }
0x31: {  	_ =	sfence.sel $0x180000  }
0x32: {  	[bflag:$0x0] =	sbarrier.arrive $0xFFFF  }
0x33: {  	p0 =	sne.s32 s1, $0x0;
	_ =	strace $0x90000056  }
0x34: {  	s0 =	sadd.s32 @!p0 $0x100000, s0;
	[bflag:$0x2] =	sbarrier.arrive $0xFFFF  }
0x35: {  	[sflag:s0] =	ssyncadd.tile.s32 @!p0 $0x1;
	_ =	shalt  }
.Lfunc_end2:
_tile_overlayer_lowered:
.L_overlay_start_2:
0x36: {  	(tag) =	ssettag $0x2  }
0x37: {  	s0 =	rddreg [dreg:$0x0];
	s2 =	stileid.u32  }
0x38: {  	s1 =	rddreg [dreg:$0x1];
	p0 =	sne.s32 s2, $0x0  }
0x39: {  	s3 =	rddreg [dreg:$0x2];
	[bflag:$0x3] =	sbarrier.arrive $0xFFFF;
	s2 =	simm.s32 @!p0 $0x1C02  }
0x3a: {  	[timem:s3], [sflag:s2] =	dma.local @!p0 [hbm:s0], s1  }
0x3b: {  	s0 =	simm.s32 @!p0 $0x2  }
0x3c: {  	_ =	swait.ge @!p0 [sflag:s0], s1  }
0x3d: {  	s1 =	ssub.s32 @!p0 $0x0, s1;
	[sflag:s0] =	ssyncset.done @!p0 $0x0  }
0x3e: {  	[sflag:s0] =	ssyncadd.s32 @!p0 s1  }
0x3f: {  	[bflag:$0x3] =	sbarrier.arrive $0xFFFF  }
0x40: {  	_ =	shalt  }

// kernel: kernel.47.cloned.1.call-start
scs
__scs_entry_jumppad:
0x0: {  	(pc) =	sbr.rel $0x88, $3  }
0x1: {  	(tag) =	ssettag $0x0;
	lr =	simm.s32 $0x1  }
0x2: {  	[smem:$0x3F7C] =	sst lr;
	_ =	strace $0xD0000000  }
0x3: {  	_ = 	snop  }
0x4: {  	_ = 	snop  }
0x5: {  	_ = 	snop  }
0x6: {  	_ = 	snop  }
0x7: {  	_ = 	snop  }
__scs_overlays_trampoline_lowered:
0x8: {  	[smem:$0x3F8B] =	sst s0  }
0x9: {  	[smem:$0x3F8C] =	sst s1  }
0xa: {  	[smem:$0x3F8D] =	sst s2  }
0xb: {  	[smem:$0x3F8E] =	sst s3  }
0xc: {  	[smem:$0x3F8F] =	sst s4  }
0xd: {  	[smem:$0x3F90] =	sst s5  }
0xe: {  	[smem:$0x3F91] =	sst s6  }
0xf: {  	[smem:$0x3F92] =	sst s7  }
0x10: {  	[smem:$0x3F93] =	sst s8  }
0x11: {  	[smem:$0x3F94] =	sst s9;
	s0 =	simm.s32 @!p0 $0x0  }
0x12: {  	s1 =	sld [smem:$0x3F7A];
	s0 =	simm.s32 @p0 $0x1  }
0x13: {  	[smem:$0x3F95] =	sst s0;
	s0 =	simm.s32 @!p1 $0x0  }
0x14: {  	s2 =	sld [smem:$0x3F79];
	s0 =	simm.s32 @p1 $0x1  }
0x15: {  	[smem:$0x3F96] =	sst s0;
	s0 =	simm.s32 @!p2 $0x0  }
0x16: {  	s3 =	sld [smem:$0x3FDB];
	s0 =	simm.s32 @p2 $0x1  }
0x17: {  	s4 =	simm.s32 $0x1BF5;
	[smem:$0x3F98] =	sst s0  }
0x18: {  	s0 =	sld [smem:$0x3F7B];
	_ =	swait.ge [sflag:s4], $0x0  }
0x19: {  	s7 =	sld [smem:$0x3F7C]  }
0x1a: {  	s8 =	sadd.s32 $0xFFFFE003, lr  }
0x1b: {  	s9 =	sadd.s32 $0xFFFFFEF7, lr;
	s5 =	simm.s32 $0xFFFFFFFF;
	p2 =	slt.u32 s8, $0xFFFFF086  }
0x1c: {  	p1 =	slt.u32 s9, $0xF7A;
	s5 =	simm.s32 @!p2 $0x0  }
0x1d: {  	s5 =	simm.s32 @p1 $0x1;
	p0 =	seq.s32 s7, s2  }
0x1e: {  	s7 =	smul.u32 @!p0 $0xF7A, s2;
	p2 =	seq.s32 @!p0 s5, $0x0  }
0x1f: {  	s9 =	smul.u32 $0xF7A, s1;
	s8 =	simm.s32 @!p0 $0x1BF5;
	p2 =	por !p2, p0  }
0x20: {  	[sflag:s8] =	ssyncset.s32 @!p0 $0xFFFFF086;
	s6 =	sadd.s32 @!p0 s3, s7;
	s7 =	simm.s32 @!p0 $0x108  }
0x21: {  	s3 =	sadd.s32 s3, s9;
	s6 =	sadd.s32 @!p0 $0x88, s6;
	s7 =	simm.s32 @p2 $0x1082  }
0x22: {  	[simem:s7], [sflag:s8] =	dma.local @!p0 [hbm:s6], $0xF7A  }
0x23: {  	s9 =	sor.u32 $0xD0000000, s2;
	s6 =	simm.s32 $0x108;
	_ =	swait.ge @!p0 [sflag:s8], $0x0  }
0x24: {  	s3 =	sadd.s32 $0x88, s3;
	s6 =	simm.s32 @!p1 $0x1082;
	[sflag:s4] =	ssyncset.s32 $0xFFFFF086  }
0x25: {  	[simem:s6], [sflag:s4] =	dma.local [hbm:s3], $0xF7A  }
0x26: {  	[smem:$0x3F7C] =	sst s1;
	(tag) =	ssettag s2;
	_ =	strace s9  }
0x27: {  	s1 =	sld [smem:$0x3F8C]  }
0x28: {  	s2 =	sld [smem:$0x3F8D]  }
0x29: {  	s4 =	sld [smem:$0x3F8F]  }
0x2a: {  	p0 =	seq.s32 s5, $0x0;
	s5 =	sld [smem:$0x3F90]  }
0x2b: {  	s6 =	sld [smem:$0x3F91]  }
0x2c: {  	s7 =	sld [smem:$0x3F92]  }
0x2d: {  	s3 =	simm.s32 $0x108;
	s8 =	sld [smem:$0x3F93]  }
0x2e: {  	s3 =	simm.s32 @!p0 $0x1082;
	s9 =	sld [smem:$0x3F94]  }
0x2f: {  	lr =	sadd.s32 s0, s3;
	s0 =	sld [smem:$0x3F8B]  }
0x30: {  	s3 =	sld [smem:$0x3F8E]  }
0x31: {  	[smem:$0x3F97] =	sst s10  }
0x32: {  	s10 =	sld [smem:$0x3F95];
	_ =	sdelay $0x3  }
0x33: {  	p0 =	seq.s32 s10, $0x1;
	s10 =	sld [smem:$0x3F97];
	_ =	sdelay $0x3  }
0x34: {  	[smem:$0x3F97] =	sst s10  }
0x35: {  	s10 =	sld [smem:$0x3F96];
	_ =	sdelay $0x3  }
0x36: {  	p1 =	seq.s32 s10, $0x1;
	s10 =	sld [smem:$0x3F97];
	_ =	sdelay $0x3  }
0x37: {  	[smem:$0x3F97] =	sst s10  }
0x38: {  	s10 =	sld [smem:$0x3F98]  }
0x39: {  	_ = 	snop;
	(pc) =	sbr.ind lr, $3  }
0x3a: {  	_ = 	snop  }
0x3b: {  	_ = 	snop  }
0x3c: {  	p2 =	seq.s32 s10, $0x1;
	s10 =	sld [smem:$0x3F97]  }
0x3d: {  	_ =	shalt  }
0x3e: {  	_ =	shalt  }
0x3f: {  	_ =	shalt  }
0x40: {  	_ =	shalt  }
0x41: {  	_ =	shalt  }
0x42: {  	_ =	shalt  }
0x43: {  	_ =	shalt  }
0x44: {  	_ =	shalt  }
0x45: {  	_ =	shalt  }
0x46: {  	_ =	shalt  }
0x47: {  	_ =	shalt  }
0x48: {  	_ =	shalt  }
0x49: {  	_ =	shalt  }
0x4a: {  	_ =	shalt  }
0x4b: {  	_ =	shalt  }
0x4c: {  	_ =	shalt  }
0x4d: {  	_ =	shalt  }
0x4e: {  	_ =	shalt  }
0x4f: {  	_ =	shalt  }
0x50: {  	_ =	shalt  }
0x51: {  	_ =	shalt  }
0x52: {  	_ =	shalt  }
0x53: {  	_ =	shalt  }
0x54: {  	_ =	shalt  }
0x55: {  	_ =	shalt  }
0x56: {  	_ =	shalt  }
0x57: {  	_ =	shalt  }
0x58: {  	_ =	shalt  }
0x59: {  	_ =	shalt  }
0x5a: {  	_ =	shalt  }
0x5b: {  	_ =	shalt  }
0x5c: {  	_ =	shalt  }
0x5d: {  	_ =	shalt  }
0x5e: {  	_ =	shalt  }
0x5f: {  	_ =	shalt  }
0x60: {  	_ =	shalt  }
0x61: {  	_ =	shalt  }
0x62: {  	_ =	shalt  }
0x63: {  	_ =	shalt  }
0x64: {  	_ =	shalt  }
0x65: {  	_ =	shalt  }
0x66: {  	_ =	shalt  }
0x67: {  	_ =	shalt  }
0x68: {  	_ =	shalt  }
0x69: {  	_ =	shalt  }
0x6a: {  	_ =	shalt  }
0x6b: {  	_ =	shalt  }
0x6c: {  	_ =	shalt  }
0x6d: {  	_ =	shalt  }
0x6e: {  	_ =	shalt  }
0x6f: {  	_ =	shalt  }
0x70: {  	_ =	shalt  }
0x71: {  	_ =	shalt  }
0x72: {  	_ =	shalt  }
0x73: {  	_ =	shalt  }
0x74: {  	_ =	shalt  }
0x75: {  	_ =	shalt  }
0x76: {  	_ =	shalt  }
0x77: {  	_ =	shalt  }
0x78: {  	_ =	shalt  }
0x79: {  	_ =	shalt  }
0x7a: {  	_ =	shalt  }
0x7b: {  	_ =	shalt  }
0x7c: {  	_ =	shalt  }
0x7d: {  	_ =	shalt  }
0x7e: {  	_ =	shalt  }
0x7f: {  	_ =	shalt  }
0x80: {  	_ =	shalt  }
0x81: {  	_ =	shalt  }
0x82: {  	_ =	shalt  }
0x83: {  	_ =	shalt  }
0x84: {  	_ =	shalt  }
0x85: {  	_ =	shalt  }
0x86: {  	_ =	shalt  }
0x87: {  	_ =	shalt  }
.Lfunc_end0:
.L_simem_size_0:
called_computation.6_lowered:
.L_overlay_start_0:
0x88: {  	s2 =	sld [smem:$0x3FD9]  }
0x89: {  	s3 =	sld [smem:$0x3FFE];
	_ =	sdelay $0x1  }
0x8a: {  	s1 =	srdreg.scid  }
0x8b: {  	s0 =	sand.u32 $0x1, s1  }
0x8c: {  	s17 =	sshll.u32 s0, $0xA;
	s2 =	sadd.s32 s3, s2  }
0x8d: {  	s2 =	sadd.s32 s2, s17  }
0x8e: {  	[smem:$0x3FA3] =	sst s2  }
0x8f: {  	_ = 	snop  }
0x90: {  	s2 =	sld [smem:$0x3FD0];
	(tm) =	ssettm $0x1  }
0x91: {  	s18 =	sld [smem:$0x3FFB];
	_ =	sdelay $0x3  }
0x92: {  	_ =	strace s18  }
0x93: {  	s3 =	sld [smem:$0x3FFC];
	_ =	sdelay $0x3  }
0x94: {  	_ =	strace s3  }
0x95: {  	s3 =	sld [smem:$0x3FFD];
	_ =	sdelay $0x3  }
0x96: {  	_ =	strace s3  }
0x97: {  	_ =	strace $0x8FFFFFFF  }
0x98: {  	s19 =	sld [smem:$0x3FDB];
	_ =	sdelay $0x1  }
0x99: {  	s4 =	simm.s32 $_scs_section_size  }
0x9a: {  	s5 =	simm.s32 $_size__tile_overlayer_lowered;
	s6 =	simm.s32 $_tile_overlayer_lowered  }
0x9b: {  	s22 =	simm.s32 $0x1BFF;
	s21 =	sshll.u32 s6, $0x1;
	s3 =	sadd.s32 s4, s19  }
0x9c: {  	s7 =	simm.s32 $0x0;
	s20 =	sshll.u32 s5, $0x1;
	s5 =	sadd.s32 s21, s3  }
0x9d: {  	[timem:s7], [sflag:s22] =	dma.local [hbm:s5], s20  }
0x9e: {  	_ =	swait.ge [sflag:s22], s20  }
0x9f: {  	s4 =	ssub.s32 $0x0, s20;
	[sflag:s22] =	ssyncset.done $0x0  }
0xa0: {  	[sflag:s22] =	ssyncadd.s32 s4;
	_ =	sdelay $0x1  }
0xa1: {  	s23 =	simm.s32 $0x1B8B  }
0xa2: {  	_ =	swait.ge [sflag:s23], $0x1  }
0xa3: {  	[sflag:s23] =	ssyncset.done $0x0  }
0xa4: {  	s25 =	simm.s32 $0x1B8E;
	s24 =	sld [smem:$0x3FFE];
	[sflag:s23] =	ssyncadd.s32 $0xFFFFFFFF  }
0xa5: {  	s26 =	simm.s32 $execute0_lowered;
	[smem:$0x3FD2] =	sst s25  }
0xa6: {  	s5 =	sshll.u32 s26, $0x1;
	_ =	strace $0x80000058;
	[dreg:$0x1] =	wrdreg $0xFFFFFFFF  }
0xa7: {  	s28 =	simm.s32 $_size_execute0_lowered;
	s3 =	sadd.s32 s3, s5;
	[dreg:$0x0] =	wrdreg $0x0  }
0xa8: {  	s5 =	sshll.u32 s28, $0x1;
	[dreg:$0x2] =	wrdreg s3  }
0xa9: {  	[dreg:$0x3] =	wrdreg s5  }
0xaa: {  	[dreg:$0x4] =	wrdreg $0xC0  }
0xab: {  	_ =	task [dreg:s7], $0x5FFFF  }
0xac: {  	[dreg:$0x1] =	wrdreg $0xFFFFFFFF  }
0xad: {  	[dreg:$0x0] =	wrdreg $0x60  }
0xae: {  	[dreg:$0x2] =	wrdreg s24  }
0xaf: {  	[dreg:$0x3] =	wrdreg s2  }
0xb0: {  	[dreg:$0x4] =	wrdreg $0x9  }
0xb1: {  	_ =	task.clear_ibuf [dreg:s7], $0x5FFFF;
	_ =	strace $0x90000058  }
0xb2: {  	s29 =	simm.s32 $0x9;
	_ =	strace $0x8000005A  }
0xb3: {  	_ =	swait.ge [sflag:s29], $0x1  }
0xb4: {  	[sflag:s29] =	ssyncadd.s32 $0xFFFFFFFF  }
0xb5: {  	_ =	strace $0x9000005A  }
0xb6: {  	_ =	sfence  }
0xb7: {  	s30 =	sld [smem:$0x0];
	_ =	sdelay $0x2  }
0xb8: {  	s31 =	sshll.u32 s1, $0xD;
	s1 =	sshrl.u32 s1, $0x2  }
0xb9: {  	s3 =	sand.u32 $0x4000, s31;
	s1 =	sadd.s32 s1, s30  }
0xba: {  	s0 =	sor.u32 s3, s0;
	s1 =	sshll.u32 s1, $0x11  }
0xbb: {  	s0 =	sor.u32 s1, s0  }
0xbc: {  	s0 =	sadd.s32 $0x8F2B, s0  }
0xbd: {  	[sflag:s0] =	ssyncadd.remote.s32 $0x1  }
0xbe: {  	_ =	sfence.sel $0xFFFF  }
0xbf: {  	[dreg:$0x0] =	wrdreg $0xFFFFFFFF;
	(pc) =	sbr.abs _section_cstart, $3  }
0xc0: {  	[dreg:$0x1] =	wrdreg $0xFFFFFFFF  }
0xc1: {  	_ =	task.clear_ibuf [dreg:s7], $0x2FFFF;
	_ =	strace $0x9FFFFFFF  }
0xc2: {  	(tm) =	ssettm $0x7FFFFFFF  }
0xc3: {  	_ =	shalt  }
tec
execute0_lowered:
.L_overlay_start_1:
0x0: {  	(tag) =	ssettag $0x1  }
0x1: {  	s3 =	rddreg [dreg:$0x0]  }
0x2: {  	s6 =	rddreg [dreg:$0x1]  }
0x3: {  	s0 =	rddreg [dreg:$0x2];
	s1 =	stileid.u32  }
0x4: {  	s2 =	simm.s32 $0x0;
	s5 =	srdreg.scid;
	s4 =	smul.u32 $0x3CC00, s1  }
0x5: {  	[smem:$0x7FF] =	sst s2;
	s5 =	sand.u32 $0x1, s5;
	s7 =	smul.u32 $0xF300, s1  }
0x6: {  	_ =	strace $0x80000059;
	s8 =	ssub.s32 $0x2, s5;
	s9 =	smul.u32 $0x7980, s5  }
0x7: {  	s5 =	smul.u32 $0x1E600, s5;
	s10 =	sadd.s32 s4, s3;
	s31 =	sshrl.u32 s8, $0x1  }
0x8: {  	s3 =	sadd.s32 $0x12F600, s3;
	s4 =	ssub.s32 s8, s31;
	s7 =	sadd.s32 s9, s7  }
0x9: {  	s5 =	sadd.s32 s5, s10;
	s8 =	simm.s32 $0x80;
	s9 =	simm.s32 $0x1  }
0xa: {  	s10 =	simm.s32 $0x0;
	s4 =	smax.u32 s4, $0x1;
	s7 =	sshrl.u32 s7, $0x3  }
0xb: {  	s5 =	sadd.s32 $0x177600, s5;
	s6 =	sadd.s32 s7, s6;
	s7 =	simm.s32 $0x2  }
.LBB2_1:
0xc: {  	s11 =	sadd.s32 $0x0, s6  }
0xd: {  	[tilespmem:s2], [sflag:$0x2] =	stream.linear.gather [hbm4b:s11+s2], $0x80, $0x38;
	[tilespmem:$0x1080] =	vst v63  }
0xe: {  	_ =	swait.ge [sflag:s7], $0x80  }
0xf: {  	[sflag:s7] =	ssyncset.done $0x0  }
0x10: {  	[sflag:s7] =	ssyncadd.s32 $0xFFFFFF80  }
0x11: {  	[tilespmem:s8], [sflag:$0x1] =	stream.indirect.gather [hbm4b:s3+s8], $0x20, s2, s8, $0xb8;
	[tilespmem:$0x1080] =	vst v63  }
0x12: {  	_ =	swait.ge [sflag:s9], $0x1000  }
0x13: {  	[sflag:s9] =	ssyncset.done $0x0  }
0x14: {  	[sflag:s9] =	ssyncadd.s32 $0xFFFFF000  }
0x15: {  	[hbm4b:s5+s2] =	stream.linear.scatter [tilespmem:s8], [sflag:$0x2], $0x1000, $0x38;
	[tilespmem:$0x1080] =	vst v63  }
0x16: {  	s12 =	simm.s32 $0x10;
	_ =	swait.ge [sflag:s7], $0x1000  }
0x17: {  	s13 =	simm.s32 $0x20;
	s11 =	sadd.s32 $0x200, s5;
	[sflag:s7] =	ssyncset.done $0x0  }
.LBB2_2:
0x18: {  	s14 =	sadd.s32 s12, s6  }
0x19: {  	[sflag:s7] =	ssyncadd.s32 $0xFFFFF000;
	s12 =	smov.u32 s13;
	s15 =	sadd.s32 $0x10, s13  }
0x1a: {  	[tilespmem:s2], [sflag:$0x2] =	stream.linear.gather [hbm4b:s14+s2], $0x80, $0x38;
	[tilespmem:$0x1080] =	vst v63  }
0x1b: {  	p0 =	sne.s32 s13, $0xF20;
	_ =	swait.ge [sflag:s7], $0x80  }
0x1c: {  	[sflag:s7] =	ssyncset.done $0x0  }
0x1d: {  	[sflag:s7] =	ssyncadd.s32 $0xFFFFFF80  }
0x1e: {  	[tilespmem:s8], [sflag:$0x1] =	stream.indirect.gather [hbm4b:s3+s8], $0x20, s2, s8, $0xb8;
	[tilespmem:$0x1080] =	vst v63  }
0x1f: {  	_ =	swait.ge [sflag:s9], $0x1000  }
.Ltmp0:
0x20: {  	[sflag:s9] =	ssyncset.done $0x0;
	(pc) =	sbr.rel @p0 .LBB2_2-.Ltmp0, $4  }
0x21: {  	[sflag:s9] =	ssyncadd.s32 $0xFFFFF000  }
0x22: {  	[hbm4b:s11+s2] =	stream.linear.scatter [tilespmem:s8], [sflag:$0x2], $0x1000, $0x38;
	[tilespmem:$0x1080] =	vst v63  }
0x23: {  	_ =	swait.ge [sflag:s7], $0x1000  }
0x24: {  	s13 =	smov.u32 s15;
	s11 =	sadd.s32 $0x200, s11;
	[sflag:s7] =	ssyncset.done $0x0  }
0x25: {  	s12 =	sadd.s32 s12, s6;
	[sflag:s7] =	ssyncadd.s32 $0xFFFFF000  }
0x26: {  	[tilespmem:s2], [sflag:$0x2] =	stream.linear.gather [hbm4b:s12+s2], $0x80, $0x38;
	[tilespmem:$0x1080] =	vst v63  }
0x27: {  	_ =	swait.ge [sflag:s7], $0x80  }
0x28: {  	[sflag:s7] =	ssyncset.done $0x0  }
0x29: {  	[sflag:s7] =	ssyncadd.s32 $0xFFFFFF80  }
0x2a: {  	[tilespmem:s8], [sflag:$0x1] =	stream.indirect.gather [hbm4b:s3+s8], $0x20, s2, s8, $0xb8;
	[tilespmem:$0x1080] =	vst v63  }
0x2b: {  	s10 =	sadd.s32 $0x1, s10;
	_ =	swait.ge [sflag:s9], $0x1000  }
0x2c: {  	p0 =	sne.s32 s10, s4;
	[sflag:s9] =	ssyncset.done $0x0  }
.Ltmp1:
0x2d: {  	[sflag:s9] =	ssyncadd.s32 $0xFFFFF000;
	(pc) =	sbr.rel @p0 .LBB2_1-.Ltmp1, $4  }
0x2e: {  	[hbm4b:s11+s2] =	stream.linear.scatter [tilespmem:s8], [sflag:$0x2], $0x1000, $0x38;
	[tilespmem:$0x1080] =	vst v63  }
0x2f: {  	_ =	swait.ge [sflag:s7], $0x1000  }
0x30: {  	[sflag:s7] =	ssyncset.done $0x0  }
0x31: {  	[sflag:s7] =	ssyncadd.s32 $0xFFFFF000  }
0x32: {  	_ =	sfence.sel $0x180000  }
0x33: {  	[bflag:$0x0] =	sbarrier.arrive $0xFFFF  }
0x34: {  	p0 =	sne.s32 s1, $0x0;
	_ =	strace $0x90000059  }
0x35: {  	s0 =	sadd.s32 @!p0 $0x100000, s0;
	[bflag:$0x2] =	sbarrier.arrive $0xFFFF  }
0x36: {  	[sflag:s0] =	ssyncadd.tile.s32 @!p0 $0x1;
	_ =	shalt  }
.Lfunc_end2:
_tile_overlayer_lowered:
.L_overlay_start_2:
0x37: {  	(tag) =	ssettag $0x2  }
0x38: {  	s0 =	rddreg [dreg:$0x0];
	s2 =	stileid.u32  }
0x39: {  	s1 =	rddreg [dreg:$0x1];
	p0 =	sne.s32 s2, $0x0  }
0x3a: {  	s3 =	rddreg [dreg:$0x2];
	[bflag:$0x3] =	sbarrier.arrive $0xFFFF;
	s2 =	simm.s32 @!p0 $0x1C02  }
0x3b: {  	[timem:s3], [sflag:s2] =	dma.local @!p0 [hbm:s0], s1  }
0x3c: {  	s0 =	simm.s32 @!p0 $0x2  }
0x3d: {  	_ =	swait.ge @!p0 [sflag:s0], s1  }
0x3e: {  	s1 =	ssub.s32 @!p0 $0x0, s1;
	[sflag:s0] =	ssyncset.done @!p0 $0x0  }
0x3f: {  	[sflag:s0] =	ssyncadd.s32 @!p0 s1  }
0x40: {  	[bflag:$0x3] =	sbarrier.arrive $0xFFFF  }
0x41: {  	_ =	shalt  }

// kernel: kernel.50.cloned.1.call-start
scs
__scs_entry_jumppad:
0x0: {  	(pc) =	sbr.rel $0x88, $3  }
0x1: {  	(tag) =	ssettag $0x0;
	lr =	simm.s32 $0x1  }
0x2: {  	[smem:$0x3F7C] =	sst lr;
	_ =	strace $0xD0000000  }
0x3: {  	_ = 	snop  }
0x4: {  	_ = 	snop  }
0x5: {  	_ = 	snop  }
0x6: {  	_ = 	snop  }
0x7: {  	_ = 	snop  }
__scs_overlays_trampoline_lowered:
0x8: {  	[smem:$0x3F8B] =	sst s0  }
0x9: {  	[smem:$0x3F8C] =	sst s1  }
0xa: {  	[smem:$0x3F8D] =	sst s2  }
0xb: {  	[smem:$0x3F8E] =	sst s3  }
0xc: {  	[smem:$0x3F8F] =	sst s4  }
0xd: {  	[smem:$0x3F90] =	sst s5  }
0xe: {  	[smem:$0x3F91] =	sst s6  }
0xf: {  	[smem:$0x3F92] =	sst s7  }
0x10: {  	[smem:$0x3F93] =	sst s8  }
0x11: {  	[smem:$0x3F94] =	sst s9;
	s0 =	simm.s32 @!p0 $0x0  }
0x12: {  	s1 =	sld [smem:$0x3F7A];
	s0 =	simm.s32 @p0 $0x1  }
0x13: {  	[smem:$0x3F95] =	sst s0;
	s0 =	simm.s32 @!p1 $0x0  }
0x14: {  	s2 =	sld [smem:$0x3F79];
	s0 =	simm.s32 @p1 $0x1  }
0x15: {  	[smem:$0x3F96] =	sst s0;
	s0 =	simm.s32 @!p2 $0x0  }
0x16: {  	s3 =	sld [smem:$0x3FDB];
	s0 =	simm.s32 @p2 $0x1  }
0x17: {  	s4 =	simm.s32 $0x1BF5;
	[smem:$0x3F98] =	sst s0  }
0x18: {  	s0 =	sld [smem:$0x3F7B];
	_ =	swait.ge [sflag:s4], $0x0  }
0x19: {  	s7 =	sld [smem:$0x3F7C]  }
0x1a: {  	s8 =	sadd.s32 $0xFFFFE003, lr  }
0x1b: {  	s9 =	sadd.s32 $0xFFFFFEF7, lr;
	s5 =	simm.s32 $0xFFFFFFFF;
	p2 =	slt.u32 s8, $0xFFFFF086  }
0x1c: {  	p1 =	slt.u32 s9, $0xF7A;
	s5 =	simm.s32 @!p2 $0x0  }
0x1d: {  	s5 =	simm.s32 @p1 $0x1;
	p0 =	seq.s32 s7, s2  }
0x1e: {  	s7 =	smul.u32 @!p0 $0xF7A, s2;
	p2 =	seq.s32 @!p0 s5, $0x0  }
0x1f: {  	s9 =	smul.u32 $0xF7A, s1;
	s8 =	simm.s32 @!p0 $0x1BF5;
	p2 =	por !p2, p0  }
0x20: {  	[sflag:s8] =	ssyncset.s32 @!p0 $0xFFFFF086;
	s6 =	sadd.s32 @!p0 s3, s7;
	s7 =	simm.s32 @!p0 $0x108  }
0x21: {  	s3 =	sadd.s32 s3, s9;
	s6 =	sadd.s32 @!p0 $0x88, s6;
	s7 =	simm.s32 @p2 $0x1082  }
0x22: {  	[simem:s7], [sflag:s8] =	dma.local @!p0 [hbm:s6], $0xF7A  }
0x23: {  	s9 =	sor.u32 $0xD0000000, s2;
	s6 =	simm.s32 $0x108;
	_ =	swait.ge @!p0 [sflag:s8], $0x0  }
0x24: {  	s3 =	sadd.s32 $0x88, s3;
	s6 =	simm.s32 @!p1 $0x1082;
	[sflag:s4] =	ssyncset.s32 $0xFFFFF086  }
0x25: {  	[simem:s6], [sflag:s4] =	dma.local [hbm:s3], $0xF7A  }
0x26: {  	[smem:$0x3F7C] =	sst s1;
	(tag) =	ssettag s2;
	_ =	strace s9  }
0x27: {  	s1 =	sld [smem:$0x3F8C]  }
0x28: {  	s2 =	sld [smem:$0x3F8D]  }
0x29: {  	s4 =	sld [smem:$0x3F8F]  }
0x2a: {  	p0 =	seq.s32 s5, $0x0;
	s5 =	sld [smem:$0x3F90]  }
0x2b: {  	s6 =	sld [smem:$0x3F91]  }
0x2c: {  	s7 =	sld [smem:$0x3F92]  }
0x2d: {  	s3 =	simm.s32 $0x108;
	s8 =	sld [smem:$0x3F93]  }
0x2e: {  	s3 =	simm.s32 @!p0 $0x1082;
	s9 =	sld [smem:$0x3F94]  }
0x2f: {  	lr =	sadd.s32 s0, s3;
	s0 =	sld [smem:$0x3F8B]  }
0x30: {  	s3 =	sld [smem:$0x3F8E]  }
0x31: {  	[smem:$0x3F97] =	sst s10  }
0x32: {  	s10 =	sld [smem:$0x3F95];
	_ =	sdelay $0x3  }
0x33: {  	p0 =	seq.s32 s10, $0x1;
	s10 =	sld [smem:$0x3F97];
	_ =	sdelay $0x3  }
0x34: {  	[smem:$0x3F97] =	sst s10  }
0x35: {  	s10 =	sld [smem:$0x3F96];
	_ =	sdelay $0x3  }
0x36: {  	p1 =	seq.s32 s10, $0x1;
	s10 =	sld [smem:$0x3F97];
	_ =	sdelay $0x3  }
0x37: {  	[smem:$0x3F97] =	sst s10  }
0x38: {  	s10 =	sld [smem:$0x3F98]  }
0x39: {  	_ = 	snop;
	(pc) =	sbr.ind lr, $3  }
0x3a: {  	_ = 	snop  }
0x3b: {  	_ = 	snop  }
0x3c: {  	p2 =	seq.s32 s10, $0x1;
	s10 =	sld [smem:$0x3F97]  }
0x3d: {  	_ =	shalt  }
0x3e: {  	_ =	shalt  }
0x3f: {  	_ =	shalt  }
0x40: {  	_ =	shalt  }
0x41: {  	_ =	shalt  }
0x42: {  	_ =	shalt  }
0x43: {  	_ =	shalt  }
0x44: {  	_ =	shalt  }
0x45: {  	_ =	shalt  }
0x46: {  	_ =	shalt  }
0x47: {  	_ =	shalt  }
0x48: {  	_ =	shalt  }
0x49: {  	_ =	shalt  }
0x4a: {  	_ =	shalt  }
0x4b: {  	_ =	shalt  }
0x4c: {  	_ =	shalt  }
0x4d: {  	_ =	shalt  }
0x4e: {  	_ =	shalt  }
0x4f: {  	_ =	shalt  }
0x50: {  	_ =	shalt  }
0x51: {  	_ =	shalt  }
0x52: {  	_ =	shalt  }
0x53: {  	_ =	shalt  }
0x54: {  	_ =	shalt  }
0x55: {  	_ =	shalt  }
0x56: {  	_ =	shalt  }
0x57: {  	_ =	shalt  }
0x58: {  	_ =	shalt  }
0x59: {  	_ =	shalt  }
0x5a: {  	_ =	shalt  }
0x5b: {  	_ =	shalt  }
0x5c: {  	_ =	shalt  }
0x5d: {  	_ =	shalt  }
0x5e: {  	_ =	shalt  }
0x5f: {  	_ =	shalt  }
0x60: {  	_ =	shalt  }
0x61: {  	_ =	shalt  }
0x62: {  	_ =	shalt  }
0x63: {  	_ =	shalt  }
0x64: {  	_ =	shalt  }
0x65: {  	_ =	shalt  }
0x66: {  	_ =	shalt  }
0x67: {  	_ =	shalt  }
0x68: {  	_ =	shalt  }
0x69: {  	_ =	shalt  }
0x6a: {  	_ =	shalt  }
0x6b: {  	_ =	shalt  }
0x6c: {  	_ =	shalt  }
0x6d: {  	_ =	shalt  }
0x6e: {  	_ =	shalt  }
0x6f: {  	_ =	shalt  }
0x70: {  	_ =	shalt  }
0x71: {  	_ =	shalt  }
0x72: {  	_ =	shalt  }
0x73: {  	_ =	shalt  }
0x74: {  	_ =	shalt  }
0x75: {  	_ =	shalt  }
0x76: {  	_ =	shalt  }
0x77: {  	_ =	shalt  }
0x78: {  	_ =	shalt  }
0x79: {  	_ =	shalt  }
0x7a: {  	_ =	shalt  }
0x7b: {  	_ =	shalt  }
0x7c: {  	_ =	shalt  }
0x7d: {  	_ =	shalt  }
0x7e: {  	_ =	shalt  }
0x7f: {  	_ =	shalt  }
0x80: {  	_ =	shalt  }
0x81: {  	_ =	shalt  }
0x82: {  	_ =	shalt  }
0x83: {  	_ =	shalt  }
0x84: {  	_ =	shalt  }
0x85: {  	_ =	shalt  }
0x86: {  	_ =	shalt  }
0x87: {  	_ =	shalt  }
.Lfunc_end0:
.L_simem_size_0:
called_computation.7_lowered:
.L_overlay_start_0:
0x88: {  	s2 =	sld [smem:$0x3FD9]  }
0x89: {  	s3 =	sld [smem:$0x3FFE];
	_ =	sdelay $0x1  }
0x8a: {  	s1 =	srdreg.scid  }
0x8b: {  	s0 =	sand.u32 $0x1, s1  }
0x8c: {  	s17 =	sshll.u32 s0, $0xA;
	s2 =	sadd.s32 s3, s2  }
0x8d: {  	s2 =	sadd.s32 s2, s17  }
0x8e: {  	[smem:$0x3FA3] =	sst s2  }
0x8f: {  	_ = 	snop  }
0x90: {  	s2 =	sld [smem:$0x3FD0];
	(tm) =	ssettm $0x1  }
0x91: {  	s18 =	sld [smem:$0x3FFB];
	_ =	sdelay $0x3  }
0x92: {  	_ =	strace s18  }
0x93: {  	s3 =	sld [smem:$0x3FFC];
	_ =	sdelay $0x3  }
0x94: {  	_ =	strace s3  }
0x95: {  	s3 =	sld [smem:$0x3FFD];
	_ =	sdelay $0x3  }
0x96: {  	_ =	strace s3  }
0x97: {  	_ =	strace $0x8FFFFFFF  }
0x98: {  	s19 =	sld [smem:$0x3FDB];
	_ =	sdelay $0x1  }
0x99: {  	s4 =	simm.s32 $_scs_section_size  }
0x9a: {  	s5 =	simm.s32 $_size__tile_overlayer_lowered;
	s6 =	simm.s32 $_tile_overlayer_lowered  }
0x9b: {  	s22 =	simm.s32 $0x1BFF;
	s21 =	sshll.u32 s6, $0x1;
	s3 =	sadd.s32 s4, s19  }
0x9c: {  	s7 =	simm.s32 $0x0;
	s20 =	sshll.u32 s5, $0x1;
	s5 =	sadd.s32 s21, s3  }
0x9d: {  	[timem:s7], [sflag:s22] =	dma.local [hbm:s5], s20  }
0x9e: {  	_ =	swait.ge [sflag:s22], s20  }
0x9f: {  	s4 =	ssub.s32 $0x0, s20;
	[sflag:s22] =	ssyncset.done $0x0  }
0xa0: {  	[sflag:s22] =	ssyncadd.s32 s4;
	_ =	sdelay $0x1  }
0xa1: {  	s23 =	simm.s32 $0x1B8B  }
0xa2: {  	_ =	swait.ge [sflag:s23], $0x1  }
0xa3: {  	[sflag:s23] =	ssyncset.done $0x0  }
0xa4: {  	s25 =	simm.s32 $0x1B8E;
	s24 =	sld [smem:$0x3FFE];
	[sflag:s23] =	ssyncadd.s32 $0xFFFFFFFF  }
0xa5: {  	s26 =	simm.s32 $execute0_lowered;
	[smem:$0x3FD2] =	sst s25  }
0xa6: {  	s5 =	sshll.u32 s26, $0x1;
	_ =	strace $0x8000005B;
	[dreg:$0x1] =	wrdreg $0xFFFFFFFF  }
0xa7: {  	s28 =	simm.s32 $_size_execute0_lowered;
	s3 =	sadd.s32 s3, s5;
	[dreg:$0x0] =	wrdreg $0x0  }
0xa8: {  	s5 =	sshll.u32 s28, $0x1;
	[dreg:$0x2] =	wrdreg s3  }
0xa9: {  	[dreg:$0x3] =	wrdreg s5  }
0xaa: {  	[dreg:$0x4] =	wrdreg $0xC0  }
0xab: {  	_ =	task [dreg:s7], $0x5FFFF  }
0xac: {  	[dreg:$0x1] =	wrdreg $0xFFFFFFFF  }
0xad: {  	[dreg:$0x0] =	wrdreg $0x60  }
0xae: {  	[dreg:$0x2] =	wrdreg s24  }
0xaf: {  	[dreg:$0x3] =	wrdreg s2  }
0xb0: {  	[dreg:$0x4] =	wrdreg $0x9  }
0xb1: {  	_ =	task.clear_ibuf [dreg:s7], $0x5FFFF;
	_ =	strace $0x9000005B  }
0xb2: {  	s29 =	simm.s32 $0x9;
	_ =	strace $0x8000005D  }
0xb3: {  	_ =	swait.ge [sflag:s29], $0x1  }
0xb4: {  	[sflag:s29] =	ssyncadd.s32 $0xFFFFFFFF  }
0xb5: {  	_ =	strace $0x9000005D  }
0xb6: {  	_ =	sfence  }
0xb7: {  	s30 =	sld [smem:$0x0];
	_ =	sdelay $0x2  }
0xb8: {  	s31 =	sshll.u32 s1, $0xD;
	s1 =	sshrl.u32 s1, $0x2  }
0xb9: {  	s3 =	sand.u32 $0x4000, s31;
	s1 =	sadd.s32 s1, s30  }
0xba: {  	s0 =	sor.u32 s3, s0;
	s1 =	sshll.u32 s1, $0x11  }
0xbb: {  	s0 =	sor.u32 s1, s0  }
0xbc: {  	s0 =	sadd.s32 $0x8F2B, s0  }
0xbd: {  	[sflag:s0] =	ssyncadd.remote.s32 $0x1  }
0xbe: {  	_ =	sfence.sel $0xFFFF  }
0xbf: {  	[dreg:$0x0] =	wrdreg $0xFFFFFFFF;
	(pc) =	sbr.abs _section_cstart, $3  }
0xc0: {  	[dreg:$0x1] =	wrdreg $0xFFFFFFFF  }
0xc1: {  	_ =	task.clear_ibuf [dreg:s7], $0x2FFFF;
	_ =	strace $0x9FFFFFFF  }
0xc2: {  	(tm) =	ssettm $0x7FFFFFFF  }
0xc3: {  	_ =	shalt  }
tec
execute0_lowered:
.L_overlay_start_1:
0x0: {  	(tag) =	ssettag $0x1  }
0x1: {  	s3 =	rddreg [dreg:$0x0]  }
0x2: {  	s6 =	rddreg [dreg:$0x1]  }
0x3: {  	s0 =	rddreg [dreg:$0x2];
	s1 =	stileid.u32  }
0x4: {  	s2 =	simm.s32 $0x0;
	s5 =	srdreg.scid;
	s4 =	smul.u32 $0x79800, s1  }
0x5: {  	[smem:$0x7FF] =	sst s2;
	s5 =	sand.u32 $0x1, s5;
	s7 =	smul.u32 $0xF300, s1  }
0x6: {  	_ =	strace $0x8000005C;
	s8 =	ssub.s32 $0x2, s5;
	s9 =	smul.u32 $0x7980, s5  }
0x7: {  	s5 =	smul.u32 $0x3CC00, s5;
	s10 =	sadd.s32 s4, s3;
	s31 =	sshrl.u32 s8, $0x1  }
0x8: {  	s3 =	sadd.s32 $0xF600, s3;
	s4 =	ssub.s32 s8, s31;
	s7 =	sadd.s32 s9, s7  }
0x9: {  	s5 =	sadd.s32 s5, s10;
	s8 =	simm.s32 $0x80;
	s9 =	simm.s32 $0x1  }
0xa: {  	s10 =	simm.s32 $0x0;
	s4 =	smax.u32 s4, $0x1;
	s7 =	sshrl.u32 s7, $0x3  }
0xb: {  	s5 =	sadd.s32 $0x75C00, s5;
	s6 =	sadd.s32 s7, s6;
	s7 =	simm.s32 $0x2  }
.LBB2_1:
0xc: {  	s11 =	sadd.s32 $0x0, s6  }
0xd: {  	[tilespmem:s2], [sflag:$0x2] =	stream.linear.gather [hbm4b:s11+s2], $0x80, $0x38;
	[tilespmem:$0x2080] =	vst v63  }
0xe: {  	_ =	swait.ge [sflag:s7], $0x80  }
0xf: {  	[sflag:s7] =	ssyncset.done $0x0  }
0x10: {  	[sflag:s7] =	ssyncadd.s32 $0xFFFFFF80  }
0x11: {  	[tilespmem:s8], [sflag:$0x1] =	stream.indirect.gather [hbm4b:s3+s8], $0x40, s2, s8, $0xb8;
	[tilespmem:$0x2080] =	vst v63  }
0x12: {  	_ =	swait.ge [sflag:s9], $0x2000  }
0x13: {  	[sflag:s9] =	ssyncset.done $0x0  }
0x14: {  	[sflag:s9] =	ssyncadd.s32 $0xFFFFE000  }
0x15: {  	[hbm4b:s5+s2] =	stream.linear.scatter [tilespmem:s8], [sflag:$0x2], $0x2000, $0x38;
	[tilespmem:$0x2080] =	vst v63  }
0x16: {  	s12 =	simm.s32 $0x10;
	_ =	swait.ge [sflag:s7], $0x2000  }
0x17: {  	s13 =	simm.s32 $0x20;
	s11 =	sadd.s32 $0x400, s5;
	[sflag:s7] =	ssyncset.done $0x0  }
.LBB2_2:
0x18: {  	s14 =	sadd.s32 s12, s6  }
0x19: {  	[sflag:s7] =	ssyncadd.s32 $0xFFFFE000;
	s12 =	smov.u32 s13;
	s15 =	sadd.s32 $0x10, s13  }
0x1a: {  	[tilespmem:s2], [sflag:$0x2] =	stream.linear.gather [hbm4b:s14+s2], $0x80, $0x38;
	[tilespmem:$0x2080] =	vst v63  }
0x1b: {  	p0 =	sne.s32 s13, $0xF20;
	_ =	swait.ge [sflag:s7], $0x80  }
0x1c: {  	[sflag:s7] =	ssyncset.done $0x0  }
0x1d: {  	[sflag:s7] =	ssyncadd.s32 $0xFFFFFF80  }
0x1e: {  	[tilespmem:s8], [sflag:$0x1] =	stream.indirect.gather [hbm4b:s3+s8], $0x40, s2, s8, $0xb8;
	[tilespmem:$0x2080] =	vst v63  }
0x1f: {  	_ =	swait.ge [sflag:s9], $0x2000  }
.Ltmp0:
0x20: {  	[sflag:s9] =	ssyncset.done $0x0;
	(pc) =	sbr.rel @p0 .LBB2_2-.Ltmp0, $4  }
0x21: {  	[sflag:s9] =	ssyncadd.s32 $0xFFFFE000  }
0x22: {  	[hbm4b:s11+s2] =	stream.linear.scatter [tilespmem:s8], [sflag:$0x2], $0x2000, $0x38;
	[tilespmem:$0x2080] =	vst v63  }
0x23: {  	_ =	swait.ge [sflag:s7], $0x2000  }
0x24: {  	s13 =	smov.u32 s15;
	s11 =	sadd.s32 $0x400, s11;
	[sflag:s7] =	ssyncset.done $0x0  }
0x25: {  	s12 =	sadd.s32 s12, s6;
	[sflag:s7] =	ssyncadd.s32 $0xFFFFE000  }
0x26: {  	[tilespmem:s2], [sflag:$0x2] =	stream.linear.gather [hbm4b:s12+s2], $0x80, $0x38;
	[tilespmem:$0x2080] =	vst v63  }
0x27: {  	_ =	swait.ge [sflag:s7], $0x80  }
0x28: {  	[sflag:s7] =	ssyncset.done $0x0  }
0x29: {  	[sflag:s7] =	ssyncadd.s32 $0xFFFFFF80  }
0x2a: {  	[tilespmem:s8], [sflag:$0x1] =	stream.indirect.gather [hbm4b:s3+s8], $0x40, s2, s8, $0xb8;
	[tilespmem:$0x2080] =	vst v63  }
0x2b: {  	s10 =	sadd.s32 $0x1, s10;
	_ =	swait.ge [sflag:s9], $0x2000  }
0x2c: {  	p0 =	sne.s32 s10, s4;
	[sflag:s9] =	ssyncset.done $0x0  }
.Ltmp1:
0x2d: {  	[sflag:s9] =	ssyncadd.s32 $0xFFFFE000;
	(pc) =	sbr.rel @p0 .LBB2_1-.Ltmp1, $4  }
0x2e: {  	[hbm4b:s11+s2] =	stream.linear.scatter [tilespmem:s8], [sflag:$0x2], $0x2000, $0x38;
	[tilespmem:$0x2080] =	vst v63  }
0x2f: {  	_ =	swait.ge [sflag:s7], $0x2000  }
0x30: {  	[sflag:s7] =	ssyncset.done $0x0  }
0x31: {  	[sflag:s7] =	ssyncadd.s32 $0xFFFFE000  }
0x32: {  	_ =	sfence.sel $0x180000  }
0x33: {  	[bflag:$0x0] =	sbarrier.arrive $0xFFFF  }
0x34: {  	p0 =	sne.s32 s1, $0x0;
	_ =	strace $0x9000005C  }
0x35: {  	s0 =	sadd.s32 @!p0 $0x100000, s0;
	[bflag:$0x2] =	sbarrier.arrive $0xFFFF  }
0x36: {  	[sflag:s0] =	ssyncadd.tile.s32 @!p0 $0x1;
	_ =	shalt  }
.Lfunc_end2:
_tile_overlayer_lowered:
.L_overlay_start_2:
0x37: {  	(tag) =	ssettag $0x2  }
0x38: {  	s0 =	rddreg [dreg:$0x0];
	s2 =	stileid.u32  }
0x39: {  	s1 =	rddreg [dreg:$0x1];
	p0 =	sne.s32 s2, $0x0  }
0x3a: {  	s3 =	rddreg [dreg:$0x2];
	[bflag:$0x3] =	sbarrier.arrive $0xFFFF;
	s2 =	simm.s32 @!p0 $0x1C02  }
0x3b: {  	[timem:s3], [sflag:s2] =	dma.local @!p0 [hbm:s0], s1  }
0x3c: {  	s0 =	simm.s32 @!p0 $0x2  }
0x3d: {  	_ =	swait.ge @!p0 [sflag:s0], s1  }
0x3e: {  	s1 =	ssub.s32 @!p0 $0x0, s1;
	[sflag:s0] =	ssyncset.done @!p0 $0x0  }
0x3f: {  	[sflag:s0] =	ssyncadd.s32 @!p0 s1  }
0x40: {  	[bflag:$0x3] =	sbarrier.arrive $0xFFFF  }
0x41: {  	_ =	shalt  }

// kernel: kernel.53.cloned.1.call-start
scs
__scs_entry_jumppad:
0x0: {  	(pc) =	sbr.rel $0x88, $3  }
0x1: {  	(tag) =	ssettag $0x0;
	lr =	simm.s32 $0x1  }
0x2: {  	[smem:$0x3F7C] =	sst lr;
	_ =	strace $0xD0000000  }
0x3: {  	_ = 	snop  }
0x4: {  	_ = 	snop  }
0x5: {  	_ = 	snop  }
0x6: {  	_ = 	snop  }
0x7: {  	_ = 	snop  }
__scs_overlays_trampoline_lowered:
0x8: {  	[smem:$0x3F8B] =	sst s0  }
0x9: {  	[smem:$0x3F8C] =	sst s1  }
0xa: {  	[smem:$0x3F8D] =	sst s2  }
0xb: {  	[smem:$0x3F8E] =	sst s3  }
0xc: {  	[smem:$0x3F8F] =	sst s4  }
0xd: {  	[smem:$0x3F90] =	sst s5  }
0xe: {  	[smem:$0x3F91] =	sst s6  }
0xf: {  	[smem:$0x3F92] =	sst s7  }
0x10: {  	[smem:$0x3F93] =	sst s8  }
0x11: {  	[smem:$0x3F94] =	sst s9;
	s0 =	simm.s32 @!p0 $0x0  }
0x12: {  	s1 =	sld [smem:$0x3F7A];
	s0 =	simm.s32 @p0 $0x1  }
0x13: {  	[smem:$0x3F95] =	sst s0;
	s0 =	simm.s32 @!p1 $0x0  }
0x14: {  	s2 =	sld [smem:$0x3F79];
	s0 =	simm.s32 @p1 $0x1  }
0x15: {  	[smem:$0x3F96] =	sst s0;
	s0 =	simm.s32 @!p2 $0x0  }
0x16: {  	s3 =	sld [smem:$0x3FDB];
	s0 =	simm.s32 @p2 $0x1  }
0x17: {  	s4 =	simm.s32 $0x1BF5;
	[smem:$0x3F98] =	sst s0  }
0x18: {  	s0 =	sld [smem:$0x3F7B];
	_ =	swait.ge [sflag:s4], $0x0  }
0x19: {  	s7 =	sld [smem:$0x3F7C]  }
0x1a: {  	s8 =	sadd.s32 $0xFFFFE003, lr  }
0x1b: {  	s9 =	sadd.s32 $0xFFFFFEF7, lr;
	s5 =	simm.s32 $0xFFFFFFFF;
	p2 =	slt.u32 s8, $0xFFFFF086  }
0x1c: {  	p1 =	slt.u32 s9, $0xF7A;
	s5 =	simm.s32 @!p2 $0x0  }
0x1d: {  	s5 =	simm.s32 @p1 $0x1;
	p0 =	seq.s32 s7, s2  }
0x1e: {  	s7 =	smul.u32 @!p0 $0xF7A, s2;
	p2 =	seq.s32 @!p0 s5, $0x0  }
0x1f: {  	s9 =	smul.u32 $0xF7A, s1;
	s8 =	simm.s32 @!p0 $0x1BF5;
	p2 =	por !p2, p0  }
0x20: {  	[sflag:s8] =	ssyncset.s32 @!p0 $0xFFFFF086;
	s6 =	sadd.s32 @!p0 s3, s7;
	s7 =	simm.s32 @!p0 $0x108  }
0x21: {  	s3 =	sadd.s32 s3, s9;
	s6 =	sadd.s32 @!p0 $0x88, s6;
	s7 =	simm.s32 @p2 $0x1082  }
0x22: {  	[simem:s7], [sflag:s8] =	dma.local @!p0 [hbm:s6], $0xF7A  }
0x23: {  	s9 =	sor.u32 $0xD0000000, s2;
	s6 =	simm.s32 $0x108;
	_ =	swait.ge @!p0 [sflag:s8], $0x0  }
0x24: {  	s3 =	sadd.s32 $0x88, s3;
	s6 =	simm.s32 @!p1 $0x1082;
	[sflag:s4] =	ssyncset.s32 $0xFFFFF086  }
0x25: {  	[simem:s6], [sflag:s4] =	dma.local [hbm:s3], $0xF7A  }
0x26: {  	[smem:$0x3F7C] =	sst s1;
	(tag) =	ssettag s2;
	_ =	strace s9  }
0x27: {  	s1 =	sld [smem:$0x3F8C]  }
0x28: {  	s2 =	sld [smem:$0x3F8D]  }
0x29: {  	s4 =	sld [smem:$0x3F8F]  }
0x2a: {  	p0 =	seq.s32 s5, $0x0;
	s5 =	sld [smem:$0x3F90]  }
0x2b: {  	s6 =	sld [smem:$0x3F91]  }
0x2c: {  	s7 =	sld [smem:$0x3F92]  }
0x2d: {  	s3 =	simm.s32 $0x108;
	s8 =	sld [smem:$0x3F93]  }
0x2e: {  	s3 =	simm.s32 @!p0 $0x1082;
	s9 =	sld [smem:$0x3F94]  }
0x2f: {  	lr =	sadd.s32 s0, s3;
	s0 =	sld [smem:$0x3F8B]  }
0x30: {  	s3 =	sld [smem:$0x3F8E]  }
0x31: {  	[smem:$0x3F97] =	sst s10  }
0x32: {  	s10 =	sld [smem:$0x3F95];
	_ =	sdelay $0x3  }
0x33: {  	p0 =	seq.s32 s10, $0x1;
	s10 =	sld [smem:$0x3F97];
	_ =	sdelay $0x3  }
0x34: {  	[smem:$0x3F97] =	sst s10  }
0x35: {  	s10 =	sld [smem:$0x3F96];
	_ =	sdelay $0x3  }
0x36: {  	p1 =	seq.s32 s10, $0x1;
	s10 =	sld [smem:$0x3F97];
	_ =	sdelay $0x3  }
0x37: {  	[smem:$0x3F97] =	sst s10  }
0x38: {  	s10 =	sld [smem:$0x3F98]  }
0x39: {  	_ = 	snop;
	(pc) =	sbr.ind lr, $3  }
0x3a: {  	_ = 	snop  }
0x3b: {  	_ = 	snop  }
0x3c: {  	p2 =	seq.s32 s10, $0x1;
	s10 =	sld [smem:$0x3F97]  }
0x3d: {  	_ =	shalt  }
0x3e: {  	_ =	shalt  }
0x3f: {  	_ =	shalt  }
0x40: {  	_ =	shalt  }
0x41: {  	_ =	shalt  }
0x42: {  	_ =	shalt  }
0x43: {  	_ =	shalt  }
0x44: {  	_ =	shalt  }
0x45: {  	_ =	shalt  }
0x46: {  	_ =	shalt  }
0x47: {  	_ =	shalt  }
0x48: {  	_ =	shalt  }
0x49: {  	_ =	shalt  }
0x4a: {  	_ =	shalt  }
0x4b: {  	_ =	shalt  }
0x4c: {  	_ =	shalt  }
0x4d: {  	_ =	shalt  }
0x4e: {  	_ =	shalt  }
0x4f: {  	_ =	shalt  }
0x50: {  	_ =	shalt  }
0x51: {  	_ =	shalt  }
0x52: {  	_ =	shalt  }
0x53: {  	_ =	shalt  }
0x54: {  	_ =	shalt  }
0x55: {  	_ =	shalt  }
0x56: {  	_ =	shalt  }
0x57: {  	_ =	shalt  }
0x58: {  	_ =	shalt  }
0x59: {  	_ =	shalt  }
0x5a: {  	_ =	shalt  }
0x5b: {  	_ =	shalt  }
0x5c: {  	_ =	shalt  }
0x5d: {  	_ =	shalt  }
0x5e: {  	_ =	shalt  }
0x5f: {  	_ =	shalt  }
0x60: {  	_ =	shalt  }
0x61: {  	_ =	shalt  }
0x62: {  	_ =	shalt  }
0x63: {  	_ =	shalt  }
0x64: {  	_ =	shalt  }
0x65: {  	_ =	shalt  }
0x66: {  	_ =	shalt  }
0x67: {  	_ =	shalt  }
0x68: {  	_ =	shalt  }
0x69: {  	_ =	shalt  }
0x6a: {  	_ =	shalt  }
0x6b: {  	_ =	shalt  }
0x6c: {  	_ =	shalt  }
0x6d: {  	_ =	shalt  }
0x6e: {  	_ =	shalt  }
0x6f: {  	_ =	shalt  }
0x70: {  	_ =	shalt  }
0x71: {  	_ =	shalt  }
0x72: {  	_ =	shalt  }
0x73: {  	_ =	shalt  }
0x74: {  	_ =	shalt  }
0x75: {  	_ =	shalt  }
0x76: {  	_ =	shalt  }
0x77: {  	_ =	shalt  }
0x78: {  	_ =	shalt  }
0x79: {  	_ =	shalt  }
0x7a: {  	_ =	shalt  }
0x7b: {  	_ =	shalt  }
0x7c: {  	_ =	shalt  }
0x7d: {  	_ =	shalt  }
0x7e: {  	_ =	shalt  }
0x7f: {  	_ =	shalt  }
0x80: {  	_ =	shalt  }
0x81: {  	_ =	shalt  }
0x82: {  	_ =	shalt  }
0x83: {  	_ =	shalt  }
0x84: {  	_ =	shalt  }
0x85: {  	_ =	shalt  }
0x86: {  	_ =	shalt  }
0x87: {  	_ =	shalt  }
.Lfunc_end0:
.L_simem_size_0:
called_computation.8_lowered:
.L_overlay_start_0:
0x88: {  	s2 =	sld [smem:$0x3FD9]  }
0x89: {  	s3 =	sld [smem:$0x3FFE];
	_ =	sdelay $0x1  }
0x8a: {  	s1 =	srdreg.scid  }
0x8b: {  	s0 =	sand.u32 $0x1, s1  }
0x8c: {  	s16 =	sshll.u32 s0, $0xA;
	s2 =	sadd.s32 s3, s2  }
0x8d: {  	s2 =	sadd.s32 s2, s16  }
0x8e: {  	[smem:$0x3FA3] =	sst s2  }
0x8f: {  	_ = 	snop  }
0x90: {  	(tm) =	ssettm $0x1  }
0x91: {  	s17 =	sld [smem:$0x3FFB];
	_ =	sdelay $0x3  }
0x92: {  	_ =	strace s17  }
0x93: {  	s2 =	sld [smem:$0x3FFC];
	_ =	sdelay $0x3  }
0x94: {  	_ =	strace s2  }
0x95: {  	s2 =	sld [smem:$0x3FFD];
	_ =	sdelay $0x3  }
0x96: {  	_ =	strace s2  }
0x97: {  	_ =	strace $0x8FFFFFFF  }
0x98: {  	s18 =	sld [smem:$0x3FDB];
	_ =	sdelay $0x1  }
0x99: {  	s19 =	simm.s32 $_scs_section_size  }
0x9a: {  	s4 =	simm.s32 $_size__tile_overlayer_lowered;
	s5 =	simm.s32 $_tile_overlayer_lowered  }
0x9b: {  	s22 =	simm.s32 $0x1BFF;
	s21 =	sshll.u32 s5, $0x1;
	s2 =	sadd.s32 s19, s18  }
0x9c: {  	s6 =	simm.s32 $0x0;
	s20 =	sshll.u32 s4, $0x1;
	s4 =	sadd.s32 s21, s2  }
0x9d: {  	[timem:s6], [sflag:s22] =	dma.local [hbm:s4], s20  }
0x9e: {  	_ =	swait.ge [sflag:s22], s20  }
0x9f: {  	s3 =	ssub.s32 $0x0, s20;
	[sflag:s22] =	ssyncset.done $0x0  }
0xa0: {  	[sflag:s22] =	ssyncadd.s32 s3;
	_ =	sdelay $0x1  }
0xa1: {  	s23 =	simm.s32 $0x1B8B  }
0xa2: {  	_ =	swait.ge [sflag:s23], $0x1  }
0xa3: {  	[sflag:s23] =	ssyncset.done $0x0  }
0xa4: {  	s25 =	simm.s32 $0x1B8E;
	s24 =	sld [smem:$0x3FFE];
	[sflag:s23] =	ssyncadd.s32 $0xFFFFFFFF  }
0xa5: {  	s26 =	simm.s32 $execute0_lowered;
	[smem:$0x3FD2] =	sst s25  }
0xa6: {  	s4 =	sshll.u32 s26, $0x1;
	_ =	strace $0x8000005E;
	[dreg:$0x1] =	wrdreg $0xFFFFFFFF  }
0xa7: {  	s28 =	simm.s32 $_size_execute0_lowered;
	s2 =	sadd.s32 s2, s4;
	[dreg:$0x0] =	wrdreg $0x0  }
0xa8: {  	s4 =	sshll.u32 s28, $0x1;
	[dreg:$0x2] =	wrdreg s2  }
0xa9: {  	[dreg:$0x3] =	wrdreg s4  }
0xaa: {  	[dreg:$0x4] =	wrdreg $0xC0  }
0xab: {  	_ =	task [dreg:s6], $0x5FFFF  }
0xac: {  	[dreg:$0x1] =	wrdreg $0xFFFFFFFF  }
0xad: {  	[dreg:$0x0] =	wrdreg $0x60  }
0xae: {  	[dreg:$0x2] =	wrdreg s24  }
0xaf: {  	[dreg:$0x3] =	wrdreg $0x9  }
0xb0: {  	_ =	task.clear_ibuf [dreg:s6], $0x4FFFF;
	_ =	strace $0x9000005E  }
0xb1: {  	s29 =	simm.s32 $0x9;
	_ =	strace $0x80000060  }
0xb2: {  	_ =	swait.ge [sflag:s29], $0x1  }
0xb3: {  	[sflag:s29] =	ssyncadd.s32 $0xFFFFFFFF  }
0xb4: {  	_ =	strace $0x90000060  }
0xb5: {  	_ =	sfence  }
0xb6: {  	s30 =	sld [smem:$0x0];
	_ =	sdelay $0x2  }
0xb7: {  	s31 =	sshll.u32 s1, $0xD;
	s1 =	sshrl.u32 s1, $0x2  }
0xb8: {  	s3 =	sand.u32 $0x4000, s31;
	s1 =	sadd.s32 s1, s30  }
0xb9: {  	s0 =	sor.u32 s3, s0;
	s1 =	sshll.u32 s1, $0x11  }
0xba: {  	s0 =	sor.u32 s1, s0  }
0xbb: {  	s0 =	sadd.s32 $0x8F2B, s0  }
0xbc: {  	[sflag:s0] =	ssyncadd.remote.s32 $0x1  }
0xbd: {  	_ =	sfence.sel $0xFFFF  }
0xbe: {  	[dreg:$0x0] =	wrdreg $0xFFFFFFFF;
	(pc) =	sbr.abs _section_cstart, $3  }
0xbf: {  	[dreg:$0x1] =	wrdreg $0xFFFFFFFF  }
0xc0: {  	_ =	task.clear_ibuf [dreg:s6], $0x2FFFF;
	_ =	strace $0x9FFFFFFF  }
0xc1: {  	(tm) =	ssettm $0x7FFFFFFF  }
tec
execute0_lowered:
.L_overlay_start_1:
0x0: {  	(tag) =	ssettag $0x1  }
0x1: {  	s4 =	rddreg [dreg:$0x0]  }
0x2: {  	s0 =	rddreg [dreg:$0x1];
	s2 =	simm.s32 $0x0;
	s1 =	stileid.u32  }
0x3: {  	s3 =	srdreg.scid;
	s10 =	simm.s32 $0x0;
	s6 =	smul.u32 $0xF300, s1  }
0x4: {  	[smem:$0x7FF] =	sst s2;
	s5 =	sand.u32 $0x1, s3;
	s8 =	smul.u32 $0x79800, s1  }
0x5: {  	s3 =	sadd.s32 $0xF600, s4;
	s7 =	smul.u32 $0x7980, s5;
	s9 =	ssub.s32 $0x2, s5  }
0x6: {  	_ =	strace $0x8000005F;
	s5 =	smul.u32 $0x3CC00, s5;
	s31 =	sshrl.u32 s9, $0x1  }
0x7: {  	s8 =	sadd.s32 s8, s4;
	s6 =	sadd.s32 s7, s6;
	s7 =	ssub.s32 s9, s31  }
0x8: {  	s5 =	sadd.s32 s5, s8;
	s8 =	simm.s32 $0x80;
	s6 =	sshrl.u32 s6, $0x3  }
0x9: {  	s9 =	simm.s32 $0x1;
	s5 =	sadd.s32 $0x75C00, s5;
	s6 =	sadd.s32 s6, s4  }
0xa: {  	s4 =	smax.u32 s7, $0x1;
	s7 =	simm.s32 $0x2;
	s6 =	sadd.s32 $0x57600, s6  }
.LBB2_1:
0xb: {  	s11 =	sadd.s32 $0x0, s6  }
0xc: {  	[tilespmem:s2], [sflag:$0x2] =	stream.linear.gather [hbm4b:s11+s2], $0x80, $0x38;
	[tilespmem:$0x2080] =	vst v63  }
0xd: {  	_ =	swait.ge [sflag:s7], $0x80  }
0xe: {  	[sflag:s7] =	ssyncset.done $0x0  }
0xf: {  	[sflag:s7] =	ssyncadd.s32 $0xFFFFFF80  }
0x10: {  	[tilespmem:s8], [sflag:$0x1] =	stream.indirect.gather [hbm4b:s3+s8], $0x40, s2, s8, $0xb8;
	[tilespmem:$0x2080] =	vst v63  }
0x11: {  	_ =	swait.ge [sflag:s9], $0x2000  }
0x12: {  	[sflag:s9] =	ssyncset.done $0x0  }
0x13: {  	[sflag:s9] =	ssyncadd.s32 $0xFFFFE000  }
0x14: {  	[hbm4b:s5+s2] =	stream.linear.scatter [tilespmem:s8], [sflag:$0x2], $0x2000, $0x38;
	[tilespmem:$0x2080] =	vst v63  }
0x15: {  	s12 =	simm.s32 $0x10;
	_ =	swait.ge [sflag:s7], $0x2000  }
0x16: {  	s13 =	simm.s32 $0x20;
	s11 =	sadd.s32 $0x400, s5;
	[sflag:s7] =	ssyncset.done $0x0  }
.LBB2_2:
0x17: {  	s14 =	sadd.s32 s12, s6  }
0x18: {  	[sflag:s7] =	ssyncadd.s32 $0xFFFFE000;
	s12 =	smov.u32 s13;
	s15 =	sadd.s32 $0x10, s13  }
0x19: {  	[tilespmem:s2], [sflag:$0x2] =	stream.linear.gather [hbm4b:s14+s2], $0x80, $0x38;
	[tilespmem:$0x2080] =	vst v63  }
0x1a: {  	p0 =	sne.s32 s13, $0xF20;
	_ =	swait.ge [sflag:s7], $0x80  }
0x1b: {  	[sflag:s7] =	ssyncset.done $0x0  }
0x1c: {  	[sflag:s7] =	ssyncadd.s32 $0xFFFFFF80  }
0x1d: {  	[tilespmem:s8], [sflag:$0x1] =	stream.indirect.gather [hbm4b:s3+s8], $0x40, s2, s8, $0xb8;
	[tilespmem:$0x2080] =	vst v63  }
0x1e: {  	_ =	swait.ge [sflag:s9], $0x2000  }
.Ltmp0:
0x1f: {  	[sflag:s9] =	ssyncset.done $0x0;
	(pc) =	sbr.rel @p0 .LBB2_2-.Ltmp0, $4  }
0x20: {  	[sflag:s9] =	ssyncadd.s32 $0xFFFFE000  }
0x21: {  	[hbm4b:s11+s2] =	stream.linear.scatter [tilespmem:s8], [sflag:$0x2], $0x2000, $0x38;
	[tilespmem:$0x2080] =	vst v63  }
0x22: {  	_ =	swait.ge [sflag:s7], $0x2000  }
0x23: {  	s13 =	smov.u32 s15;
	s11 =	sadd.s32 $0x400, s11;
	[sflag:s7] =	ssyncset.done $0x0  }
0x24: {  	s12 =	sadd.s32 s12, s6;
	[sflag:s7] =	ssyncadd.s32 $0xFFFFE000  }
0x25: {  	[tilespmem:s2], [sflag:$0x2] =	stream.linear.gather [hbm4b:s12+s2], $0x80, $0x38;
	[tilespmem:$0x2080] =	vst v63  }
0x26: {  	_ =	swait.ge [sflag:s7], $0x80  }
0x27: {  	[sflag:s7] =	ssyncset.done $0x0  }
0x28: {  	[sflag:s7] =	ssyncadd.s32 $0xFFFFFF80  }
0x29: {  	[tilespmem:s8], [sflag:$0x1] =	stream.indirect.gather [hbm4b:s3+s8], $0x40, s2, s8, $0xb8;
	[tilespmem:$0x2080] =	vst v63  }
0x2a: {  	s10 =	sadd.s32 $0x1, s10;
	_ =	swait.ge [sflag:s9], $0x2000  }
0x2b: {  	p0 =	sne.s32 s10, s4;
	[sflag:s9] =	ssyncset.done $0x0  }
.Ltmp1:
0x2c: {  	[sflag:s9] =	ssyncadd.s32 $0xFFFFE000;
	(pc) =	sbr.rel @p0 .LBB2_1-.Ltmp1, $4  }
0x2d: {  	[hbm4b:s11+s2] =	stream.linear.scatter [tilespmem:s8], [sflag:$0x2], $0x2000, $0x38;
	[tilespmem:$0x2080] =	vst v63  }
0x2e: {  	_ =	swait.ge [sflag:s7], $0x2000  }
0x2f: {  	[sflag:s7] =	ssyncset.done $0x0  }
0x30: {  	[sflag:s7] =	ssyncadd.s32 $0xFFFFE000  }
0x31: {  	_ =	sfence.sel $0x180000  }
0x32: {  	[bflag:$0x0] =	sbarrier.arrive $0xFFFF  }
0x33: {  	p0 =	sne.s32 s1, $0x0;
	_ =	strace $0x9000005F  }
0x34: {  	s0 =	sadd.s32 @!p0 $0x100000, s0;
	[bflag:$0x2] =	sbarrier.arrive $0xFFFF  }
0x35: {  	[sflag:s0] =	ssyncadd.tile.s32 @!p0 $0x1;
	_ =	shalt  }
.Lfunc_end2:
_tile_overlayer_lowered:
.L_overlay_start_2:
0x36: {  	(tag) =	ssettag $0x2  }
0x37: {  	s0 =	rddreg [dreg:$0x0];
	s2 =	stileid.u32  }
0x38: {  	s1 =	rddreg [dreg:$0x1];
	p0 =	sne.s32 s2, $0x0  }
0x39: {  	s3 =	rddreg [dreg:$0x2];
	[bflag:$0x3] =	sbarrier.arrive $0xFFFF;
	s2 =	simm.s32 @!p0 $0x1C02  }
0x3a: {  	[timem:s3], [sflag:s2] =	dma.local @!p0 [hbm:s0], s1  }
0x3b: {  	s0 =	simm.s32 @!p0 $0x2  }
0x3c: {  	_ =	swait.ge @!p0 [sflag:s0], s1  }
0x3d: {  	s1 =	ssub.s32 @!p0 $0x0, s1;
	[sflag:s0] =	ssyncset.done @!p0 $0x0  }
0x3e: {  	[sflag:s0] =	ssyncadd.s32 @!p0 s1  }
0x3f: {  	[bflag:$0x3] =	sbarrier.arrive $0xFFFF  }
0x40: {  	_ =	shalt  }

// kernel: kernel.56.cloned.1.call-start
scs
__scs_entry_jumppad:
0x0: {  	(pc) =	sbr.rel $0x88, $3  }
0x1: {  	(tag) =	ssettag $0x0;
	lr =	simm.s32 $0x1  }
0x2: {  	[smem:$0x3F7C] =	sst lr;
	_ =	strace $0xD0000000  }
0x3: {  	_ = 	snop  }
0x4: {  	_ = 	snop  }
0x5: {  	_ = 	snop  }
0x6: {  	_ = 	snop  }
0x7: {  	_ = 	snop  }
__scs_overlays_trampoline_lowered:
0x8: {  	[smem:$0x3F8B] =	sst s0  }
0x9: {  	[smem:$0x3F8C] =	sst s1  }
0xa: {  	[smem:$0x3F8D] =	sst s2  }
0xb: {  	[smem:$0x3F8E] =	sst s3  }
0xc: {  	[smem:$0x3F8F] =	sst s4  }
0xd: {  	[smem:$0x3F90] =	sst s5  }
0xe: {  	[smem:$0x3F91] =	sst s6  }
0xf: {  	[smem:$0x3F92] =	sst s7  }
0x10: {  	[smem:$0x3F93] =	sst s8  }
0x11: {  	[smem:$0x3F94] =	sst s9;
	s0 =	simm.s32 @!p0 $0x0  }
0x12: {  	s1 =	sld [smem:$0x3F7A];
	s0 =	simm.s32 @p0 $0x1  }
0x13: {  	[smem:$0x3F95] =	sst s0;
	s0 =	simm.s32 @!p1 $0x0  }
0x14: {  	s2 =	sld [smem:$0x3F79];
	s0 =	simm.s32 @p1 $0x1  }
0x15: {  	[smem:$0x3F96] =	sst s0;
	s0 =	simm.s32 @!p2 $0x0  }
0x16: {  	s3 =	sld [smem:$0x3FDB];
	s0 =	simm.s32 @p2 $0x1  }
0x17: {  	s4 =	simm.s32 $0x1BF5;
	[smem:$0x3F98] =	sst s0  }
0x18: {  	s0 =	sld [smem:$0x3F7B];
	_ =	swait.ge [sflag:s4], $0x0  }
0x19: {  	s7 =	sld [smem:$0x3F7C]  }
0x1a: {  	s8 =	sadd.s32 $0xFFFFE003, lr  }
0x1b: {  	s9 =	sadd.s32 $0xFFFFFEF7, lr;
	s5 =	simm.s32 $0xFFFFFFFF;
	p2 =	slt.u32 s8, $0xFFFFF086  }
0x1c: {  	p1 =	slt.u32 s9, $0xF7A;
	s5 =	simm.s32 @!p2 $0x0  }
0x1d: {  	s5 =	simm.s32 @p1 $0x1;
	p0 =	seq.s32 s7, s2  }
0x1e: {  	s7 =	smul.u32 @!p0 $0xF7A, s2;
	p2 =	seq.s32 @!p0 s5, $0x0  }
0x1f: {  	s9 =	smul.u32 $0xF7A, s1;
	s8 =	simm.s32 @!p0 $0x1BF5;
	p2 =	por !p2, p0  }
0x20: {  	[sflag:s8] =	ssyncset.s32 @!p0 $0xFFFFF086;
	s6 =	sadd.s32 @!p0 s3, s7;
	s7 =	simm.s32 @!p0 $0x108  }
0x21: {  	s3 =	sadd.s32 s3, s9;
	s6 =	sadd.s32 @!p0 $0x88, s6;
	s7 =	simm.s32 @p2 $0x1082  }
0x22: {  	[simem:s7], [sflag:s8] =	dma.local @!p0 [hbm:s6], $0xF7A  }
0x23: {  	s9 =	sor.u32 $0xD0000000, s2;
	s6 =	simm.s32 $0x108;
	_ =	swait.ge @!p0 [sflag:s8], $0x0  }
0x24: {  	s3 =	sadd.s32 $0x88, s3;
	s6 =	simm.s32 @!p1 $0x1082;
	[sflag:s4] =	ssyncset.s32 $0xFFFFF086  }
0x25: {  	[simem:s6], [sflag:s4] =	dma.local [hbm:s3], $0xF7A  }
0x26: {  	[smem:$0x3F7C] =	sst s1;
	(tag) =	ssettag s2;
	_ =	strace s9  }
0x27: {  	s1 =	sld [smem:$0x3F8C]  }
0x28: {  	s2 =	sld [smem:$0x3F8D]  }
0x29: {  	s4 =	sld [smem:$0x3F8F]  }
0x2a: {  	p0 =	seq.s32 s5, $0x0;
	s5 =	sld [smem:$0x3F90]  }
0x2b: {  	s6 =	sld [smem:$0x3F91]  }
0x2c: {  	s7 =	sld [smem:$0x3F92]  }
0x2d: {  	s3 =	simm.s32 $0x108;
	s8 =	sld [smem:$0x3F93]  }
0x2e: {  	s3 =	simm.s32 @!p0 $0x1082;
	s9 =	sld [smem:$0x3F94]  }
0x2f: {  	lr =	sadd.s32 s0, s3;
	s0 =	sld [smem:$0x3F8B]  }
0x30: {  	s3 =	sld [smem:$0x3F8E]  }
0x31: {  	[smem:$0x3F97] =	sst s10  }
0x32: {  	s10 =	sld [smem:$0x3F95];
	_ =	sdelay $0x3  }
0x33: {  	p0 =	seq.s32 s10, $0x1;
	s10 =	sld [smem:$0x3F97];
	_ =	sdelay $0x3  }
0x34: {  	[smem:$0x3F97] =	sst s10  }
0x35: {  	s10 =	sld [smem:$0x3F96];
	_ =	sdelay $0x3  }
0x36: {  	p1 =	seq.s32 s10, $0x1;
	s10 =	sld [smem:$0x3F97];
	_ =	sdelay $0x3  }
0x37: {  	[smem:$0x3F97] =	sst s10  }
0x38: {  	s10 =	sld [smem:$0x3F98]  }
0x39: {  	_ = 	snop;
	(pc) =	sbr.ind lr, $3  }
0x3a: {  	_ = 	snop  }
0x3b: {  	_ = 	snop  }
0x3c: {  	p2 =	seq.s32 s10, $0x1;
	s10 =	sld [smem:$0x3F97]  }
0x3d: {  	_ =	shalt  }
0x3e: {  	_ =	shalt  }
0x3f: {  	_ =	shalt  }
0x40: {  	_ =	shalt  }
0x41: {  	_ =	shalt  }
0x42: {  	_ =	shalt  }
0x43: {  	_ =	shalt  }
0x44: {  	_ =	shalt  }
0x45: {  	_ =	shalt  }
0x46: {  	_ =	shalt  }
0x47: {  	_ =	shalt  }
0x48: {  	_ =	shalt  }
0x49: {  	_ =	shalt  }
0x4a: {  	_ =	shalt  }
0x4b: {  	_ =	shalt  }
0x4c: {  	_ =	shalt  }
0x4d: {  	_ =	shalt  }
0x4e: {  	_ =	shalt  }
0x4f: {  	_ =	shalt  }
0x50: {  	_ =	shalt  }
0x51: {  	_ =	shalt  }
0x52: {  	_ =	shalt  }
0x53: {  	_ =	shalt  }
0x54: {  	_ =	shalt  }
0x55: {  	_ =	shalt  }
0x56: {  	_ =	shalt  }
0x57: {  	_ =	shalt  }
0x58: {  	_ =	shalt  }
0x59: {  	_ =	shalt  }
0x5a: {  	_ =	shalt  }
0x5b: {  	_ =	shalt  }
0x5c: {  	_ =	shalt  }
0x5d: {  	_ =	shalt  }
0x5e: {  	_ =	shalt  }
0x5f: {  	_ =	shalt  }
0x60: {  	_ =	shalt  }
0x61: {  	_ =	shalt  }
0x62: {  	_ =	shalt  }
0x63: {  	_ =	shalt  }
0x64: {  	_ =	shalt  }
0x65: {  	_ =	shalt  }
0x66: {  	_ =	shalt  }
0x67: {  	_ =	shalt  }
0x68: {  	_ =	shalt  }
0x69: {  	_ =	shalt  }
0x6a: {  	_ =	shalt  }
0x6b: {  	_ =	shalt  }
0x6c: {  	_ =	shalt  }
0x6d: {  	_ =	shalt  }
0x6e: {  	_ =	shalt  }
0x6f: {  	_ =	shalt  }
0x70: {  	_ =	shalt  }
0x71: {  	_ =	shalt  }
0x72: {  	_ =	shalt  }
0x73: {  	_ =	shalt  }
0x74: {  	_ =	shalt  }
0x75: {  	_ =	shalt  }
0x76: {  	_ =	shalt  }
0x77: {  	_ =	shalt  }
0x78: {  	_ =	shalt  }
0x79: {  	_ =	shalt  }
0x7a: {  	_ =	shalt  }
0x7b: {  	_ =	shalt  }
0x7c: {  	_ =	shalt  }
0x7d: {  	_ =	shalt  }
0x7e: {  	_ =	shalt  }
0x7f: {  	_ =	shalt  }
0x80: {  	_ =	shalt  }
0x81: {  	_ =	shalt  }
0x82: {  	_ =	shalt  }
0x83: {  	_ =	shalt  }
0x84: {  	_ =	shalt  }
0x85: {  	_ =	shalt  }
0x86: {  	_ =	shalt  }
0x87: {  	_ =	shalt  }
.Lfunc_end0:
.L_simem_size_0:
called_computation.9_lowered:
.L_overlay_start_0:
0x88: {  	s2 =	sld [smem:$0x3FD9]  }
0x89: {  	s3 =	sld [smem:$0x3FFE];
	_ =	sdelay $0x1  }
0x8a: {  	s1 =	srdreg.scid  }
0x8b: {  	s0 =	sand.u32 $0x1, s1  }
0x8c: {  	s17 =	sshll.u32 s0, $0xA;
	s2 =	sadd.s32 s3, s2  }
0x8d: {  	s2 =	sadd.s32 s2, s17  }
0x8e: {  	[smem:$0x3FA3] =	sst s2  }
0x8f: {  	_ = 	snop  }
0x90: {  	s2 =	sld [smem:$0x3FD0];
	(tm) =	ssettm $0x1  }
0x91: {  	s18 =	sld [smem:$0x3FFB];
	_ =	sdelay $0x3  }
0x92: {  	_ =	strace s18  }
0x93: {  	s3 =	sld [smem:$0x3FFC];
	_ =	sdelay $0x3  }
0x94: {  	_ =	strace s3  }
0x95: {  	s3 =	sld [smem:$0x3FFD];
	_ =	sdelay $0x3  }
0x96: {  	_ =	strace s3  }
0x97: {  	_ =	strace $0x8FFFFFFF  }
0x98: {  	s19 =	sld [smem:$0x3FDB];
	_ =	sdelay $0x1  }
0x99: {  	s4 =	simm.s32 $_scs_section_size  }
0x9a: {  	s5 =	simm.s32 $_size__tile_overlayer_lowered;
	s6 =	simm.s32 $_tile_overlayer_lowered  }
0x9b: {  	s22 =	simm.s32 $0x1BFF;
	s21 =	sshll.u32 s6, $0x1;
	s3 =	sadd.s32 s4, s19  }
0x9c: {  	s7 =	simm.s32 $0x0;
	s20 =	sshll.u32 s5, $0x1;
	s5 =	sadd.s32 s21, s3  }
0x9d: {  	[timem:s7], [sflag:s22] =	dma.local [hbm:s5], s20  }
0x9e: {  	_ =	swait.ge [sflag:s22], s20  }
0x9f: {  	s4 =	ssub.s32 $0x0, s20;
	[sflag:s22] =	ssyncset.done $0x0  }
0xa0: {  	[sflag:s22] =	ssyncadd.s32 s4;
	_ =	sdelay $0x1  }
0xa1: {  	s23 =	simm.s32 $0x1B8B  }
0xa2: {  	_ =	swait.ge [sflag:s23], $0x1  }
0xa3: {  	[sflag:s23] =	ssyncset.done $0x0  }
0xa4: {  	s25 =	simm.s32 $0x1B8E;
	s24 =	sld [smem:$0x3FFE];
	[sflag:s23] =	ssyncadd.s32 $0xFFFFFFFF  }
0xa5: {  	s26 =	simm.s32 $execute0_lowered;
	[smem:$0x3FD2] =	sst s25  }
0xa6: {  	s5 =	sshll.u32 s26, $0x1;
	_ =	strace $0x80000061;
	[dreg:$0x1] =	wrdreg $0xFFFFFFFF  }
0xa7: {  	s28 =	simm.s32 $_size_execute0_lowered;
	s3 =	sadd.s32 s3, s5;
	[dreg:$0x0] =	wrdreg $0x0  }
0xa8: {  	s5 =	sshll.u32 s28, $0x1;
	[dreg:$0x2] =	wrdreg s3  }
0xa9: {  	[dreg:$0x3] =	wrdreg s5  }
0xaa: {  	[dreg:$0x4] =	wrdreg $0xC0  }
0xab: {  	_ =	task [dreg:s7], $0x5FFFF  }
0xac: {  	[dreg:$0x1] =	wrdreg $0xFFFFFFFF  }
0xad: {  	[dreg:$0x0] =	wrdreg $0x60  }
0xae: {  	[dreg:$0x2] =	wrdreg s24  }
0xaf: {  	[dreg:$0x3] =	wrdreg s2  }
0xb0: {  	[dreg:$0x4] =	wrdreg $0x9  }
0xb1: {  	_ =	task.clear_ibuf [dreg:s7], $0x5FFFF;
	_ =	strace $0x90000061  }
0xb2: {  	s29 =	simm.s32 $0x9;
	_ =	strace $0x80000063  }
0xb3: {  	_ =	swait.ge [sflag:s29], $0x1  }
0xb4: {  	[sflag:s29] =	ssyncadd.s32 $0xFFFFFFFF  }
0xb5: {  	_ =	strace $0x90000063  }
0xb6: {  	_ =	sfence  }
0xb7: {  	s30 =	sld [smem:$0x0];
	_ =	sdelay $0x2  }
0xb8: {  	s31 =	sshll.u32 s1, $0xD;
	s1 =	sshrl.u32 s1, $0x2  }
0xb9: {  	s3 =	sand.u32 $0x4000, s31;
	s1 =	sadd.s32 s1, s30  }
0xba: {  	s0 =	sor.u32 s3, s0;
	s1 =	sshll.u32 s1, $0x11  }
0xbb: {  	s0 =	sor.u32 s1, s0  }
0xbc: {  	s0 =	sadd.s32 $0x8F2B, s0  }
0xbd: {  	[sflag:s0] =	ssyncadd.remote.s32 $0x1  }
0xbe: {  	_ =	sfence.sel $0xFFFF  }
0xbf: {  	[dreg:$0x0] =	wrdreg $0xFFFFFFFF;
	(pc) =	sbr.abs _section_cstart, $3  }
0xc0: {  	[dreg:$0x1] =	wrdreg $0xFFFFFFFF  }
0xc1: {  	_ =	task.clear_ibuf [dreg:s7], $0x2FFFF;
	_ =	strace $0x9FFFFFFF  }
0xc2: {  	(tm) =	ssettm $0x7FFFFFFF  }
0xc3: {  	_ =	shalt  }
tec
execute0_lowered:
.L_overlay_start_1:
0x0: {  	(tag) =	ssettag $0x1  }
0x1: {  	s3 =	rddreg [dreg:$0x0]  }
0x2: {  	s6 =	rddreg [dreg:$0x1]  }
0x3: {  	s0 =	rddreg [dreg:$0x2];
	s1 =	stileid.u32  }
0x4: {  	s2 =	simm.s32 $0x0;
	s5 =	srdreg.scid;
	s4 =	smul.u32 $0x43800, s1  }
0x5: {  	[smem:$0x7FF] =	sst s2;
	s5 =	sand.u32 $0x1, s5;
	s7 =	smul.u32 $0x8700, s1  }
0x6: {  	_ =	strace $0x80000062;
	s8 =	ssub.s32 $0x2, s5;
	s9 =	smul.u32 $0x4380, s5  }
0x7: {  	s5 =	smul.u32 $0x21C00, s5;
	s10 =	sadd.s32 s4, s3;
	s31 =	sshrl.u32 s8, $0x1  }
0x8: {  	s3 =	sadd.s32 $0xF600, s3;
	s4 =	ssub.s32 s8, s31;
	s7 =	sadd.s32 s9, s7  }
0x9: {  	s5 =	sadd.s32 s5, s10;
	s8 =	simm.s32 $0x80;
	s9 =	simm.s32 $0x1  }
0xa: {  	s10 =	simm.s32 $0x0;
	s4 =	smax.u32 s4, $0x1;
	s7 =	sshrl.u32 s7, $0x3  }
0xb: {  	s5 =	sadd.s32 $0x57600, s5;
	s6 =	sadd.s32 s7, s6;
	s7 =	simm.s32 $0x2  }
.LBB2_1:
0xc: {  	s11 =	sadd.s32 $0x0, s6  }
0xd: {  	[tilespmem:s2], [sflag:$0x2] =	stream.linear.gather [hbm4b:s11+s2], $0x80, $0x38;
	[tilespmem:$0x2080] =	vst v63  }
0xe: {  	_ =	swait.ge [sflag:s7], $0x80  }
0xf: {  	[sflag:s7] =	ssyncset.done $0x0  }
0x10: {  	[sflag:s7] =	ssyncadd.s32 $0xFFFFFF80  }
0x11: {  	[tilespmem:s8], [sflag:$0x1] =	stream.indirect.gather [hbm4b:s3+s8], $0x40, s2, s8, $0xb8;
	[tilespmem:$0x2080] =	vst v63  }
0x12: {  	_ =	swait.ge [sflag:s9], $0x2000  }
0x13: {  	[sflag:s9] =	ssyncset.done $0x0  }
0x14: {  	[sflag:s9] =	ssyncadd.s32 $0xFFFFE000  }
0x15: {  	[hbm4b:s5+s2] =	stream.linear.scatter [tilespmem:s8], [sflag:$0x2], $0x2000, $0x38;
	[tilespmem:$0x2080] =	vst v63  }
0x16: {  	s12 =	simm.s32 $0x10;
	_ =	swait.ge [sflag:s7], $0x2000  }
0x17: {  	s13 =	simm.s32 $0x20;
	s11 =	sadd.s32 $0x400, s5;
	[sflag:s7] =	ssyncset.done $0x0  }
.LBB2_2:
0x18: {  	s14 =	sadd.s32 s12, s6  }
0x19: {  	[sflag:s7] =	ssyncadd.s32 $0xFFFFE000;
	s12 =	smov.u32 s13;
	s15 =	sadd.s32 $0x10, s13  }
0x1a: {  	[tilespmem:s2], [sflag:$0x2] =	stream.linear.gather [hbm4b:s14+s2], $0x80, $0x38;
	[tilespmem:$0x2080] =	vst v63  }
0x1b: {  	p0 =	sne.s32 s13, $0x860;
	_ =	swait.ge [sflag:s7], $0x80  }
0x1c: {  	[sflag:s7] =	ssyncset.done $0x0  }
0x1d: {  	[sflag:s7] =	ssyncadd.s32 $0xFFFFFF80  }
0x1e: {  	[tilespmem:s8], [sflag:$0x1] =	stream.indirect.gather [hbm4b:s3+s8], $0x40, s2, s8, $0xb8;
	[tilespmem:$0x2080] =	vst v63  }
0x1f: {  	_ =	swait.ge [sflag:s9], $0x2000  }
.Ltmp0:
0x20: {  	[sflag:s9] =	ssyncset.done $0x0;
	(pc) =	sbr.rel @p0 .LBB2_2-.Ltmp0, $4  }
0x21: {  	[sflag:s9] =	ssyncadd.s32 $0xFFFFE000  }
0x22: {  	[hbm4b:s11+s2] =	stream.linear.scatter [tilespmem:s8], [sflag:$0x2], $0x2000, $0x38;
	[tilespmem:$0x2080] =	vst v63  }
0x23: {  	_ =	swait.ge [sflag:s7], $0x2000  }
0x24: {  	s13 =	smov.u32 s15;
	s11 =	sadd.s32 $0x400, s11;
	[sflag:s7] =	ssyncset.done $0x0  }
0x25: {  	s12 =	sadd.s32 s12, s6;
	[sflag:s7] =	ssyncadd.s32 $0xFFFFE000  }
0x26: {  	[tilespmem:s2], [sflag:$0x2] =	stream.linear.gather [hbm4b:s12+s2], $0x80, $0x38;
	[tilespmem:$0x2080] =	vst v63  }
0x27: {  	_ =	swait.ge [sflag:s7], $0x80  }
0x28: {  	[sflag:s7] =	ssyncset.done $0x0  }
0x29: {  	[sflag:s7] =	ssyncadd.s32 $0xFFFFFF80  }
0x2a: {  	[tilespmem:s8], [sflag:$0x1] =	stream.indirect.gather [hbm4b:s3+s8], $0x40, s2, s8, $0xb8;
	[tilespmem:$0x2080] =	vst v63  }
0x2b: {  	s10 =	sadd.s32 $0x1, s10;
	_ =	swait.ge [sflag:s9], $0x2000  }
0x2c: {  	p0 =	sne.s32 s10, s4;
	[sflag:s9] =	ssyncset.done $0x0  }
.Ltmp1:
0x2d: {  	[sflag:s9] =	ssyncadd.s32 $0xFFFFE000;
	(pc) =	sbr.rel @p0 .LBB2_1-.Ltmp1, $4  }
0x2e: {  	[hbm4b:s11+s2] =	stream.linear.scatter [tilespmem:s8], [sflag:$0x2], $0x2000, $0x38;
	[tilespmem:$0x2080] =	vst v63  }
0x2f: {  	_ =	swait.ge [sflag:s7], $0x2000  }
0x30: {  	[sflag:s7] =	ssyncset.done $0x0  }
0x31: {  	[sflag:s7] =	ssyncadd.s32 $0xFFFFE000  }
0x32: {  	_ =	sfence.sel $0x180000  }
0x33: {  	[bflag:$0x0] =	sbarrier.arrive $0xFFFF  }
0x34: {  	p0 =	sne.s32 s1, $0x0;
	_ =	strace $0x90000062  }
0x35: {  	s0 =	sadd.s32 @!p0 $0x100000, s0;
	[bflag:$0x2] =	sbarrier.arrive $0xFFFF  }
0x36: {  	[sflag:s0] =	ssyncadd.tile.s32 @!p0 $0x1;
	_ =	shalt  }
.Lfunc_end2:
_tile_overlayer_lowered:
.L_overlay_start_2:
0x37: {  	(tag) =	ssettag $0x2  }
0x38: {  	s0 =	rddreg [dreg:$0x0];
	s2 =	stileid.u32  }
0x39: {  	s1 =	rddreg [dreg:$0x1];
	p0 =	sne.s32 s2, $0x0  }
0x3a: {  	s3 =	rddreg [dreg:$0x2];
	[bflag:$0x3] =	sbarrier.arrive $0xFFFF;
	s2 =	simm.s32 @!p0 $0x1C02  }
0x3b: {  	[timem:s3], [sflag:s2] =	dma.local @!p0 [hbm:s0], s1  }
0x3c: {  	s0 =	simm.s32 @!p0 $0x2  }
0x3d: {  	_ =	swait.ge @!p0 [sflag:s0], s1  }
0x3e: {  	s1 =	ssub.s32 @!p0 $0x0, s1;
	[sflag:s0] =	ssyncset.done @!p0 $0x0  }
0x3f: {  	[sflag:s0] =	ssyncadd.s32 @!p0 s1  }
0x40: {  	[bflag:$0x3] =	sbarrier.arrive $0xFFFF  }
0x41: {  	_ =	shalt  }

// kernel: kernel.59.cloned.1.call-start
scs
__scs_entry_jumppad:
0x0: {  	(pc) =	sbr.rel $0x88, $3  }
0x1: {  	(tag) =	ssettag $0x0;
	lr =	simm.s32 $0x1  }
0x2: {  	[smem:$0x3F7C] =	sst lr;
	_ =	strace $0xD0000000  }
0x3: {  	_ = 	snop  }
0x4: {  	_ = 	snop  }
0x5: {  	_ = 	snop  }
0x6: {  	_ = 	snop  }
0x7: {  	_ = 	snop  }
__scs_overlays_trampoline_lowered:
0x8: {  	[smem:$0x3F8B] =	sst s0  }
0x9: {  	[smem:$0x3F8C] =	sst s1  }
0xa: {  	[smem:$0x3F8D] =	sst s2  }
0xb: {  	[smem:$0x3F8E] =	sst s3  }
0xc: {  	[smem:$0x3F8F] =	sst s4  }
0xd: {  	[smem:$0x3F90] =	sst s5  }
0xe: {  	[smem:$0x3F91] =	sst s6  }
0xf: {  	[smem:$0x3F92] =	sst s7  }
0x10: {  	[smem:$0x3F93] =	sst s8  }
0x11: {  	[smem:$0x3F94] =	sst s9;
	s0 =	simm.s32 @!p0 $0x0  }
0x12: {  	s1 =	sld [smem:$0x3F7A];
	s0 =	simm.s32 @p0 $0x1  }
0x13: {  	[smem:$0x3F95] =	sst s0;
	s0 =	simm.s32 @!p1 $0x0  }
0x14: {  	s2 =	sld [smem:$0x3F79];
	s0 =	simm.s32 @p1 $0x1  }
0x15: {  	[smem:$0x3F96] =	sst s0;
	s0 =	simm.s32 @!p2 $0x0  }
0x16: {  	s3 =	sld [smem:$0x3FDB];
	s0 =	simm.s32 @p2 $0x1  }
0x17: {  	s4 =	simm.s32 $0x1BF5;
	[smem:$0x3F98] =	sst s0  }
0x18: {  	s0 =	sld [smem:$0x3F7B];
	_ =	swait.ge [sflag:s4], $0x0  }
0x19: {  	s7 =	sld [smem:$0x3F7C]  }
0x1a: {  	s8 =	sadd.s32 $0xFFFFE003, lr  }
0x1b: {  	s9 =	sadd.s32 $0xFFFFFEF7, lr;
	s5 =	simm.s32 $0xFFFFFFFF;
	p2 =	slt.u32 s8, $0xFFFFF086  }
0x1c: {  	p1 =	slt.u32 s9, $0xF7A;
	s5 =	simm.s32 @!p2 $0x0  }
0x1d: {  	s5 =	simm.s32 @p1 $0x1;
	p0 =	seq.s32 s7, s2  }
0x1e: {  	s7 =	smul.u32 @!p0 $0xF7A, s2;
	p2 =	seq.s32 @!p0 s5, $0x0  }
0x1f: {  	s9 =	smul.u32 $0xF7A, s1;
	s8 =	simm.s32 @!p0 $0x1BF5;
	p2 =	por !p2, p0  }
0x20: {  	[sflag:s8] =	ssyncset.s32 @!p0 $0xFFFFF086;
	s6 =	sadd.s32 @!p0 s3, s7;
	s7 =	simm.s32 @!p0 $0x108  }
0x21: {  	s3 =	sadd.s32 s3, s9;
	s6 =	sadd.s32 @!p0 $0x88, s6;
	s7 =	simm.s32 @p2 $0x1082  }
0x22: {  	[simem:s7], [sflag:s8] =	dma.local @!p0 [hbm:s6], $0xF7A  }
0x23: {  	s9 =	sor.u32 $0xD0000000, s2;
	s6 =	simm.s32 $0x108;
	_ =	swait.ge @!p0 [sflag:s8], $0x0  }
0x24: {  	s3 =	sadd.s32 $0x88, s3;
	s6 =	simm.s32 @!p1 $0x1082;
	[sflag:s4] =	ssyncset.s32 $0xFFFFF086  }
0x25: {  	[simem:s6], [sflag:s4] =	dma.local [hbm:s3], $0xF7A  }
0x26: {  	[smem:$0x3F7C] =	sst s1;
	(tag) =	ssettag s2;
	_ =	strace s9  }
0x27: {  	s1 =	sld [smem:$0x3F8C]  }
0x28: {  	s2 =	sld [smem:$0x3F8D]  }
0x29: {  	s4 =	sld [smem:$0x3F8F]  }
0x2a: {  	p0 =	seq.s32 s5, $0x0;
	s5 =	sld [smem:$0x3F90]  }
0x2b: {  	s6 =	sld [smem:$0x3F91]  }
0x2c: {  	s7 =	sld [smem:$0x3F92]  }
0x2d: {  	s3 =	simm.s32 $0x108;
	s8 =	sld [smem:$0x3F93]  }
0x2e: {  	s3 =	simm.s32 @!p0 $0x1082;
	s9 =	sld [smem:$0x3F94]  }
0x2f: {  	lr =	sadd.s32 s0, s3;
	s0 =	sld [smem:$0x3F8B]  }
0x30: {  	s3 =	sld [smem:$0x3F8E]  }
0x31: {  	[smem:$0x3F97] =	sst s10  }
0x32: {  	s10 =	sld [smem:$0x3F95];
	_ =	sdelay $0x3  }
0x33: {  	p0 =	seq.s32 s10, $0x1;
	s10 =	sld [smem:$0x3F97];
	_ =	sdelay $0x3  }
0x34: {  	[smem:$0x3F97] =	sst s10  }
0x35: {  	s10 =	sld [smem:$0x3F96];
	_ =	sdelay $0x3  }
0x36: {  	p1 =	seq.s32 s10, $0x1;
	s10 =	sld [smem:$0x3F97];
	_ =	sdelay $0x3  }
0x37: {  	[smem:$0x3F97] =	sst s10  }
0x38: {  	s10 =	sld [smem:$0x3F98]  }
0x39: {  	_ = 	snop;
	(pc) =	sbr.ind lr, $3  }
0x3a: {  	_ = 	snop  }
0x3b: {  	_ = 	snop  }
0x3c: {  	p2 =	seq.s32 s10, $0x1;
	s10 =	sld [smem:$0x3F97]  }
0x3d: {  	_ =	shalt  }
0x3e: {  	_ =	shalt  }
0x3f: {  	_ =	shalt  }
0x40: {  	_ =	shalt  }
0x41: {  	_ =	shalt  }
0x42: {  	_ =	shalt  }
0x43: {  	_ =	shalt  }
0x44: {  	_ =	shalt  }
0x45: {  	_ =	shalt  }
0x46: {  	_ =	shalt  }
0x47: {  	_ =	shalt  }
0x48: {  	_ =	shalt  }
0x49: {  	_ =	shalt  }
0x4a: {  	_ =	shalt  }
0x4b: {  	_ =	shalt  }
0x4c: {  	_ =	shalt  }
0x4d: {  	_ =	shalt  }
0x4e: {  	_ =	shalt  }
0x4f: {  	_ =	shalt  }
0x50: {  	_ =	shalt  }
0x51: {  	_ =	shalt  }
0x52: {  	_ =	shalt  }
0x53: {  	_ =	shalt  }
0x54: {  	_ =	shalt  }
0x55: {  	_ =	shalt  }
0x56: {  	_ =	shalt  }
0x57: {  	_ =	shalt  }
0x58: {  	_ =	shalt  }
0x59: {  	_ =	shalt  }
0x5a: {  	_ =	shalt  }
0x5b: {  	_ =	shalt  }
0x5c: {  	_ =	shalt  }
0x5d: {  	_ =	shalt  }
0x5e: {  	_ =	shalt  }
0x5f: {  	_ =	shalt  }
0x60: {  	_ =	shalt  }
0x61: {  	_ =	shalt  }
0x62: {  	_ =	shalt  }
0x63: {  	_ =	shalt  }
0x64: {  	_ =	shalt  }
0x65: {  	_ =	shalt  }
0x66: {  	_ =	shalt  }
0x67: {  	_ =	shalt  }
0x68: {  	_ =	shalt  }
0x69: {  	_ =	shalt  }
0x6a: {  	_ =	shalt  }
0x6b: {  	_ =	shalt  }
0x6c: {  	_ =	shalt  }
0x6d: {  	_ =	shalt  }
0x6e: {  	_ =	shalt  }
0x6f: {  	_ =	shalt  }
0x70: {  	_ =	shalt  }
0x71: {  	_ =	shalt  }
0x72: {  	_ =	shalt  }
0x73: {  	_ =	shalt  }
0x74: {  	_ =	shalt  }
0x75: {  	_ =	shalt  }
0x76: {  	_ =	shalt  }
0x77: {  	_ =	shalt  }
0x78: {  	_ =	shalt  }
0x79: {  	_ =	shalt  }
0x7a: {  	_ =	shalt  }
0x7b: {  	_ =	shalt  }
0x7c: {  	_ =	shalt  }
0x7d: {  	_ =	shalt  }
0x7e: {  	_ =	shalt  }
0x7f: {  	_ =	shalt  }
0x80: {  	_ =	shalt  }
0x81: {  	_ =	shalt  }
0x82: {  	_ =	shalt  }
0x83: {  	_ =	shalt  }
0x84: {  	_ =	shalt  }
0x85: {  	_ =	shalt  }
0x86: {  	_ =	shalt  }
0x87: {  	_ =	shalt  }
.Lfunc_end0:
.L_simem_size_0:
called_computation.10_lowered:
.L_overlay_start_0:
0x88: {  	s2 =	sld [smem:$0x3FD9]  }
0x89: {  	s3 =	sld [smem:$0x3FFE];
	_ =	sdelay $0x1  }
0x8a: {  	s1 =	srdreg.scid  }
0x8b: {  	s0 =	sand.u32 $0x1, s1  }
0x8c: {  	s17 =	sshll.u32 s0, $0xA;
	s2 =	sadd.s32 s3, s2  }
0x8d: {  	s2 =	sadd.s32 s2, s17  }
0x8e: {  	[smem:$0x3FA3] =	sst s2  }
0x8f: {  	_ = 	snop  }
0x90: {  	s2 =	sld [smem:$0x3FD0];
	(tm) =	ssettm $0x1  }
0x91: {  	s18 =	sld [smem:$0x3FFB];
	_ =	sdelay $0x3  }
0x92: {  	_ =	strace s18  }
0x93: {  	s3 =	sld [smem:$0x3FFC];
	_ =	sdelay $0x3  }
0x94: {  	_ =	strace s3  }
0x95: {  	s3 =	sld [smem:$0x3FFD];
	_ =	sdelay $0x3  }
0x96: {  	_ =	strace s3  }
0x97: {  	_ =	strace $0x8FFFFFFF  }
0x98: {  	s19 =	sld [smem:$0x3FDB];
	_ =	sdelay $0x1  }
0x99: {  	s4 =	simm.s32 $_scs_section_size  }
0x9a: {  	s5 =	simm.s32 $_size__tile_overlayer_lowered;
	s6 =	simm.s32 $_tile_overlayer_lowered  }
0x9b: {  	s22 =	simm.s32 $0x1BFF;
	s21 =	sshll.u32 s6, $0x1;
	s3 =	sadd.s32 s4, s19  }
0x9c: {  	s7 =	simm.s32 $0x0;
	s20 =	sshll.u32 s5, $0x1;
	s5 =	sadd.s32 s21, s3  }
0x9d: {  	[timem:s7], [sflag:s22] =	dma.local [hbm:s5], s20  }
0x9e: {  	_ =	swait.ge [sflag:s22], s20  }
0x9f: {  	s4 =	ssub.s32 $0x0, s20;
	[sflag:s22] =	ssyncset.done $0x0  }
0xa0: {  	[sflag:s22] =	ssyncadd.s32 s4;
	_ =	sdelay $0x1  }
0xa1: {  	s23 =	simm.s32 $0x1B8B  }
0xa2: {  	_ =	swait.ge [sflag:s23], $0x1  }
0xa3: {  	[sflag:s23] =	ssyncset.done $0x0  }
0xa4: {  	s25 =	simm.s32 $0x1B8E;
	s24 =	sld [smem:$0x3FFE];
	[sflag:s23] =	ssyncadd.s32 $0xFFFFFFFF  }
0xa5: {  	s26 =	simm.s32 $execute0_lowered;
	[smem:$0x3FD2] =	sst s25  }
0xa6: {  	s5 =	sshll.u32 s26, $0x1;
	_ =	strace $0x80000064;
	[dreg:$0x1] =	wrdreg $0xFFFFFFFF  }
0xa7: {  	s28 =	simm.s32 $_size_execute0_lowered;
	s3 =	sadd.s32 s3, s5;
	[dreg:$0x0] =	wrdreg $0x0  }
0xa8: {  	s5 =	sshll.u32 s28, $0x1;
	[dreg:$0x2] =	wrdreg s3  }
0xa9: {  	[dreg:$0x3] =	wrdreg s5  }
0xaa: {  	[dreg:$0x4] =	wrdreg $0xC0  }
0xab: {  	_ =	task [dreg:s7], $0x5FFFF  }
0xac: {  	[dreg:$0x1] =	wrdreg $0xFFFFFFFF  }
0xad: {  	[dreg:$0x0] =	wrdreg $0x60  }
0xae: {  	[dreg:$0x2] =	wrdreg s2  }
0xaf: {  	[dreg:$0x3] =	wrdreg s24  }
0xb0: {  	[dreg:$0x4] =	wrdreg $0x9  }
0xb1: {  	_ =	task.clear_ibuf [dreg:s7], $0x5FFFF;
	_ =	strace $0x90000064  }
0xb2: {  	s29 =	simm.s32 $0x9;
	_ =	strace $0x80000066  }
0xb3: {  	_ =	swait.ge [sflag:s29], $0x1  }
0xb4: {  	[sflag:s29] =	ssyncadd.s32 $0xFFFFFFFF  }
0xb5: {  	_ =	strace $0x90000066  }
0xb6: {  	_ =	sfence  }
0xb7: {  	s30 =	sld [smem:$0x0];
	_ =	sdelay $0x2  }
0xb8: {  	s31 =	sshll.u32 s1, $0xD;
	s1 =	sshrl.u32 s1, $0x2  }
0xb9: {  	s3 =	sand.u32 $0x4000, s31;
	s1 =	sadd.s32 s1, s30  }
0xba: {  	s0 =	sor.u32 s3, s0;
	s1 =	sshll.u32 s1, $0x11  }
0xbb: {  	s0 =	sor.u32 s1, s0  }
0xbc: {  	s0 =	sadd.s32 $0x8F2B, s0  }
0xbd: {  	[sflag:s0] =	ssyncadd.remote.s32 $0x1  }
0xbe: {  	_ =	sfence.sel $0xFFFF  }
0xbf: {  	[dreg:$0x0] =	wrdreg $0xFFFFFFFF;
	(pc) =	sbr.abs _section_cstart, $3  }
0xc0: {  	[dreg:$0x1] =	wrdreg $0xFFFFFFFF  }
0xc1: {  	_ =	task.clear_ibuf [dreg:s7], $0x2FFFF;
	_ =	strace $0x9FFFFFFF  }
0xc2: {  	(tm) =	ssettm $0x7FFFFFFF  }
0xc3: {  	_ =	shalt  }
tec
execute0_lowered:
.L_overlay_start_1:
0x0: {  	(tag) =	ssettag $0x1  }
0x1: {  	s2 =	rddreg [dreg:$0x0]  }
0x2: {  	s4 =	rddreg [dreg:$0x1]  }
0x3: {  	s0 =	rddreg [dreg:$0x2];
	s1 =	stileid.u32  }
0x4: {  	s5 =	srdreg.scid;
	s3 =	simm.s32 $0x0;
	s6 =	smul.u32 $0x8700, s1  }
0x5: {  	s10 =	simm.s32 $0x0;
	s5 =	sand.u32 $0x1, s5;
	s8 =	smul.u32 $0x43800, s1  }
0x6: {  	[smem:$0x7FF] =	sst s3;
	s7 =	smul.u32 $0x4380, s5;
	s9 =	ssub.s32 $0x2, s5  }
0x7: {  	_ =	strace $0x80000065;
	s5 =	smul.u32 $0x21C00, s5;
	s31 =	sshrl.u32 s9, $0x1  }
0x8: {  	s8 =	sadd.s32 s8, s4;
	s6 =	sadd.s32 s7, s6;
	s7 =	ssub.s32 s9, s31  }
0x9: {  	s5 =	sadd.s32 s5, s8;
	s8 =	simm.s32 $0x80;
	s6 =	sshrl.u32 s6, $0x3  }
0xa: {  	s9 =	simm.s32 $0x1;
	s5 =	sadd.s32 $0x31200, s5;
	s6 =	sadd.s32 s6, s4  }
0xb: {  	s4 =	smax.u32 s7, $0x1;
	s7 =	simm.s32 $0x2;
	s6 =	sadd.s32 $0xF600, s6  }
.LBB2_1:
0xc: {  	s11 =	sadd.s32 $0x0, s6  }
0xd: {  	[tilespmem:s3], [sflag:$0x2] =	stream.linear.gather [hbm4b:s11+s3], $0x80, $0x38;
	[tilespmem:$0x2080] =	vst v63  }
0xe: {  	_ =	swait.ge [sflag:s7], $0x80  }
0xf: {  	[sflag:s7] =	ssyncset.done $0x0  }
0x10: {  	[sflag:s7] =	ssyncadd.s32 $0xFFFFFF80  }
0x11: {  	[tilespmem:s8], [sflag:$0x1] =	stream.indirect.gather [hbm4b:s2+s8], $0x40, s3, s8, $0xb8;
	[tilespmem:$0x2080] =	vst v63  }
0x12: {  	_ =	swait.ge [sflag:s9], $0x2000  }
0x13: {  	[sflag:s9] =	ssyncset.done $0x0  }
0x14: {  	[sflag:s9] =	ssyncadd.s32 $0xFFFFE000  }
0x15: {  	[hbm4b:s5+s3] =	stream.linear.scatter [tilespmem:s8], [sflag:$0x2], $0x2000, $0x38;
	[tilespmem:$0x2080] =	vst v63  }
0x16: {  	s12 =	simm.s32 $0x10;
	_ =	swait.ge [sflag:s7], $0x2000  }
0x17: {  	s13 =	simm.s32 $0x20;
	s11 =	sadd.s32 $0x400, s5;
	[sflag:s7] =	ssyncset.done $0x0  }
.LBB2_2:
0x18: {  	s14 =	sadd.s32 s12, s6  }
0x19: {  	[sflag:s7] =	ssyncadd.s32 $0xFFFFE000;
	s12 =	smov.u32 s13;
	s15 =	sadd.s32 $0x10, s13  }
0x1a: {  	[tilespmem:s3], [sflag:$0x2] =	stream.linear.gather [hbm4b:s14+s3], $0x80, $0x38;
	[tilespmem:$0x2080] =	vst v63  }
0x1b: {  	p0 =	sne.s32 s13, $0x860;
	_ =	swait.ge [sflag:s7], $0x80  }
0x1c: {  	[sflag:s7] =	ssyncset.done $0x0  }
0x1d: {  	[sflag:s7] =	ssyncadd.s32 $0xFFFFFF80  }
0x1e: {  	[tilespmem:s8], [sflag:$0x1] =	stream.indirect.gather [hbm4b:s2+s8], $0x40, s3, s8, $0xb8;
	[tilespmem:$0x2080] =	vst v63  }
0x1f: {  	_ =	swait.ge [sflag:s9], $0x2000  }
.Ltmp0:
0x20: {  	[sflag:s9] =	ssyncset.done $0x0;
	(pc) =	sbr.rel @p0 .LBB2_2-.Ltmp0, $4  }
0x21: {  	[sflag:s9] =	ssyncadd.s32 $0xFFFFE000  }
0x22: {  	[hbm4b:s11+s3] =	stream.linear.scatter [tilespmem:s8], [sflag:$0x2], $0x2000, $0x38;
	[tilespmem:$0x2080] =	vst v63  }
0x23: {  	_ =	swait.ge [sflag:s7], $0x2000  }
0x24: {  	s13 =	smov.u32 s15;
	s11 =	sadd.s32 $0x400, s11;
	[sflag:s7] =	ssyncset.done $0x0  }
0x25: {  	s12 =	sadd.s32 s12, s6;
	[sflag:s7] =	ssyncadd.s32 $0xFFFFE000  }
0x26: {  	[tilespmem:s3], [sflag:$0x2] =	stream.linear.gather [hbm4b:s12+s3], $0x80, $0x38;
	[tilespmem:$0x2080] =	vst v63  }
0x27: {  	_ =	swait.ge [sflag:s7], $0x80  }
0x28: {  	[sflag:s7] =	ssyncset.done $0x0  }
0x29: {  	[sflag:s7] =	ssyncadd.s32 $0xFFFFFF80  }
0x2a: {  	[tilespmem:s8], [sflag:$0x1] =	stream.indirect.gather [hbm4b:s2+s8], $0x40, s3, s8, $0xb8;
	[tilespmem:$0x2080] =	vst v63  }
0x2b: {  	s10 =	sadd.s32 $0x1, s10;
	_ =	swait.ge [sflag:s9], $0x2000  }
0x2c: {  	p0 =	sne.s32 s10, s4;
	[sflag:s9] =	ssyncset.done $0x0  }
.Ltmp1:
0x2d: {  	[sflag:s9] =	ssyncadd.s32 $0xFFFFE000;
	(pc) =	sbr.rel @p0 .LBB2_1-.Ltmp1, $4  }
0x2e: {  	[hbm4b:s11+s3] =	stream.linear.scatter [tilespmem:s8], [sflag:$0x2], $0x2000, $0x38;
	[tilespmem:$0x2080] =	vst v63  }
0x2f: {  	_ =	swait.ge [sflag:s7], $0x2000  }
0x30: {  	[sflag:s7] =	ssyncset.done $0x0  }
0x31: {  	[sflag:s7] =	ssyncadd.s32 $0xFFFFE000  }
0x32: {  	_ =	sfence.sel $0x180000  }
0x33: {  	[bflag:$0x0] =	sbarrier.arrive $0xFFFF  }
0x34: {  	p0 =	sne.s32 s1, $0x0;
	_ =	strace $0x90000065  }
0x35: {  	s0 =	sadd.s32 @!p0 $0x100000, s0;
	[bflag:$0x2] =	sbarrier.arrive $0xFFFF  }
0x36: {  	[sflag:s0] =	ssyncadd.tile.s32 @!p0 $0x1;
	_ =	shalt  }
.Lfunc_end2:
_tile_overlayer_lowered:
.L_overlay_start_2:
0x37: {  	(tag) =	ssettag $0x2  }
0x38: {  	s0 =	rddreg [dreg:$0x0];
	s2 =	stileid.u32  }
0x39: {  	s1 =	rddreg [dreg:$0x1];
	p0 =	sne.s32 s2, $0x0  }
0x3a: {  	s3 =	rddreg [dreg:$0x2];
	[bflag:$0x3] =	sbarrier.arrive $0xFFFF;
	s2 =	simm.s32 @!p0 $0x1C02  }
0x3b: {  	[timem:s3], [sflag:s2] =	dma.local @!p0 [hbm:s0], s1  }
0x3c: {  	s0 =	simm.s32 @!p0 $0x2  }
0x3d: {  	_ =	swait.ge @!p0 [sflag:s0], s1  }
0x3e: {  	s1 =	ssub.s32 @!p0 $0x0, s1;
	[sflag:s0] =	ssyncset.done @!p0 $0x0  }
0x3f: {  	[sflag:s0] =	ssyncadd.s32 @!p0 s1  }
0x40: {  	[bflag:$0x3] =	sbarrier.arrive $0xFFFF  }
0x41: {  	_ =	shalt  }

// kernel: kernel.62.cloned.1.call-start
scs
__scs_entry_jumppad:
0x0: {  	(pc) =	sbr.rel $0x88, $3  }
0x1: {  	(tag) =	ssettag $0x0;
	lr =	simm.s32 $0x1  }
0x2: {  	[smem:$0x3F7C] =	sst lr;
	_ =	strace $0xD0000000  }
0x3: {  	_ = 	snop  }
0x4: {  	_ = 	snop  }
0x5: {  	_ = 	snop  }
0x6: {  	_ = 	snop  }
0x7: {  	_ = 	snop  }
__scs_overlays_trampoline_lowered:
0x8: {  	[smem:$0x3F8B] =	sst s0  }
0x9: {  	[smem:$0x3F8C] =	sst s1  }
0xa: {  	[smem:$0x3F8D] =	sst s2  }
0xb: {  	[smem:$0x3F8E] =	sst s3  }
0xc: {  	[smem:$0x3F8F] =	sst s4  }
0xd: {  	[smem:$0x3F90] =	sst s5  }
0xe: {  	[smem:$0x3F91] =	sst s6  }
0xf: {  	[smem:$0x3F92] =	sst s7  }
0x10: {  	[smem:$0x3F93] =	sst s8  }
0x11: {  	[smem:$0x3F94] =	sst s9;
	s0 =	simm.s32 @!p0 $0x0  }
0x12: {  	s1 =	sld [smem:$0x3F7A];
	s0 =	simm.s32 @p0 $0x1  }
0x13: {  	[smem:$0x3F95] =	sst s0;
	s0 =	simm.s32 @!p1 $0x0  }
0x14: {  	s2 =	sld [smem:$0x3F79];
	s0 =	simm.s32 @p1 $0x1  }
0x15: {  	[smem:$0x3F96] =	sst s0;
	s0 =	simm.s32 @!p2 $0x0  }
0x16: {  	s3 =	sld [smem:$0x3FDB];
	s0 =	simm.s32 @p2 $0x1  }
0x17: {  	s4 =	simm.s32 $0x1BF5;
	[smem:$0x3F98] =	sst s0  }
0x18: {  	s0 =	sld [smem:$0x3F7B];
	_ =	swait.ge [sflag:s4], $0x0  }
0x19: {  	s7 =	sld [smem:$0x3F7C]  }
0x1a: {  	s8 =	sadd.s32 $0xFFFFE003, lr  }
0x1b: {  	s9 =	sadd.s32 $0xFFFFFEF7, lr;
	s5 =	simm.s32 $0xFFFFFFFF;
	p2 =	slt.u32 s8, $0xFFFFF086  }
0x1c: {  	p1 =	slt.u32 s9, $0xF7A;
	s5 =	simm.s32 @!p2 $0x0  }
0x1d: {  	s5 =	simm.s32 @p1 $0x1;
	p0 =	seq.s32 s7, s2  }
0x1e: {  	s7 =	smul.u32 @!p0 $0xF7A, s2;
	p2 =	seq.s32 @!p0 s5, $0x0  }
0x1f: {  	s9 =	smul.u32 $0xF7A, s1;
	s8 =	simm.s32 @!p0 $0x1BF5;
	p2 =	por !p2, p0  }
0x20: {  	[sflag:s8] =	ssyncset.s32 @!p0 $0xFFFFF086;
	s6 =	sadd.s32 @!p0 s3, s7;
	s7 =	simm.s32 @!p0 $0x108  }
0x21: {  	s3 =	sadd.s32 s3, s9;
	s6 =	sadd.s32 @!p0 $0x88, s6;
	s7 =	simm.s32 @p2 $0x1082  }
0x22: {  	[simem:s7], [sflag:s8] =	dma.local @!p0 [hbm:s6], $0xF7A  }
0x23: {  	s9 =	sor.u32 $0xD0000000, s2;
	s6 =	simm.s32 $0x108;
	_ =	swait.ge @!p0 [sflag:s8], $0x0  }
0x24: {  	s3 =	sadd.s32 $0x88, s3;
	s6 =	simm.s32 @!p1 $0x1082;
	[sflag:s4] =	ssyncset.s32 $0xFFFFF086  }
0x25: {  	[simem:s6], [sflag:s4] =	dma.local [hbm:s3], $0xF7A  }
0x26: {  	[smem:$0x3F7C] =	sst s1;
	(tag) =	ssettag s2;
	_ =	strace s9  }
0x27: {  	s1 =	sld [smem:$0x3F8C]  }
0x28: {  	s2 =	sld [smem:$0x3F8D]  }
0x29: {  	s4 =	sld [smem:$0x3F8F]  }
0x2a: {  	p0 =	seq.s32 s5, $0x0;
	s5 =	sld [smem:$0x3F90]  }
0x2b: {  	s6 =	sld [smem:$0x3F91]  }
0x2c: {  	s7 =	sld [smem:$0x3F92]  }
0x2d: {  	s3 =	simm.s32 $0x108;
	s8 =	sld [smem:$0x3F93]  }
0x2e: {  	s3 =	simm.s32 @!p0 $0x1082;
	s9 =	sld [smem:$0x3F94]  }
0x2f: {  	lr =	sadd.s32 s0, s3;
	s0 =	sld [smem:$0x3F8B]  }
0x30: {  	s3 =	sld [smem:$0x3F8E]  }
0x31: {  	[smem:$0x3F97] =	sst s10  }
0x32: {  	s10 =	sld [smem:$0x3F95];
	_ =	sdelay $0x3  }
0x33: {  	p0 =	seq.s32 s10, $0x1;
	s10 =	sld [smem:$0x3F97];
	_ =	sdelay $0x3  }
0x34: {  	[smem:$0x3F97] =	sst s10  }
0x35: {  	s10 =	sld [smem:$0x3F96];
	_ =	sdelay $0x3  }
0x36: {  	p1 =	seq.s32 s10, $0x1;
	s10 =	sld [smem:$0x3F97];
	_ =	sdelay $0x3  }
0x37: {  	[smem:$0x3F97] =	sst s10  }
0x38: {  	s10 =	sld [smem:$0x3F98]  }
0x39: {  	_ = 	snop;
	(pc) =	sbr.ind lr, $3  }
0x3a: {  	_ = 	snop  }
0x3b: {  	_ = 	snop  }
0x3c: {  	p2 =	seq.s32 s10, $0x1;
	s10 =	sld [smem:$0x3F97]  }
0x3d: {  	_ =	shalt  }
0x3e: {  	_ =	shalt  }
0x3f: {  	_ =	shalt  }
0x40: {  	_ =	shalt  }
0x41: {  	_ =	shalt  }
0x42: {  	_ =	shalt  }
0x43: {  	_ =	shalt  }
0x44: {  	_ =	shalt  }
0x45: {  	_ =	shalt  }
0x46: {  	_ =	shalt  }
0x47: {  	_ =	shalt  }
0x48: {  	_ =	shalt  }
0x49: {  	_ =	shalt  }
0x4a: {  	_ =	shalt  }
0x4b: {  	_ =	shalt  }
0x4c: {  	_ =	shalt  }
0x4d: {  	_ =	shalt  }
0x4e: {  	_ =	shalt  }
0x4f: {  	_ =	shalt  }
0x50: {  	_ =	shalt  }
0x51: {  	_ =	shalt  }
0x52: {  	_ =	shalt  }
0x53: {  	_ =	shalt  }
0x54: {  	_ =	shalt  }
0x55: {  	_ =	shalt  }
0x56: {  	_ =	shalt  }
0x57: {  	_ =	shalt  }
0x58: {  	_ =	shalt  }
0x59: {  	_ =	shalt  }
0x5a: {  	_ =	shalt  }
0x5b: {  	_ =	shalt  }
0x5c: {  	_ =	shalt  }
0x5d: {  	_ =	shalt  }
0x5e: {  	_ =	shalt  }
0x5f: {  	_ =	shalt  }
0x60: {  	_ =	shalt  }
0x61: {  	_ =	shalt  }
0x62: {  	_ =	shalt  }
0x63: {  	_ =	shalt  }
0x64: {  	_ =	shalt  }
0x65: {  	_ =	shalt  }
0x66: {  	_ =	shalt  }
0x67: {  	_ =	shalt  }
0x68: {  	_ =	shalt  }
0x69: {  	_ =	shalt  }
0x6a: {  	_ =	shalt  }
0x6b: {  	_ =	shalt  }
0x6c: {  	_ =	shalt  }
0x6d: {  	_ =	shalt  }
0x6e: {  	_ =	shalt  }
0x6f: {  	_ =	shalt  }
0x70: {  	_ =	shalt  }
0x71: {  	_ =	shalt  }
0x72: {  	_ =	shalt  }
0x73: {  	_ =	shalt  }
0x74: {  	_ =	shalt  }
0x75: {  	_ =	shalt  }
0x76: {  	_ =	shalt  }
0x77: {  	_ =	shalt  }
0x78: {  	_ =	shalt  }
0x79: {  	_ =	shalt  }
0x7a: {  	_ =	shalt  }
0x7b: {  	_ =	shalt  }
0x7c: {  	_ =	shalt  }
0x7d: {  	_ =	shalt  }
0x7e: {  	_ =	shalt  }
0x7f: {  	_ =	shalt  }
0x80: {  	_ =	shalt  }
0x81: {  	_ =	shalt  }
0x82: {  	_ =	shalt  }
0x83: {  	_ =	shalt  }
0x84: {  	_ =	shalt  }
0x85: {  	_ =	shalt  }
0x86: {  	_ =	shalt  }
0x87: {  	_ =	shalt  }
.Lfunc_end0:
.L_simem_size_0:
called_computation.11_lowered:
.L_overlay_start_0:
0x88: {  	s2 =	sld [smem:$0x3FD9]  }
0x89: {  	s3 =	sld [smem:$0x3FFE];
	_ =	sdelay $0x1  }
0x8a: {  	s1 =	srdreg.scid  }
0x8b: {  	s0 =	sand.u32 $0x1, s1  }
0x8c: {  	s17 =	sshll.u32 s0, $0xA;
	s2 =	sadd.s32 s3, s2  }
0x8d: {  	s2 =	sadd.s32 s2, s17  }
0x8e: {  	[smem:$0x3FA3] =	sst s2  }
0x8f: {  	_ = 	snop  }
0x90: {  	s2 =	sld [smem:$0x3FD0];
	(tm) =	ssettm $0x1  }
0x91: {  	s18 =	sld [smem:$0x3FFB];
	_ =	sdelay $0x3  }
0x92: {  	_ =	strace s18  }
0x93: {  	s3 =	sld [smem:$0x3FFC];
	_ =	sdelay $0x3  }
0x94: {  	_ =	strace s3  }
0x95: {  	s3 =	sld [smem:$0x3FFD];
	_ =	sdelay $0x3  }
0x96: {  	_ =	strace s3  }
0x97: {  	_ =	strace $0x8FFFFFFF  }
0x98: {  	s19 =	sld [smem:$0x3FDB];
	_ =	sdelay $0x1  }
0x99: {  	s4 =	simm.s32 $_scs_section_size  }
0x9a: {  	s5 =	simm.s32 $_size__tile_overlayer_lowered;
	s6 =	simm.s32 $_tile_overlayer_lowered  }
0x9b: {  	s22 =	simm.s32 $0x1BFF;
	s21 =	sshll.u32 s6, $0x1;
	s3 =	sadd.s32 s4, s19  }
0x9c: {  	s7 =	simm.s32 $0x0;
	s20 =	sshll.u32 s5, $0x1;
	s5 =	sadd.s32 s21, s3  }
0x9d: {  	[timem:s7], [sflag:s22] =	dma.local [hbm:s5], s20  }
0x9e: {  	_ =	swait.ge [sflag:s22], s20  }
0x9f: {  	s4 =	ssub.s32 $0x0, s20;
	[sflag:s22] =	ssyncset.done $0x0  }
0xa0: {  	[sflag:s22] =	ssyncadd.s32 s4;
	_ =	sdelay $0x1  }
0xa1: {  	s23 =	simm.s32 $0x1B8B  }
0xa2: {  	_ =	swait.ge [sflag:s23], $0x1  }
0xa3: {  	[sflag:s23] =	ssyncset.done $0x0  }
0xa4: {  	s25 =	simm.s32 $0x1B8E;
	s24 =	sld [smem:$0x3FFE];
	[sflag:s23] =	ssyncadd.s32 $0xFFFFFFFF  }
0xa5: {  	s26 =	simm.s32 $execute0_lowered;
	[smem:$0x3FD2] =	sst s25  }
0xa6: {  	s5 =	sshll.u32 s26, $0x1;
	_ =	strace $0x80000067;
	[dreg:$0x1] =	wrdreg $0xFFFFFFFF  }
0xa7: {  	s28 =	simm.s32 $_size_execute0_lowered;
	s3 =	sadd.s32 s3, s5;
	[dreg:$0x0] =	wrdreg $0x0  }
0xa8: {  	s5 =	sshll.u32 s28, $0x1;
	[dreg:$0x2] =	wrdreg s3  }
0xa9: {  	[dreg:$0x3] =	wrdreg s5  }
0xaa: {  	[dreg:$0x4] =	wrdreg $0xC0  }
0xab: {  	_ =	task [dreg:s7], $0x5FFFF  }
0xac: {  	[dreg:$0x1] =	wrdreg $0xFFFFFFFF  }
0xad: {  	[dreg:$0x0] =	wrdreg $0x60  }
0xae: {  	[dreg:$0x2] =	wrdreg s2  }
0xaf: {  	[dreg:$0x3] =	wrdreg s24  }
0xb0: {  	[dreg:$0x4] =	wrdreg $0x9  }
0xb1: {  	_ =	task.clear_ibuf [dreg:s7], $0x5FFFF;
	_ =	strace $0x90000067  }
0xb2: {  	s29 =	simm.s32 $0x9;
	_ =	strace $0x80000069  }
0xb3: {  	_ =	swait.ge [sflag:s29], $0x1  }
0xb4: {  	[sflag:s29] =	ssyncadd.s32 $0xFFFFFFFF  }
0xb5: {  	_ =	strace $0x90000069  }
0xb6: {  	_ =	sfence  }
0xb7: {  	s30 =	sld [smem:$0x0];
	_ =	sdelay $0x2  }
0xb8: {  	s31 =	sshll.u32 s1, $0xD;
	s1 =	sshrl.u32 s1, $0x2  }
0xb9: {  	s3 =	sand.u32 $0x4000, s31;
	s1 =	sadd.s32 s1, s30  }
0xba: {  	s0 =	sor.u32 s3, s0;
	s1 =	sshll.u32 s1, $0x11  }
0xbb: {  	s0 =	sor.u32 s1, s0  }
0xbc: {  	s0 =	sadd.s32 $0x8F2B, s0  }
0xbd: {  	[sflag:s0] =	ssyncadd.remote.s32 $0x1  }
0xbe: {  	_ =	sfence.sel $0xFFFF  }
0xbf: {  	[dreg:$0x0] =	wrdreg $0xFFFFFFFF;
	(pc) =	sbr.abs _section_cstart, $3  }
0xc0: {  	[dreg:$0x1] =	wrdreg $0xFFFFFFFF  }
0xc1: {  	_ =	task.clear_ibuf [dreg:s7], $0x2FFFF;
	_ =	strace $0x9FFFFFFF  }
0xc2: {  	(tm) =	ssettm $0x7FFFFFFF  }
0xc3: {  	_ =	shalt  }
tec
execute0_lowered:
.L_overlay_start_1:
0x0: {  	(tag) =	ssettag $0x1  }
0x1: {  	s2 =	rddreg [dreg:$0x0]  }
0x2: {  	s4 =	rddreg [dreg:$0x1]  }
0x3: {  	s0 =	rddreg [dreg:$0x2];
	s1 =	stileid.u32  }
0x4: {  	s5 =	srdreg.scid;
	s3 =	simm.s32 $0x0;
	s6 =	smul.u32 $0x8700, s1  }
0x5: {  	s10 =	simm.s32 $0x0;
	s5 =	sand.u32 $0x1, s5;
	s8 =	smul.u32 $0x43800, s1  }
0x6: {  	[smem:$0x7FF] =	sst s3;
	s7 =	smul.u32 $0x4380, s5;
	s9 =	ssub.s32 $0x2, s5  }
0x7: {  	_ =	strace $0x80000068;
	s5 =	smul.u32 $0x21C00, s5;
	s31 =	sshrl.u32 s9, $0x1  }
0x8: {  	s8 =	sadd.s32 s8, s4;
	s6 =	sadd.s32 s7, s6;
	s7 =	ssub.s32 s9, s31  }
0x9: {  	s5 =	sadd.s32 s5, s8;
	s8 =	simm.s32 $0x80;
	s6 =	sshrl.u32 s6, $0x3  }
0xa: {  	s9 =	simm.s32 $0x1;
	s5 =	sadd.s32 $0x31200, s5;
	s6 =	sadd.s32 s6, s4  }
0xb: {  	s4 =	smax.u32 s7, $0x1;
	s7 =	simm.s32 $0x2;
	s6 =	sadd.s32 $0x20400, s6  }
.LBB2_1:
0xc: {  	s11 =	sadd.s32 $0x0, s6  }
0xd: {  	[tilespmem:s3], [sflag:$0x2] =	stream.linear.gather [hbm4b:s11+s3], $0x80, $0x38;
	[tilespmem:$0x2080] =	vst v63  }
0xe: {  	_ =	swait.ge [sflag:s7], $0x80  }
0xf: {  	[sflag:s7] =	ssyncset.done $0x0  }
0x10: {  	[sflag:s7] =	ssyncadd.s32 $0xFFFFFF80  }
0x11: {  	[tilespmem:s8], [sflag:$0x1] =	stream.indirect.gather [hbm4b:s2+s8], $0x40, s3, s8, $0xb8;
	[tilespmem:$0x2080] =	vst v63  }
0x12: {  	_ =	swait.ge [sflag:s9], $0x2000  }
0x13: {  	[sflag:s9] =	ssyncset.done $0x0  }
0x14: {  	[sflag:s9] =	ssyncadd.s32 $0xFFFFE000  }
0x15: {  	[hbm4b:s5+s3] =	stream.linear.scatter [tilespmem:s8], [sflag:$0x2], $0x2000, $0x38;
	[tilespmem:$0x2080] =	vst v63  }
0x16: {  	s12 =	simm.s32 $0x10;
	_ =	swait.ge [sflag:s7], $0x2000  }
0x17: {  	s13 =	simm.s32 $0x20;
	s11 =	sadd.s32 $0x400, s5;
	[sflag:s7] =	ssyncset.done $0x0  }
.LBB2_2:
0x18: {  	s14 =	sadd.s32 s12, s6  }
0x19: {  	[sflag:s7] =	ssyncadd.s32 $0xFFFFE000;
	s12 =	smov.u32 s13;
	s15 =	sadd.s32 $0x10, s13  }
0x1a: {  	[tilespmem:s3], [sflag:$0x2] =	stream.linear.gather [hbm4b:s14+s3], $0x80, $0x38;
	[tilespmem:$0x2080] =	vst v63  }
0x1b: {  	p0 =	sne.s32 s13, $0x860;
	_ =	swait.ge [sflag:s7], $0x80  }
0x1c: {  	[sflag:s7] =	ssyncset.done $0x0  }
0x1d: {  	[sflag:s7] =	ssyncadd.s32 $0xFFFFFF80  }
0x1e: {  	[tilespmem:s8], [sflag:$0x1] =	stream.indirect.gather [hbm4b:s2+s8], $0x40, s3, s8, $0xb8;
	[tilespmem:$0x2080] =	vst v63  }
0x1f: {  	_ =	swait.ge [sflag:s9], $0x2000  }
.Ltmp0:
0x20: {  	[sflag:s9] =	ssyncset.done $0x0;
	(pc) =	sbr.rel @p0 .LBB2_2-.Ltmp0, $4  }
0x21: {  	[sflag:s9] =	ssyncadd.s32 $0xFFFFE000  }
0x22: {  	[hbm4b:s11+s3] =	stream.linear.scatter [tilespmem:s8], [sflag:$0x2], $0x2000, $0x38;
	[tilespmem:$0x2080] =	vst v63  }
0x23: {  	_ =	swait.ge [sflag:s7], $0x2000  }
0x24: {  	s13 =	smov.u32 s15;
	s11 =	sadd.s32 $0x400, s11;
	[sflag:s7] =	ssyncset.done $0x0  }
0x25: {  	s12 =	sadd.s32 s12, s6;
	[sflag:s7] =	ssyncadd.s32 $0xFFFFE000  }
0x26: {  	[tilespmem:s3], [sflag:$0x2] =	stream.linear.gather [hbm4b:s12+s3], $0x80, $0x38;
	[tilespmem:$0x2080] =	vst v63  }
0x27: {  	_ =	swait.ge [sflag:s7], $0x80  }
0x28: {  	[sflag:s7] =	ssyncset.done $0x0  }
0x29: {  	[sflag:s7] =	ssyncadd.s32 $0xFFFFFF80  }
0x2a: {  	[tilespmem:s8], [sflag:$0x1] =	stream.indirect.gather [hbm4b:s2+s8], $0x40, s3, s8, $0xb8;
	[tilespmem:$0x2080] =	vst v63  }
0x2b: {  	s10 =	sadd.s32 $0x1, s10;
	_ =	swait.ge [sflag:s9], $0x2000  }
0x2c: {  	p0 =	sne.s32 s10, s4;
	[sflag:s9] =	ssyncset.done $0x0  }
.Ltmp1:
0x2d: {  	[sflag:s9] =	ssyncadd.s32 $0xFFFFE000;
	(pc) =	sbr.rel @p0 .LBB2_1-.Ltmp1, $4  }
0x2e: {  	[hbm4b:s11+s3] =	stream.linear.scatter [tilespmem:s8], [sflag:$0x2], $0x2000, $0x38;
	[tilespmem:$0x2080] =	vst v63  }
0x2f: {  	_ =	swait.ge [sflag:s7], $0x2000  }
0x30: {  	[sflag:s7] =	ssyncset.done $0x0  }
0x31: {  	[sflag:s7] =	ssyncadd.s32 $0xFFFFE000  }
0x32: {  	_ =	sfence.sel $0x180000  }
0x33: {  	[bflag:$0x0] =	sbarrier.arrive $0xFFFF  }
0x34: {  	p0 =	sne.s32 s1, $0x0;
	_ =	strace $0x90000068  }
0x35: {  	s0 =	sadd.s32 @!p0 $0x100000, s0;
	[bflag:$0x2] =	sbarrier.arrive $0xFFFF  }
0x36: {  	[sflag:s0] =	ssyncadd.tile.s32 @!p0 $0x1;
	_ =	shalt  }
.Lfunc_end2:
_tile_overlayer_lowered:
.L_overlay_start_2:
0x37: {  	(tag) =	ssettag $0x2  }
0x38: {  	s0 =	rddreg [dreg:$0x0];
	s2 =	stileid.u32  }
0x39: {  	s1 =	rddreg [dreg:$0x1];
	p0 =	sne.s32 s2, $0x0  }
0x3a: {  	s3 =	rddreg [dreg:$0x2];
	[bflag:$0x3] =	sbarrier.arrive $0xFFFF;
	s2 =	simm.s32 @!p0 $0x1C02  }
0x3b: {  	[timem:s3], [sflag:s2] =	dma.local @!p0 [hbm:s0], s1  }
0x3c: {  	s0 =	simm.s32 @!p0 $0x2  }
0x3d: {  	_ =	swait.ge @!p0 [sflag:s0], s1  }
0x3e: {  	s1 =	ssub.s32 @!p0 $0x0, s1;
	[sflag:s0] =	ssyncset.done @!p0 $0x0  }
0x3f: {  	[sflag:s0] =	ssyncadd.s32 @!p0 s1  }
0x40: {  	[bflag:$0x3] =	sbarrier.arrive $0xFFFF  }
0x41: {  	_ =	shalt  }

// kernel: kernel.65.cloned.1.call-start
scs
__scs_entry_jumppad:
0x0: {  	(pc) =	sbr.rel $0x88, $3  }
0x1: {  	(tag) =	ssettag $0x0;
	lr =	simm.s32 $0x1  }
0x2: {  	[smem:$0x3F7C] =	sst lr;
	_ =	strace $0xD0000000  }
0x3: {  	_ = 	snop  }
0x4: {  	_ = 	snop  }
0x5: {  	_ = 	snop  }
0x6: {  	_ = 	snop  }
0x7: {  	_ = 	snop  }
__scs_overlays_trampoline_lowered:
0x8: {  	[smem:$0x3F8B] =	sst s0  }
0x9: {  	[smem:$0x3F8C] =	sst s1  }
0xa: {  	[smem:$0x3F8D] =	sst s2  }
0xb: {  	[smem:$0x3F8E] =	sst s3  }
0xc: {  	[smem:$0x3F8F] =	sst s4  }
0xd: {  	[smem:$0x3F90] =	sst s5  }
0xe: {  	[smem:$0x3F91] =	sst s6  }
0xf: {  	[smem:$0x3F92] =	sst s7  }
0x10: {  	[smem:$0x3F93] =	sst s8  }
0x11: {  	[smem:$0x3F94] =	sst s9;
	s0 =	simm.s32 @!p0 $0x0  }
0x12: {  	s1 =	sld [smem:$0x3F7A];
	s0 =	simm.s32 @p0 $0x1  }
0x13: {  	[smem:$0x3F95] =	sst s0;
	s0 =	simm.s32 @!p1 $0x0  }
0x14: {  	s2 =	sld [smem:$0x3F79];
	s0 =	simm.s32 @p1 $0x1  }
0x15: {  	[smem:$0x3F96] =	sst s0;
	s0 =	simm.s32 @!p2 $0x0  }
0x16: {  	s3 =	sld [smem:$0x3FDB];
	s0 =	simm.s32 @p2 $0x1  }
0x17: {  	s4 =	simm.s32 $0x1BF5;
	[smem:$0x3F98] =	sst s0  }
0x18: {  	s0 =	sld [smem:$0x3F7B];
	_ =	swait.ge [sflag:s4], $0x0  }
0x19: {  	s7 =	sld [smem:$0x3F7C]  }
0x1a: {  	s8 =	sadd.s32 $0xFFFFE003, lr  }
0x1b: {  	s9 =	sadd.s32 $0xFFFFFEF7, lr;
	s5 =	simm.s32 $0xFFFFFFFF;
	p2 =	slt.u32 s8, $0xFFFFF086  }
0x1c: {  	p1 =	slt.u32 s9, $0xF7A;
	s5 =	simm.s32 @!p2 $0x0  }
0x1d: {  	s5 =	simm.s32 @p1 $0x1;
	p0 =	seq.s32 s7, s2  }
0x1e: {  	s7 =	smul.u32 @!p0 $0xF7A, s2;
	p2 =	seq.s32 @!p0 s5, $0x0  }
0x1f: {  	s9 =	smul.u32 $0xF7A, s1;
	s8 =	simm.s32 @!p0 $0x1BF5;
	p2 =	por !p2, p0  }
0x20: {  	[sflag:s8] =	ssyncset.s32 @!p0 $0xFFFFF086;
	s6 =	sadd.s32 @!p0 s3, s7;
	s7 =	simm.s32 @!p0 $0x108  }
0x21: {  	s3 =	sadd.s32 s3, s9;
	s6 =	sadd.s32 @!p0 $0x88, s6;
	s7 =	simm.s32 @p2 $0x1082  }
0x22: {  	[simem:s7], [sflag:s8] =	dma.local @!p0 [hbm:s6], $0xF7A  }
0x23: {  	s9 =	sor.u32 $0xD0000000, s2;
	s6 =	simm.s32 $0x108;
	_ =	swait.ge @!p0 [sflag:s8], $0x0  }
0x24: {  	s3 =	sadd.s32 $0x88, s3;
	s6 =	simm.s32 @!p1 $0x1082;
	[sflag:s4] =	ssyncset.s32 $0xFFFFF086  }
0x25: {  	[simem:s6], [sflag:s4] =	dma.local [hbm:s3], $0xF7A  }
0x26: {  	[smem:$0x3F7C] =	sst s1;
	(tag) =	ssettag s2;
	_ =	strace s9  }
0x27: {  	s1 =	sld [smem:$0x3F8C]  }
0x28: {  	s2 =	sld [smem:$0x3F8D]  }
0x29: {  	s4 =	sld [smem:$0x3F8F]  }
0x2a: {  	p0 =	seq.s32 s5, $0x0;
	s5 =	sld [smem:$0x3F90]  }
0x2b: {  	s6 =	sld [smem:$0x3F91]  }
0x2c: {  	s7 =	sld [smem:$0x3F92]  }
0x2d: {  	s3 =	simm.s32 $0x108;
	s8 =	sld [smem:$0x3F93]  }
0x2e: {  	s3 =	simm.s32 @!p0 $0x1082;
	s9 =	sld [smem:$0x3F94]  }
0x2f: {  	lr =	sadd.s32 s0, s3;
	s0 =	sld [smem:$0x3F8B]  }
0x30: {  	s3 =	sld [smem:$0x3F8E]  }
0x31: {  	[smem:$0x3F97] =	sst s10  }
0x32: {  	s10 =	sld [smem:$0x3F95];
	_ =	sdelay $0x3  }
0x33: {  	p0 =	seq.s32 s10, $0x1;
	s10 =	sld [smem:$0x3F97];
	_ =	sdelay $0x3  }
0x34: {  	[smem:$0x3F97] =	sst s10  }
0x35: {  	s10 =	sld [smem:$0x3F96];
	_ =	sdelay $0x3  }
0x36: {  	p1 =	seq.s32 s10, $0x1;
	s10 =	sld [smem:$0x3F97];
	_ =	sdelay $0x3  }
0x37: {  	[smem:$0x3F97] =	sst s10  }
0x38: {  	s10 =	sld [smem:$0x3F98]  }
0x39: {  	_ = 	snop;
	(pc) =	sbr.ind lr, $3  }
0x3a: {  	_ = 	snop  }
0x3b: {  	_ = 	snop  }
0x3c: {  	p2 =	seq.s32 s10, $0x1;
	s10 =	sld [smem:$0x3F97]  }
0x3d: {  	_ =	shalt  }
0x3e: {  	_ =	shalt  }
0x3f: {  	_ =	shalt  }
0x40: {  	_ =	shalt  }
0x41: {  	_ =	shalt  }
0x42: {  	_ =	shalt  }
0x43: {  	_ =	shalt  }
0x44: {  	_ =	shalt  }
0x45: {  	_ =	shalt  }
0x46: {  	_ =	shalt  }
0x47: {  	_ =	shalt  }
0x48: {  	_ =	shalt  }
0x49: {  	_ =	shalt  }
0x4a: {  	_ =	shalt  }
0x4b: {  	_ =	shalt  }
0x4c: {  	_ =	shalt  }
0x4d: {  	_ =	shalt  }
0x4e: {  	_ =	shalt  }
0x4f: {  	_ =	shalt  }
0x50: {  	_ =	shalt  }
0x51: {  	_ =	shalt  }
0x52: {  	_ =	shalt  }
0x53: {  	_ =	shalt  }
0x54: {  	_ =	shalt  }
0x55: {  	_ =	shalt  }
0x56: {  	_ =	shalt  }
0x57: {  	_ =	shalt  }
0x58: {  	_ =	shalt  }
0x59: {  	_ =	shalt  }
0x5a: {  	_ =	shalt  }
0x5b: {  	_ =	shalt  }
0x5c: {  	_ =	shalt  }
0x5d: {  	_ =	shalt  }
0x5e: {  	_ =	shalt  }
0x5f: {  	_ =	shalt  }
0x60: {  	_ =	shalt  }
0x61: {  	_ =	shalt  }
0x62: {  	_ =	shalt  }
0x63: {  	_ =	shalt  }
0x64: {  	_ =	shalt  }
0x65: {  	_ =	shalt  }
0x66: {  	_ =	shalt  }
0x67: {  	_ =	shalt  }
0x68: {  	_ =	shalt  }
0x69: {  	_ =	shalt  }
0x6a: {  	_ =	shalt  }
0x6b: {  	_ =	shalt  }
0x6c: {  	_ =	shalt  }
0x6d: {  	_ =	shalt  }
0x6e: {  	_ =	shalt  }
0x6f: {  	_ =	shalt  }
0x70: {  	_ =	shalt  }
0x71: {  	_ =	shalt  }
0x72: {  	_ =	shalt  }
0x73: {  	_ =	shalt  }
0x74: {  	_ =	shalt  }
0x75: {  	_ =	shalt  }
0x76: {  	_ =	shalt  }
0x77: {  	_ =	shalt  }
0x78: {  	_ =	shalt  }
0x79: {  	_ =	shalt  }
0x7a: {  	_ =	shalt  }
0x7b: {  	_ =	shalt  }
0x7c: {  	_ =	shalt  }
0x7d: {  	_ =	shalt  }
0x7e: {  	_ =	shalt  }
0x7f: {  	_ =	shalt  }
0x80: {  	_ =	shalt  }
0x81: {  	_ =	shalt  }
0x82: {  	_ =	shalt  }
0x83: {  	_ =	shalt  }
0x84: {  	_ =	shalt  }
0x85: {  	_ =	shalt  }
0x86: {  	_ =	shalt  }
0x87: {  	_ =	shalt  }
.Lfunc_end0:
.L_simem_size_0:
called_computation.12_lowered:
.L_overlay_start_0:
0x88: {  	s2 =	sld [smem:$0x3FD9]  }
0x89: {  	s3 =	sld [smem:$0x3FFE];
	_ =	sdelay $0x1  }
0x8a: {  	s1 =	srdreg.scid  }
0x8b: {  	s0 =	sand.u32 $0x1, s1  }
0x8c: {  	s17 =	sshll.u32 s0, $0xA;
	s2 =	sadd.s32 s3, s2  }
0x8d: {  	s2 =	sadd.s32 s2, s17  }
0x8e: {  	[smem:$0x3FA3] =	sst s2  }
0x8f: {  	_ = 	snop  }
0x90: {  	s2 =	sld [smem:$0x3FD0];
	(tm) =	ssettm $0x1  }
0x91: {  	s18 =	sld [smem:$0x3FFB];
	_ =	sdelay $0x3  }
0x92: {  	_ =	strace s18  }
0x93: {  	s3 =	sld [smem:$0x3FFC];
	_ =	sdelay $0x3  }
0x94: {  	_ =	strace s3  }
0x95: {  	s3 =	sld [smem:$0x3FFD];
	_ =	sdelay $0x3  }
0x96: {  	_ =	strace s3  }
0x97: {  	_ =	strace $0x8FFFFFFF  }
0x98: {  	s19 =	sld [smem:$0x3FDB];
	_ =	sdelay $0x1  }
0x99: {  	s4 =	simm.s32 $_scs_section_size  }
0x9a: {  	s5 =	simm.s32 $_size__tile_overlayer_lowered;
	s6 =	simm.s32 $_tile_overlayer_lowered  }
0x9b: {  	s22 =	simm.s32 $0x1BFF;
	s21 =	sshll.u32 s6, $0x1;
	s3 =	sadd.s32 s4, s19  }
0x9c: {  	s7 =	simm.s32 $0x0;
	s20 =	sshll.u32 s5, $0x1;
	s5 =	sadd.s32 s21, s3  }
0x9d: {  	[timem:s7], [sflag:s22] =	dma.local [hbm:s5], s20  }
0x9e: {  	_ =	swait.ge [sflag:s22], s20  }
0x9f: {  	s4 =	ssub.s32 $0x0, s20;
	[sflag:s22] =	ssyncset.done $0x0  }
0xa0: {  	[sflag:s22] =	ssyncadd.s32 s4;
	_ =	sdelay $0x1  }
0xa1: {  	s23 =	simm.s32 $0x1B8B  }
0xa2: {  	_ =	swait.ge [sflag:s23], $0x1  }
0xa3: {  	[sflag:s23] =	ssyncset.done $0x0  }
0xa4: {  	s25 =	simm.s32 $0x1B8E;
	s24 =	sld [smem:$0x3FFE];
	[sflag:s23] =	ssyncadd.s32 $0xFFFFFFFF  }
0xa5: {  	s26 =	simm.s32 $execute0_lowered;
	[smem:$0x3FD2] =	sst s25  }
0xa6: {  	s5 =	sshll.u32 s26, $0x1;
	_ =	strace $0x8000006A;
	[dreg:$0x1] =	wrdreg $0xFFFFFFFF  }
0xa7: {  	s28 =	simm.s32 $_size_execute0_lowered;
	s3 =	sadd.s32 s3, s5;
	[dreg:$0x0] =	wrdreg $0x0  }
0xa8: {  	s5 =	sshll.u32 s28, $0x1;
	[dreg:$0x2] =	wrdreg s3  }
0xa9: {  	[dreg:$0x3] =	wrdreg s5  }
0xaa: {  	[dreg:$0x4] =	wrdreg $0xC0  }
0xab: {  	_ =	task [dreg:s7], $0x5FFFF  }
0xac: {  	[dreg:$0x1] =	wrdreg $0xFFFFFFFF  }
0xad: {  	[dreg:$0x0] =	wrdreg $0x60  }
0xae: {  	[dreg:$0x2] =	wrdreg s2  }
0xaf: {  	[dreg:$0x3] =	wrdreg s24  }
0xb0: {  	[dreg:$0x4] =	wrdreg $0x9  }
0xb1: {  	_ =	task.clear_ibuf [dreg:s7], $0x5FFFF;
	_ =	strace $0x9000006A  }
0xb2: {  	s29 =	simm.s32 $0x9;
	_ =	strace $0x8000006C  }
0xb3: {  	_ =	swait.ge [sflag:s29], $0x1  }
0xb4: {  	[sflag:s29] =	ssyncadd.s32 $0xFFFFFFFF  }
0xb5: {  	_ =	strace $0x9000006C  }
0xb6: {  	_ =	sfence  }
0xb7: {  	s30 =	sld [smem:$0x0];
	_ =	sdelay $0x2  }
0xb8: {  	s31 =	sshll.u32 s1, $0xD;
	s1 =	sshrl.u32 s1, $0x2  }
0xb9: {  	s3 =	sand.u32 $0x4000, s31;
	s1 =	sadd.s32 s1, s30  }
0xba: {  	s0 =	sor.u32 s3, s0;
	s1 =	sshll.u32 s1, $0x11  }
0xbb: {  	s0 =	sor.u32 s1, s0  }
0xbc: {  	s0 =	sadd.s32 $0x8F2B, s0  }
0xbd: {  	[sflag:s0] =	ssyncadd.remote.s32 $0x1  }
0xbe: {  	_ =	sfence.sel $0xFFFF  }
0xbf: {  	[dreg:$0x0] =	wrdreg $0xFFFFFFFF;
	(pc) =	sbr.abs _section_cstart, $3  }
0xc0: {  	[dreg:$0x1] =	wrdreg $0xFFFFFFFF  }
0xc1: {  	_ =	task.clear_ibuf [dreg:s7], $0x2FFFF;
	_ =	strace $0x9FFFFFFF  }
0xc2: {  	(tm) =	ssettm $0x7FFFFFFF  }
0xc3: {  	_ =	shalt  }
tec
execute0_lowered:
.L_overlay_start_1:
0x0: {  	(tag) =	ssettag $0x1  }
0x1: {  	s2 =	rddreg [dreg:$0x0]  }
0x2: {  	s4 =	rddreg [dreg:$0x1]  }
0x3: {  	s0 =	rddreg [dreg:$0x2];
	s1 =	stileid.u32  }
0x4: {  	s5 =	srdreg.scid;
	s3 =	simm.s32 $0x0;
	s6 =	smul.u32 $0x900, s1  }
0x5: {  	s10 =	simm.s32 $0x0;
	s5 =	sand.u32 $0x1, s5;
	s8 =	smul.u32 $0x4800, s1  }
0x6: {  	[smem:$0x7FF] =	sst s3;
	s7 =	smul.u32 $0x480, s5;
	s9 =	ssub.s32 $0x2, s5  }
0x7: {  	_ =	strace $0x8000006B;
	s5 =	smul.u32 $0x2400, s5;
	s31 =	sshrl.u32 s9, $0x1  }
0x8: {  	s8 =	sadd.s32 s8, s4;
	s6 =	sadd.s32 s7, s6;
	s7 =	ssub.s32 s9, s31  }
0x9: {  	s5 =	sadd.s32 s5, s8;
	s8 =	simm.s32 $0x80;
	s6 =	sshrl.u32 s6, $0x3  }
0xa: {  	s9 =	simm.s32 $0x1;
	s5 =	sadd.s32 $0x10400, s5;
	s6 =	sadd.s32 s6, s4  }
0xb: {  	s4 =	smax.u32 s7, $0x1;
	s7 =	simm.s32 $0x2;
	s6 =	sadd.s32 $0xF200, s6  }
.LBB2_1:
0xc: {  	s11 =	sadd.s32 $0x0, s6  }
0xd: {  	[tilespmem:s3], [sflag:$0x2] =	stream.linear.gather [hbm4b:s11+s3], $0x80, $0x38;
	[tilespmem:$0x2080] =	vst v63  }
0xe: {  	_ =	swait.ge [sflag:s7], $0x80  }
0xf: {  	[sflag:s7] =	ssyncset.done $0x0  }
0x10: {  	[sflag:s7] =	ssyncadd.s32 $0xFFFFFF80  }
0x11: {  	[tilespmem:s8], [sflag:$0x1] =	stream.indirect.gather [hbm4b:s2+s8], $0x40, s3, s8, $0xb8;
	[tilespmem:$0x2080] =	vst v63  }
0x12: {  	_ =	swait.ge [sflag:s9], $0x2000  }
0x13: {  	[sflag:s9] =	ssyncset.done $0x0  }
0x14: {  	[sflag:s9] =	ssyncadd.s32 $0xFFFFE000  }
0x15: {  	[hbm4b:s5+s3] =	stream.linear.scatter [tilespmem:s8], [sflag:$0x2], $0x2000, $0x38;
	[tilespmem:$0x2080] =	vst v63  }
0x16: {  	s12 =	simm.s32 $0x10;
	_ =	swait.ge [sflag:s7], $0x2000  }
0x17: {  	s13 =	simm.s32 $0x20;
	s11 =	sadd.s32 $0x400, s5;
	[sflag:s7] =	ssyncset.done $0x0  }
.LBB2_2:
0x18: {  	s14 =	sadd.s32 s12, s6  }
0x19: {  	[sflag:s7] =	ssyncadd.s32 $0xFFFFE000;
	s12 =	smov.u32 s13;
	s15 =	sadd.s32 $0x10, s13  }
0x1a: {  	[tilespmem:s3], [sflag:$0x2] =	stream.linear.gather [hbm4b:s14+s3], $0x80, $0x38;
	[tilespmem:$0x2080] =	vst v63  }
0x1b: {  	p0 =	sne.s32 s13, $0x80;
	_ =	swait.ge [sflag:s7], $0x80  }
0x1c: {  	[sflag:s7] =	ssyncset.done $0x0  }
0x1d: {  	[sflag:s7] =	ssyncadd.s32 $0xFFFFFF80  }
0x1e: {  	[tilespmem:s8], [sflag:$0x1] =	stream.indirect.gather [hbm4b:s2+s8], $0x40, s3, s8, $0xb8;
	[tilespmem:$0x2080] =	vst v63  }
0x1f: {  	_ =	swait.ge [sflag:s9], $0x2000  }
.Ltmp0:
0x20: {  	[sflag:s9] =	ssyncset.done $0x0;
	(pc) =	sbr.rel @p0 .LBB2_2-.Ltmp0, $4  }
0x21: {  	[sflag:s9] =	ssyncadd.s32 $0xFFFFE000  }
0x22: {  	[hbm4b:s11+s3] =	stream.linear.scatter [tilespmem:s8], [sflag:$0x2], $0x2000, $0x38;
	[tilespmem:$0x2080] =	vst v63  }
0x23: {  	_ =	swait.ge [sflag:s7], $0x2000  }
0x24: {  	s13 =	smov.u32 s15;
	s11 =	sadd.s32 $0x400, s11;
	[sflag:s7] =	ssyncset.done $0x0  }
0x25: {  	s12 =	sadd.s32 s12, s6;
	[sflag:s7] =	ssyncadd.s32 $0xFFFFE000  }
0x26: {  	[tilespmem:s3], [sflag:$0x2] =	stream.linear.gather [hbm4b:s12+s3], $0x80, $0x38;
	[tilespmem:$0x2080] =	vst v63  }
0x27: {  	_ =	swait.ge [sflag:s7], $0x80  }
0x28: {  	[sflag:s7] =	ssyncset.done $0x0  }
0x29: {  	[sflag:s7] =	ssyncadd.s32 $0xFFFFFF80  }
0x2a: {  	[tilespmem:s8], [sflag:$0x1] =	stream.indirect.gather [hbm4b:s2+s8], $0x40, s3, s8, $0xb8;
	[tilespmem:$0x2080] =	vst v63  }
0x2b: {  	s10 =	sadd.s32 $0x1, s10;
	_ =	swait.ge [sflag:s9], $0x2000  }
0x2c: {  	p0 =	sne.s32 s10, s4;
	[sflag:s9] =	ssyncset.done $0x0  }
.Ltmp1:
0x2d: {  	[sflag:s9] =	ssyncadd.s32 $0xFFFFE000;
	(pc) =	sbr.rel @p0 .LBB2_1-.Ltmp1, $4  }
0x2e: {  	[hbm4b:s11+s3] =	stream.linear.scatter [tilespmem:s8], [sflag:$0x2], $0x2000, $0x38;
	[tilespmem:$0x2080] =	vst v63  }
0x2f: {  	_ =	swait.ge [sflag:s7], $0x2000  }
0x30: {  	[sflag:s7] =	ssyncset.done $0x0  }
0x31: {  	[sflag:s7] =	ssyncadd.s32 $0xFFFFE000  }
0x32: {  	_ =	sfence.sel $0x180000  }
0x33: {  	[bflag:$0x0] =	sbarrier.arrive $0xFFFF  }
0x34: {  	p0 =	sne.s32 s1, $0x0;
	_ =	strace $0x9000006B  }
0x35: {  	s0 =	sadd.s32 @!p0 $0x100000, s0;
	[bflag:$0x2] =	sbarrier.arrive $0xFFFF  }
0x36: {  	[sflag:s0] =	ssyncadd.tile.s32 @!p0 $0x1;
	_ =	shalt  }
.Lfunc_end2:
_tile_overlayer_lowered:
.L_overlay_start_2:
0x37: {  	(tag) =	ssettag $0x2  }
0x38: {  	s0 =	rddreg [dreg:$0x0];
	s2 =	stileid.u32  }
0x39: {  	s1 =	rddreg [dreg:$0x1];
	p0 =	sne.s32 s2, $0x0  }
0x3a: {  	s3 =	rddreg [dreg:$0x2];
	[bflag:$0x3] =	sbarrier.arrive $0xFFFF;
	s2 =	simm.s32 @!p0 $0x1C02  }
0x3b: {  	[timem:s3], [sflag:s2] =	dma.local @!p0 [hbm:s0], s1  }
0x3c: {  	s0 =	simm.s32 @!p0 $0x2  }
0x3d: {  	_ =	swait.ge @!p0 [sflag:s0], s1  }
0x3e: {  	s1 =	ssub.s32 @!p0 $0x0, s1;
	[sflag:s0] =	ssyncset.done @!p0 $0x0  }
0x3f: {  	[sflag:s0] =	ssyncadd.s32 @!p0 s1  }
0x40: {  	[bflag:$0x3] =	sbarrier.arrive $0xFFFF  }
0x41: {  	_ =	shalt  }

</sc_bundles>
